<compile_context>
chip_gen: v7x
topology: tpu7x:2x2x1
jax: 0.10.2.dev20260603
libtpu: 0.0.44.dev20260713+nightly
codegen_flags: <defaults>
</compile_context>

<pallas_src>
import functools

import jax
import jax.numpy as jnp
from jax import lax
from jax.experimental import pallas as pl
from jax.experimental.pallas import tpu as pltpu
from jax.experimental.pallas import tpu_sc as plsc

_GW = 128
_VP = 100352


def _split_repack(sec_t3, fst_t2, f, v, e):
    rw = _VP // 8
    tail = v - 7 * rw

    def body(x_ref, fst_ref, *o_refs):
        for j in range(e + 1):
            src = x_ref if j < e else fst_ref
            jj = j if j < e else 0
            for s in range(8):
                w = rw if s < 7 else tail
                o_refs[j][0, s, pl.ds(0, w)] = src[0, jj, pl.ds(s * rw, w)]

    return pl.pallas_call(
        body,
        grid=(f,),
        in_specs=[pl.BlockSpec((1, e, v), lambda i: (i, 0, 0)),
                  pl.BlockSpec((1, 1, v), lambda i: (i, 0, 0))],
        out_specs=[pl.BlockSpec((1, 8, rw), lambda i: (i, 0, 0))
                   for _ in range(e + 1)],
        out_shape=[jax.ShapeDtypeStruct((f, 8, rw), jnp.float32)
                   for _ in range(e + 1)],
    )(sec_t3, fst_t2)


def _sc_gather(sec_es, fst16, idx, f, e, b_sz):
    n = idx.shape[0]
    nb = b_sz // _GW
    mesh = plsc.VectorSubcoreMesh(core_axis_name="c", subcore_axis_name="s")

    @functools.partial(
        pl.kernel,
        out_type=[
            jax.ShapeDtypeStruct((f, e, b_sz), jnp.float32),
            jax.ShapeDtypeStruct((n,), jnp.float32),
        ],
        mesh=mesh,
        scratch_types=(
            [pltpu.VMEM((_GW,), jnp.int32), pltpu.VMEM((_GW,), jnp.int32)]
            + [pltpu.VMEM((_GW, 16), jnp.float32) for _ in range(e + 1)]
            + [pltpu.SemaphoreType.DMA for _ in range(e + 1)]
        ),
        compiler_params=pltpu.CompilerParams(use_tc_tiling_on_sc=False,
                                             needs_layout_passes=False),
    )
    def k(*args):
        tabs = args[:e]
        fst_hbm = args[e]
        i_hbm = args[e + 1]
        osec_hbm, ofst_hbm = args[e + 2], args[e + 3]
        fridx_v = args[e + 4]
        lane_v = args[e + 5]
        rows_v = args[e + 6:e + 6 + e]
        frows_v = args[2 * e + 6]
        sems = args[2 * e + 7:]

        def body(i_vmem, osec_vmem, ofst_vmem):
            @pl.loop(0, _GW, step=16)
            def _(c):
                iv = i_vmem[pl.ds(c, 16)]
                fridx_v[pl.ds(c, 16)] = lax.shift_right_logical(iv, 4)
                lane_v[pl.ds(c, 16)] = jnp.bitwise_and(iv, 15)

            copies = [pltpu.async_copy(tabs[j].at[fridx_v], rows_v[j], sems[j])
                      for j in range(e)]
            copies.append(pltpu.async_copy(fst_hbm.at[fridx_v], frows_v,
                                           sems[e]))
            lane16 = lax.iota(jnp.int32, 16)

            for j in range(e):
                copies[j].wait()

                @pl.loop(0, _GW, step=16)
                def _(c):
                    osec_vmem[0, j, pl.ds(c, 16)] = plsc.load_gather(
                        rows_v[j], [lane16 + c, lane_v[pl.ds(c, 16)]])

            copies[e].wait()

            @pl.loop(0, _GW, step=16)
            def _(c):
                ofst_vmem[pl.ds(c, 16)] = plsc.load_gather(
                    frows_v, [lane16 + c, lane_v[pl.ds(c, 16)]])

        pltpu.emit_pipeline(
            body,
            grid=(n // _GW,),
            in_specs=[pl.BlockSpec((_GW,), lambda i: (i,))],
            out_specs=[
                pl.BlockSpec((1, e, _GW), lambda i: (i // nb, 0, i % nb)),
                pl.BlockSpec((_GW,), lambda i: (i,)),
            ],
            core_axis_name=("c", "s"),
            dimension_semantics=(pltpu.PARALLEL,),
        )(i_hbm, osec_hbm, ofst_hbm)

    return k(*sec_es, fst16, idx)


def _tc_block(f, e, sec_ref, fst_ref, xv_ref, w1t_ref, b1_ref, w2t_ref,
              b2_ref, bias_ref, out_ref):
    hi = lax.Precision.HIGHEST
    sec_raw = sec_ref[...]
    xv = xv_ref[...]

    li = lax.broadcasted_iota(jnp.int32, (f * e, f), 0)
    fi = lax.broadcasted_iota(jnp.int32, (f * e, f), 1)
    erep = (li // e == fi).astype(jnp.float32)
    sec = sec_raw * jnp.dot(erep, xv, precision=hi)

    g1 = lax.broadcasted_iota(jnp.int32, (e, f * e), 0)
    g2 = lax.broadcasted_iota(jnp.int32, (e, f * e), 1)
    grep = (g2 % e == g1).astype(jnp.float32)
    s1 = jnp.dot(grep, sec, precision=hi)
    s2 = jnp.dot(grep, sec * sec, precision=hi)
    fm = 0.5 * (s1 * s1 - s2)

    h = jnp.maximum(jnp.dot(w1t_ref[...], sec, precision=hi) + b1_ref[...], 0.0)
    d = jnp.maximum(jnp.dot(w2t_ref[...], h, precision=hi) + b2_ref[...], 0.0)

    fst_sum = jnp.sum(fst_ref[...] * xv, axis=0, keepdims=True)
    out_ref[...] = (fst_sum + jnp.sum(fm, axis=0, keepdims=True)
                    + jnp.sum(d, axis=0, keepdims=True) + bias_ref[...])


def kernel(Xi, Xv, fst_tables, sec_tables, W1, b1, W2, b2, bias):
    b_sz, f, _ = Xi.shape
    v = sec_tables.shape[1]
    e = sec_tables.shape[2]
    h1 = W1.shape[1]
    h2 = W2.shape[1]

    sec_t3 = jnp.transpose(sec_tables, (0, 2, 1))
    fst_t2 = jnp.transpose(fst_tables, (0, 2, 1))
    tabs = _split_repack(sec_t3, fst_t2, f, v, e)
    nrow = f * _VP // 16
    sec_es = [t.reshape(nrow, 16) for t in tabs[:e]]
    fst16 = tabs[e].reshape(nrow, 16)

    xi_t = Xi[:, :, 0].astype(jnp.int32).T
    offs = jnp.arange(f, dtype=jnp.int32)[:, None]
    idx = (xi_t + offs * _VP).reshape(b_sz * f)

    sec_g, fst_g = _sc_gather(sec_es, fst16, idx, f, e, b_sz)
    sec_g = sec_g.reshape(f * e, b_sz)
    fst_g = fst_g.reshape(f, b_sz)
    xvt = Xv[:, :, 0].T

    bt = 2048
    out = pl.pallas_call(
        functools.partial(_tc_block, f, e),
        grid=(b_sz // bt,),
        in_specs=[
            pl.BlockSpec((f * e, bt), lambda i: (0, i)),
            pl.BlockSpec((f, bt), lambda i: (0, i)),
            pl.BlockSpec((f, bt), lambda i: (0, i)),
            pl.BlockSpec((h1, f * e), lambda i: (0, 0)),
            pl.BlockSpec((h1, 1), lambda i: (0, 0)),
            pl.BlockSpec((h2, h1), lambda i: (0, 0)),
            pl.BlockSpec((h2, 1), lambda i: (0, 0)),
            pl.BlockSpec((1, 1), lambda i: (0, 0)),
        ],
        out_specs=pl.BlockSpec((1, bt), lambda i: (0, i)),
        out_shape=jax.ShapeDtypeStruct((1, b_sz), jnp.float32),
    )(sec_g, fst_g, xvt, W1.T, b1.reshape(h1, 1), W2.T, b2.reshape(h2, 1),
      bias.reshape(1, 1))
    return out.reshape(b_sz)

# --- scband reference (transcript-rebuilt; emitter-appended) ---
"""Pipeline reference for scband-deep-fm-37538014167469 (READ-ONLY COPY).

The authoritative reference and input builder live on the scoring server;
editing this copy changes nothing except your own understanding.
"""

import jax, jax.numpy as jnp
import numpy as np

B = 16384
F = 26
V = 100000
E = 16
H1 = 32
H2 = 32


def setup_inputs(seed: int = 0) -> dict:
    key = jax.random.key(seed)
    ks = jax.random.split(key, 10)
    Xi = jax.random.randint(ks[0], (B, F, 1), 0, V)
    Xv = jax.random.uniform(ks[1], (B, F, 1), dtype=jnp.float32)
    fst_tables = jax.random.normal(ks[2], (F, V, 1), dtype=jnp.float32) * 0.01
    sec_tables = jax.random.normal(ks[3], (F, V, E), dtype=jnp.float32) * 0.01
    W1 = jax.random.normal(ks[4], (F * E, H1), dtype=jnp.float32) * 0.05
    b1 = jnp.zeros((H1,), dtype=jnp.float32)
    W2 = jax.random.normal(ks[5], (H1, H2), dtype=jnp.float32) * 0.05
    b2 = jnp.zeros((H2,), dtype=jnp.float32)
    bias = jax.random.normal(ks[6], (1,), dtype=jnp.float32)
    return {"Xi": Xi, "Xv": Xv, "fst_tables": fst_tables, "sec_tables": sec_tables,
            "W1": W1, "b1": b1, "W2": W2, "b2": b2, "bias": bias}


def reference(Xi, Xv, fst_tables, sec_tables, W1, b1, W2, b2, bias):
    batch_size = Xi.shape[0]

    def per_field(table, idx, val):
        # idx: [B, 1], val: [B, 1]; table[idx]: [B, 1, d]
        # torch: sum(emb(Xi[:, i, :]) * Xv[:, i, :].unsqueeze(-1), dim=1)
        return jnp.sum(jnp.take(table, idx, axis=0) * val[:, :, None], axis=1)

    # fst_arr: [F, B, 1]; sec_arr: [F, B, E]
    fst_arr = jax.vmap(per_field, in_axes=(0, 1, 1), out_axes=0)(fst_tables, Xi, Xv)
    sec_arr = jax.vmap(per_field, in_axes=(0, 1, 1), out_axes=0)(sec_tables, Xi, Xv)

    # cat along feature dim then reshape, matching torch.cat(..., dim=1).reshape(B, -1)
    fst_emb = jnp.transpose(fst_arr, (1, 0, 2)).reshape(batch_size, -1)  # [B, F]
    sec_emb = jnp.transpose(sec_arr, (1, 0, 2)).reshape(batch_size, -1)  # [B, F*E]

    # FM second order: 0.5 * ((sum_f e_f)^2 - sum_f e_f^2)
    sum_f = jnp.sum(sec_arr, axis=0)           # [B, E]
    sum_sq = jnp.sum(sec_arr ** 2, axis=0)     # [B, E]
    fm_sec_out = 0.5 * (sum_f ** 2 - sum_sq)   # [B, E]

    # DNN
    h = jnp.maximum(sec_emb @ W1 + b1, 0.0)
    deep_out = jnp.maximum(h @ W2 + b2, 0.0)   # [B, H2]

    total_sum = (jnp.sum(fst_emb, axis=1) + jnp.sum(fm_sec_out, axis=1)
                 + bias + jnp.sum(deep_out, axis=1))  # [B]
    return total_sum


if False:  # reference __main__ guard neutralized (emitter)
    out = reference(**setup_inputs())
    print(out.shape, out.dtype)

if __name__ == "__main__":
    import jax
    _d = setup_inputs()
    print(jax.jit(kernel)(*tuple(_d.values())))

</pallas_src>

<mosaic_0001>
#map = affine_map<(d0, d1) -> (0, 0)>
#map1 = affine_map<(d0, d1) -> (0)>
#map2 = affine_map<(d0, d1) -> (0, 0, 0)>
module attributes {stable_mosaic.version = 14 : i64} {
  func.func @k(%arg0: i32, %arg1: i32, %arg2: memref<163072x16xf32, #tpu.memory_space<hbm>>, %arg3: memref<163072x16xf32, #tpu.memory_space<hbm>>, %arg4: memref<163072x16xf32, #tpu.memory_space<hbm>>, %arg5: memref<163072x16xf32, #tpu.memory_space<hbm>>, %arg6: memref<163072x16xf32, #tpu.memory_space<hbm>>, %arg7: memref<163072x16xf32, #tpu.memory_space<hbm>>, %arg8: memref<163072x16xf32, #tpu.memory_space<hbm>>, %arg9: memref<163072x16xf32, #tpu.memory_space<hbm>>, %arg10: memref<163072x16xf32, #tpu.memory_space<hbm>>, %arg11: memref<163072x16xf32, #tpu.memory_space<hbm>>, %arg12: memref<163072x16xf32, #tpu.memory_space<hbm>>, %arg13: memref<163072x16xf32, #tpu.memory_space<hbm>>, %arg14: memref<163072x16xf32, #tpu.memory_space<hbm>>, %arg15: memref<163072x16xf32, #tpu.memory_space<hbm>>, %arg16: memref<163072x16xf32, #tpu.memory_space<hbm>>, %arg17: memref<163072x16xf32, #tpu.memory_space<hbm>>, %arg18: memref<163072x16xf32, #tpu.memory_space<hbm>>, %arg19: memref<425984xi32, #tpu.memory_space<hbm>>, %arg20: memref<26x16x16384xf32, #tpu.memory_space<hbm>>, %arg21: memref<425984xf32, #tpu.memory_space<hbm>>, %arg22: memref<128xi32, #tpu.memory_space<vmem>>, %arg23: memref<128xi32, #tpu.memory_space<vmem>>, %arg24: memref<128x16xf32, #tpu.memory_space<vmem>>, %arg25: memref<128x16xf32, #tpu.memory_space<vmem>>, %arg26: memref<128x16xf32, #tpu.memory_space<vmem>>, %arg27: memref<128x16xf32, #tpu.memory_space<vmem>>, %arg28: memref<128x16xf32, #tpu.memory_space<vmem>>, %arg29: memref<128x16xf32, #tpu.memory_space<vmem>>, %arg30: memref<128x16xf32, #tpu.memory_space<vmem>>, %arg31: memref<128x16xf32, #tpu.memory_space<vmem>>, %arg32: memref<128x16xf32, #tpu.memory_space<vmem>>, %arg33: memref<128x16xf32, #tpu.memory_space<vmem>>, %arg34: memref<128x16xf32, #tpu.memory_space<vmem>>, %arg35: memref<128x16xf32, #tpu.memory_space<vmem>>, %arg36: memref<128x16xf32, #tpu.memory_space<vmem>>, %arg37: memref<128x16xf32, #tpu.memory_space<vmem>>, %arg38: memref<128x16xf32, #tpu.memory_space<vmem>>, %arg39: memref<128x16xf32, #tpu.memory_space<vmem>>, %arg40: memref<128x16xf32, #tpu.memory_space<vmem>>, %arg41: memref<!tpu.dma_semaphore, #tpu.memory_space<semaphore_mem>>, %arg42: memref<!tpu.dma_semaphore, #tpu.memory_space<semaphore_mem>>, %arg43: memref<!tpu.dma_semaphore, #tpu.memory_space<semaphore_mem>>, %arg44: memref<!tpu.dma_semaphore, #tpu.memory_space<semaphore_mem>>, %arg45: memref<!tpu.dma_semaphore, #tpu.memory_space<semaphore_mem>>, %arg46: memref<!tpu.dma_semaphore, #tpu.memory_space<semaphore_mem>>, %arg47: memref<!tpu.dma_semaphore, #tpu.memory_space<semaphore_mem>>, %arg48: memref<!tpu.dma_semaphore, #tpu.memory_space<semaphore_mem>>, %arg49: memref<!tpu.dma_semaphore, #tpu.memory_space<semaphore_mem>>, %arg50: memref<!tpu.dma_semaphore, #tpu.memory_space<semaphore_mem>>, %arg51: memref<!tpu.dma_semaphore, #tpu.memory_space<semaphore_mem>>, %arg52: memref<!tpu.dma_semaphore, #tpu.memory_space<semaphore_mem>>, %arg53: memref<!tpu.dma_semaphore, #tpu.memory_space<semaphore_mem>>, %arg54: memref<!tpu.dma_semaphore, #tpu.memory_space<semaphore_mem>>, %arg55: memref<!tpu.dma_semaphore, #tpu.memory_space<semaphore_mem>>, %arg56: memref<!tpu.dma_semaphore, #tpu.memory_space<semaphore_mem>>, %arg57: memref<!tpu.dma_semaphore, #tpu.memory_space<semaphore_mem>>) attributes {dimension_semantics = [#tpu.dimension_semantics<core_parallel>, #tpu.dimension_semantics<subcore_parallel>], iteration_bounds = array<i64: 2, 16>, scalar_prefetch = 0 : i64, scratch_operands = 36 : i64, tpu.core_type = #tpu.core_type<sc_vector_subcore>, window_params = [{transform_indices = #map}, {transform_indices = #map}, {transform_indices = #map}, {transform_indices = #map}, {transform_indices = #map}, {transform_indices = #map}, {transform_indices = #map}, {transform_indices = #map}, {transform_indices = #map}, {transform_indices = #map}, {transform_indices = #map}, {transform_indices = #map}, {transform_indices = #map}, {transform_indices = #map}, {transform_indices = #map}, {transform_indices = #map}, {transform_indices = #map}, {transform_indices = #map1}, {transform_indices = #map2}, {transform_indices = #map1}]} {
    %mul3A = arith.constant 1 : i32
    %mul3A_0 = arith.muli %arg1, %mul3A : i32
    %add3A = arith.constant 0 : i32
    %add3A_1 = arith.addi %add3A, %mul3A_0 : i32
    %mul3A_2 = arith.constant 16 : i32
    %mul3A_3 = arith.muli %arg0, %mul3A_2 : i32
    %add3A_4 = arith.addi %add3A_1, %mul3A_3 : i32
    %mul3A_5 = arith.constant 104 : i32
    %mul3A_6 = arith.muli %add3A_4, %mul3A_5 : i32
    "tpu.region"() ({
      %run_scoped3A = memref.alloca() : memref<256xi32, #tpu.memory_space<vmem>>
      %run_scoped3A_7 = tpu.sem_alloc : memref<2x!tpu.dma_semaphore, #tpu.memory_space<semaphore_mem>>
      %run_scoped3A_8 = memref.alloca() : memref<2x1x16x128xf32, #tpu.memory_space<vmem>>
      %run_scoped3A_9 = tpu.sem_alloc : memref<2x!tpu.dma_semaphore, #tpu.memory_space<semaphore_mem>>
      %run_scoped3A_10 = memref.alloca() : memref<256xf32, #tpu.memory_space<vmem>>
      %run_scoped3A_11 = tpu.sem_alloc : memref<2x!tpu.dma_semaphore, #tpu.memory_space<semaphore_mem>>
      %add3A_12 = arith.constant 0 : i32
      %add3A_13 = arith.addi %add3A_12, %mul3A_6 : i32
      %select_n3A = arith.constant true
      %select_n3A_14 = arith.constant 0 : i32
      %select_n3A_15 = arith.constant -1 : i32
      %select_n3A_16 = arith.select %select_n3A, %select_n3A_15, %select_n3A_14 : i32
      %eq3A = arith.constant -1 : i32
      %eq3A_17 = arith.cmpi eq, %select_n3A_16, %eq3A : i32
      %select_n3A_18 = arith.constant 103 : i32
      %select_n3A_19 = arith.select %eq3A_17, %select_n3A_18, %select_n3A_16 : i32
      %add3A_20 = arith.addi %select_n3A_19, %mul3A_6 : i32
      %select_n3A_21 = arith.constant true
      %select_n3A_22 = arith.constant 0 : i32
      %select_n3A_23 = arith.constant 1 : i32
      %select_n3A_24 = arith.select %select_n3A_21, %select_n3A_23, %select_n3A_22 : i32
      %eq3A_25 = arith.constant 104 : i32
      %eq3A_26 = arith.cmpi eq, %select_n3A_24, %eq3A_25 : i32
      %select_n3A_27 = arith.constant 0 : i32
      %select_n3A_28 = arith.select %eq3A_26, %select_n3A_27, %select_n3A_24 : i32
      %add3A_29 = arith.addi %select_n3A_28, %mul3A_6 : i32
      %add3A_30 = arith.constant 1 : i32
      %add3A_31 = arith.addi %select_n3A_28, %add3A_30 : i32
      %select_n3A_32 = arith.constant true
      %select_n3A_33 = arith.select %select_n3A_32, %add3A_31, %select_n3A_28 : i32
      %eq3A_34 = arith.constant 104 : i32
      %eq3A_35 = arith.cmpi eq, %select_n3A_33, %eq3A_34 : i32
      %select_n3A_36 = arith.constant 0 : i32
      %select_n3A_37 = arith.select %eq3A_35, %select_n3A_36, %select_n3A_33 : i32
      %add3A_38 = arith.addi %select_n3A_37, %mul3A_6 : i32
      "tpu.trace_start"() <{level = 10 : i32, message = "ep_initialize_0"}> : () -> ()
      %rem3A = arith.constant 0 : i32
      %rem3A_39 = arith.constant 2 : i32
      %rem3A_40 = arith.remui %rem3A, %rem3A_39 : i32
      %mul3A_41 = arith.constant 128 : i32
      %mul3A_42 = arith.muli %mul3A_41, %add3A_13 : i32
      %mul3A_43 = arith.constant 128 : i32
      %mul3A_44 = arith.muli %rem3A_40, %mul3A_43 : i32
      %add3A_45 = arith.constant 0 : i32
      %add3A_46 = arith.addi %mul3A_44, %add3A_45 : i32
      %dma_start3A = tpu.memref_slice %run_scoped3A[%add3A_46] : memref<256xi32, #tpu.memory_space<vmem>> -> memref<128xi32, #tpu.memory_space<vmem>>
      %dma_start3A_47 = tpu.memref_slice %arg19[%mul3A_42] : memref<425984xi32, #tpu.memory_space<hbm>> -> memref<128xi32, #tpu.memory_space<hbm>>
      %dma_start3A_48 = tpu.memref_slice %run_scoped3A_7[%rem3A_40] : memref<2x!tpu.dma_semaphore, #tpu.memory_space<semaphore_mem>> -> memref<1x!tpu.dma_semaphore, #tpu.memory_space<semaphore_mem>>
      %dma_start3A_49 = tpu.memref_squeeze %dma_start3A_48 : memref<1x!tpu.dma_semaphore, #tpu.memory_space<semaphore_mem>> -> memref<!tpu.dma_semaphore, #tpu.memory_space<semaphore_mem>>
      %dma_start3A_50 = tpu.memref_slice %run_scoped3A[%add3A_46] : memref<256xi32, #tpu.memory_space<vmem>> -> memref<128xi32, #tpu.memory_space<vmem>>
      %dma_start3A_51 = tpu.memref_slice %arg19[%mul3A_42] : memref<425984xi32, #tpu.memory_space<hbm>> -> memref<128xi32, #tpu.memory_space<hbm>>
      tpu.enqueue_dma source(%dma_start3A_51 : memref<128xi32, #tpu.memory_space<hbm>>) target(%dma_start3A_50 : memref<128xi32, #tpu.memory_space<vmem>>) target_semaphore(%dma_start3A_49 : memref<!tpu.dma_semaphore, #tpu.memory_space<semaphore_mem>>)
      %add3A_52 = arith.constant 0 : i32
      %add3A_53 = arith.constant 1 : i32
      %add3A_54 = arith.addi %add3A_52, %add3A_53 : i32
      %select_n3A_55 = arith.constant true
      %select_n3A_56 = arith.constant 0 : i32
      %select_n3A_57 = arith.select %select_n3A_55, %add3A_54, %select_n3A_56 : i32
      "tpu.trace_stop"() : () -> ()
      %scan3A = arith.constant 0 : i32
      %scan3A_58 = arith.constant 0 : i32
      %scan3A_59 = arith.constant 0 : i32
      %scan3A_60 = arith.constant 0 : i32
      %scan3A_61 = arith.constant 0 : i32
      %scan3A_62 = arith.constant 0 : i32
      %scan3A_63 = arith.constant 0 : i32
      %scan3A_64 = arith.constant 104 : i32
      %scan3A_65 = arith.addi %scan3A_63, %scan3A_64 : i32
      %scan3A_66 = arith.constant 1 : i32
      %scan3A_67:7 = scf.for %scan3A_173 = %scan3A_63 to %scan3A_65 step %scan3A_66 iter_args(%scan3A_174 = %select_n3A_57, %scan3A_175 = %scan3A, %scan3A_176 = %scan3A_58, %scan3A_177 = %scan3A_59, %scan3A_178 = %scan3A_60, %scan3A_179 = %scan3A_61, %scan3A_180 = %scan3A_62) -> (i32, i32, i32, i32, i32, i32, i32)  : i32 {
        %eq3A_181 = arith.constant 0 : i32
        %eq3A_182 = arith.cmpi eq, %scan3A_173, %eq3A_181 : i32
        %eq3A_183 = arith.constant 103 : i32
        %eq3A_184 = arith.cmpi eq, %scan3A_173, %eq3A_183 : i32
        %add3A_185 = arith.addi %scan3A_180, %mul3A_6 : i32
        %sub3A_186 = arith.constant 1 : i32
        %sub3A_187 = arith.subi %scan3A_180, %sub3A_186 : i32
        %select_n3A_188 = arith.constant true
        %select_n3A_189 = arith.select %select_n3A_188, %sub3A_187, %scan3A_180 : i32
        %eq3A_190 = arith.constant -1 : i32
        %eq3A_191 = arith.cmpi eq, %select_n3A_189, %eq3A_190 : i32
        %select_n3A_192 = arith.constant 103 : i32
        %select_n3A_193 = arith.select %eq3A_191, %select_n3A_192, %select_n3A_189 : i32
        %add3A_194 = arith.addi %select_n3A_193, %mul3A_6 : i32
        %add3A_195 = arith.constant 1 : i32
        %add3A_196 = arith.addi %scan3A_180, %add3A_195 : i32
        %select_n3A_197 = arith.constant true
        %select_n3A_198 = arith.select %select_n3A_197, %add3A_196, %scan3A_180 : i32
        %eq3A_199 = arith.constant 104 : i32
        %eq3A_200 = arith.cmpi eq, %select_n3A_198, %eq3A_199 : i32
        %select_n3A_201 = arith.constant 0 : i32
        %select_n3A_202 = arith.select %eq3A_200, %select_n3A_201, %select_n3A_198 : i32
        %add3A_203 = arith.addi %select_n3A_202, %mul3A_6 : i32
        %add3A_204 = arith.constant 1 : i32
        %add3A_205 = arith.addi %select_n3A_202, %add3A_204 : i32
        %select_n3A_206 = arith.constant true
        %select_n3A_207 = arith.select %select_n3A_206, %add3A_205, %select_n3A_202 : i32
        %eq3A_208 = arith.constant 104 : i32
        %eq3A_209 = arith.cmpi eq, %select_n3A_207, %eq3A_208 : i32
        %select_n3A_210 = arith.constant 0 : i32
        %select_n3A_211 = arith.select %eq3A_209, %select_n3A_210, %select_n3A_207 : i32
        %add3A_212 = arith.addi %select_n3A_211, %mul3A_6 : i32
        %ne3A_213 = arith.cmpi ne, %add3A_185, %add3A_203 : i32
        %or3A = arith.constant false
        %or3A_214 = arith.ori %or3A, %ne3A_213 : i1
        %ge3A = arith.constant 103 : i32
        %ge3A_215 = arith.cmpi sge, %scan3A_173, %ge3A : i32
        %not3A = arith.constant true
        %not3A_216 = arith.xori %ge3A_215, %not3A : i1
        %and3A_217 = arith.andi %or3A_214, %not3A_216 : i1
        %convert_element_type3A = arith.extui %and3A_217 : i1 to i32
        %cond3A = arith.constant 0 : i32
        %cond3A_218 = arith.cmpi ne, %convert_element_type3A, %cond3A : i32
        scf.if %cond3A_218 {
          "tpu.trace_start"() <{level = 10 : i32, message = "ep_copy_in"}> : () -> ()
          %rem3A_886 = arith.constant 2 : i32
          %rem3A_887 = arith.remui %scan3A_174, %rem3A_886 : i32
          %mul3A_888 = arith.constant 128 : i32
          %mul3A_889 = arith.muli %mul3A_888, %add3A_203 : i32
          %mul3A_890 = arith.constant 128 : i32
          %mul3A_891 = arith.muli %rem3A_887, %mul3A_890 : i32
          %add3A_892 = arith.constant 0 : i32
          %add3A_893 = arith.addi %mul3A_891, %add3A_892 : i32
          %dma_start3A_894 = tpu.memref_slice %run_scoped3A[%add3A_893] : memref<256xi32, #tpu.memory_space<vmem>> -> memref<128xi32, #tpu.memory_space<vmem>>
          %dma_start3A_895 = tpu.memref_slice %arg19[%mul3A_889] : memref<425984xi32, #tpu.memory_space<hbm>> -> memref<128xi32, #tpu.memory_space<hbm>>
          %dma_start3A_896 = tpu.memref_slice %run_scoped3A_7[%rem3A_887] : memref<2x!tpu.dma_semaphore, #tpu.memory_space<semaphore_mem>> -> memref<1x!tpu.dma_semaphore, #tpu.memory_space<semaphore_mem>>
          %dma_start3A_897 = tpu.memref_squeeze %dma_start3A_896 : memref<1x!tpu.dma_semaphore, #tpu.memory_space<semaphore_mem>> -> memref<!tpu.dma_semaphore, #tpu.memory_space<semaphore_mem>>
          %dma_start3A_898 = tpu.memref_slice %run_scoped3A[%add3A_893] : memref<256xi32, #tpu.memory_space<vmem>> -> memref<128xi32, #tpu.memory_space<vmem>>
          %dma_start3A_899 = tpu.memref_slice %arg19[%mul3A_889] : memref<425984xi32, #tpu.memory_space<hbm>> -> memref<128xi32, #tpu.memory_space<hbm>>
          tpu.enqueue_dma source(%dma_start3A_899 : memref<128xi32, #tpu.memory_space<hbm>>) target(%dma_start3A_898 : memref<128xi32, #tpu.memory_space<vmem>>) target_semaphore(%dma_start3A_897 : memref<!tpu.dma_semaphore, #tpu.memory_space<semaphore_mem>>)
          "tpu.trace_stop"() : () -> ()
        } else {
        }
        %and3A_219 = arith.constant true
        %and3A_220 = arith.andi %and3A_217, %and3A_219 : i1
        %add3A_221 = arith.constant 1 : i32
        %add3A_222 = arith.addi %scan3A_174, %add3A_221 : i32
        %select_n3A_223 = arith.select %and3A_220, %add3A_222, %scan3A_174 : i32
        %jit3A_224 = arith.constant 128 : i32
        %div3A_225 = arith.divsi %add3A_185, %jit3A_224 : i32
        %sign3A_226 = arith.constant 0 : i32
        %sign3A_227 = arith.cmpi sgt, %add3A_185, %sign3A_226 : i32
        %sign3A_228 = arith.extui %sign3A_227 : i1 to i32
        %sign3A_229 = arith.constant 0 : i32
        %sign3A_230 = arith.cmpi slt, %add3A_185, %sign3A_229 : i32
        %sign3A_231 = arith.extui %sign3A_230 : i1 to i32
        %sign3A_232 = arith.subi %sign3A_228, %sign3A_231 : i32
        %sign3A_233 = arith.constant 0 : i32
        %sign3A_234 = arith.cmpi sgt, %jit3A_224, %sign3A_233 : i32
        %sign3A_235 = arith.extui %sign3A_234 : i1 to i32
        %sign3A_236 = arith.constant 0 : i32
        %sign3A_237 = arith.cmpi slt, %jit3A_224, %sign3A_236 : i32
        %sign3A_238 = arith.extui %sign3A_237 : i1 to i32
        %sign3A_239 = arith.subi %sign3A_235, %sign3A_238 : i32
        %ne3A_240 = arith.cmpi ne, %sign3A_232, %sign3A_239 : i32
        %rem3A_241 = arith.remsi %add3A_185, %jit3A_224 : i32
        %ne3A_242 = arith.constant 0 : i32
        %ne3A_243 = arith.cmpi ne, %rem3A_241, %ne3A_242 : i32
        %and3A_244 = arith.andi %ne3A_240, %ne3A_243 : i1
        %sub3A_245 = arith.constant 1 : i32
        %sub3A_246 = arith.subi %div3A_225, %sub3A_245 : i32
        %select_n3A_247 = arith.select %and3A_244, %sub3A_246, %div3A_225 : i32
        %jit3A_248 = arith.constant 128 : i32
        %eq3A_249 = arith.constant 0 : i32
        %eq3A_250 = arith.cmpi eq, %jit3A_248, %eq3A_249 : i32
        %jit3A_251 = arith.constant 1 : i32
        %select_n3A_252 = arith.select %eq3A_250, %jit3A_251, %jit3A_248 : i32
        %rem3A_253 = arith.remsi %add3A_185, %select_n3A_252 : i32
        %ne3A_254 = arith.constant 0 : i32
        %ne3A_255 = arith.cmpi ne, %rem3A_253, %ne3A_254 : i32
        %lt3A_256 = arith.constant 0 : i32
        %lt3A_257 = arith.cmpi slt, %rem3A_253, %lt3A_256 : i32
        %lt3A_258 = arith.constant 0 : i32
        %lt3A_259 = arith.cmpi slt, %select_n3A_252, %lt3A_258 : i32
        %ne3A_260 = arith.xori %lt3A_257, %lt3A_259 : i1
        %and3A_261 = arith.andi %ne3A_260, %ne3A_255 : i1
        %add3A_262 = arith.addi %rem3A_253, %select_n3A_252 : i32
        %select_n3A_263 = arith.select %and3A_261, %add3A_262, %rem3A_253 : i32
        %jit3A_264 = arith.constant 128 : i32
        %div3A_265 = arith.divsi %add3A_203, %jit3A_264 : i32
        %sign3A_266 = arith.constant 0 : i32
        %sign3A_267 = arith.cmpi sgt, %add3A_203, %sign3A_266 : i32
        %sign3A_268 = arith.extui %sign3A_267 : i1 to i32
        %sign3A_269 = arith.constant 0 : i32
        %sign3A_270 = arith.cmpi slt, %add3A_203, %sign3A_269 : i32
        %sign3A_271 = arith.extui %sign3A_270 : i1 to i32
        %sign3A_272 = arith.subi %sign3A_268, %sign3A_271 : i32
        %sign3A_273 = arith.constant 0 : i32
        %sign3A_274 = arith.cmpi sgt, %jit3A_264, %sign3A_273 : i32
        %sign3A_275 = arith.extui %sign3A_274 : i1 to i32
        %sign3A_276 = arith.constant 0 : i32
        %sign3A_277 = arith.cmpi slt, %jit3A_264, %sign3A_276 : i32
        %sign3A_278 = arith.extui %sign3A_277 : i1 to i32
        %sign3A_279 = arith.subi %sign3A_275, %sign3A_278 : i32
        %ne3A_280 = arith.cmpi ne, %sign3A_272, %sign3A_279 : i32
        %rem3A_281 = arith.remsi %add3A_203, %jit3A_264 : i32
        %ne3A_282 = arith.constant 0 : i32
        %ne3A_283 = arith.cmpi ne, %rem3A_281, %ne3A_282 : i32
        %and3A_284 = arith.andi %ne3A_280, %ne3A_283 : i1
        %sub3A_285 = arith.constant 1 : i32
        %sub3A_286 = arith.subi %div3A_265, %sub3A_285 : i32
        %select_n3A_287 = arith.select %and3A_284, %sub3A_286, %div3A_265 : i32
        %jit3A_288 = arith.constant 128 : i32
        %eq3A_289 = arith.constant 0 : i32
        %eq3A_290 = arith.cmpi eq, %jit3A_288, %eq3A_289 : i32
        %jit3A_291 = arith.constant 1 : i32
        %select_n3A_292 = arith.select %eq3A_290, %jit3A_291, %jit3A_288 : i32
        %rem3A_293 = arith.remsi %add3A_203, %select_n3A_292 : i32
        %ne3A_294 = arith.constant 0 : i32
        %ne3A_295 = arith.cmpi ne, %rem3A_293, %ne3A_294 : i32
        %lt3A_296 = arith.constant 0 : i32
        %lt3A_297 = arith.cmpi slt, %rem3A_293, %lt3A_296 : i32
        %lt3A_298 = arith.constant 0 : i32
        %lt3A_299 = arith.cmpi slt, %select_n3A_292, %lt3A_298 : i32
        %ne3A_300 = arith.xori %lt3A_297, %lt3A_299 : i1
        %and3A_301 = arith.andi %ne3A_300, %ne3A_295 : i1
        %add3A_302 = arith.addi %rem3A_293, %select_n3A_292 : i32
        %select_n3A_303 = arith.select %and3A_301, %add3A_302, %rem3A_293 : i32
        %ne3A_304 = arith.cmpi ne, %select_n3A_247, %select_n3A_287 : i32
        %ne3A_305 = arith.cmpi ne, %select_n3A_263, %select_n3A_303 : i32
        %or3A_306 = arith.constant false
        %or3A_307 = arith.ori %or3A_306, %ne3A_304 : i1
        %or3A_308 = arith.constant false
        %or3A_309 = arith.ori %or3A_307, %or3A_308 : i1
        %or3A_310 = arith.ori %or3A_309, %ne3A_305 : i1
        %ge3A_311 = arith.constant 103 : i32
        %ge3A_312 = arith.cmpi sge, %scan3A_173, %ge3A_311 : i32
        %not3A_313 = arith.constant true
        %not3A_314 = arith.xori %ge3A_312, %not3A_313 : i1
        %and3A_315 = arith.andi %or3A_310, %not3A_314 : i1
        %ne3A_316 = arith.cmpi ne, %add3A_185, %add3A_203 : i32
        %or3A_317 = arith.constant false
        %or3A_318 = arith.ori %or3A_317, %ne3A_316 : i1
        %ge3A_319 = arith.constant 103 : i32
        %ge3A_320 = arith.cmpi sge, %scan3A_173, %ge3A_319 : i32
        %not3A_321 = arith.constant true
        %not3A_322 = arith.xori %ge3A_320, %not3A_321 : i1
        %and3A_323 = arith.andi %or3A_318, %not3A_322 : i1
        %ne3A_324 = arith.cmpi ne, %add3A_185, %add3A_194 : i32
        %or3A_325 = arith.constant false
        %or3A_326 = arith.ori %or3A_325, %ne3A_324 : i1
        %or3A_327 = arith.ori %or3A_326, %eq3A_182 : i1
        %convert_element_type3A_328 = arith.extui %or3A_327 : i1 to i32
        %cond3A_329 = arith.constant 0 : i32
        %cond3A_330 = arith.cmpi ne, %convert_element_type3A_328, %cond3A_329 : i32
        scf.if %cond3A_330 {
          "tpu.trace_start"() <{level = 10 : i32, message = "ep_wait_in"}> : () -> ()
          %mul3A_886 = arith.constant 128 : i32
          %mul3A_887 = arith.muli %mul3A_886, %add3A_185 : i32
          %rem3A_888 = arith.constant 2 : i32
          %rem3A_889 = arith.remui %scan3A_175, %rem3A_888 : i32
          %mul3A_890 = arith.constant 128 : i32
          %mul3A_891 = arith.muli %rem3A_889, %mul3A_890 : i32
          %add3A_892 = arith.constant 0 : i32
          %add3A_893 = arith.addi %mul3A_891, %add3A_892 : i32
          %dma_wait3A_894 = tpu.memref_slice %run_scoped3A[%add3A_893] : memref<256xi32, #tpu.memory_space<vmem>> -> memref<128xi32, #tpu.memory_space<vmem>>
          %dma_wait3A_895 = tpu.memref_slice %arg19[%mul3A_887] : memref<425984xi32, #tpu.memory_space<hbm>> -> memref<128xi32, #tpu.memory_space<hbm>>
          %dma_wait3A_896 = tpu.memref_slice %run_scoped3A_7[%rem3A_889] : memref<2x!tpu.dma_semaphore, #tpu.memory_space<semaphore_mem>> -> memref<1x!tpu.dma_semaphore, #tpu.memory_space<semaphore_mem>>
          %dma_wait3A_897 = tpu.memref_squeeze %dma_wait3A_896 : memref<1x!tpu.dma_semaphore, #tpu.memory_space<semaphore_mem>> -> memref<!tpu.dma_semaphore, #tpu.memory_space<semaphore_mem>>
          %dma_wait3A_898 = tpu.memref_slice %run_scoped3A[%add3A_893] : memref<256xi32, #tpu.memory_space<vmem>> -> memref<128xi32, #tpu.memory_space<vmem>>
          %dma_wait3A_899 = tpu.memref_slice %arg19[%mul3A_887] : memref<425984xi32, #tpu.memory_space<hbm>> -> memref<128xi32, #tpu.memory_space<hbm>>
          tpu.wait_dma2 semaphore(%dma_wait3A_897 : memref<!tpu.dma_semaphore, #tpu.memory_space<semaphore_mem>>) src(%dma_wait3A_899 : memref<128xi32, #tpu.memory_space<hbm>>) dst(%dma_wait3A_898 : memref<128xi32, #tpu.memory_space<vmem>>)
          "tpu.trace_stop"() : () -> ()
        } else {
        }
        %jit3A_331 = arith.constant 128 : i32
        %div3A_332 = arith.divsi %add3A_185, %jit3A_331 : i32
        %sign3A_333 = arith.constant 0 : i32
        %sign3A_334 = arith.cmpi sgt, %add3A_185, %sign3A_333 : i32
        %sign3A_335 = arith.extui %sign3A_334 : i1 to i32
        %sign3A_336 = arith.constant 0 : i32
        %sign3A_337 = arith.cmpi slt, %add3A_185, %sign3A_336 : i32
        %sign3A_338 = arith.extui %sign3A_337 : i1 to i32
        %sign3A_339 = arith.subi %sign3A_335, %sign3A_338 : i32
        %sign3A_340 = arith.constant 0 : i32
        %sign3A_341 = arith.cmpi sgt, %jit3A_331, %sign3A_340 : i32
        %sign3A_342 = arith.extui %sign3A_341 : i1 to i32
        %sign3A_343 = arith.constant 0 : i32
        %sign3A_344 = arith.cmpi slt, %jit3A_331, %sign3A_343 : i32
        %sign3A_345 = arith.extui %sign3A_344 : i1 to i32
        %sign3A_346 = arith.subi %sign3A_342, %sign3A_345 : i32
        %ne3A_347 = arith.cmpi ne, %sign3A_339, %sign3A_346 : i32
        %rem3A_348 = arith.remsi %add3A_185, %jit3A_331 : i32
        %ne3A_349 = arith.constant 0 : i32
        %ne3A_350 = arith.cmpi ne, %rem3A_348, %ne3A_349 : i32
        %and3A_351 = arith.andi %ne3A_347, %ne3A_350 : i1
        %sub3A_352 = arith.constant 1 : i32
        %sub3A_353 = arith.subi %div3A_332, %sub3A_352 : i32
        %select_n3A_354 = arith.select %and3A_351, %sub3A_353, %div3A_332 : i32
        %jit3A_355 = arith.constant 128 : i32
        %eq3A_356 = arith.constant 0 : i32
        %eq3A_357 = arith.cmpi eq, %jit3A_355, %eq3A_356 : i32
        %jit3A_358 = arith.constant 1 : i32
        %select_n3A_359 = arith.select %eq3A_357, %jit3A_358, %jit3A_355 : i32
        %rem3A_360 = arith.remsi %add3A_185, %select_n3A_359 : i32
        %ne3A_361 = arith.constant 0 : i32
        %ne3A_362 = arith.cmpi ne, %rem3A_360, %ne3A_361 : i32
        %lt3A_363 = arith.constant 0 : i32
        %lt3A_364 = arith.cmpi slt, %rem3A_360, %lt3A_363 : i32
        %lt3A_365 = arith.constant 0 : i32
        %lt3A_366 = arith.cmpi slt, %select_n3A_359, %lt3A_365 : i32
        %ne3A_367 = arith.xori %lt3A_364, %lt3A_366 : i1
        %and3A_368 = arith.andi %ne3A_367, %ne3A_362 : i1
        %add3A_369 = arith.addi %rem3A_360, %select_n3A_359 : i32
        %select_n3A_370 = arith.select %and3A_368, %add3A_369, %rem3A_360 : i32
        %jit3A_371 = arith.constant 128 : i32
        %div3A_372 = arith.divsi %add3A_194, %jit3A_371 : i32
        %sign3A_373 = arith.constant 0 : i32
        %sign3A_374 = arith.cmpi sgt, %add3A_194, %sign3A_373 : i32
        %sign3A_375 = arith.extui %sign3A_374 : i1 to i32
        %sign3A_376 = arith.constant 0 : i32
        %sign3A_377 = arith.cmpi slt, %add3A_194, %sign3A_376 : i32
        %sign3A_378 = arith.extui %sign3A_377 : i1 to i32
        %sign3A_379 = arith.subi %sign3A_375, %sign3A_378 : i32
        %sign3A_380 = arith.constant 0 : i32
        %sign3A_381 = arith.cmpi sgt, %jit3A_371, %sign3A_380 : i32
        %sign3A_382 = arith.extui %sign3A_381 : i1 to i32
        %sign3A_383 = arith.constant 0 : i32
        %sign3A_384 = arith.cmpi slt, %jit3A_371, %sign3A_383 : i32
        %sign3A_385 = arith.extui %sign3A_384 : i1 to i32
        %sign3A_386 = arith.subi %sign3A_382, %sign3A_385 : i32
        %ne3A_387 = arith.cmpi ne, %sign3A_379, %sign3A_386 : i32
        %rem3A_388 = arith.remsi %add3A_194, %jit3A_371 : i32
        %ne3A_389 = arith.constant 0 : i32
        %ne3A_390 = arith.cmpi ne, %rem3A_388, %ne3A_389 : i32
        %and3A_391 = arith.andi %ne3A_387, %ne3A_390 : i1
        %sub3A_392 = arith.constant 1 : i32
        %sub3A_393 = arith.subi %div3A_372, %sub3A_392 : i32
        %select_n3A_394 = arith.select %and3A_391, %sub3A_393, %div3A_372 : i32
        %jit3A_395 = arith.constant 128 : i32
        %eq3A_396 = arith.constant 0 : i32
        %eq3A_397 = arith.cmpi eq, %jit3A_395, %eq3A_396 : i32
        %jit3A_398 = arith.constant 1 : i32
        %select_n3A_399 = arith.select %eq3A_397, %jit3A_398, %jit3A_395 : i32
        %rem3A_400 = arith.remsi %add3A_194, %select_n3A_399 : i32
        %ne3A_401 = arith.constant 0 : i32
        %ne3A_402 = arith.cmpi ne, %rem3A_400, %ne3A_401 : i32
        %lt3A_403 = arith.constant 0 : i32
        %lt3A_404 = arith.cmpi slt, %rem3A_400, %lt3A_403 : i32
        %lt3A_405 = arith.constant 0 : i32
        %lt3A_406 = arith.cmpi slt, %select_n3A_399, %lt3A_405 : i32
        %ne3A_407 = arith.xori %lt3A_404, %lt3A_406 : i1
        %and3A_408 = arith.andi %ne3A_407, %ne3A_402 : i1
        %add3A_409 = arith.addi %rem3A_400, %select_n3A_399 : i32
        %select_n3A_410 = arith.select %and3A_408, %add3A_409, %rem3A_400 : i32
        %ne3A_411 = arith.cmpi ne, %select_n3A_354, %select_n3A_394 : i32
        %ne3A_412 = arith.cmpi ne, %select_n3A_370, %select_n3A_410 : i32
        %or3A_413 = arith.constant false
        %or3A_414 = arith.ori %or3A_413, %ne3A_411 : i1
        %or3A_415 = arith.constant false
        %or3A_416 = arith.ori %or3A_414, %or3A_415 : i1
        %or3A_417 = arith.ori %or3A_416, %ne3A_412 : i1
        %or3A_418 = arith.ori %or3A_417, %eq3A_182 : i1
        %convert_element_type3A_419 = arith.extui %or3A_418 : i1 to i32
        %cond3A_420 = arith.constant 0 : i32
        %cond3A_421 = arith.cmpi ne, %convert_element_type3A_419, %cond3A_420 : i32
        scf.if %cond3A_421 {
        } else {
        }
        %ne3A_422 = arith.cmpi ne, %add3A_185, %add3A_194 : i32
        %or3A_423 = arith.constant false
        %or3A_424 = arith.ori %or3A_423, %ne3A_422 : i1
        %or3A_425 = arith.ori %or3A_424, %eq3A_182 : i1
        %convert_element_type3A_426 = arith.extui %or3A_425 : i1 to i32
        %cond3A_427 = arith.constant 0 : i32
        %cond3A_428 = arith.cmpi ne, %convert_element_type3A_426, %cond3A_427 : i32
        scf.if %cond3A_428 {
        } else {
        }
        %rem3A_429 = arith.constant 2 : i32
        %rem3A_430 = arith.remui %scan3A_175, %rem3A_429 : i32
        %mul3A_431 = arith.constant 128 : i32
        %mul3A_432 = arith.muli %rem3A_430, %mul3A_431 : i32
        %rem3A_433 = arith.constant 2 : i32
        %rem3A_434 = arith.remui %scan3A_176, %rem3A_433 : i32
        %rem3A_435 = arith.constant 2 : i32
        %rem3A_436 = arith.remui %scan3A_178, %rem3A_435 : i32
        %mul3A_437 = arith.constant 128 : i32
        %mul3A_438 = arith.muli %rem3A_436, %mul3A_437 : i32
        "tpu.trace_start"() <{level = 10 : i32, message = "ep_run_kernel"}> : () -> ()
        %scan3A_439 = arith.constant 0 : i32
        %scan3A_440 = arith.constant 8 : i32
        %scan3A_441 = arith.addi %scan3A_439, %scan3A_440 : i32
        %scan3A_442 = arith.constant 1 : i32
        scf.for %scan3A_886 = %scan3A_439 to %scan3A_441 step %scan3A_442  : i32 {
          %mul3A_887 = arith.constant 16 : i32
          %mul3A_888 = arith.muli %scan3A_886, %mul3A_887 : i32
          %add3A_889 = arith.constant 0 : i32
          %add3A_890 = arith.addi %add3A_889, %mul3A_888 : i32
          %get3A = tpu.memref_slice %run_scoped3A[%mul3A_432] : memref<256xi32, #tpu.memory_space<vmem>> -> memref<128xi32, #tpu.memory_space<vmem>>
          %get3A_891 = arith.index_cast %add3A_890 : i32 to index
          %get3A_892 = tpu.vector_load %get3A[%get3A_891] {strides = array<i32>} : memref<128xi32, #tpu.memory_space<vmem>>, vector<16xi32>,
          %shift_right_logical3A = arith.constant 4 : i32
          %shift_right_logical3A_893 = vector.broadcast %shift_right_logical3A : i32 to vector<16xi32>
          %shift_right_logical3A_894 = arith.shrui %get3A_892, %shift_right_logical3A_893 : vector<16xi32>
          %swap3A = arith.index_cast %add3A_890 : i32 to index
          %swap3A_895 = tpu.vector_load %arg22[%swap3A] {strides = array<i32>} : memref<128xi32, #tpu.memory_space<vmem>>, vector<16xi32>,
          tpu.vector_store %arg22[%swap3A], %shift_right_logical3A_894 {strides = array<i32>} : memref<128xi32, #tpu.memory_space<vmem>>, vector<16xi32>,
          %and3A_896 = arith.constant 15 : i32
          %and3A_897 = vector.broadcast %and3A_896 : i32 to vector<16xi32>
          %and3A_898 = arith.andi %get3A_892, %and3A_897 : vector<16xi32>
          %swap3A_899 = arith.index_cast %add3A_890 : i32 to index
          %swap3A_900 = tpu.vector_load %arg23[%swap3A_899] {strides = array<i32>} : memref<128xi32, #tpu.memory_space<vmem>>, vector<16xi32>,
          tpu.vector_store %arg23[%swap3A_899], %and3A_898 {strides = array<i32>} : memref<128xi32, #tpu.memory_space<vmem>>, vector<16xi32>,
        }
        %scan3A_443 = arith.constant 8 : i32
        %dma_start3A_444 = arith.constant 0 : i32
        %dma_start3A_445 = arith.constant 0 : i32
        %dma_start3A_446 = tpu.memref_slice %arg2[%dma_start3A_444, %dma_start3A_445] : memref<163072x16xf32, #tpu.memory_space<hbm>> -> memref<163072x16xf32, #tpu.memory_space<hbm>>
        tpu.enqueue_indirect_dma source(%dma_start3A_446 : memref<163072x16xf32, #tpu.memory_space<hbm>>) target(%arg24 : memref<128x16xf32, #tpu.memory_space<vmem>>) offsets(%arg22 : memref<128xi32, #tpu.memory_space<vmem>>) semaphore(%arg41 : memref<!tpu.dma_semaphore, #tpu.memory_space<semaphore_mem>>)
        %dma_start3A_447 = arith.constant 0 : i32
        %dma_start3A_448 = arith.constant 0 : i32
        %dma_start3A_449 = tpu.memref_slice %arg3[%dma_start3A_447, %dma_start3A_448] : memref<163072x16xf32, #tpu.memory_space<hbm>> -> memref<163072x16xf32, #tpu.memory_space<hbm>>
        tpu.enqueue_indirect_dma source(%dma_start3A_449 : memref<163072x16xf32, #tpu.memory_space<hbm>>) target(%arg25 : memref<128x16xf32, #tpu.memory_space<vmem>>) offsets(%arg22 : memref<128xi32, #tpu.memory_space<vmem>>) semaphore(%arg42 : memref<!tpu.dma_semaphore, #tpu.memory_space<semaphore_mem>>)
        %dma_start3A_450 = arith.constant 0 : i32
        %dma_start3A_451 = arith.constant 0 : i32
        %dma_start3A_452 = tpu.memref_slice %arg4[%dma_start3A_450, %dma_start3A_451] : memref<163072x16xf32, #tpu.memory_space<hbm>> -> memref<163072x16xf32, #tpu.memory_space<hbm>>
        tpu.enqueue_indirect_dma source(%dma_start3A_452 : memref<163072x16xf32, #tpu.memory_space<hbm>>) target(%arg26 : memref<128x16xf32, #tpu.memory_space<vmem>>) offsets(%arg22 : memref<128xi32, #tpu.memory_space<vmem>>) semaphore(%arg43 : memref<!tpu.dma_semaphore, #tpu.memory_space<semaphore_mem>>)
        %dma_start3A_453 = arith.constant 0 : i32
        %dma_start3A_454 = arith.constant 0 : i32
        %dma_start3A_455 = tpu.memref_slice %arg5[%dma_start3A_453, %dma_start3A_454] : memref<163072x16xf32, #tpu.memory_space<hbm>> -> memref<163072x16xf32, #tpu.memory_space<hbm>>
        tpu.enqueue_indirect_dma source(%dma_start3A_455 : memref<163072x16xf32, #tpu.memory_space<hbm>>) target(%arg27 : memref<128x16xf32, #tpu.memory_space<vmem>>) offsets(%arg22 : memref<128xi32, #tpu.memory_space<vmem>>) semaphore(%arg44 : memref<!tpu.dma_semaphore, #tpu.memory_space<semaphore_mem>>)
        %dma_start3A_456 = arith.constant 0 : i32
        %dma_start3A_457 = arith.constant 0 : i32
        %dma_start3A_458 = tpu.memref_slice %arg6[%dma_start3A_456, %dma_start3A_457] : memref<163072x16xf32, #tpu.memory_space<hbm>> -> memref<163072x16xf32, #tpu.memory_space<hbm>>
        tpu.enqueue_indirect_dma source(%dma_start3A_458 : memref<163072x16xf32, #tpu.memory_space<hbm>>) target(%arg28 : memref<128x16xf32, #tpu.memory_space<vmem>>) offsets(%arg22 : memref<128xi32, #tpu.memory_space<vmem>>) semaphore(%arg45 : memref<!tpu.dma_semaphore, #tpu.memory_space<semaphore_mem>>)
        %dma_start3A_459 = arith.constant 0 : i32
        %dma_start3A_460 = arith.constant 0 : i32
        %dma_start3A_461 = tpu.memref_slice %arg7[%dma_start3A_459, %dma_start3A_460] : memref<163072x16xf32, #tpu.memory_space<hbm>> -> memref<163072x16xf32, #tpu.memory_space<hbm>>
        tpu.enqueue_indirect_dma source(%dma_start3A_461 : memref<163072x16xf32, #tpu.memory_space<hbm>>) target(%arg29 : memref<128x16xf32, #tpu.memory_space<vmem>>) offsets(%arg22 : memref<128xi32, #tpu.memory_space<vmem>>) semaphore(%arg46 : memref<!tpu.dma_semaphore, #tpu.memory_space<semaphore_mem>>)
        %dma_start3A_462 = arith.constant 0 : i32
        %dma_start3A_463 = arith.constant 0 : i32
        %dma_start3A_464 = tpu.memref_slice %arg8[%dma_start3A_462, %dma_start3A_463] : memref<163072x16xf32, #tpu.memory_space<hbm>> -> memref<163072x16xf32, #tpu.memory_space<hbm>>
        tpu.enqueue_indirect_dma source(%dma_start3A_464 : memref<163072x16xf32, #tpu.memory_space<hbm>>) target(%arg30 : memref<128x16xf32, #tpu.memory_space<vmem>>) offsets(%arg22 : memref<128xi32, #tpu.memory_space<vmem>>) semaphore(%arg47 : memref<!tpu.dma_semaphore, #tpu.memory_space<semaphore_mem>>)
        %dma_start3A_465 = arith.constant 0 : i32
        %dma_start3A_466 = arith.constant 0 : i32
        %dma_start3A_467 = tpu.memref_slice %arg9[%dma_start3A_465, %dma_start3A_466] : memref<163072x16xf32, #tpu.memory_space<hbm>> -> memref<163072x16xf32, #tpu.memory_space<hbm>>
        tpu.enqueue_indirect_dma source(%dma_start3A_467 : memref<163072x16xf32, #tpu.memory_space<hbm>>) target(%arg31 : memref<128x16xf32, #tpu.memory_space<vmem>>) offsets(%arg22 : memref<128xi32, #tpu.memory_space<vmem>>) semaphore(%arg48 : memref<!tpu.dma_semaphore, #tpu.memory_space<semaphore_mem>>)
        %dma_start3A_468 = arith.constant 0 : i32
        %dma_start3A_469 = arith.constant 0 : i32
        %dma_start3A_470 = tpu.memref_slice %arg10[%dma_start3A_468, %dma_start3A_469] : memref<163072x16xf32, #tpu.memory_space<hbm>> -> memref<163072x16xf32, #tpu.memory_space<hbm>>
        tpu.enqueue_indirect_dma source(%dma_start3A_470 : memref<163072x16xf32, #tpu.memory_space<hbm>>) target(%arg32 : memref<128x16xf32, #tpu.memory_space<vmem>>) offsets(%arg22 : memref<128xi32, #tpu.memory_space<vmem>>) semaphore(%arg49 : memref<!tpu.dma_semaphore, #tpu.memory_space<semaphore_mem>>)
        %dma_start3A_471 = arith.constant 0 : i32
        %dma_start3A_472 = arith.constant 0 : i32
        %dma_start3A_473 = tpu.memref_slice %arg11[%dma_start3A_471, %dma_start3A_472] : memref<163072x16xf32, #tpu.memory_space<hbm>> -> memref<163072x16xf32, #tpu.memory_space<hbm>>
        tpu.enqueue_indirect_dma source(%dma_start3A_473 : memref<163072x16xf32, #tpu.memory_space<hbm>>) target(%arg33 : memref<128x16xf32, #tpu.memory_space<vmem>>) offsets(%arg22 : memref<128xi32, #tpu.memory_space<vmem>>) semaphore(%arg50 : memref<!tpu.dma_semaphore, #tpu.memory_space<semaphore_mem>>)
        %dma_start3A_474 = arith.constant 0 : i32
        %dma_start3A_475 = arith.constant 0 : i32
        %dma_start3A_476 = tpu.memref_slice %arg12[%dma_start3A_474, %dma_start3A_475] : memref<163072x16xf32, #tpu.memory_space<hbm>> -> memref<163072x16xf32, #tpu.memory_space<hbm>>
        tpu.enqueue_indirect_dma source(%dma_start3A_476 : memref<163072x16xf32, #tpu.memory_space<hbm>>) target(%arg34 : memref<128x16xf32, #tpu.memory_space<vmem>>) offsets(%arg22 : memref<128xi32, #tpu.memory_space<vmem>>) semaphore(%arg51 : memref<!tpu.dma_semaphore, #tpu.memory_space<semaphore_mem>>)
        %dma_start3A_477 = arith.constant 0 : i32
        %dma_start3A_478 = arith.constant 0 : i32
        %dma_start3A_479 = tpu.memref_slice %arg13[%dma_start3A_477, %dma_start3A_478] : memref<163072x16xf32, #tpu.memory_space<hbm>> -> memref<163072x16xf32, #tpu.memory_space<hbm>>
        tpu.enqueue_indirect_dma source(%dma_start3A_479 : memref<163072x16xf32, #tpu.memory_space<hbm>>) target(%arg35 : memref<128x16xf32, #tpu.memory_space<vmem>>) offsets(%arg22 : memref<128xi32, #tpu.memory_space<vmem>>) semaphore(%arg52 : memref<!tpu.dma_semaphore, #tpu.memory_space<semaphore_mem>>)
        %dma_start3A_480 = arith.constant 0 : i32
        %dma_start3A_481 = arith.constant 0 : i32
        %dma_start3A_482 = tpu.memref_slice %arg14[%dma_start3A_480, %dma_start3A_481] : memref<163072x16xf32, #tpu.memory_space<hbm>> -> memref<163072x16xf32, #tpu.memory_space<hbm>>
        tpu.enqueue_indirect_dma source(%dma_start3A_482 : memref<163072x16xf32, #tpu.memory_space<hbm>>) target(%arg36 : memref<128x16xf32, #tpu.memory_space<vmem>>) offsets(%arg22 : memref<128xi32, #tpu.memory_space<vmem>>) semaphore(%arg53 : memref<!tpu.dma_semaphore, #tpu.memory_space<semaphore_mem>>)
        %dma_start3A_483 = arith.constant 0 : i32
        %dma_start3A_484 = arith.constant 0 : i32
        %dma_start3A_485 = tpu.memref_slice %arg15[%dma_start3A_483, %dma_start3A_484] : memref<163072x16xf32, #tpu.memory_space<hbm>> -> memref<163072x16xf32, #tpu.memory_space<hbm>>
        tpu.enqueue_indirect_dma source(%dma_start3A_485 : memref<163072x16xf32, #tpu.memory_space<hbm>>) target(%arg37 : memref<128x16xf32, #tpu.memory_space<vmem>>) offsets(%arg22 : memref<128xi32, #tpu.memory_space<vmem>>) semaphore(%arg54 : memref<!tpu.dma_semaphore, #tpu.memory_space<semaphore_mem>>)
        %dma_start3A_486 = arith.constant 0 : i32
        %dma_start3A_487 = arith.constant 0 : i32
        %dma_start3A_488 = tpu.memref_slice %arg16[%dma_start3A_486, %dma_start3A_487] : memref<163072x16xf32, #tpu.memory_space<hbm>> -> memref<163072x16xf32, #tpu.memory_space<hbm>>
        tpu.enqueue_indirect_dma source(%dma_start3A_488 : memref<163072x16xf32, #tpu.memory_space<hbm>>) target(%arg38 : memref<128x16xf32, #tpu.memory_space<vmem>>) offsets(%arg22 : memref<128xi32, #tpu.memory_space<vmem>>) semaphore(%arg55 : memref<!tpu.dma_semaphore, #tpu.memory_space<semaphore_mem>>)
        %dma_start3A_489 = arith.constant 0 : i32
        %dma_start3A_490 = arith.constant 0 : i32
        %dma_start3A_491 = tpu.memref_slice %arg17[%dma_start3A_489, %dma_start3A_490] : memref<163072x16xf32, #tpu.memory_space<hbm>> -> memref<163072x16xf32, #tpu.memory_space<hbm>>
        tpu.enqueue_indirect_dma source(%dma_start3A_491 : memref<163072x16xf32, #tpu.memory_space<hbm>>) target(%arg39 : memref<128x16xf32, #tpu.memory_space<vmem>>) offsets(%arg22 : memref<128xi32, #tpu.memory_space<vmem>>) semaphore(%arg56 : memref<!tpu.dma_semaphore, #tpu.memory_space<semaphore_mem>>)
        %dma_start3A_492 = arith.constant 0 : i32
        %dma_start3A_493 = arith.constant 0 : i32
        %dma_start3A_494 = tpu.memref_slice %arg18[%dma_start3A_492, %dma_start3A_493] : memref<163072x16xf32, #tpu.memory_space<hbm>> -> memref<163072x16xf32, #tpu.memory_space<hbm>>
        tpu.enqueue_indirect_dma source(%dma_start3A_494 : memref<163072x16xf32, #tpu.memory_space<hbm>>) target(%arg40 : memref<128x16xf32, #tpu.memory_space<vmem>>) offsets(%arg22 : memref<128xi32, #tpu.memory_space<vmem>>) semaphore(%arg57 : memref<!tpu.dma_semaphore, #tpu.memory_space<semaphore_mem>>)
        %iota3A = tpu.iota {dimensions = array<i32: 0>} : vector<16xi32>
        %dma_wait3A_495 = arith.constant 0 : i32
        %dma_wait3A_496 = arith.constant 0 : i32
        %dma_wait3A_497 = tpu.memref_slice %arg2[%dma_wait3A_495, %dma_wait3A_496] : memref<163072x16xf32, #tpu.memory_space<hbm>> -> memref<163072x16xf32, #tpu.memory_space<hbm>>
        tpu.wait_indirect_dma semaphore(%arg41 : memref<!tpu.dma_semaphore, #tpu.memory_space<semaphore_mem>>) src(%dma_wait3A_497 : memref<163072x16xf32, #tpu.memory_space<hbm>>) dst(%arg24 : memref<128x16xf32, #tpu.memory_space<vmem>>)
        %scan3A_498 = arith.constant 0 : i32
        %scan3A_499 = arith.constant 8 : i32
        %scan3A_500 = arith.addi %scan3A_498, %scan3A_499 : i32
        %scan3A_501 = arith.constant 1 : i32
        scf.for %scan3A_886 = %scan3A_498 to %scan3A_500 step %scan3A_501  : i32 {
          %mul3A_887 = arith.constant 16 : i32
          %mul3A_888 = arith.muli %scan3A_886, %mul3A_887 : i32
          %add3A_889 = arith.constant 0 : i32
          %add3A_890 = arith.addi %add3A_889, %mul3A_888 : i32
          %add3A_891 = vector.broadcast %add3A_890 : i32 to vector<16xi32>
          %add3A_892 = arith.addi %iota3A, %add3A_891 : vector<16xi32>
          %get3A = arith.index_cast %add3A_890 : i32 to index
          %get3A_893 = tpu.vector_load %arg23[%get3A] {strides = array<i32>} : memref<128xi32, #tpu.memory_space<vmem>>, vector<16xi32>,
          %gather3A = tpu.vector_load_idx %arg24[%add3A_892, %get3A_893] : memref<128x16xf32, #tpu.memory_space<vmem>>[vector<16xi32>, vector<16xi32>], vector<16xf32>,
          %swap3A = arith.constant 0 : i32
          %swap3A_894 = arith.constant 0 : i32
          %swap3A_895 = arith.constant 0 : i32
          %swap3A_896 = arith.constant 0 : i32
          %swap3A_897 = arith.constant 0 : i32
          %swap3A_898 = tpu.memref_slice %run_scoped3A_8[%rem3A_434, %swap3A_895, %swap3A_896, %swap3A_897] : memref<2x1x16x128xf32, #tpu.memory_space<vmem>> -> memref<1x1x16x128xf32, #tpu.memory_space<vmem>>
          %swap3A_899 = tpu.memref_squeeze %swap3A_898 : memref<1x1x16x128xf32, #tpu.memory_space<vmem>> -> memref<1x16x128xf32, #tpu.memory_space<vmem>>
          %swap3A_900 = arith.index_cast %swap3A : i32 to index
          %swap3A_901 = arith.index_cast %swap3A_894 : i32 to index
          %swap3A_902 = arith.index_cast %add3A_890 : i32 to index
          %swap3A_903 = tpu.vector_load %swap3A_899[%swap3A_900, %swap3A_901, %swap3A_902] {strides = array<i32>} : memref<1x16x128xf32, #tpu.memory_space<vmem>>, vector<16xf32>,
          tpu.vector_store %swap3A_899[%swap3A_900, %swap3A_901, %swap3A_902], %gather3A {strides = array<i32>} : memref<1x16x128xf32, #tpu.memory_space<vmem>>, vector<16xf32>,
        }
        %scan3A_502 = arith.constant 8 : i32
        %dma_wait3A_503 = arith.constant 0 : i32
        %dma_wait3A_504 = arith.constant 0 : i32
        %dma_wait3A_505 = tpu.memref_slice %arg3[%dma_wait3A_503, %dma_wait3A_504] : memref<163072x16xf32, #tpu.memory_space<hbm>> -> memref<163072x16xf32, #tpu.memory_space<hbm>>
        tpu.wait_indirect_dma semaphore(%arg42 : memref<!tpu.dma_semaphore, #tpu.memory_space<semaphore_mem>>) src(%dma_wait3A_505 : memref<163072x16xf32, #tpu.memory_space<hbm>>) dst(%arg25 : memref<128x16xf32, #tpu.memory_space<vmem>>)
        %scan3A_506 = arith.constant 0 : i32
        %scan3A_507 = arith.constant 8 : i32
        %scan3A_508 = arith.addi %scan3A_506, %scan3A_507 : i32
        %scan3A_509 = arith.constant 1 : i32
        scf.for %scan3A_886 = %scan3A_506 to %scan3A_508 step %scan3A_509  : i32 {
          %mul3A_887 = arith.constant 16 : i32
          %mul3A_888 = arith.muli %scan3A_886, %mul3A_887 : i32
          %add3A_889 = arith.constant 0 : i32
          %add3A_890 = arith.addi %add3A_889, %mul3A_888 : i32
          %add3A_891 = vector.broadcast %add3A_890 : i32 to vector<16xi32>
          %add3A_892 = arith.addi %iota3A, %add3A_891 : vector<16xi32>
          %get3A = arith.index_cast %add3A_890 : i32 to index
          %get3A_893 = tpu.vector_load %arg23[%get3A] {strides = array<i32>} : memref<128xi32, #tpu.memory_space<vmem>>, vector<16xi32>,
          %gather3A = tpu.vector_load_idx %arg25[%add3A_892, %get3A_893] : memref<128x16xf32, #tpu.memory_space<vmem>>[vector<16xi32>, vector<16xi32>], vector<16xf32>,
          %swap3A = arith.constant 0 : i32
          %swap3A_894 = arith.constant 1 : i32
          %swap3A_895 = arith.constant 0 : i32
          %swap3A_896 = arith.constant 0 : i32
          %swap3A_897 = arith.constant 0 : i32
          %swap3A_898 = tpu.memref_slice %run_scoped3A_8[%rem3A_434, %swap3A_895, %swap3A_896, %swap3A_897] : memref<2x1x16x128xf32, #tpu.memory_space<vmem>> -> memref<1x1x16x128xf32, #tpu.memory_space<vmem>>
          %swap3A_899 = tpu.memref_squeeze %swap3A_898 : memref<1x1x16x128xf32, #tpu.memory_space<vmem>> -> memref<1x16x128xf32, #tpu.memory_space<vmem>>
          %swap3A_900 = arith.index_cast %swap3A : i32 to index
          %swap3A_901 = arith.index_cast %swap3A_894 : i32 to index
          %swap3A_902 = arith.index_cast %add3A_890 : i32 to index
          %swap3A_903 = tpu.vector_load %swap3A_899[%swap3A_900, %swap3A_901, %swap3A_902] {strides = array<i32>} : memref<1x16x128xf32, #tpu.memory_space<vmem>>, vector<16xf32>,
          tpu.vector_store %swap3A_899[%swap3A_900, %swap3A_901, %swap3A_902], %gather3A {strides = array<i32>} : memref<1x16x128xf32, #tpu.memory_space<vmem>>, vector<16xf32>,
        }
        %scan3A_510 = arith.constant 8 : i32
        %dma_wait3A_511 = arith.constant 0 : i32
        %dma_wait3A_512 = arith.constant 0 : i32
        %dma_wait3A_513 = tpu.memref_slice %arg4[%dma_wait3A_511, %dma_wait3A_512] : memref<163072x16xf32, #tpu.memory_space<hbm>> -> memref<163072x16xf32, #tpu.memory_space<hbm>>
        tpu.wait_indirect_dma semaphore(%arg43 : memref<!tpu.dma_semaphore, #tpu.memory_space<semaphore_mem>>) src(%dma_wait3A_513 : memref<163072x16xf32, #tpu.memory_space<hbm>>) dst(%arg26 : memref<128x16xf32, #tpu.memory_space<vmem>>)
        %scan3A_514 = arith.constant 0 : i32
        %scan3A_515 = arith.constant 8 : i32
        %scan3A_516 = arith.addi %scan3A_514, %scan3A_515 : i32
        %scan3A_517 = arith.constant 1 : i32
        scf.for %scan3A_886 = %scan3A_514 to %scan3A_516 step %scan3A_517  : i32 {
          %mul3A_887 = arith.constant 16 : i32
          %mul3A_888 = arith.muli %scan3A_886, %mul3A_887 : i32
          %add3A_889 = arith.constant 0 : i32
          %add3A_890 = arith.addi %add3A_889, %mul3A_888 : i32
          %add3A_891 = vector.broadcast %add3A_890 : i32 to vector<16xi32>
          %add3A_892 = arith.addi %iota3A, %add3A_891 : vector<16xi32>
          %get3A = arith.index_cast %add3A_890 : i32 to index
          %get3A_893 = tpu.vector_load %arg23[%get3A] {strides = array<i32>} : memref<128xi32, #tpu.memory_space<vmem>>, vector<16xi32>,
          %gather3A = tpu.vector_load_idx %arg26[%add3A_892, %get3A_893] : memref<128x16xf32, #tpu.memory_space<vmem>>[vector<16xi32>, vector<16xi32>], vector<16xf32>,
          %swap3A = arith.constant 0 : i32
          %swap3A_894 = arith.constant 2 : i32
          %swap3A_895 = arith.constant 0 : i32
          %swap3A_896 = arith.constant 0 : i32
          %swap3A_897 = arith.constant 0 : i32
          %swap3A_898 = tpu.memref_slice %run_scoped3A_8[%rem3A_434, %swap3A_895, %swap3A_896, %swap3A_897] : memref<2x1x16x128xf32, #tpu.memory_space<vmem>> -> memref<1x1x16x128xf32, #tpu.memory_space<vmem>>
          %swap3A_899 = tpu.memref_squeeze %swap3A_898 : memref<1x1x16x128xf32, #tpu.memory_space<vmem>> -> memref<1x16x128xf32, #tpu.memory_space<vmem>>
          %swap3A_900 = arith.index_cast %swap3A : i32 to index
          %swap3A_901 = arith.index_cast %swap3A_894 : i32 to index
          %swap3A_902 = arith.index_cast %add3A_890 : i32 to index
          %swap3A_903 = tpu.vector_load %swap3A_899[%swap3A_900, %swap3A_901, %swap3A_902] {strides = array<i32>} : memref<1x16x128xf32, #tpu.memory_space<vmem>>, vector<16xf32>,
          tpu.vector_store %swap3A_899[%swap3A_900, %swap3A_901, %swap3A_902], %gather3A {strides = array<i32>} : memref<1x16x128xf32, #tpu.memory_space<vmem>>, vector<16xf32>,
        }
        %scan3A_518 = arith.constant 8 : i32
        %dma_wait3A_519 = arith.constant 0 : i32
        %dma_wait3A_520 = arith.constant 0 : i32
        %dma_wait3A_521 = tpu.memref_slice %arg5[%dma_wait3A_519, %dma_wait3A_520] : memref<163072x16xf32, #tpu.memory_space<hbm>> -> memref<163072x16xf32, #tpu.memory_space<hbm>>
        tpu.wait_indirect_dma semaphore(%arg44 : memref<!tpu.dma_semaphore, #tpu.memory_space<semaphore_mem>>) src(%dma_wait3A_521 : memref<163072x16xf32, #tpu.memory_space<hbm>>) dst(%arg27 : memref<128x16xf32, #tpu.memory_space<vmem>>)
        %scan3A_522 = arith.constant 0 : i32
        %scan3A_523 = arith.constant 8 : i32
        %scan3A_524 = arith.addi %scan3A_522, %scan3A_523 : i32
        %scan3A_525 = arith.constant 1 : i32
        scf.for %scan3A_886 = %scan3A_522 to %scan3A_524 step %scan3A_525  : i32 {
          %mul3A_887 = arith.constant 16 : i32
          %mul3A_888 = arith.muli %scan3A_886, %mul3A_887 : i32
          %add3A_889 = arith.constant 0 : i32
          %add3A_890 = arith.addi %add3A_889, %mul3A_888 : i32
          %add3A_891 = vector.broadcast %add3A_890 : i32 to vector<16xi32>
          %add3A_892 = arith.addi %iota3A, %add3A_891 : vector<16xi32>
          %get3A = arith.index_cast %add3A_890 : i32 to index
          %get3A_893 = tpu.vector_load %arg23[%get3A] {strides = array<i32>} : memref<128xi32, #tpu.memory_space<vmem>>, vector<16xi32>,
          %gather3A = tpu.vector_load_idx %arg27[%add3A_892, %get3A_893] : memref<128x16xf32, #tpu.memory_space<vmem>>[vector<16xi32>, vector<16xi32>], vector<16xf32>,
          %swap3A = arith.constant 0 : i32
          %swap3A_894 = arith.constant 3 : i32
          %swap3A_895 = arith.constant 0 : i32
          %swap3A_896 = arith.constant 0 : i32
          %swap3A_897 = arith.constant 0 : i32
          %swap3A_898 = tpu.memref_slice %run_scoped3A_8[%rem3A_434, %swap3A_895, %swap3A_896, %swap3A_897] : memref<2x1x16x128xf32, #tpu.memory_space<vmem>> -> memref<1x1x16x128xf32, #tpu.memory_space<vmem>>
          %swap3A_899 = tpu.memref_squeeze %swap3A_898 : memref<1x1x16x128xf32, #tpu.memory_space<vmem>> -> memref<1x16x128xf32, #tpu.memory_space<vmem>>
          %swap3A_900 = arith.index_cast %swap3A : i32 to index
          %swap3A_901 = arith.index_cast %swap3A_894 : i32 to index
          %swap3A_902 = arith.index_cast %add3A_890 : i32 to index
          %swap3A_903 = tpu.vector_load %swap3A_899[%swap3A_900, %swap3A_901, %swap3A_902] {strides = array<i32>} : memref<1x16x128xf32, #tpu.memory_space<vmem>>, vector<16xf32>,
          tpu.vector_store %swap3A_899[%swap3A_900, %swap3A_901, %swap3A_902], %gather3A {strides = array<i32>} : memref<1x16x128xf32, #tpu.memory_space<vmem>>, vector<16xf32>,
        }
        %scan3A_526 = arith.constant 8 : i32
        %dma_wait3A_527 = arith.constant 0 : i32
        %dma_wait3A_528 = arith.constant 0 : i32
        %dma_wait3A_529 = tpu.memref_slice %arg6[%dma_wait3A_527, %dma_wait3A_528] : memref<163072x16xf32, #tpu.memory_space<hbm>> -> memref<163072x16xf32, #tpu.memory_space<hbm>>
        tpu.wait_indirect_dma semaphore(%arg45 : memref<!tpu.dma_semaphore, #tpu.memory_space<semaphore_mem>>) src(%dma_wait3A_529 : memref<163072x16xf32, #tpu.memory_space<hbm>>) dst(%arg28 : memref<128x16xf32, #tpu.memory_space<vmem>>)
        %scan3A_530 = arith.constant 0 : i32
        %scan3A_531 = arith.constant 8 : i32
        %scan3A_532 = arith.addi %scan3A_530, %scan3A_531 : i32
        %scan3A_533 = arith.constant 1 : i32
        scf.for %scan3A_886 = %scan3A_530 to %scan3A_532 step %scan3A_533  : i32 {
          %mul3A_887 = arith.constant 16 : i32
          %mul3A_888 = arith.muli %scan3A_886, %mul3A_887 : i32
          %add3A_889 = arith.constant 0 : i32
          %add3A_890 = arith.addi %add3A_889, %mul3A_888 : i32
          %add3A_891 = vector.broadcast %add3A_890 : i32 to vector<16xi32>
          %add3A_892 = arith.addi %iota3A, %add3A_891 : vector<16xi32>
          %get3A = arith.index_cast %add3A_890 : i32 to index
          %get3A_893 = tpu.vector_load %arg23[%get3A] {strides = array<i32>} : memref<128xi32, #tpu.memory_space<vmem>>, vector<16xi32>,
          %gather3A = tpu.vector_load_idx %arg28[%add3A_892, %get3A_893] : memref<128x16xf32, #tpu.memory_space<vmem>>[vector<16xi32>, vector<16xi32>], vector<16xf32>,
          %swap3A = arith.constant 0 : i32
          %swap3A_894 = arith.constant 4 : i32
          %swap3A_895 = arith.constant 0 : i32
          %swap3A_896 = arith.constant 0 : i32
          %swap3A_897 = arith.constant 0 : i32
          %swap3A_898 = tpu.memref_slice %run_scoped3A_8[%rem3A_434, %swap3A_895, %swap3A_896, %swap3A_897] : memref<2x1x16x128xf32, #tpu.memory_space<vmem>> -> memref<1x1x16x128xf32, #tpu.memory_space<vmem>>
          %swap3A_899 = tpu.memref_squeeze %swap3A_898 : memref<1x1x16x128xf32, #tpu.memory_space<vmem>> -> memref<1x16x128xf32, #tpu.memory_space<vmem>>
          %swap3A_900 = arith.index_cast %swap3A : i32 to index
          %swap3A_901 = arith.index_cast %swap3A_894 : i32 to index
          %swap3A_902 = arith.index_cast %add3A_890 : i32 to index
          %swap3A_903 = tpu.vector_load %swap3A_899[%swap3A_900, %swap3A_901, %swap3A_902] {strides = array<i32>} : memref<1x16x128xf32, #tpu.memory_space<vmem>>, vector<16xf32>,
          tpu.vector_store %swap3A_899[%swap3A_900, %swap3A_901, %swap3A_902], %gather3A {strides = array<i32>} : memref<1x16x128xf32, #tpu.memory_space<vmem>>, vector<16xf32>,
        }
        %scan3A_534 = arith.constant 8 : i32
        %dma_wait3A_535 = arith.constant 0 : i32
        %dma_wait3A_536 = arith.constant 0 : i32
        %dma_wait3A_537 = tpu.memref_slice %arg7[%dma_wait3A_535, %dma_wait3A_536] : memref<163072x16xf32, #tpu.memory_space<hbm>> -> memref<163072x16xf32, #tpu.memory_space<hbm>>
        tpu.wait_indirect_dma semaphore(%arg46 : memref<!tpu.dma_semaphore, #tpu.memory_space<semaphore_mem>>) src(%dma_wait3A_537 : memref<163072x16xf32, #tpu.memory_space<hbm>>) dst(%arg29 : memref<128x16xf32, #tpu.memory_space<vmem>>)
        %scan3A_538 = arith.constant 0 : i32
        %scan3A_539 = arith.constant 8 : i32
        %scan3A_540 = arith.addi %scan3A_538, %scan3A_539 : i32
        %scan3A_541 = arith.constant 1 : i32
        scf.for %scan3A_886 = %scan3A_538 to %scan3A_540 step %scan3A_541  : i32 {
          %mul3A_887 = arith.constant 16 : i32
          %mul3A_888 = arith.muli %scan3A_886, %mul3A_887 : i32
          %add3A_889 = arith.constant 0 : i32
          %add3A_890 = arith.addi %add3A_889, %mul3A_888 : i32
          %add3A_891 = vector.broadcast %add3A_890 : i32 to vector<16xi32>
          %add3A_892 = arith.addi %iota3A, %add3A_891 : vector<16xi32>
          %get3A = arith.index_cast %add3A_890 : i32 to index
          %get3A_893 = tpu.vector_load %arg23[%get3A] {strides = array<i32>} : memref<128xi32, #tpu.memory_space<vmem>>, vector<16xi32>,
          %gather3A = tpu.vector_load_idx %arg29[%add3A_892, %get3A_893] : memref<128x16xf32, #tpu.memory_space<vmem>>[vector<16xi32>, vector<16xi32>], vector<16xf32>,
          %swap3A = arith.constant 0 : i32
          %swap3A_894 = arith.constant 5 : i32
          %swap3A_895 = arith.constant 0 : i32
          %swap3A_896 = arith.constant 0 : i32
          %swap3A_897 = arith.constant 0 : i32
          %swap3A_898 = tpu.memref_slice %run_scoped3A_8[%rem3A_434, %swap3A_895, %swap3A_896, %swap3A_897] : memref<2x1x16x128xf32, #tpu.memory_space<vmem>> -> memref<1x1x16x128xf32, #tpu.memory_space<vmem>>
          %swap3A_899 = tpu.memref_squeeze %swap3A_898 : memref<1x1x16x128xf32, #tpu.memory_space<vmem>> -> memref<1x16x128xf32, #tpu.memory_space<vmem>>
          %swap3A_900 = arith.index_cast %swap3A : i32 to index
          %swap3A_901 = arith.index_cast %swap3A_894 : i32 to index
          %swap3A_902 = arith.index_cast %add3A_890 : i32 to index
          %swap3A_903 = tpu.vector_load %swap3A_899[%swap3A_900, %swap3A_901, %swap3A_902] {strides = array<i32>} : memref<1x16x128xf32, #tpu.memory_space<vmem>>, vector<16xf32>,
          tpu.vector_store %swap3A_899[%swap3A_900, %swap3A_901, %swap3A_902], %gather3A {strides = array<i32>} : memref<1x16x128xf32, #tpu.memory_space<vmem>>, vector<16xf32>,
        }
        %scan3A_542 = arith.constant 8 : i32
        %dma_wait3A_543 = arith.constant 0 : i32
        %dma_wait3A_544 = arith.constant 0 : i32
        %dma_wait3A_545 = tpu.memref_slice %arg8[%dma_wait3A_543, %dma_wait3A_544] : memref<163072x16xf32, #tpu.memory_space<hbm>> -> memref<163072x16xf32, #tpu.memory_space<hbm>>
        tpu.wait_indirect_dma semaphore(%arg47 : memref<!tpu.dma_semaphore, #tpu.memory_space<semaphore_mem>>) src(%dma_wait3A_545 : memref<163072x16xf32, #tpu.memory_space<hbm>>) dst(%arg30 : memref<128x16xf32, #tpu.memory_space<vmem>>)
        %scan3A_546 = arith.constant 0 : i32
        %scan3A_547 = arith.constant 8 : i32
        %scan3A_548 = arith.addi %scan3A_546, %scan3A_547 : i32
        %scan3A_549 = arith.constant 1 : i32
        scf.for %scan3A_886 = %scan3A_546 to %scan3A_548 step %scan3A_549  : i32 {
          %mul3A_887 = arith.constant 16 : i32
          %mul3A_888 = arith.muli %scan3A_886, %mul3A_887 : i32
          %add3A_889 = arith.constant 0 : i32
          %add3A_890 = arith.addi %add3A_889, %mul3A_888 : i32
          %add3A_891 = vector.broadcast %add3A_890 : i32 to vector<16xi32>
          %add3A_892 = arith.addi %iota3A, %add3A_891 : vector<16xi32>
          %get3A = arith.index_cast %add3A_890 : i32 to index
          %get3A_893 = tpu.vector_load %arg23[%get3A] {strides = array<i32>} : memref<128xi32, #tpu.memory_space<vmem>>, vector<16xi32>,
          %gather3A = tpu.vector_load_idx %arg30[%add3A_892, %get3A_893] : memref<128x16xf32, #tpu.memory_space<vmem>>[vector<16xi32>, vector<16xi32>], vector<16xf32>,
          %swap3A = arith.constant 0 : i32
          %swap3A_894 = arith.constant 6 : i32
          %swap3A_895 = arith.constant 0 : i32
          %swap3A_896 = arith.constant 0 : i32
          %swap3A_897 = arith.constant 0 : i32
          %swap3A_898 = tpu.memref_slice %run_scoped3A_8[%rem3A_434, %swap3A_895, %swap3A_896, %swap3A_897] : memref<2x1x16x128xf32, #tpu.memory_space<vmem>> -> memref<1x1x16x128xf32, #tpu.memory_space<vmem>>
          %swap3A_899 = tpu.memref_squeeze %swap3A_898 : memref<1x1x16x128xf32, #tpu.memory_space<vmem>> -> memref<1x16x128xf32, #tpu.memory_space<vmem>>
          %swap3A_900 = arith.index_cast %swap3A : i32 to index
          %swap3A_901 = arith.index_cast %swap3A_894 : i32 to index
          %swap3A_902 = arith.index_cast %add3A_890 : i32 to index
          %swap3A_903 = tpu.vector_load %swap3A_899[%swap3A_900, %swap3A_901, %swap3A_902] {strides = array<i32>} : memref<1x16x128xf32, #tpu.memory_space<vmem>>, vector<16xf32>,
          tpu.vector_store %swap3A_899[%swap3A_900, %swap3A_901, %swap3A_902], %gather3A {strides = array<i32>} : memref<1x16x128xf32, #tpu.memory_space<vmem>>, vector<16xf32>,
        }
        %scan3A_550 = arith.constant 8 : i32
        %dma_wait3A_551 = arith.constant 0 : i32
        %dma_wait3A_552 = arith.constant 0 : i32
        %dma_wait3A_553 = tpu.memref_slice %arg9[%dma_wait3A_551, %dma_wait3A_552] : memref<163072x16xf32, #tpu.memory_space<hbm>> -> memref<163072x16xf32, #tpu.memory_space<hbm>>
        tpu.wait_indirect_dma semaphore(%arg48 : memref<!tpu.dma_semaphore, #tpu.memory_space<semaphore_mem>>) src(%dma_wait3A_553 : memref<163072x16xf32, #tpu.memory_space<hbm>>) dst(%arg31 : memref<128x16xf32, #tpu.memory_space<vmem>>)
        %scan3A_554 = arith.constant 0 : i32
        %scan3A_555 = arith.constant 8 : i32
        %scan3A_556 = arith.addi %scan3A_554, %scan3A_555 : i32
        %scan3A_557 = arith.constant 1 : i32
        scf.for %scan3A_886 = %scan3A_554 to %scan3A_556 step %scan3A_557  : i32 {
          %mul3A_887 = arith.constant 16 : i32
          %mul3A_888 = arith.muli %scan3A_886, %mul3A_887 : i32
          %add3A_889 = arith.constant 0 : i32
          %add3A_890 = arith.addi %add3A_889, %mul3A_888 : i32
          %add3A_891 = vector.broadcast %add3A_890 : i32 to vector<16xi32>
          %add3A_892 = arith.addi %iota3A, %add3A_891 : vector<16xi32>
          %get3A = arith.index_cast %add3A_890 : i32 to index
          %get3A_893 = tpu.vector_load %arg23[%get3A] {strides = array<i32>} : memref<128xi32, #tpu.memory_space<vmem>>, vector<16xi32>,
          %gather3A = tpu.vector_load_idx %arg31[%add3A_892, %get3A_893] : memref<128x16xf32, #tpu.memory_space<vmem>>[vector<16xi32>, vector<16xi32>], vector<16xf32>,
          %swap3A = arith.constant 0 : i32
          %swap3A_894 = arith.constant 7 : i32
          %swap3A_895 = arith.constant 0 : i32
          %swap3A_896 = arith.constant 0 : i32
          %swap3A_897 = arith.constant 0 : i32
          %swap3A_898 = tpu.memref_slice %run_scoped3A_8[%rem3A_434, %swap3A_895, %swap3A_896, %swap3A_897] : memref<2x1x16x128xf32, #tpu.memory_space<vmem>> -> memref<1x1x16x128xf32, #tpu.memory_space<vmem>>
          %swap3A_899 = tpu.memref_squeeze %swap3A_898 : memref<1x1x16x128xf32, #tpu.memory_space<vmem>> -> memref<1x16x128xf32, #tpu.memory_space<vmem>>
          %swap3A_900 = arith.index_cast %swap3A : i32 to index
          %swap3A_901 = arith.index_cast %swap3A_894 : i32 to index
          %swap3A_902 = arith.index_cast %add3A_890 : i32 to index
          %swap3A_903 = tpu.vector_load %swap3A_899[%swap3A_900, %swap3A_901, %swap3A_902] {strides = array<i32>} : memref<1x16x128xf32, #tpu.memory_space<vmem>>, vector<16xf32>,
          tpu.vector_store %swap3A_899[%swap3A_900, %swap3A_901, %swap3A_902], %gather3A {strides = array<i32>} : memref<1x16x128xf32, #tpu.memory_space<vmem>>, vector<16xf32>,
        }
        %scan3A_558 = arith.constant 8 : i32
        %dma_wait3A_559 = arith.constant 0 : i32
        %dma_wait3A_560 = arith.constant 0 : i32
        %dma_wait3A_561 = tpu.memref_slice %arg10[%dma_wait3A_559, %dma_wait3A_560] : memref<163072x16xf32, #tpu.memory_space<hbm>> -> memref<163072x16xf32, #tpu.memory_space<hbm>>
        tpu.wait_indirect_dma semaphore(%arg49 : memref<!tpu.dma_semaphore, #tpu.memory_space<semaphore_mem>>) src(%dma_wait3A_561 : memref<163072x16xf32, #tpu.memory_space<hbm>>) dst(%arg32 : memref<128x16xf32, #tpu.memory_space<vmem>>)
        %scan3A_562 = arith.constant 0 : i32
        %scan3A_563 = arith.constant 8 : i32
        %scan3A_564 = arith.addi %scan3A_562, %scan3A_563 : i32
        %scan3A_565 = arith.constant 1 : i32
        scf.for %scan3A_886 = %scan3A_562 to %scan3A_564 step %scan3A_565  : i32 {
          %mul3A_887 = arith.constant 16 : i32
          %mul3A_888 = arith.muli %scan3A_886, %mul3A_887 : i32
          %add3A_889 = arith.constant 0 : i32
          %add3A_890 = arith.addi %add3A_889, %mul3A_888 : i32
          %add3A_891 = vector.broadcast %add3A_890 : i32 to vector<16xi32>
          %add3A_892 = arith.addi %iota3A, %add3A_891 : vector<16xi32>
          %get3A = arith.index_cast %add3A_890 : i32 to index
          %get3A_893 = tpu.vector_load %arg23[%get3A] {strides = array<i32>} : memref<128xi32, #tpu.memory_space<vmem>>, vector<16xi32>,
          %gather3A = tpu.vector_load_idx %arg32[%add3A_892, %get3A_893] : memref<128x16xf32, #tpu.memory_space<vmem>>[vector<16xi32>, vector<16xi32>], vector<16xf32>,
          %swap3A = arith.constant 0 : i32
          %swap3A_894 = arith.constant 8 : i32
          %swap3A_895 = arith.constant 0 : i32
          %swap3A_896 = arith.constant 0 : i32
          %swap3A_897 = arith.constant 0 : i32
          %swap3A_898 = tpu.memref_slice %run_scoped3A_8[%rem3A_434, %swap3A_895, %swap3A_896, %swap3A_897] : memref<2x1x16x128xf32, #tpu.memory_space<vmem>> -> memref<1x1x16x128xf32, #tpu.memory_space<vmem>>
          %swap3A_899 = tpu.memref_squeeze %swap3A_898 : memref<1x1x16x128xf32, #tpu.memory_space<vmem>> -> memref<1x16x128xf32, #tpu.memory_space<vmem>>
          %swap3A_900 = arith.index_cast %swap3A : i32 to index
          %swap3A_901 = arith.index_cast %swap3A_894 : i32 to index
          %swap3A_902 = arith.index_cast %add3A_890 : i32 to index
          %swap3A_903 = tpu.vector_load %swap3A_899[%swap3A_900, %swap3A_901, %swap3A_902] {strides = array<i32>} : memref<1x16x128xf32, #tpu.memory_space<vmem>>, vector<16xf32>,
          tpu.vector_store %swap3A_899[%swap3A_900, %swap3A_901, %swap3A_902], %gather3A {strides = array<i32>} : memref<1x16x128xf32, #tpu.memory_space<vmem>>, vector<16xf32>,
        }
        %scan3A_566 = arith.constant 8 : i32
        %dma_wait3A_567 = arith.constant 0 : i32
        %dma_wait3A_568 = arith.constant 0 : i32
        %dma_wait3A_569 = tpu.memref_slice %arg11[%dma_wait3A_567, %dma_wait3A_568] : memref<163072x16xf32, #tpu.memory_space<hbm>> -> memref<163072x16xf32, #tpu.memory_space<hbm>>
        tpu.wait_indirect_dma semaphore(%arg50 : memref<!tpu.dma_semaphore, #tpu.memory_space<semaphore_mem>>) src(%dma_wait3A_569 : memref<163072x16xf32, #tpu.memory_space<hbm>>) dst(%arg33 : memref<128x16xf32, #tpu.memory_space<vmem>>)
        %scan3A_570 = arith.constant 0 : i32
        %scan3A_571 = arith.constant 8 : i32
        %scan3A_572 = arith.addi %scan3A_570, %scan3A_571 : i32
        %scan3A_573 = arith.constant 1 : i32
        scf.for %scan3A_886 = %scan3A_570 to %scan3A_572 step %scan3A_573  : i32 {
          %mul3A_887 = arith.constant 16 : i32
          %mul3A_888 = arith.muli %scan3A_886, %mul3A_887 : i32
          %add3A_889 = arith.constant 0 : i32
          %add3A_890 = arith.addi %add3A_889, %mul3A_888 : i32
          %add3A_891 = vector.broadcast %add3A_890 : i32 to vector<16xi32>
          %add3A_892 = arith.addi %iota3A, %add3A_891 : vector<16xi32>
          %get3A = arith.index_cast %add3A_890 : i32 to index
          %get3A_893 = tpu.vector_load %arg23[%get3A] {strides = array<i32>} : memref<128xi32, #tpu.memory_space<vmem>>, vector<16xi32>,
          %gather3A = tpu.vector_load_idx %arg33[%add3A_892, %get3A_893] : memref<128x16xf32, #tpu.memory_space<vmem>>[vector<16xi32>, vector<16xi32>], vector<16xf32>,
          %swap3A = arith.constant 0 : i32
          %swap3A_894 = arith.constant 9 : i32
          %swap3A_895 = arith.constant 0 : i32
          %swap3A_896 = arith.constant 0 : i32
          %swap3A_897 = arith.constant 0 : i32
          %swap3A_898 = tpu.memref_slice %run_scoped3A_8[%rem3A_434, %swap3A_895, %swap3A_896, %swap3A_897] : memref<2x1x16x128xf32, #tpu.memory_space<vmem>> -> memref<1x1x16x128xf32, #tpu.memory_space<vmem>>
          %swap3A_899 = tpu.memref_squeeze %swap3A_898 : memref<1x1x16x128xf32, #tpu.memory_space<vmem>> -> memref<1x16x128xf32, #tpu.memory_space<vmem>>
          %swap3A_900 = arith.index_cast %swap3A : i32 to index
          %swap3A_901 = arith.index_cast %swap3A_894 : i32 to index
          %swap3A_902 = arith.index_cast %add3A_890 : i32 to index
          %swap3A_903 = tpu.vector_load %swap3A_899[%swap3A_900, %swap3A_901, %swap3A_902] {strides = array<i32>} : memref<1x16x128xf32, #tpu.memory_space<vmem>>, vector<16xf32>,
          tpu.vector_store %swap3A_899[%swap3A_900, %swap3A_901, %swap3A_902], %gather3A {strides = array<i32>} : memref<1x16x128xf32, #tpu.memory_space<vmem>>, vector<16xf32>,
        }
        %scan3A_574 = arith.constant 8 : i32
        %dma_wait3A_575 = arith.constant 0 : i32
        %dma_wait3A_576 = arith.constant 0 : i32
        %dma_wait3A_577 = tpu.memref_slice %arg12[%dma_wait3A_575, %dma_wait3A_576] : memref<163072x16xf32, #tpu.memory_space<hbm>> -> memref<163072x16xf32, #tpu.memory_space<hbm>>
        tpu.wait_indirect_dma semaphore(%arg51 : memref<!tpu.dma_semaphore, #tpu.memory_space<semaphore_mem>>) src(%dma_wait3A_577 : memref<163072x16xf32, #tpu.memory_space<hbm>>) dst(%arg34 : memref<128x16xf32, #tpu.memory_space<vmem>>)
        %scan3A_578 = arith.constant 0 : i32
        %scan3A_579 = arith.constant 8 : i32
        %scan3A_580 = arith.addi %scan3A_578, %scan3A_579 : i32
        %scan3A_581 = arith.constant 1 : i32
        scf.for %scan3A_886 = %scan3A_578 to %scan3A_580 step %scan3A_581  : i32 {
          %mul3A_887 = arith.constant 16 : i32
          %mul3A_888 = arith.muli %scan3A_886, %mul3A_887 : i32
          %add3A_889 = arith.constant 0 : i32
          %add3A_890 = arith.addi %add3A_889, %mul3A_888 : i32
          %add3A_891 = vector.broadcast %add3A_890 : i32 to vector<16xi32>
          %add3A_892 = arith.addi %iota3A, %add3A_891 : vector<16xi32>
          %get3A = arith.index_cast %add3A_890 : i32 to index
          %get3A_893 = tpu.vector_load %arg23[%get3A] {strides = array<i32>} : memref<128xi32, #tpu.memory_space<vmem>>, vector<16xi32>,
          %gather3A = tpu.vector_load_idx %arg34[%add3A_892, %get3A_893] : memref<128x16xf32, #tpu.memory_space<vmem>>[vector<16xi32>, vector<16xi32>], vector<16xf32>,
          %swap3A = arith.constant 0 : i32
          %swap3A_894 = arith.constant 10 : i32
          %swap3A_895 = arith.constant 0 : i32
          %swap3A_896 = arith.constant 0 : i32
          %swap3A_897 = arith.constant 0 : i32
          %swap3A_898 = tpu.memref_slice %run_scoped3A_8[%rem3A_434, %swap3A_895, %swap3A_896, %swap3A_897] : memref<2x1x16x128xf32, #tpu.memory_space<vmem>> -> memref<1x1x16x128xf32, #tpu.memory_space<vmem>>
          %swap3A_899 = tpu.memref_squeeze %swap3A_898 : memref<1x1x16x128xf32, #tpu.memory_space<vmem>> -> memref<1x16x128xf32, #tpu.memory_space<vmem>>
          %swap3A_900 = arith.index_cast %swap3A : i32 to index
          %swap3A_901 = arith.index_cast %swap3A_894 : i32 to index
          %swap3A_902 = arith.index_cast %add3A_890 : i32 to index
          %swap3A_903 = tpu.vector_load %swap3A_899[%swap3A_900, %swap3A_901, %swap3A_902] {strides = array<i32>} : memref<1x16x128xf32, #tpu.memory_space<vmem>>, vector<16xf32>,
          tpu.vector_store %swap3A_899[%swap3A_900, %swap3A_901, %swap3A_902], %gather3A {strides = array<i32>} : memref<1x16x128xf32, #tpu.memory_space<vmem>>, vector<16xf32>,
        }
        %scan3A_582 = arith.constant 8 : i32
        %dma_wait3A_583 = arith.constant 0 : i32
        %dma_wait3A_584 = arith.constant 0 : i32
        %dma_wait3A_585 = tpu.memref_slice %arg13[%dma_wait3A_583, %dma_wait3A_584] : memref<163072x16xf32, #tpu.memory_space<hbm>> -> memref<163072x16xf32, #tpu.memory_space<hbm>>
        tpu.wait_indirect_dma semaphore(%arg52 : memref<!tpu.dma_semaphore, #tpu.memory_space<semaphore_mem>>) src(%dma_wait3A_585 : memref<163072x16xf32, #tpu.memory_space<hbm>>) dst(%arg35 : memref<128x16xf32, #tpu.memory_space<vmem>>)
        %scan3A_586 = arith.constant 0 : i32
        %scan3A_587 = arith.constant 8 : i32
        %scan3A_588 = arith.addi %scan3A_586, %scan3A_587 : i32
        %scan3A_589 = arith.constant 1 : i32
        scf.for %scan3A_886 = %scan3A_586 to %scan3A_588 step %scan3A_589  : i32 {
          %mul3A_887 = arith.constant 16 : i32
          %mul3A_888 = arith.muli %scan3A_886, %mul3A_887 : i32
          %add3A_889 = arith.constant 0 : i32
          %add3A_890 = arith.addi %add3A_889, %mul3A_888 : i32
          %add3A_891 = vector.broadcast %add3A_890 : i32 to vector<16xi32>
          %add3A_892 = arith.addi %iota3A, %add3A_891 : vector<16xi32>
          %get3A = arith.index_cast %add3A_890 : i32 to index
          %get3A_893 = tpu.vector_load %arg23[%get3A] {strides = array<i32>} : memref<128xi32, #tpu.memory_space<vmem>>, vector<16xi32>,
          %gather3A = tpu.vector_load_idx %arg35[%add3A_892, %get3A_893] : memref<128x16xf32, #tpu.memory_space<vmem>>[vector<16xi32>, vector<16xi32>], vector<16xf32>,
          %swap3A = arith.constant 0 : i32
          %swap3A_894 = arith.constant 11 : i32
          %swap3A_895 = arith.constant 0 : i32
          %swap3A_896 = arith.constant 0 : i32
          %swap3A_897 = arith.constant 0 : i32
          %swap3A_898 = tpu.memref_slice %run_scoped3A_8[%rem3A_434, %swap3A_895, %swap3A_896, %swap3A_897] : memref<2x1x16x128xf32, #tpu.memory_space<vmem>> -> memref<1x1x16x128xf32, #tpu.memory_space<vmem>>
          %swap3A_899 = tpu.memref_squeeze %swap3A_898 : memref<1x1x16x128xf32, #tpu.memory_space<vmem>> -> memref<1x16x128xf32, #tpu.memory_space<vmem>>
          %swap3A_900 = arith.index_cast %swap3A : i32 to index
          %swap3A_901 = arith.index_cast %swap3A_894 : i32 to index
          %swap3A_902 = arith.index_cast %add3A_890 : i32 to index
          %swap3A_903 = tpu.vector_load %swap3A_899[%swap3A_900, %swap3A_901, %swap3A_902] {strides = array<i32>} : memref<1x16x128xf32, #tpu.memory_space<vmem>>, vector<16xf32>,
          tpu.vector_store %swap3A_899[%swap3A_900, %swap3A_901, %swap3A_902], %gather3A {strides = array<i32>} : memref<1x16x128xf32, #tpu.memory_space<vmem>>, vector<16xf32>,
        }
        %scan3A_590 = arith.constant 8 : i32
        %dma_wait3A_591 = arith.constant 0 : i32
        %dma_wait3A_592 = arith.constant 0 : i32
        %dma_wait3A_593 = tpu.memref_slice %arg14[%dma_wait3A_591, %dma_wait3A_592] : memref<163072x16xf32, #tpu.memory_space<hbm>> -> memref<163072x16xf32, #tpu.memory_space<hbm>>
        tpu.wait_indirect_dma semaphore(%arg53 : memref<!tpu.dma_semaphore, #tpu.memory_space<semaphore_mem>>) src(%dma_wait3A_593 : memref<163072x16xf32, #tpu.memory_space<hbm>>) dst(%arg36 : memref<128x16xf32, #tpu.memory_space<vmem>>)
        %scan3A_594 = arith.constant 0 : i32
        %scan3A_595 = arith.constant 8 : i32
        %scan3A_596 = arith.addi %scan3A_594, %scan3A_595 : i32
        %scan3A_597 = arith.constant 1 : i32
        scf.for %scan3A_886 = %scan3A_594 to %scan3A_596 step %scan3A_597  : i32 {
          %mul3A_887 = arith.constant 16 : i32
          %mul3A_888 = arith.muli %scan3A_886, %mul3A_887 : i32
          %add3A_889 = arith.constant 0 : i32
          %add3A_890 = arith.addi %add3A_889, %mul3A_888 : i32
          %add3A_891 = vector.broadcast %add3A_890 : i32 to vector<16xi32>
          %add3A_892 = arith.addi %iota3A, %add3A_891 : vector<16xi32>
          %get3A = arith.index_cast %add3A_890 : i32 to index
          %get3A_893 = tpu.vector_load %arg23[%get3A] {strides = array<i32>} : memref<128xi32, #tpu.memory_space<vmem>>, vector<16xi32>,
          %gather3A = tpu.vector_load_idx %arg36[%add3A_892, %get3A_893] : memref<128x16xf32, #tpu.memory_space<vmem>>[vector<16xi32>, vector<16xi32>], vector<16xf32>,
          %swap3A = arith.constant 0 : i32
          %swap3A_894 = arith.constant 12 : i32
          %swap3A_895 = arith.constant 0 : i32
          %swap3A_896 = arith.constant 0 : i32
          %swap3A_897 = arith.constant 0 : i32
          %swap3A_898 = tpu.memref_slice %run_scoped3A_8[%rem3A_434, %swap3A_895, %swap3A_896, %swap3A_897] : memref<2x1x16x128xf32, #tpu.memory_space<vmem>> -> memref<1x1x16x128xf32, #tpu.memory_space<vmem>>
          %swap3A_899 = tpu.memref_squeeze %swap3A_898 : memref<1x1x16x128xf32, #tpu.memory_space<vmem>> -> memref<1x16x128xf32, #tpu.memory_space<vmem>>
          %swap3A_900 = arith.index_cast %swap3A : i32 to index
          %swap3A_901 = arith.index_cast %swap3A_894 : i32 to index
          %swap3A_902 = arith.index_cast %add3A_890 : i32 to index
          %swap3A_903 = tpu.vector_load %swap3A_899[%swap3A_900, %swap3A_901, %swap3A_902] {strides = array<i32>} : memref<1x16x128xf32, #tpu.memory_space<vmem>>, vector<16xf32>,
          tpu.vector_store %swap3A_899[%swap3A_900, %swap3A_901, %swap3A_902], %gather3A {strides = array<i32>} : memref<1x16x128xf32, #tpu.memory_space<vmem>>, vector<16xf32>,
        }
        %scan3A_598 = arith.constant 8 : i32
        %dma_wait3A_599 = arith.constant 0 : i32
        %dma_wait3A_600 = arith.constant 0 : i32
        %dma_wait3A_601 = tpu.memref_slice %arg15[%dma_wait3A_599, %dma_wait3A_600] : memref<163072x16xf32, #tpu.memory_space<hbm>> -> memref<163072x16xf32, #tpu.memory_space<hbm>>
        tpu.wait_indirect_dma semaphore(%arg54 : memref<!tpu.dma_semaphore, #tpu.memory_space<semaphore_mem>>) src(%dma_wait3A_601 : memref<163072x16xf32, #tpu.memory_space<hbm>>) dst(%arg37 : memref<128x16xf32, #tpu.memory_space<vmem>>)
        %scan3A_602 = arith.constant 0 : i32
        %scan3A_603 = arith.constant 8 : i32
        %scan3A_604 = arith.addi %scan3A_602, %scan3A_603 : i32
        %scan3A_605 = arith.constant 1 : i32
        scf.for %scan3A_886 = %scan3A_602 to %scan3A_604 step %scan3A_605  : i32 {
          %mul3A_887 = arith.constant 16 : i32
          %mul3A_888 = arith.muli %scan3A_886, %mul3A_887 : i32
          %add3A_889 = arith.constant 0 : i32
          %add3A_890 = arith.addi %add3A_889, %mul3A_888 : i32
          %add3A_891 = vector.broadcast %add3A_890 : i32 to vector<16xi32>
          %add3A_892 = arith.addi %iota3A, %add3A_891 : vector<16xi32>
          %get3A = arith.index_cast %add3A_890 : i32 to index
          %get3A_893 = tpu.vector_load %arg23[%get3A] {strides = array<i32>} : memref<128xi32, #tpu.memory_space<vmem>>, vector<16xi32>,
          %gather3A = tpu.vector_load_idx %arg37[%add3A_892, %get3A_893] : memref<128x16xf32, #tpu.memory_space<vmem>>[vector<16xi32>, vector<16xi32>], vector<16xf32>,
          %swap3A = arith.constant 0 : i32
          %swap3A_894 = arith.constant 13 : i32
          %swap3A_895 = arith.constant 0 : i32
          %swap3A_896 = arith.constant 0 : i32
          %swap3A_897 = arith.constant 0 : i32
          %swap3A_898 = tpu.memref_slice %run_scoped3A_8[%rem3A_434, %swap3A_895, %swap3A_896, %swap3A_897] : memref<2x1x16x128xf32, #tpu.memory_space<vmem>> -> memref<1x1x16x128xf32, #tpu.memory_space<vmem>>
          %swap3A_899 = tpu.memref_squeeze %swap3A_898 : memref<1x1x16x128xf32, #tpu.memory_space<vmem>> -> memref<1x16x128xf32, #tpu.memory_space<vmem>>
          %swap3A_900 = arith.index_cast %swap3A : i32 to index
          %swap3A_901 = arith.index_cast %swap3A_894 : i32 to index
          %swap3A_902 = arith.index_cast %add3A_890 : i32 to index
          %swap3A_903 = tpu.vector_load %swap3A_899[%swap3A_900, %swap3A_901, %swap3A_902] {strides = array<i32>} : memref<1x16x128xf32, #tpu.memory_space<vmem>>, vector<16xf32>,
          tpu.vector_store %swap3A_899[%swap3A_900, %swap3A_901, %swap3A_902], %gather3A {strides = array<i32>} : memref<1x16x128xf32, #tpu.memory_space<vmem>>, vector<16xf32>,
        }
        %scan3A_606 = arith.constant 8 : i32
        %dma_wait3A_607 = arith.constant 0 : i32
        %dma_wait3A_608 = arith.constant 0 : i32
        %dma_wait3A_609 = tpu.memref_slice %arg16[%dma_wait3A_607, %dma_wait3A_608] : memref<163072x16xf32, #tpu.memory_space<hbm>> -> memref<163072x16xf32, #tpu.memory_space<hbm>>
        tpu.wait_indirect_dma semaphore(%arg55 : memref<!tpu.dma_semaphore, #tpu.memory_space<semaphore_mem>>) src(%dma_wait3A_609 : memref<163072x16xf32, #tpu.memory_space<hbm>>) dst(%arg38 : memref<128x16xf32, #tpu.memory_space<vmem>>)
        %scan3A_610 = arith.constant 0 : i32
        %scan3A_611 = arith.constant 8 : i32
        %scan3A_612 = arith.addi %scan3A_610, %scan3A_611 : i32
        %scan3A_613 = arith.constant 1 : i32
        scf.for %scan3A_886 = %scan3A_610 to %scan3A_612 step %scan3A_613  : i32 {
          %mul3A_887 = arith.constant 16 : i32
          %mul3A_888 = arith.muli %scan3A_886, %mul3A_887 : i32
          %add3A_889 = arith.constant 0 : i32
          %add3A_890 = arith.addi %add3A_889, %mul3A_888 : i32
          %add3A_891 = vector.broadcast %add3A_890 : i32 to vector<16xi32>
          %add3A_892 = arith.addi %iota3A, %add3A_891 : vector<16xi32>
          %get3A = arith.index_cast %add3A_890 : i32 to index
          %get3A_893 = tpu.vector_load %arg23[%get3A] {strides = array<i32>} : memref<128xi32, #tpu.memory_space<vmem>>, vector<16xi32>,
          %gather3A = tpu.vector_load_idx %arg38[%add3A_892, %get3A_893] : memref<128x16xf32, #tpu.memory_space<vmem>>[vector<16xi32>, vector<16xi32>], vector<16xf32>,
          %swap3A = arith.constant 0 : i32
          %swap3A_894 = arith.constant 14 : i32
          %swap3A_895 = arith.constant 0 : i32
          %swap3A_896 = arith.constant 0 : i32
          %swap3A_897 = arith.constant 0 : i32
          %swap3A_898 = tpu.memref_slice %run_scoped3A_8[%rem3A_434, %swap3A_895, %swap3A_896, %swap3A_897] : memref<2x1x16x128xf32, #tpu.memory_space<vmem>> -> memref<1x1x16x128xf32, #tpu.memory_space<vmem>>
          %swap3A_899 = tpu.memref_squeeze %swap3A_898 : memref<1x1x16x128xf32, #tpu.memory_space<vmem>> -> memref<1x16x128xf32, #tpu.memory_space<vmem>>
          %swap3A_900 = arith.index_cast %swap3A : i32 to index
          %swap3A_901 = arith.index_cast %swap3A_894 : i32 to index
          %swap3A_902 = arith.index_cast %add3A_890 : i32 to index
          %swap3A_903 = tpu.vector_load %swap3A_899[%swap3A_900, %swap3A_901, %swap3A_902] {strides = array<i32>} : memref<1x16x128xf32, #tpu.memory_space<vmem>>, vector<16xf32>,
          tpu.vector_store %swap3A_899[%swap3A_900, %swap3A_901, %swap3A_902], %gather3A {strides = array<i32>} : memref<1x16x128xf32, #tpu.memory_space<vmem>>, vector<16xf32>,
        }
        %scan3A_614 = arith.constant 8 : i32
        %dma_wait3A_615 = arith.constant 0 : i32
        %dma_wait3A_616 = arith.constant 0 : i32
        %dma_wait3A_617 = tpu.memref_slice %arg17[%dma_wait3A_615, %dma_wait3A_616] : memref<163072x16xf32, #tpu.memory_space<hbm>> -> memref<163072x16xf32, #tpu.memory_space<hbm>>
        tpu.wait_indirect_dma semaphore(%arg56 : memref<!tpu.dma_semaphore, #tpu.memory_space<semaphore_mem>>) src(%dma_wait3A_617 : memref<163072x16xf32, #tpu.memory_space<hbm>>) dst(%arg39 : memref<128x16xf32, #tpu.memory_space<vmem>>)
        %scan3A_618 = arith.constant 0 : i32
        %scan3A_619 = arith.constant 8 : i32
        %scan3A_620 = arith.addi %scan3A_618, %scan3A_619 : i32
        %scan3A_621 = arith.constant 1 : i32
        scf.for %scan3A_886 = %scan3A_618 to %scan3A_620 step %scan3A_621  : i32 {
          %mul3A_887 = arith.constant 16 : i32
          %mul3A_888 = arith.muli %scan3A_886, %mul3A_887 : i32
          %add3A_889 = arith.constant 0 : i32
          %add3A_890 = arith.addi %add3A_889, %mul3A_888 : i32
          %add3A_891 = vector.broadcast %add3A_890 : i32 to vector<16xi32>
          %add3A_892 = arith.addi %iota3A, %add3A_891 : vector<16xi32>
          %get3A = arith.index_cast %add3A_890 : i32 to index
          %get3A_893 = tpu.vector_load %arg23[%get3A] {strides = array<i32>} : memref<128xi32, #tpu.memory_space<vmem>>, vector<16xi32>,
          %gather3A = tpu.vector_load_idx %arg39[%add3A_892, %get3A_893] : memref<128x16xf32, #tpu.memory_space<vmem>>[vector<16xi32>, vector<16xi32>], vector<16xf32>,
          %swap3A = arith.constant 0 : i32
          %swap3A_894 = arith.constant 15 : i32
          %swap3A_895 = arith.constant 0 : i32
          %swap3A_896 = arith.constant 0 : i32
          %swap3A_897 = arith.constant 0 : i32
          %swap3A_898 = tpu.memref_slice %run_scoped3A_8[%rem3A_434, %swap3A_895, %swap3A_896, %swap3A_897] : memref<2x1x16x128xf32, #tpu.memory_space<vmem>> -> memref<1x1x16x128xf32, #tpu.memory_space<vmem>>
          %swap3A_899 = tpu.memref_squeeze %swap3A_898 : memref<1x1x16x128xf32, #tpu.memory_space<vmem>> -> memref<1x16x128xf32, #tpu.memory_space<vmem>>
          %swap3A_900 = arith.index_cast %swap3A : i32 to index
          %swap3A_901 = arith.index_cast %swap3A_894 : i32 to index
          %swap3A_902 = arith.index_cast %add3A_890 : i32 to index
          %swap3A_903 = tpu.vector_load %swap3A_899[%swap3A_900, %swap3A_901, %swap3A_902] {strides = array<i32>} : memref<1x16x128xf32, #tpu.memory_space<vmem>>, vector<16xf32>,
          tpu.vector_store %swap3A_899[%swap3A_900, %swap3A_901, %swap3A_902], %gather3A {strides = array<i32>} : memref<1x16x128xf32, #tpu.memory_space<vmem>>, vector<16xf32>,
        }
        %scan3A_622 = arith.constant 8 : i32
        %dma_wait3A_623 = arith.constant 0 : i32
        %dma_wait3A_624 = arith.constant 0 : i32
        %dma_wait3A_625 = tpu.memref_slice %arg18[%dma_wait3A_623, %dma_wait3A_624] : memref<163072x16xf32, #tpu.memory_space<hbm>> -> memref<163072x16xf32, #tpu.memory_space<hbm>>
        tpu.wait_indirect_dma semaphore(%arg57 : memref<!tpu.dma_semaphore, #tpu.memory_space<semaphore_mem>>) src(%dma_wait3A_625 : memref<163072x16xf32, #tpu.memory_space<hbm>>) dst(%arg40 : memref<128x16xf32, #tpu.memory_space<vmem>>)
        %scan3A_626 = arith.constant 0 : i32
        %scan3A_627 = arith.constant 8 : i32
        %scan3A_628 = arith.addi %scan3A_626, %scan3A_627 : i32
        %scan3A_629 = arith.constant 1 : i32
        scf.for %scan3A_886 = %scan3A_626 to %scan3A_628 step %scan3A_629  : i32 {
          %mul3A_887 = arith.constant 16 : i32
          %mul3A_888 = arith.muli %scan3A_886, %mul3A_887 : i32
          %add3A_889 = arith.constant 0 : i32
          %add3A_890 = arith.addi %add3A_889, %mul3A_888 : i32
          %add3A_891 = vector.broadcast %add3A_890 : i32 to vector<16xi32>
          %add3A_892 = arith.addi %iota3A, %add3A_891 : vector<16xi32>
          %get3A = arith.index_cast %add3A_890 : i32 to index
          %get3A_893 = tpu.vector_load %arg23[%get3A] {strides = array<i32>} : memref<128xi32, #tpu.memory_space<vmem>>, vector<16xi32>,
          %gather3A = tpu.vector_load_idx %arg40[%add3A_892, %get3A_893] : memref<128x16xf32, #tpu.memory_space<vmem>>[vector<16xi32>, vector<16xi32>], vector<16xf32>,
          %swap3A = tpu.memref_slice %run_scoped3A_10[%mul3A_438] : memref<256xf32, #tpu.memory_space<vmem>> -> memref<128xf32, #tpu.memory_space<vmem>>
          %swap3A_894 = arith.index_cast %add3A_890 : i32 to index
          %swap3A_895 = tpu.vector_load %swap3A[%swap3A_894] {strides = array<i32>} : memref<128xf32, #tpu.memory_space<vmem>>, vector<16xf32>,
          tpu.vector_store %swap3A[%swap3A_894], %gather3A {strides = array<i32>} : memref<128xf32, #tpu.memory_space<vmem>>, vector<16xf32>,
        }
        %scan3A_630 = arith.constant 8 : i32
        "tpu.trace_stop"() : () -> ()
        %ne3A_631 = arith.cmpi ne, %add3A_185, %add3A_203 : i32
        %or3A_632 = arith.constant false
        %or3A_633 = arith.ori %or3A_632, %ne3A_631 : i1
        %or3A_634 = arith.ori %or3A_633, %eq3A_184 : i1
        %convert_element_type3A_635 = arith.extui %or3A_634 : i1 to i32
        %cond3A_636 = arith.constant 0 : i32
        %cond3A_637 = arith.cmpi ne, %convert_element_type3A_635, %cond3A_636 : i32
        scf.if %cond3A_637 {
        } else {
        }
        %and3A_638 = arith.constant false
        %and3A_639 = arith.andi %or3A_634, %and3A_638 : i1
        %jit3A_640 = arith.constant 128 : i32
        %div3A_641 = arith.divsi %add3A_185, %jit3A_640 : i32
        %sign3A_642 = arith.constant 0 : i32
        %sign3A_643 = arith.cmpi sgt, %add3A_185, %sign3A_642 : i32
        %sign3A_644 = arith.extui %sign3A_643 : i1 to i32
        %sign3A_645 = arith.constant 0 : i32
        %sign3A_646 = arith.cmpi slt, %add3A_185, %sign3A_645 : i32
        %sign3A_647 = arith.extui %sign3A_646 : i1 to i32
        %sign3A_648 = arith.subi %sign3A_644, %sign3A_647 : i32
        %sign3A_649 = arith.constant 0 : i32
        %sign3A_650 = arith.cmpi sgt, %jit3A_640, %sign3A_649 : i32
        %sign3A_651 = arith.extui %sign3A_650 : i1 to i32
        %sign3A_652 = arith.constant 0 : i32
        %sign3A_653 = arith.cmpi slt, %jit3A_640, %sign3A_652 : i32
        %sign3A_654 = arith.extui %sign3A_653 : i1 to i32
        %sign3A_655 = arith.subi %sign3A_651, %sign3A_654 : i32
        %ne3A_656 = arith.cmpi ne, %sign3A_648, %sign3A_655 : i32
        %rem3A_657 = arith.remsi %add3A_185, %jit3A_640 : i32
        %ne3A_658 = arith.constant 0 : i32
        %ne3A_659 = arith.cmpi ne, %rem3A_657, %ne3A_658 : i32
        %and3A_660 = arith.andi %ne3A_656, %ne3A_659 : i1
        %sub3A_661 = arith.constant 1 : i32
        %sub3A_662 = arith.subi %div3A_641, %sub3A_661 : i32
        %select_n3A_663 = arith.select %and3A_660, %sub3A_662, %div3A_641 : i32
        %jit3A_664 = arith.constant 128 : i32
        %eq3A_665 = arith.constant 0 : i32
        %eq3A_666 = arith.cmpi eq, %jit3A_664, %eq3A_665 : i32
        %jit3A_667 = arith.constant 1 : i32
        %select_n3A_668 = arith.select %eq3A_666, %jit3A_667, %jit3A_664 : i32
        %rem3A_669 = arith.remsi %add3A_185, %select_n3A_668 : i32
        %ne3A_670 = arith.constant 0 : i32
        %ne3A_671 = arith.cmpi ne, %rem3A_669, %ne3A_670 : i32
        %lt3A_672 = arith.constant 0 : i32
        %lt3A_673 = arith.cmpi slt, %rem3A_669, %lt3A_672 : i32
        %lt3A_674 = arith.constant 0 : i32
        %lt3A_675 = arith.cmpi slt, %select_n3A_668, %lt3A_674 : i32
        %ne3A_676 = arith.xori %lt3A_673, %lt3A_675 : i1
        %and3A_677 = arith.andi %ne3A_676, %ne3A_671 : i1
        %add3A_678 = arith.addi %rem3A_669, %select_n3A_668 : i32
        %select_n3A_679 = arith.select %and3A_677, %add3A_678, %rem3A_669 : i32
        %jit3A_680 = arith.constant 128 : i32
        %div3A_681 = arith.divsi %add3A_203, %jit3A_680 : i32
        %sign3A_682 = arith.constant 0 : i32
        %sign3A_683 = arith.cmpi sgt, %add3A_203, %sign3A_682 : i32
        %sign3A_684 = arith.extui %sign3A_683 : i1 to i32
        %sign3A_685 = arith.constant 0 : i32
        %sign3A_686 = arith.cmpi slt, %add3A_203, %sign3A_685 : i32
        %sign3A_687 = arith.extui %sign3A_686 : i1 to i32
        %sign3A_688 = arith.subi %sign3A_684, %sign3A_687 : i32
        %sign3A_689 = arith.constant 0 : i32
        %sign3A_690 = arith.cmpi sgt, %jit3A_680, %sign3A_689 : i32
        %sign3A_691 = arith.extui %sign3A_690 : i1 to i32
        %sign3A_692 = arith.constant 0 : i32
        %sign3A_693 = arith.cmpi slt, %jit3A_680, %sign3A_692 : i32
        %sign3A_694 = arith.extui %sign3A_693 : i1 to i32
        %sign3A_695 = arith.subi %sign3A_691, %sign3A_694 : i32
        %ne3A_696 = arith.cmpi ne, %sign3A_688, %sign3A_695 : i32
        %rem3A_697 = arith.remsi %add3A_203, %jit3A_680 : i32
        %ne3A_698 = arith.constant 0 : i32
        %ne3A_699 = arith.cmpi ne, %rem3A_697, %ne3A_698 : i32
        %and3A_700 = arith.andi %ne3A_696, %ne3A_699 : i1
        %sub3A_701 = arith.constant 1 : i32
        %sub3A_702 = arith.subi %div3A_681, %sub3A_701 : i32
        %select_n3A_703 = arith.select %and3A_700, %sub3A_702, %div3A_681 : i32
        %jit3A_704 = arith.constant 128 : i32
        %eq3A_705 = arith.constant 0 : i32
        %eq3A_706 = arith.cmpi eq, %jit3A_704, %eq3A_705 : i32
        %jit3A_707 = arith.constant 1 : i32
        %select_n3A_708 = arith.select %eq3A_706, %jit3A_707, %jit3A_704 : i32
        %rem3A_709 = arith.remsi %add3A_203, %select_n3A_708 : i32
        %ne3A_710 = arith.constant 0 : i32
        %ne3A_711 = arith.cmpi ne, %rem3A_709, %ne3A_710 : i32
        %lt3A_712 = arith.constant 0 : i32
        %lt3A_713 = arith.cmpi slt, %rem3A_709, %lt3A_712 : i32
        %lt3A_714 = arith.constant 0 : i32
        %lt3A_715 = arith.cmpi slt, %select_n3A_708, %lt3A_714 : i32
        %ne3A_716 = arith.xori %lt3A_713, %lt3A_715 : i1
        %and3A_717 = arith.andi %ne3A_716, %ne3A_711 : i1
        %add3A_718 = arith.addi %rem3A_709, %select_n3A_708 : i32
        %select_n3A_719 = arith.select %and3A_717, %add3A_718, %rem3A_709 : i32
        %ne3A_720 = arith.cmpi ne, %select_n3A_663, %select_n3A_703 : i32
        %ne3A_721 = arith.cmpi ne, %select_n3A_679, %select_n3A_719 : i32
        %or3A_722 = arith.constant false
        %or3A_723 = arith.ori %or3A_722, %ne3A_720 : i1
        %or3A_724 = arith.constant false
        %or3A_725 = arith.ori %or3A_723, %or3A_724 : i1
        %or3A_726 = arith.ori %or3A_725, %ne3A_721 : i1
        %or3A_727 = arith.ori %or3A_726, %eq3A_184 : i1
        %convert_element_type3A_728 = arith.extui %or3A_727 : i1 to i32
        %cond3A_729 = arith.constant 0 : i32
        %cond3A_730 = arith.cmpi ne, %convert_element_type3A_728, %cond3A_729 : i32
        scf.if %cond3A_730 {
          "tpu.trace_start"() <{level = 10 : i32, message = "ep_copy_out"}> : () -> ()
          %rem3A_886 = arith.constant 2 : i32
          %rem3A_887 = arith.remui %scan3A_176, %rem3A_886 : i32
          %jit3A_888 = arith.constant 128 : i32
          %div3A_889 = arith.divsi %add3A_185, %jit3A_888 : i32
          %sign3A_890 = arith.constant 0 : i32
          %sign3A_891 = arith.cmpi sgt, %add3A_185, %sign3A_890 : i32
          %sign3A_892 = arith.extui %sign3A_891 : i1 to i32
          %sign3A_893 = arith.constant 0 : i32
          %sign3A_894 = arith.cmpi slt, %add3A_185, %sign3A_893 : i32
          %sign3A_895 = arith.extui %sign3A_894 : i1 to i32
          %sign3A_896 = arith.subi %sign3A_892, %sign3A_895 : i32
          %sign3A_897 = arith.constant 0 : i32
          %sign3A_898 = arith.cmpi sgt, %jit3A_888, %sign3A_897 : i32
          %sign3A_899 = arith.extui %sign3A_898 : i1 to i32
          %sign3A_900 = arith.constant 0 : i32
          %sign3A_901 = arith.cmpi slt, %jit3A_888, %sign3A_900 : i32
          %sign3A_902 = arith.extui %sign3A_901 : i1 to i32
          %sign3A_903 = arith.subi %sign3A_899, %sign3A_902 : i32
          %ne3A_904 = arith.cmpi ne, %sign3A_896, %sign3A_903 : i32
          %rem3A_905 = arith.remsi %add3A_185, %jit3A_888 : i32
          %ne3A_906 = arith.constant 0 : i32
          %ne3A_907 = arith.cmpi ne, %rem3A_905, %ne3A_906 : i32
          %and3A_908 = arith.andi %ne3A_904, %ne3A_907 : i1
          %sub3A_909 = arith.constant 1 : i32
          %sub3A_910 = arith.subi %div3A_889, %sub3A_909 : i32
          %select_n3A_911 = arith.select %and3A_908, %sub3A_910, %div3A_889 : i32
          %jit3A_912 = arith.constant 128 : i32
          %eq3A_913 = arith.constant 0 : i32
          %eq3A_914 = arith.cmpi eq, %jit3A_912, %eq3A_913 : i32
          %jit3A_915 = arith.constant 1 : i32
          %select_n3A_916 = arith.select %eq3A_914, %jit3A_915, %jit3A_912 : i32
          %rem3A_917 = arith.remsi %add3A_185, %select_n3A_916 : i32
          %ne3A_918 = arith.constant 0 : i32
          %ne3A_919 = arith.cmpi ne, %rem3A_917, %ne3A_918 : i32
          %lt3A_920 = arith.constant 0 : i32
          %lt3A_921 = arith.cmpi slt, %rem3A_917, %lt3A_920 : i32
          %lt3A_922 = arith.constant 0 : i32
          %lt3A_923 = arith.cmpi slt, %select_n3A_916, %lt3A_922 : i32
          %ne3A_924 = arith.xori %lt3A_921, %lt3A_923 : i1
          %and3A_925 = arith.andi %ne3A_924, %ne3A_919 : i1
          %add3A_926 = arith.addi %rem3A_917, %select_n3A_916 : i32
          %select_n3A_927 = arith.select %and3A_925, %add3A_926, %rem3A_917 : i32
          %mul3A_928 = arith.constant 1 : i32
          %mul3A_929 = arith.muli %mul3A_928, %select_n3A_911 : i32
          %mul3A_930 = arith.constant 128 : i32
          %mul3A_931 = arith.muli %mul3A_930, %select_n3A_927 : i32
          %dma_start3A_932 = arith.constant 0 : i32
          %dma_start3A_933 = arith.constant 0 : i32
          %dma_start3A_934 = arith.constant 0 : i32
          %dma_start3A_935 = tpu.memref_slice %run_scoped3A_8[%rem3A_887, %dma_start3A_932, %dma_start3A_933, %dma_start3A_934] : memref<2x1x16x128xf32, #tpu.memory_space<vmem>> -> memref<1x1x16x128xf32, #tpu.memory_space<vmem>>
          %dma_start3A_936 = tpu.memref_squeeze %dma_start3A_935 : memref<1x1x16x128xf32, #tpu.memory_space<vmem>> -> memref<1x16x128xf32, #tpu.memory_space<vmem>>
          %dma_start3A_937 = arith.constant 0 : i32
          %dma_start3A_938 = tpu.memref_slice %arg20[%mul3A_929, %dma_start3A_937, %mul3A_931] : memref<26x16x16384xf32, #tpu.memory_space<hbm>> -> memref<1x16x128xf32, #tpu.memory_space<hbm>>
          %dma_start3A_939 = tpu.memref_slice %run_scoped3A_9[%rem3A_887] : memref<2x!tpu.dma_semaphore, #tpu.memory_space<semaphore_mem>> -> memref<1x!tpu.dma_semaphore, #tpu.memory_space<semaphore_mem>>
          %dma_start3A_940 = tpu.memref_squeeze %dma_start3A_939 : memref<1x!tpu.dma_semaphore, #tpu.memory_space<semaphore_mem>> -> memref<!tpu.dma_semaphore, #tpu.memory_space<semaphore_mem>>
          %dma_start3A_941 = arith.constant 0 : i32
          %dma_start3A_942 = tpu.memref_slice %arg20[%mul3A_929, %dma_start3A_941, %mul3A_931] : memref<26x16x16384xf32, #tpu.memory_space<hbm>> -> memref<1x16x128xf32, #tpu.memory_space<hbm>>
          %dma_start3A_943 = arith.constant 0 : i32
          %dma_start3A_944 = arith.constant 0 : i32
          %dma_start3A_945 = arith.constant 0 : i32
          %dma_start3A_946 = tpu.memref_slice %run_scoped3A_8[%rem3A_887, %dma_start3A_943, %dma_start3A_944, %dma_start3A_945] : memref<2x1x16x128xf32, #tpu.memory_space<vmem>> -> memref<1x1x16x128xf32, #tpu.memory_space<vmem>>
          %dma_start3A_947 = tpu.memref_squeeze %dma_start3A_946 : memref<1x1x16x128xf32, #tpu.memory_space<vmem>> -> memref<1x16x128xf32, #tpu.memory_space<vmem>>
          tpu.enqueue_dma source(%dma_start3A_947 : memref<1x16x128xf32, #tpu.memory_space<vmem>>) target(%dma_start3A_942 : memref<1x16x128xf32, #tpu.memory_space<hbm>>) target_semaphore(%dma_start3A_940 : memref<!tpu.dma_semaphore, #tpu.memory_space<semaphore_mem>>)
          "tpu.trace_stop"() : () -> ()
        } else {
        }
        %and3A_731 = arith.constant true
        %and3A_732 = arith.andi %or3A_727, %and3A_731 : i1
        %add3A_733 = arith.constant 1 : i32
        %add3A_734 = arith.addi %scan3A_176, %add3A_733 : i32
        %select_n3A_735 = arith.select %and3A_732, %add3A_734, %scan3A_176 : i32
        %ne3A_736 = arith.cmpi ne, %add3A_185, %add3A_203 : i32
        %or3A_737 = arith.constant false
        %or3A_738 = arith.ori %or3A_737, %ne3A_736 : i1
        %or3A_739 = arith.ori %or3A_738, %eq3A_184 : i1
        %convert_element_type3A_740 = arith.extui %or3A_739 : i1 to i32
        %cond3A_741 = arith.constant 0 : i32
        %cond3A_742 = arith.cmpi ne, %convert_element_type3A_740, %cond3A_741 : i32
        scf.if %cond3A_742 {
          "tpu.trace_start"() <{level = 10 : i32, message = "ep_copy_out"}> : () -> ()
          %rem3A_886 = arith.constant 2 : i32
          %rem3A_887 = arith.remui %scan3A_178, %rem3A_886 : i32
          %mul3A_888 = arith.constant 128 : i32
          %mul3A_889 = arith.muli %mul3A_888, %add3A_185 : i32
          %mul3A_890 = arith.constant 128 : i32
          %mul3A_891 = arith.muli %rem3A_887, %mul3A_890 : i32
          %add3A_892 = arith.constant 0 : i32
          %add3A_893 = arith.addi %mul3A_891, %add3A_892 : i32
          %dma_start3A_894 = tpu.memref_slice %run_scoped3A_10[%add3A_893] : memref<256xf32, #tpu.memory_space<vmem>> -> memref<128xf32, #tpu.memory_space<vmem>>
          %dma_start3A_895 = tpu.memref_slice %arg21[%mul3A_889] : memref<425984xf32, #tpu.memory_space<hbm>> -> memref<128xf32, #tpu.memory_space<hbm>>
          %dma_start3A_896 = tpu.memref_slice %run_scoped3A_11[%rem3A_887] : memref<2x!tpu.dma_semaphore, #tpu.memory_space<semaphore_mem>> -> memref<1x!tpu.dma_semaphore, #tpu.memory_space<semaphore_mem>>
          %dma_start3A_897 = tpu.memref_squeeze %dma_start3A_896 : memref<1x!tpu.dma_semaphore, #tpu.memory_space<semaphore_mem>> -> memref<!tpu.dma_semaphore, #tpu.memory_space<semaphore_mem>>
          %dma_start3A_898 = tpu.memref_slice %arg21[%mul3A_889] : memref<425984xf32, #tpu.memory_space<hbm>> -> memref<128xf32, #tpu.memory_space<hbm>>
          %dma_start3A_899 = tpu.memref_slice %run_scoped3A_10[%add3A_893] : memref<256xf32, #tpu.memory_space<vmem>> -> memref<128xf32, #tpu.memory_space<vmem>>
          tpu.enqueue_dma source(%dma_start3A_899 : memref<128xf32, #tpu.memory_space<vmem>>) target(%dma_start3A_898 : memref<128xf32, #tpu.memory_space<hbm>>) target_semaphore(%dma_start3A_897 : memref<!tpu.dma_semaphore, #tpu.memory_space<semaphore_mem>>)
          "tpu.trace_stop"() : () -> ()
        } else {
        }
        %and3A_743 = arith.constant true
        %and3A_744 = arith.andi %or3A_739, %and3A_743 : i1
        %add3A_745 = arith.constant 1 : i32
        %add3A_746 = arith.addi %scan3A_178, %add3A_745 : i32
        %select_n3A_747 = arith.select %and3A_744, %add3A_746, %scan3A_178 : i32
        %ne3A_748 = arith.cmpi ne, %add3A_185, %add3A_194 : i32
        %or3A_749 = arith.constant false
        %or3A_750 = arith.ori %or3A_749, %ne3A_748 : i1
        %not3A_751 = arith.constant true
        %not3A_752 = arith.xori %eq3A_182, %not3A_751 : i1
        %and3A_753 = arith.andi %or3A_750, %not3A_752 : i1
        %convert_element_type3A_754 = arith.extui %and3A_753 : i1 to i32
        %cond3A_755 = arith.constant 0 : i32
        %cond3A_756 = arith.cmpi ne, %convert_element_type3A_754, %cond3A_755 : i32
        scf.if %cond3A_756 {
        } else {
        }
        %and3A_757 = arith.constant false
        %and3A_758 = arith.andi %and3A_753, %and3A_757 : i1
        %jit3A_759 = arith.constant 128 : i32
        %div3A_760 = arith.divsi %add3A_185, %jit3A_759 : i32
        %sign3A_761 = arith.constant 0 : i32
        %sign3A_762 = arith.cmpi sgt, %add3A_185, %sign3A_761 : i32
        %sign3A_763 = arith.extui %sign3A_762 : i1 to i32
        %sign3A_764 = arith.constant 0 : i32
        %sign3A_765 = arith.cmpi slt, %add3A_185, %sign3A_764 : i32
        %sign3A_766 = arith.extui %sign3A_765 : i1 to i32
        %sign3A_767 = arith.subi %sign3A_763, %sign3A_766 : i32
        %sign3A_768 = arith.constant 0 : i32
        %sign3A_769 = arith.cmpi sgt, %jit3A_759, %sign3A_768 : i32
        %sign3A_770 = arith.extui %sign3A_769 : i1 to i32
        %sign3A_771 = arith.constant 0 : i32
        %sign3A_772 = arith.cmpi slt, %jit3A_759, %sign3A_771 : i32
        %sign3A_773 = arith.extui %sign3A_772 : i1 to i32
        %sign3A_774 = arith.subi %sign3A_770, %sign3A_773 : i32
        %ne3A_775 = arith.cmpi ne, %sign3A_767, %sign3A_774 : i32
        %rem3A_776 = arith.remsi %add3A_185, %jit3A_759 : i32
        %ne3A_777 = arith.constant 0 : i32
        %ne3A_778 = arith.cmpi ne, %rem3A_776, %ne3A_777 : i32
        %and3A_779 = arith.andi %ne3A_775, %ne3A_778 : i1
        %sub3A_780 = arith.constant 1 : i32
        %sub3A_781 = arith.subi %div3A_760, %sub3A_780 : i32
        %select_n3A_782 = arith.select %and3A_779, %sub3A_781, %div3A_760 : i32
        %jit3A_783 = arith.constant 128 : i32
        %eq3A_784 = arith.constant 0 : i32
        %eq3A_785 = arith.cmpi eq, %jit3A_783, %eq3A_784 : i32
        %jit3A_786 = arith.constant 1 : i32
        %select_n3A_787 = arith.select %eq3A_785, %jit3A_786, %jit3A_783 : i32
        %rem3A_788 = arith.remsi %add3A_185, %select_n3A_787 : i32
        %ne3A_789 = arith.constant 0 : i32
        %ne3A_790 = arith.cmpi ne, %rem3A_788, %ne3A_789 : i32
        %lt3A_791 = arith.constant 0 : i32
        %lt3A_792 = arith.cmpi slt, %rem3A_788, %lt3A_791 : i32
        %lt3A_793 = arith.constant 0 : i32
        %lt3A_794 = arith.cmpi slt, %select_n3A_787, %lt3A_793 : i32
        %ne3A_795 = arith.xori %lt3A_792, %lt3A_794 : i1
        %and3A_796 = arith.andi %ne3A_795, %ne3A_790 : i1
        %add3A_797 = arith.addi %rem3A_788, %select_n3A_787 : i32
        %select_n3A_798 = arith.select %and3A_796, %add3A_797, %rem3A_788 : i32
        %jit3A_799 = arith.constant 128 : i32
        %div3A_800 = arith.divsi %add3A_194, %jit3A_799 : i32
        %sign3A_801 = arith.constant 0 : i32
        %sign3A_802 = arith.cmpi sgt, %add3A_194, %sign3A_801 : i32
        %sign3A_803 = arith.extui %sign3A_802 : i1 to i32
        %sign3A_804 = arith.constant 0 : i32
        %sign3A_805 = arith.cmpi slt, %add3A_194, %sign3A_804 : i32
        %sign3A_806 = arith.extui %sign3A_805 : i1 to i32
        %sign3A_807 = arith.subi %sign3A_803, %sign3A_806 : i32
        %sign3A_808 = arith.constant 0 : i32
        %sign3A_809 = arith.cmpi sgt, %jit3A_799, %sign3A_808 : i32
        %sign3A_810 = arith.extui %sign3A_809 : i1 to i32
        %sign3A_811 = arith.constant 0 : i32
        %sign3A_812 = arith.cmpi slt, %jit3A_799, %sign3A_811 : i32
        %sign3A_813 = arith.extui %sign3A_812 : i1 to i32
        %sign3A_814 = arith.subi %sign3A_810, %sign3A_813 : i32
        %ne3A_815 = arith.cmpi ne, %sign3A_807, %sign3A_814 : i32
        %rem3A_816 = arith.remsi %add3A_194, %jit3A_799 : i32
        %ne3A_817 = arith.constant 0 : i32
        %ne3A_818 = arith.cmpi ne, %rem3A_816, %ne3A_817 : i32
        %and3A_819 = arith.andi %ne3A_815, %ne3A_818 : i1
        %sub3A_820 = arith.constant 1 : i32
        %sub3A_821 = arith.subi %div3A_800, %sub3A_820 : i32
        %select_n3A_822 = arith.select %and3A_819, %sub3A_821, %div3A_800 : i32
        %jit3A_823 = arith.constant 128 : i32
        %eq3A_824 = arith.constant 0 : i32
        %eq3A_825 = arith.cmpi eq, %jit3A_823, %eq3A_824 : i32
        %jit3A_826 = arith.constant 1 : i32
        %select_n3A_827 = arith.select %eq3A_825, %jit3A_826, %jit3A_823 : i32
        %rem3A_828 = arith.remsi %add3A_194, %select_n3A_827 : i32
        %ne3A_829 = arith.constant 0 : i32
        %ne3A_830 = arith.cmpi ne, %rem3A_828, %ne3A_829 : i32
        %lt3A_831 = arith.constant 0 : i32
        %lt3A_832 = arith.cmpi slt, %rem3A_828, %lt3A_831 : i32
        %lt3A_833 = arith.constant 0 : i32
        %lt3A_834 = arith.cmpi slt, %select_n3A_827, %lt3A_833 : i32
        %ne3A_835 = arith.xori %lt3A_832, %lt3A_834 : i1
        %and3A_836 = arith.andi %ne3A_835, %ne3A_830 : i1
        %add3A_837 = arith.addi %rem3A_828, %select_n3A_827 : i32
        %select_n3A_838 = arith.select %and3A_836, %add3A_837, %rem3A_828 : i32
        %ne3A_839 = arith.cmpi ne, %select_n3A_782, %select_n3A_822 : i32
        %ne3A_840 = arith.cmpi ne, %select_n3A_798, %select_n3A_838 : i32
        %or3A_841 = arith.constant false
        %or3A_842 = arith.ori %or3A_841, %ne3A_839 : i1
        %or3A_843 = arith.constant false
        %or3A_844 = arith.ori %or3A_842, %or3A_843 : i1
        %or3A_845 = arith.ori %or3A_844, %ne3A_840 : i1
        %not3A_846 = arith.constant true
        %not3A_847 = arith.xori %eq3A_182, %not3A_846 : i1
        %and3A_848 = arith.andi %or3A_845, %not3A_847 : i1
        %convert_element_type3A_849 = arith.extui %and3A_848 : i1 to i32
        %cond3A_850 = arith.constant 0 : i32
        %cond3A_851 = arith.cmpi ne, %convert_element_type3A_849, %cond3A_850 : i32
        scf.if %cond3A_851 {
          "tpu.trace_start"() <{level = 10 : i32, message = "ep_wait_out"}> : () -> ()
          %rem3A_886 = arith.constant 2 : i32
          %rem3A_887 = arith.remui %scan3A_177, %rem3A_886 : i32
          %jit3A_888 = arith.constant 128 : i32
          %div3A_889 = arith.divsi %add3A_194, %jit3A_888 : i32
          %sign3A_890 = arith.constant 0 : i32
          %sign3A_891 = arith.cmpi sgt, %add3A_194, %sign3A_890 : i32
          %sign3A_892 = arith.extui %sign3A_891 : i1 to i32
          %sign3A_893 = arith.constant 0 : i32
          %sign3A_894 = arith.cmpi slt, %add3A_194, %sign3A_893 : i32
          %sign3A_895 = arith.extui %sign3A_894 : i1 to i32
          %sign3A_896 = arith.subi %sign3A_892, %sign3A_895 : i32
          %sign3A_897 = arith.constant 0 : i32
          %sign3A_898 = arith.cmpi sgt, %jit3A_888, %sign3A_897 : i32
          %sign3A_899 = arith.extui %sign3A_898 : i1 to i32
          %sign3A_900 = arith.constant 0 : i32
          %sign3A_901 = arith.cmpi slt, %jit3A_888, %sign3A_900 : i32
          %sign3A_902 = arith.extui %sign3A_901 : i1 to i32
          %sign3A_903 = arith.subi %sign3A_899, %sign3A_902 : i32
          %ne3A_904 = arith.cmpi ne, %sign3A_896, %sign3A_903 : i32
          %rem3A_905 = arith.remsi %add3A_194, %jit3A_888 : i32
          %ne3A_906 = arith.constant 0 : i32
          %ne3A_907 = arith.cmpi ne, %rem3A_905, %ne3A_906 : i32
          %and3A_908 = arith.andi %ne3A_904, %ne3A_907 : i1
          %sub3A_909 = arith.constant 1 : i32
          %sub3A_910 = arith.subi %div3A_889, %sub3A_909 : i32
          %select_n3A_911 = arith.select %and3A_908, %sub3A_910, %div3A_889 : i32
          %jit3A_912 = arith.constant 128 : i32
          %eq3A_913 = arith.constant 0 : i32
          %eq3A_914 = arith.cmpi eq, %jit3A_912, %eq3A_913 : i32
          %jit3A_915 = arith.constant 1 : i32
          %select_n3A_916 = arith.select %eq3A_914, %jit3A_915, %jit3A_912 : i32
          %rem3A_917 = arith.remsi %add3A_194, %select_n3A_916 : i32
          %ne3A_918 = arith.constant 0 : i32
          %ne3A_919 = arith.cmpi ne, %rem3A_917, %ne3A_918 : i32
          %lt3A_920 = arith.constant 0 : i32
          %lt3A_921 = arith.cmpi slt, %rem3A_917, %lt3A_920 : i32
          %lt3A_922 = arith.constant 0 : i32
          %lt3A_923 = arith.cmpi slt, %select_n3A_916, %lt3A_922 : i32
          %ne3A_924 = arith.xori %lt3A_921, %lt3A_923 : i1
          %and3A_925 = arith.andi %ne3A_924, %ne3A_919 : i1
          %add3A_926 = arith.addi %rem3A_917, %select_n3A_916 : i32
          %select_n3A_927 = arith.select %and3A_925, %add3A_926, %rem3A_917 : i32
          %mul3A_928 = arith.constant 1 : i32
          %mul3A_929 = arith.muli %mul3A_928, %select_n3A_911 : i32
          %mul3A_930 = arith.constant 128 : i32
          %mul3A_931 = arith.muli %mul3A_930, %select_n3A_927 : i32
          %dma_wait3A_932 = arith.constant 0 : i32
          %dma_wait3A_933 = arith.constant 0 : i32
          %dma_wait3A_934 = arith.constant 0 : i32
          %dma_wait3A_935 = tpu.memref_slice %run_scoped3A_8[%rem3A_887, %dma_wait3A_932, %dma_wait3A_933, %dma_wait3A_934] : memref<2x1x16x128xf32, #tpu.memory_space<vmem>> -> memref<1x1x16x128xf32, #tpu.memory_space<vmem>>
          %dma_wait3A_936 = tpu.memref_squeeze %dma_wait3A_935 : memref<1x1x16x128xf32, #tpu.memory_space<vmem>> -> memref<1x16x128xf32, #tpu.memory_space<vmem>>
          %dma_wait3A_937 = arith.constant 0 : i32
          %dma_wait3A_938 = tpu.memref_slice %arg20[%mul3A_929, %dma_wait3A_937, %mul3A_931] : memref<26x16x16384xf32, #tpu.memory_space<hbm>> -> memref<1x16x128xf32, #tpu.memory_space<hbm>>
          %dma_wait3A_939 = tpu.memref_slice %run_scoped3A_9[%rem3A_887] : memref<2x!tpu.dma_semaphore, #tpu.memory_space<semaphore_mem>> -> memref<1x!tpu.dma_semaphore, #tpu.memory_space<semaphore_mem>>
          %dma_wait3A_940 = tpu.memref_squeeze %dma_wait3A_939 : memref<1x!tpu.dma_semaphore, #tpu.memory_space<semaphore_mem>> -> memref<!tpu.dma_semaphore, #tpu.memory_space<semaphore_mem>>
          %dma_wait3A_941 = arith.constant 0 : i32
          %dma_wait3A_942 = tpu.memref_slice %arg20[%mul3A_929, %dma_wait3A_941, %mul3A_931] : memref<26x16x16384xf32, #tpu.memory_space<hbm>> -> memref<1x16x128xf32, #tpu.memory_space<hbm>>
          %dma_wait3A_943 = arith.constant 0 : i32
          %dma_wait3A_944 = arith.constant 0 : i32
          %dma_wait3A_945 = arith.constant 0 : i32
          %dma_wait3A_946 = tpu.memref_slice %run_scoped3A_8[%rem3A_887, %dma_wait3A_943, %dma_wait3A_944, %dma_wait3A_945] : memref<2x1x16x128xf32, #tpu.memory_space<vmem>> -> memref<1x1x16x128xf32, #tpu.memory_space<vmem>>
          %dma_wait3A_947 = tpu.memref_squeeze %dma_wait3A_946 : memref<1x1x16x128xf32, #tpu.memory_space<vmem>> -> memref<1x16x128xf32, #tpu.memory_space<vmem>>
          tpu.wait_dma2 semaphore(%dma_wait3A_940 : memref<!tpu.dma_semaphore, #tpu.memory_space<semaphore_mem>>) src(%dma_wait3A_947 : memref<1x16x128xf32, #tpu.memory_space<vmem>>) dst(%dma_wait3A_942 : memref<1x16x128xf32, #tpu.memory_space<hbm>>)
          "tpu.trace_stop"() : () -> ()
        } else {
        }
        %and3A_852 = arith.constant true
        %and3A_853 = arith.andi %and3A_848, %and3A_852 : i1
        %add3A_854 = arith.constant 1 : i32
        %add3A_855 = arith.addi %scan3A_177, %add3A_854 : i32
        %select_n3A_856 = arith.select %and3A_853, %add3A_855, %scan3A_177 : i32
        %ne3A_857 = arith.cmpi ne, %add3A_185, %add3A_194 : i32
        %or3A_858 = arith.constant false
        %or3A_859 = arith.ori %or3A_858, %ne3A_857 : i1
        %not3A_860 = arith.constant true
        %not3A_861 = arith.xori %eq3A_182, %not3A_860 : i1
        %and3A_862 = arith.andi %or3A_859, %not3A_861 : i1
        %convert_element_type3A_863 = arith.extui %and3A_862 : i1 to i32
        %cond3A_864 = arith.constant 0 : i32
        %cond3A_865 = arith.cmpi ne, %convert_element_type3A_863, %cond3A_864 : i32
        scf.if %cond3A_865 {
          "tpu.trace_start"() <{level = 10 : i32, message = "ep_wait_out"}> : () -> ()
          %rem3A_886 = arith.constant 2 : i32
          %rem3A_887 = arith.remui %scan3A_179, %rem3A_886 : i32
          %mul3A_888 = arith.constant 128 : i32
          %mul3A_889 = arith.muli %mul3A_888, %add3A_194 : i32
          %mul3A_890 = arith.constant 128 : i32
          %mul3A_891 = arith.muli %rem3A_887, %mul3A_890 : i32
          %add3A_892 = arith.constant 0 : i32
          %add3A_893 = arith.addi %mul3A_891, %add3A_892 : i32
          %dma_wait3A_894 = tpu.memref_slice %run_scoped3A_10[%add3A_893] : memref<256xf32, #tpu.memory_space<vmem>> -> memref<128xf32, #tpu.memory_space<vmem>>
          %dma_wait3A_895 = tpu.memref_slice %arg21[%mul3A_889] : memref<425984xf32, #tpu.memory_space<hbm>> -> memref<128xf32, #tpu.memory_space<hbm>>
          %dma_wait3A_896 = tpu.memref_slice %run_scoped3A_11[%rem3A_887] : memref<2x!tpu.dma_semaphore, #tpu.memory_space<semaphore_mem>> -> memref<1x!tpu.dma_semaphore, #tpu.memory_space<semaphore_mem>>
          %dma_wait3A_897 = tpu.memref_squeeze %dma_wait3A_896 : memref<1x!tpu.dma_semaphore, #tpu.memory_space<semaphore_mem>> -> memref<!tpu.dma_semaphore, #tpu.memory_space<semaphore_mem>>
          %dma_wait3A_898 = tpu.memref_slice %arg21[%mul3A_889] : memref<425984xf32, #tpu.memory_space<hbm>> -> memref<128xf32, #tpu.memory_space<hbm>>
          %dma_wait3A_899 = tpu.memref_slice %run_scoped3A_10[%add3A_893] : memref<256xf32, #tpu.memory_space<vmem>> -> memref<128xf32, #tpu.memory_space<vmem>>
          tpu.wait_dma2 semaphore(%dma_wait3A_897 : memref<!tpu.dma_semaphore, #tpu.memory_space<semaphore_mem>>) src(%dma_wait3A_899 : memref<128xf32, #tpu.memory_space<vmem>>) dst(%dma_wait3A_898 : memref<128xf32, #tpu.memory_space<hbm>>)
          "tpu.trace_stop"() : () -> ()
        } else {
        }
        %and3A_866 = arith.constant true
        %and3A_867 = arith.andi %and3A_862, %and3A_866 : i1
        %add3A_868 = arith.constant 1 : i32
        %add3A_869 = arith.addi %scan3A_179, %add3A_868 : i32
        %select_n3A_870 = arith.select %and3A_867, %add3A_869, %scan3A_179 : i32
        %ne3A_871 = arith.cmpi ne, %add3A_185, %add3A_203 : i32
        %or3A_872 = arith.constant false
        %or3A_873 = arith.ori %or3A_872, %ne3A_871 : i1
        %or3A_874 = arith.ori %or3A_873, %eq3A_184 : i1
        %add3A_875 = arith.constant 1 : i32
        %add3A_876 = arith.addi %scan3A_175, %add3A_875 : i32
        %select_n3A_877 = arith.select %or3A_874, %add3A_876, %scan3A_175 : i32
        %add3A_878 = arith.constant 1 : i32
        %add3A_879 = arith.addi %scan3A_180, %add3A_878 : i32
        %select_n3A_880 = arith.constant true
        %select_n3A_881 = arith.select %select_n3A_880, %add3A_879, %scan3A_180 : i32
        %eq3A_882 = arith.constant 104 : i32
        %eq3A_883 = arith.cmpi eq, %select_n3A_881, %eq3A_882 : i32
        %select_n3A_884 = arith.constant 0 : i32
        %select_n3A_885 = arith.select %eq3A_883, %select_n3A_884, %select_n3A_881 : i32
        scf.yield %select_n3A_223, %select_n3A_877, %select_n3A_735, %select_n3A_856, %select_n3A_747, %select_n3A_870, %select_n3A_885 : i32, i32, i32, i32, i32, i32, i32
      }
      %scan3A_68 = arith.constant 104 : i32
      %sub3A = arith.constant 1 : i32
      %sub3A_69 = arith.subi %scan3A_67#6, %sub3A : i32
      %select_n3A_70 = arith.constant true
      %select_n3A_71 = arith.select %select_n3A_70, %sub3A_69, %scan3A_67#6 : i32
      %eq3A_72 = arith.constant -1 : i32
      %eq3A_73 = arith.cmpi eq, %select_n3A_71, %eq3A_72 : i32
      %select_n3A_74 = arith.constant 103 : i32
      %select_n3A_75 = arith.select %eq3A_73, %select_n3A_74, %select_n3A_71 : i32
      %add3A_76 = arith.addi %select_n3A_75, %mul3A_6 : i32
      %sub3A_77 = arith.constant 1 : i32
      %sub3A_78 = arith.subi %select_n3A_75, %sub3A_77 : i32
      %select_n3A_79 = arith.constant true
      %select_n3A_80 = arith.select %select_n3A_79, %sub3A_78, %select_n3A_75 : i32
      %eq3A_81 = arith.constant -1 : i32
      %eq3A_82 = arith.cmpi eq, %select_n3A_80, %eq3A_81 : i32
      %select_n3A_83 = arith.constant 103 : i32
      %select_n3A_84 = arith.select %eq3A_82, %select_n3A_83, %select_n3A_80 : i32
      %add3A_85 = arith.addi %select_n3A_84, %mul3A_6 : i32
      %add3A_86 = arith.constant 1 : i32
      %add3A_87 = arith.addi %select_n3A_75, %add3A_86 : i32
      %select_n3A_88 = arith.constant true
      %select_n3A_89 = arith.select %select_n3A_88, %add3A_87, %select_n3A_75 : i32
      %eq3A_90 = arith.constant 104 : i32
      %eq3A_91 = arith.cmpi eq, %select_n3A_89, %eq3A_90 : i32
      %select_n3A_92 = arith.constant 0 : i32
      %select_n3A_93 = arith.select %eq3A_91, %select_n3A_92, %select_n3A_89 : i32
      %add3A_94 = arith.addi %select_n3A_93, %mul3A_6 : i32
      %add3A_95 = arith.constant 1 : i32
      %add3A_96 = arith.addi %select_n3A_93, %add3A_95 : i32
      %select_n3A_97 = arith.constant true
      %select_n3A_98 = arith.select %select_n3A_97, %add3A_96, %select_n3A_93 : i32
      %eq3A_99 = arith.constant 104 : i32
      %eq3A_100 = arith.cmpi eq, %select_n3A_98, %eq3A_99 : i32
      %select_n3A_101 = arith.constant 0 : i32
      %select_n3A_102 = arith.select %eq3A_100, %select_n3A_101, %select_n3A_98 : i32
      %add3A_103 = arith.addi %select_n3A_102, %mul3A_6 : i32
      "tpu.trace_start"() <{level = 10 : i32, message = "ep_finalize"}> : () -> ()
      %rem3A_104 = arith.constant 2 : i32
      %rem3A_105 = arith.remui %scan3A_67#3, %rem3A_104 : i32
      %jit3A = arith.constant 128 : i32
      %div3A = arith.divsi %add3A_76, %jit3A : i32
      %sign3A = arith.constant 0 : i32
      %sign3A_106 = arith.cmpi sgt, %add3A_76, %sign3A : i32
      %sign3A_107 = arith.extui %sign3A_106 : i1 to i32
      %sign3A_108 = arith.constant 0 : i32
      %sign3A_109 = arith.cmpi slt, %add3A_76, %sign3A_108 : i32
      %sign3A_110 = arith.extui %sign3A_109 : i1 to i32
      %sign3A_111 = arith.subi %sign3A_107, %sign3A_110 : i32
      %sign3A_112 = arith.constant 0 : i32
      %sign3A_113 = arith.cmpi sgt, %jit3A, %sign3A_112 : i32
      %sign3A_114 = arith.extui %sign3A_113 : i1 to i32
      %sign3A_115 = arith.constant 0 : i32
      %sign3A_116 = arith.cmpi slt, %jit3A, %sign3A_115 : i32
      %sign3A_117 = arith.extui %sign3A_116 : i1 to i32
      %sign3A_118 = arith.subi %sign3A_114, %sign3A_117 : i32
      %ne3A = arith.cmpi ne, %sign3A_111, %sign3A_118 : i32
      %rem3A_119 = arith.remsi %add3A_76, %jit3A : i32
      %ne3A_120 = arith.constant 0 : i32
      %ne3A_121 = arith.cmpi ne, %rem3A_119, %ne3A_120 : i32
      %and3A = arith.andi %ne3A, %ne3A_121 : i1
      %sub3A_122 = arith.constant 1 : i32
      %sub3A_123 = arith.subi %div3A, %sub3A_122 : i32
      %select_n3A_124 = arith.select %and3A, %sub3A_123, %div3A : i32
      %jit3A_125 = arith.constant 128 : i32
      %eq3A_126 = arith.constant 0 : i32
      %eq3A_127 = arith.cmpi eq, %jit3A_125, %eq3A_126 : i32
      %jit3A_128 = arith.constant 1 : i32
      %select_n3A_129 = arith.select %eq3A_127, %jit3A_128, %jit3A_125 : i32
      %rem3A_130 = arith.remsi %add3A_76, %select_n3A_129 : i32
      %ne3A_131 = arith.constant 0 : i32
      %ne3A_132 = arith.cmpi ne, %rem3A_130, %ne3A_131 : i32
      %lt3A = arith.constant 0 : i32
      %lt3A_133 = arith.cmpi slt, %rem3A_130, %lt3A : i32
      %lt3A_134 = arith.constant 0 : i32
      %lt3A_135 = arith.cmpi slt, %select_n3A_129, %lt3A_134 : i32
      %ne3A_136 = arith.xori %lt3A_133, %lt3A_135 : i1
      %and3A_137 = arith.andi %ne3A_136, %ne3A_132 : i1
      %add3A_138 = arith.addi %rem3A_130, %select_n3A_129 : i32
      %select_n3A_139 = arith.select %and3A_137, %add3A_138, %rem3A_130 : i32
      %mul3A_140 = arith.constant 1 : i32
      %mul3A_141 = arith.muli %mul3A_140, %select_n3A_124 : i32
      %mul3A_142 = arith.constant 128 : i32
      %mul3A_143 = arith.muli %mul3A_142, %select_n3A_139 : i32
      %dma_wait3A = arith.constant 0 : i32
      %dma_wait3A_144 = arith.constant 0 : i32
      %dma_wait3A_145 = arith.constant 0 : i32
      %dma_wait3A_146 = tpu.memref_slice %run_scoped3A_8[%rem3A_105, %dma_wait3A, %dma_wait3A_144, %dma_wait3A_145] : memref<2x1x16x128xf32, #tpu.memory_space<vmem>> -> memref<1x1x16x128xf32, #tpu.memory_space<vmem>>
      %dma_wait3A_147 = tpu.memref_squeeze %dma_wait3A_146 : memref<1x1x16x128xf32, #tpu.memory_space<vmem>> -> memref<1x16x128xf32, #tpu.memory_space<vmem>>
      %dma_wait3A_148 = arith.constant 0 : i32
      %dma_wait3A_149 = tpu.memref_slice %arg20[%mul3A_141, %dma_wait3A_148, %mul3A_143] : memref<26x16x16384xf32, #tpu.memory_space<hbm>> -> memref<1x16x128xf32, #tpu.memory_space<hbm>>
      %dma_wait3A_150 = tpu.memref_slice %run_scoped3A_9[%rem3A_105] : memref<2x!tpu.dma_semaphore, #tpu.memory_space<semaphore_mem>> -> memref<1x!tpu.dma_semaphore, #tpu.memory_space<semaphore_mem>>
      %dma_wait3A_151 = tpu.memref_squeeze %dma_wait3A_150 : memref<1x!tpu.dma_semaphore, #tpu.memory_space<semaphore_mem>> -> memref<!tpu.dma_semaphore, #tpu.memory_space<semaphore_mem>>
      %dma_wait3A_152 = arith.constant 0 : i32
      %dma_wait3A_153 = tpu.memref_slice %arg20[%mul3A_141, %dma_wait3A_152, %mul3A_143] : memref<26x16x16384xf32, #tpu.memory_space<hbm>> -> memref<1x16x128xf32, #tpu.memory_space<hbm>>
      %dma_wait3A_154 = arith.constant 0 : i32
      %dma_wait3A_155 = arith.constant 0 : i32
      %dma_wait3A_156 = arith.constant 0 : i32
      %dma_wait3A_157 = tpu.memref_slice %run_scoped3A_8[%rem3A_105, %dma_wait3A_154, %dma_wait3A_155, %dma_wait3A_156] : memref<2x1x16x128xf32, #tpu.memory_space<vmem>> -> memref<1x1x16x128xf32, #tpu.memory_space<vmem>>
      %dma_wait3A_158 = tpu.memref_squeeze %dma_wait3A_157 : memref<1x1x16x128xf32, #tpu.memory_space<vmem>> -> memref<1x16x128xf32, #tpu.memory_space<vmem>>
      tpu.wait_dma2 semaphore(%dma_wait3A_151 : memref<!tpu.dma_semaphore, #tpu.memory_space<semaphore_mem>>) src(%dma_wait3A_158 : memref<1x16x128xf32, #tpu.memory_space<vmem>>) dst(%dma_wait3A_153 : memref<1x16x128xf32, #tpu.memory_space<hbm>>)
      %rem3A_159 = arith.constant 2 : i32
      %rem3A_160 = arith.remui %scan3A_67#5, %rem3A_159 : i32
      %mul3A_161 = arith.constant 128 : i32
      %mul3A_162 = arith.muli %mul3A_161, %add3A_76 : i32
      %mul3A_163 = arith.constant 128 : i32
      %mul3A_164 = arith.muli %rem3A_160, %mul3A_163 : i32
      %add3A_165 = arith.constant 0 : i32
      %add3A_166 = arith.addi %mul3A_164, %add3A_165 : i32
      %dma_wait3A_167 = tpu.memref_slice %run_scoped3A_10[%add3A_166] : memref<256xf32, #tpu.memory_space<vmem>> -> memref<128xf32, #tpu.memory_space<vmem>>
      %dma_wait3A_168 = tpu.memref_slice %arg21[%mul3A_162] : memref<425984xf32, #tpu.memory_space<hbm>> -> memref<128xf32, #tpu.memory_space<hbm>>
      %dma_wait3A_169 = tpu.memref_slice %run_scoped3A_11[%rem3A_160] : memref<2x!tpu.dma_semaphore, #tpu.memory_space<semaphore_mem>> -> memref<1x!tpu.dma_semaphore, #tpu.memory_space<semaphore_mem>>
      %dma_wait3A_170 = tpu.memref_squeeze %dma_wait3A_169 : memref<1x!tpu.dma_semaphore, #tpu.memory_space<semaphore_mem>> -> memref<!tpu.dma_semaphore, #tpu.memory_space<semaphore_mem>>
      %dma_wait3A_171 = tpu.memref_slice %arg21[%mul3A_162] : memref<425984xf32, #tpu.memory_space<hbm>> -> memref<128xf32, #tpu.memory_space<hbm>>
      %dma_wait3A_172 = tpu.memref_slice %run_scoped3A_10[%add3A_166] : memref<256xf32, #tpu.memory_space<vmem>> -> memref<128xf32, #tpu.memory_space<vmem>>
      tpu.wait_dma2 semaphore(%dma_wait3A_170 : memref<!tpu.dma_semaphore, #tpu.memory_space<semaphore_mem>>) src(%dma_wait3A_172 : memref<128xf32, #tpu.memory_space<vmem>>) dst(%dma_wait3A_171 : memref<128xf32, #tpu.memory_space<hbm>>)
      "tpu.trace_stop"() : () -> ()
      tpu.yield
    }) : () -> ()
    return
  }
}

module attributes {stable_mosaic.version = 14 : i64} {
  func.func @body(%arg0: i32, %arg1: memref<1x16x100000xf32, #tpu.memory_space<vmem>>, %arg2: memref<1x1x100000xf32, #tpu.memory_space<vmem>>, %arg3: memref<1x8x12544xf32, #tpu.memory_space<vmem>>, %arg4: memref<1x8x12544xf32, #tpu.memory_space<vmem>>, %arg5: memref<1x8x12544xf32, #tpu.memory_space<vmem>>, %arg6: memref<1x8x12544xf32, #tpu.memory_space<vmem>>, %arg7: memref<1x8x12544xf32, #tpu.memory_space<vmem>>, %arg8: memref<1x8x12544xf32, #tpu.memory_space<vmem>>, %arg9: memref<1x8x12544xf32, #tpu.memory_space<vmem>>, %arg10: memref<1x8x12544xf32, #tpu.memory_space<vmem>>, %arg11: memref<1x8x12544xf32, #tpu.memory_space<vmem>>, %arg12: memref<1x8x12544xf32, #tpu.memory_space<vmem>>, %arg13: memref<1x8x12544xf32, #tpu.memory_space<vmem>>, %arg14: memref<1x8x12544xf32, #tpu.memory_space<vmem>>, %arg15: memref<1x8x12544xf32, #tpu.memory_space<vmem>>, %arg16: memref<1x8x12544xf32, #tpu.memory_space<vmem>>, %arg17: memref<1x8x12544xf32, #tpu.memory_space<vmem>>, %arg18: memref<1x8x12544xf32, #tpu.memory_space<vmem>>, %arg19: memref<1x8x12544xf32, #tpu.memory_space<vmem>>) attributes {dimension_semantics = [#tpu.dimension_semantics<arbitrary>], iteration_bounds = array<i64: 26>, scalar_prefetch = 0 : i64, scratch_operands = 0 : i64, tpu.core_type = #tpu.core_type<tc>, window_params = [{transform_indices = @transform_0, window_bounds = array<i64: 1, 16, 100000>}, {transform_indices = @transform_1, window_bounds = array<i64: 1, 1, 100000>}, {transform_indices = @transform_2, window_bounds = array<i64: 1, 8, 12544>}, {transform_indices = @transform_3, window_bounds = array<i64: 1, 8, 12544>}, {transform_indices = @transform_4, window_bounds = array<i64: 1, 8, 12544>}, {transform_indices = @transform_5, window_bounds = array<i64: 1, 8, 12544>}, {transform_indices = @transform_6, window_bounds = array<i64: 1, 8, 12544>}, {transform_indices = @transform_7, window_bounds = array<i64: 1, 8, 12544>}, {transform_indices = @transform_8, window_bounds = array<i64: 1, 8, 12544>}, {transform_indices = @transform_9, window_bounds = array<i64: 1, 8, 12544>}, {transform_indices = @transform_10, window_bounds = array<i64: 1, 8, 12544>}, {transform_indices = @transform_11, window_bounds = array<i64: 1, 8, 12544>}, {transform_indices = @transform_12, window_bounds = array<i64: 1, 8, 12544>}, {transform_indices = @transform_13, window_bounds = array<i64: 1, 8, 12544>}, {transform_indices = @transform_14, window_bounds = array<i64: 1, 8, 12544>}, {transform_indices = @transform_15, window_bounds = array<i64: 1, 8, 12544>}, {transform_indices = @transform_16, window_bounds = array<i64: 1, 8, 12544>}, {transform_indices = @transform_17, window_bounds = array<i64: 1, 8, 12544>}, {transform_indices = @transform_18, window_bounds = array<i64: 1, 8, 12544>}]} {
    %get3A = arith.constant 0 : index
    %get3A_0 = arith.constant 0 : index
    %get3A_1 = arith.constant 0 : index
    %get3A_2 = vector.load %arg1[%get3A, %get3A_0, %get3A_1] : memref<1x16x100000xf32, #tpu.memory_space<vmem>>, vector<1x1x12544xf32>
    %get3A_3 = vector.shape_cast %get3A_2 : vector<1x1x12544xf32> to vector<12544xf32>
    %swap3A = arith.constant 0 : index
    %swap3A_4 = arith.constant 0 : index
    %swap3A_5 = arith.constant 0 : index
    %swap3A_6 = vector.load %arg3[%swap3A, %swap3A_4, %swap3A_5] : memref<1x8x12544xf32, #tpu.memory_space<vmem>>, vector<1x1x12544xf32>
    %swap3A_7 = vector.shape_cast %swap3A_6 : vector<1x1x12544xf32> to vector<12544xf32>
    %swap3A_8 = vector.shape_cast %get3A_3 : vector<12544xf32> to vector<1x1x12544xf32>
    tpu.vector_store %arg3[%swap3A, %swap3A_4, %swap3A_5], %swap3A_8 {strides = array<i32>} : memref<1x8x12544xf32, #tpu.memory_space<vmem>>, vector<1x1x12544xf32>,
    %get3A_9 = arith.constant 0 : index
    %get3A_10 = arith.constant 0 : index
    %get3A_11 = arith.constant 12544 : index
    %get3A_12 = vector.load %arg1[%get3A_9, %get3A_10, %get3A_11] : memref<1x16x100000xf32, #tpu.memory_space<vmem>>, vector<1x1x12544xf32>
    %get3A_13 = vector.shape_cast %get3A_12 : vector<1x1x12544xf32> to vector<12544xf32>
    %swap3A_14 = arith.constant 0 : index
    %swap3A_15 = arith.constant 1 : index
    %swap3A_16 = arith.constant 0 : index
    %swap3A_17 = vector.load %arg3[%swap3A_14, %swap3A_15, %swap3A_16] : memref<1x8x12544xf32, #tpu.memory_space<vmem>>, vector<1x1x12544xf32>
    %swap3A_18 = vector.shape_cast %swap3A_17 : vector<1x1x12544xf32> to vector<12544xf32>
    %swap3A_19 = vector.shape_cast %get3A_13 : vector<12544xf32> to vector<1x1x12544xf32>
    tpu.vector_store %arg3[%swap3A_14, %swap3A_15, %swap3A_16], %swap3A_19 {strides = array<i32>} : memref<1x8x12544xf32, #tpu.memory_space<vmem>>, vector<1x1x12544xf32>,
    %get3A_20 = arith.constant 0 : index
    %get3A_21 = arith.constant 0 : index
    %get3A_22 = arith.constant 25088 : index
    %get3A_23 = vector.load %arg1[%get3A_20, %get3A_21, %get3A_22] : memref<1x16x100000xf32, #tpu.memory_space<vmem>>, vector<1x1x12544xf32>
    %get3A_24 = vector.shape_cast %get3A_23 : vector<1x1x12544xf32> to vector<12544xf32>
    %swap3A_25 = arith.constant 0 : index
    %swap3A_26 = arith.constant 2 : index
    %swap3A_27 = arith.constant 0 : index
    %swap3A_28 = vector.load %arg3[%swap3A_25, %swap3A_26, %swap3A_27] : memref<1x8x12544xf32, #tpu.memory_space<vmem>>, vector<1x1x12544xf32>
    %swap3A_29 = vector.shape_cast %swap3A_28 : vector<1x1x12544xf32> to vector<12544xf32>
    %swap3A_30 = vector.shape_cast %get3A_24 : vector<12544xf32> to vector<1x1x12544xf32>
    tpu.vector_store %arg3[%swap3A_25, %swap3A_26, %swap3A_27], %swap3A_30 {strides = array<i32>} : memref<1x8x12544xf32, #tpu.memory_space<vmem>>, vector<1x1x12544xf32>,
    %get3A_31 = arith.constant 0 : index
    %get3A_32 = arith.constant 0 : index
    %get3A_33 = arith.constant 37632 : index
    %get3A_34 = vector.load %arg1[%get3A_31, %get3A_32, %get3A_33] : memref<1x16x100000xf32, #tpu.memory_space<vmem>>, vector<1x1x12544xf32>
    %get3A_35 = vector.shape_cast %get3A_34 : vector<1x1x12544xf32> to vector<12544xf32>
    %swap3A_36 = arith.constant 0 : index
    %swap3A_37 = arith.constant 3 : index
    %swap3A_38 = arith.constant 0 : index
    %swap3A_39 = vector.load %arg3[%swap3A_36, %swap3A_37, %swap3A_38] : memref<1x8x12544xf32, #tpu.memory_space<vmem>>, vector<1x1x12544xf32>
    %swap3A_40 = vector.shape_cast %swap3A_39 : vector<1x1x12544xf32> to vector<12544xf32>
    %swap3A_41 = vector.shape_cast %get3A_35 : vector<12544xf32> to vector<1x1x12544xf32>
    tpu.vector_store %arg3[%swap3A_36, %swap3A_37, %swap3A_38], %swap3A_41 {strides = array<i32>} : memref<1x8x12544xf32, #tpu.memory_space<vmem>>, vector<1x1x12544xf32>,
    %get3A_42 = arith.constant 0 : index
    %get3A_43 = arith.constant 0 : index
    %get3A_44 = arith.constant 50176 : index
    %get3A_45 = vector.load %arg1[%get3A_42, %get3A_43, %get3A_44] : memref<1x16x100000xf32, #tpu.memory_space<vmem>>, vector<1x1x12544xf32>
    %get3A_46 = vector.shape_cast %get3A_45 : vector<1x1x12544xf32> to vector<12544xf32>
    %swap3A_47 = arith.constant 0 : index
    %swap3A_48 = arith.constant 4 : index
    %swap3A_49 = arith.constant 0 : index
    %swap3A_50 = vector.load %arg3[%swap3A_47, %swap3A_48, %swap3A_49] : memref<1x8x12544xf32, #tpu.memory_space<vmem>>, vector<1x1x12544xf32>
    %swap3A_51 = vector.shape_cast %swap3A_50 : vector<1x1x12544xf32> to vector<12544xf32>
    %swap3A_52 = vector.shape_cast %get3A_46 : vector<12544xf32> to vector<1x1x12544xf32>
    tpu.vector_store %arg3[%swap3A_47, %swap3A_48, %swap3A_49], %swap3A_52 {strides = array<i32>} : memref<1x8x12544xf32, #tpu.memory_space<vmem>>, vector<1x1x12544xf32>,
    %get3A_53 = arith.constant 0 : index
    %get3A_54 = arith.constant 0 : index
    %get3A_55 = arith.constant 62720 : index
    %get3A_56 = vector.load %arg1[%get3A_53, %get3A_54, %get3A_55] : memref<1x16x100000xf32, #tpu.memory_space<vmem>>, vector<1x1x12544xf32>
    %get3A_57 = vector.shape_cast %get3A_56 : vector<1x1x12544xf32> to vector<12544xf32>
    %swap3A_58 = arith.constant 0 : index
    %swap3A_59 = arith.constant 5 : index
    %swap3A_60 = arith.constant 0 : index
    %swap3A_61 = vector.load %arg3[%swap3A_58, %swap3A_59, %swap3A_60] : memref<1x8x12544xf32, #tpu.memory_space<vmem>>, vector<1x1x12544xf32>
    %swap3A_62 = vector.shape_cast %swap3A_61 : vector<1x1x12544xf32> to vector<12544xf32>
    %swap3A_63 = vector.shape_cast %get3A_57 : vector<12544xf32> to vector<1x1x12544xf32>
    tpu.vector_store %arg3[%swap3A_58, %swap3A_59, %swap3A_60], %swap3A_63 {strides = array<i32>} : memref<1x8x12544xf32, #tpu.memory_space<vmem>>, vector<1x1x12544xf32>,
    %get3A_64 = arith.constant 0 : index
    %get3A_65 = arith.constant 0 : index
    %get3A_66 = arith.constant 75264 : index
    %get3A_67 = vector.load %arg1[%get3A_64, %get3A_65, %get3A_66] : memref<1x16x100000xf32, #tpu.memory_space<vmem>>, vector<1x1x12544xf32>
    %get3A_68 = vector.shape_cast %get3A_67 : vector<1x1x12544xf32> to vector<12544xf32>
    %swap3A_69 = arith.constant 0 : index
    %swap3A_70 = arith.constant 6 : index
    %swap3A_71 = arith.constant 0 : index
    %swap3A_72 = vector.load %arg3[%swap3A_69, %swap3A_70, %swap3A_71] : memref<1x8x12544xf32, #tpu.memory_space<vmem>>, vector<1x1x12544xf32>
    %swap3A_73 = vector.shape_cast %swap3A_72 : vector<1x1x12544xf32> to vector<12544xf32>
    %swap3A_74 = vector.shape_cast %get3A_68 : vector<12544xf32> to vector<1x1x12544xf32>
    tpu.vector_store %arg3[%swap3A_69, %swap3A_70, %swap3A_71], %swap3A_74 {strides = array<i32>} : memref<1x8x12544xf32, #tpu.memory_space<vmem>>, vector<1x1x12544xf32>,
    %get3A_75 = arith.constant 0 : index
    %get3A_76 = arith.constant 0 : index
    %get3A_77 = arith.constant 87808 : index
    %get3A_78 = vector.load %arg1[%get3A_75, %get3A_76, %get3A_77] : memref<1x16x100000xf32, #tpu.memory_space<vmem>>, vector<1x1x12192xf32>
    %get3A_79 = vector.shape_cast %get3A_78 : vector<1x1x12192xf32> to vector<12192xf32>
    %swap3A_80 = arith.constant 0 : index
    %swap3A_81 = arith.constant 7 : index
    %swap3A_82 = arith.constant 0 : index
    %swap3A_83 = vector.load %arg3[%swap3A_80, %swap3A_81, %swap3A_82] : memref<1x8x12544xf32, #tpu.memory_space<vmem>>, vector<1x1x12192xf32>
    %swap3A_84 = vector.shape_cast %swap3A_83 : vector<1x1x12192xf32> to vector<12192xf32>
    %swap3A_85 = vector.shape_cast %get3A_79 : vector<12192xf32> to vector<1x1x12192xf32>
    tpu.vector_store %arg3[%swap3A_80, %swap3A_81, %swap3A_82], %swap3A_85 {strides = array<i32>} : memref<1x8x12544xf32, #tpu.memory_space<vmem>>, vector<1x1x12192xf32>,
    %get3A_86 = arith.constant 0 : index
    %get3A_87 = arith.constant 1 : index
    %get3A_88 = arith.constant 0 : index
    %get3A_89 = vector.load %arg1[%get3A_86, %get3A_87, %get3A_88] : memref<1x16x100000xf32, #tpu.memory_space<vmem>>, vector<1x1x12544xf32>
    %get3A_90 = vector.shape_cast %get3A_89 : vector<1x1x12544xf32> to vector<12544xf32>
    %swap3A_91 = arith.constant 0 : index
    %swap3A_92 = arith.constant 0 : index
    %swap3A_93 = arith.constant 0 : index
    %swap3A_94 = vector.load %arg4[%swap3A_91, %swap3A_92, %swap3A_93] : memref<1x8x12544xf32, #tpu.memory_space<vmem>>, vector<1x1x12544xf32>
    %swap3A_95 = vector.shape_cast %swap3A_94 : vector<1x1x12544xf32> to vector<12544xf32>
    %swap3A_96 = vector.shape_cast %get3A_90 : vector<12544xf32> to vector<1x1x12544xf32>
    tpu.vector_store %arg4[%swap3A_91, %swap3A_92, %swap3A_93], %swap3A_96 {strides = array<i32>} : memref<1x8x12544xf32, #tpu.memory_space<vmem>>, vector<1x1x12544xf32>,
    %get3A_97 = arith.constant 0 : index
    %get3A_98 = arith.constant 1 : index
    %get3A_99 = arith.constant 12544 : index
    %get3A_100 = vector.load %arg1[%get3A_97, %get3A_98, %get3A_99] : memref<1x16x100000xf32, #tpu.memory_space<vmem>>, vector<1x1x12544xf32>
    %get3A_101 = vector.shape_cast %get3A_100 : vector<1x1x12544xf32> to vector<12544xf32>
    %swap3A_102 = arith.constant 0 : index
    %swap3A_103 = arith.constant 1 : index
    %swap3A_104 = arith.constant 0 : index
    %swap3A_105 = vector.load %arg4[%swap3A_102, %swap3A_103, %swap3A_104] : memref<1x8x12544xf32, #tpu.memory_space<vmem>>, vector<1x1x12544xf32>
    %swap3A_106 = vector.shape_cast %swap3A_105 : vector<1x1x12544xf32> to vector<12544xf32>
    %swap3A_107 = vector.shape_cast %get3A_101 : vector<12544xf32> to vector<1x1x12544xf32>
    tpu.vector_store %arg4[%swap3A_102, %swap3A_103, %swap3A_104], %swap3A_107 {strides = array<i32>} : memref<1x8x12544xf32, #tpu.memory_space<vmem>>, vector<1x1x12544xf32>,
    %get3A_108 = arith.constant 0 : index
    %get3A_109 = arith.constant 1 : index
    %get3A_110 = arith.constant 25088 : index
    %get3A_111 = vector.load %arg1[%get3A_108, %get3A_109, %get3A_110] : memref<1x16x100000xf32, #tpu.memory_space<vmem>>, vector<1x1x12544xf32>
    %get3A_112 = vector.shape_cast %get3A_111 : vector<1x1x12544xf32> to vector<12544xf32>
    %swap3A_113 = arith.constant 0 : index
    %swap3A_114 = arith.constant 2 : index
    %swap3A_115 = arith.constant 0 : index
    %swap3A_116 = vector.load %arg4[%swap3A_113, %swap3A_114, %swap3A_115] : memref<1x8x12544xf32, #tpu.memory_space<vmem>>, vector<1x1x12544xf32>
    %swap3A_117 = vector.shape_cast %swap3A_116 : vector<1x1x12544xf32> to vector<12544xf32>
    %swap3A_118 = vector.shape_cast %get3A_112 : vector<12544xf32> to vector<1x1x12544xf32>
    tpu.vector_store %arg4[%swap3A_113, %swap3A_114, %swap3A_115], %swap3A_118 {strides = array<i32>} : memref<1x8x12544xf32, #tpu.memory_space<vmem>>, vector<1x1x12544xf32>,
    %get3A_119 = arith.constant 0 : index
    %get3A_120 = arith.constant 1 : index
    %get3A_121 = arith.constant 37632 : index
    %get3A_122 = vector.load %arg1[%get3A_119, %get3A_120, %get3A_121] : memref<1x16x100000xf32, #tpu.memory_space<vmem>>, vector<1x1x12544xf32>
    %get3A_123 = vector.shape_cast %get3A_122 : vector<1x1x12544xf32> to vector<12544xf32>
    %swap3A_124 = arith.constant 0 : index
    %swap3A_125 = arith.constant 3 : index
    %swap3A_126 = arith.constant 0 : index
    %swap3A_127 = vector.load %arg4[%swap3A_124, %swap3A_125, %swap3A_126] : memref<1x8x12544xf32, #tpu.memory_space<vmem>>, vector<1x1x12544xf32>
    %swap3A_128 = vector.shape_cast %swap3A_127 : vector<1x1x12544xf32> to vector<12544xf32>
    %swap3A_129 = vector.shape_cast %get3A_123 : vector<12544xf32> to vector<1x1x12544xf32>
    tpu.vector_store %arg4[%swap3A_124, %swap3A_125, %swap3A_126], %swap3A_129 {strides = array<i32>} : memref<1x8x12544xf32, #tpu.memory_space<vmem>>, vector<1x1x12544xf32>,
    %get3A_130 = arith.constant 0 : index
    %get3A_131 = arith.constant 1 : index
    %get3A_132 = arith.constant 50176 : index
    %get3A_133 = vector.load %arg1[%get3A_130, %get3A_131, %get3A_132] : memref<1x16x100000xf32, #tpu.memory_space<vmem>>, vector<1x1x12544xf32>
    %get3A_134 = vector.shape_cast %get3A_133 : vector<1x1x12544xf32> to vector<12544xf32>
    %swap3A_135 = arith.constant 0 : index
    %swap3A_136 = arith.constant 4 : index
    %swap3A_137 = arith.constant 0 : index
    %swap3A_138 = vector.load %arg4[%swap3A_135, %swap3A_136, %swap3A_137] : memref<1x8x12544xf32, #tpu.memory_space<vmem>>, vector<1x1x12544xf32>
    %swap3A_139 = vector.shape_cast %swap3A_138 : vector<1x1x12544xf32> to vector<12544xf32>
    %swap3A_140 = vector.shape_cast %get3A_134 : vector<12544xf32> to vector<1x1x12544xf32>
    tpu.vector_store %arg4[%swap3A_135, %swap3A_136, %swap3A_137], %swap3A_140 {strides = array<i32>} : memref<1x8x12544xf32, #tpu.memory_space<vmem>>, vector<1x1x12544xf32>,
    %get3A_141 = arith.constant 0 : index
    %get3A_142 = arith.constant 1 : index
    %get3A_143 = arith.constant 62720 : index
    %get3A_144 = vector.load %arg1[%get3A_141, %get3A_142, %get3A_143] : memref<1x16x100000xf32, #tpu.memory_space<vmem>>, vector<1x1x12544xf32>
    %get3A_145 = vector.shape_cast %get3A_144 : vector<1x1x12544xf32> to vector<12544xf32>
    %swap3A_146 = arith.constant 0 : index
    %swap3A_147 = arith.constant 5 : index
    %swap3A_148 = arith.constant 0 : index
    %swap3A_149 = vector.load %arg4[%swap3A_146, %swap3A_147, %swap3A_148] : memref<1x8x12544xf32, #tpu.memory_space<vmem>>, vector<1x1x12544xf32>
    %swap3A_150 = vector.shape_cast %swap3A_149 : vector<1x1x12544xf32> to vector<12544xf32>
    %swap3A_151 = vector.shape_cast %get3A_145 : vector<12544xf32> to vector<1x1x12544xf32>
    tpu.vector_store %arg4[%swap3A_146, %swap3A_147, %swap3A_148], %swap3A_151 {strides = array<i32>} : memref<1x8x12544xf32, #tpu.memory_space<vmem>>, vector<1x1x12544xf32>,
    %get3A_152 = arith.constant 0 : index
    %get3A_153 = arith.constant 1 : index
    %get3A_154 = arith.constant 75264 : index
    %get3A_155 = vector.load %arg1[%get3A_152, %get3A_153, %get3A_154] : memref<1x16x100000xf32, #tpu.memory_space<vmem>>, vector<1x1x12544xf32>
    %get3A_156 = vector.shape_cast %get3A_155 : vector<1x1x12544xf32> to vector<12544xf32>
    %swap3A_157 = arith.constant 0 : index
    %swap3A_158 = arith.constant 6 : index
    %swap3A_159 = arith.constant 0 : index
    %swap3A_160 = vector.load %arg4[%swap3A_157, %swap3A_158, %swap3A_159] : memref<1x8x12544xf32, #tpu.memory_space<vmem>>, vector<1x1x12544xf32>
    %swap3A_161 = vector.shape_cast %swap3A_160 : vector<1x1x12544xf32> to vector<12544xf32>
    %swap3A_162 = vector.shape_cast %get3A_156 : vector<12544xf32> to vector<1x1x12544xf32>
    tpu.vector_store %arg4[%swap3A_157, %swap3A_158, %swap3A_159], %swap3A_162 {strides = array<i32>} : memref<1x8x12544xf32, #tpu.memory_space<vmem>>, vector<1x1x12544xf32>,
    %get3A_163 = arith.constant 0 : index
    %get3A_164 = arith.constant 1 : index
    %get3A_165 = arith.constant 87808 : index
    %get3A_166 = vector.load %arg1[%get3A_163, %get3A_164, %get3A_165] : memref<1x16x100000xf32, #tpu.memory_space<vmem>>, vector<1x1x12192xf32>
    %get3A_167 = vector.shape_cast %get3A_166 : vector<1x1x12192xf32> to vector<12192xf32>
    %swap3A_168 = arith.constant 0 : index
    %swap3A_169 = arith.constant 7 : index
    %swap3A_170 = arith.constant 0 : index
    %swap3A_171 = vector.load %arg4[%swap3A_168, %swap3A_169, %swap3A_170] : memref<1x8x12544xf32, #tpu.memory_space<vmem>>, vector<1x1x12192xf32>
    %swap3A_172 = vector.shape_cast %swap3A_171 : vector<1x1x12192xf32> to vector<12192xf32>
    %swap3A_173 = vector.shape_cast %get3A_167 : vector<12192xf32> to vector<1x1x12192xf32>
    tpu.vector_store %arg4[%swap3A_168, %swap3A_169, %swap3A_170], %swap3A_173 {strides = array<i32>} : memref<1x8x12544xf32, #tpu.memory_space<vmem>>, vector<1x1x12192xf32>,
    %get3A_174 = arith.constant 0 : index
    %get3A_175 = arith.constant 2 : index
    %get3A_176 = arith.constant 0 : index
    %get3A_177 = vector.load %arg1[%get3A_174, %get3A_175, %get3A_176] : memref<1x16x100000xf32, #tpu.memory_space<vmem>>, vector<1x1x12544xf32>
    %get3A_178 = vector.shape_cast %get3A_177 : vector<1x1x12544xf32> to vector<12544xf32>
    %swap3A_179 = arith.constant 0 : index
    %swap3A_180 = arith.constant 0 : index
    %swap3A_181 = arith.constant 0 : index
    %swap3A_182 = vector.load %arg5[%swap3A_179, %swap3A_180, %swap3A_181] : memref<1x8x12544xf32, #tpu.memory_space<vmem>>, vector<1x1x12544xf32>
    %swap3A_183 = vector.shape_cast %swap3A_182 : vector<1x1x12544xf32> to vector<12544xf32>
    %swap3A_184 = vector.shape_cast %get3A_178 : vector<12544xf32> to vector<1x1x12544xf32>
    tpu.vector_store %arg5[%swap3A_179, %swap3A_180, %swap3A_181], %swap3A_184 {strides = array<i32>} : memref<1x8x12544xf32, #tpu.memory_space<vmem>>, vector<1x1x12544xf32>,
    %get3A_185 = arith.constant 0 : index
    %get3A_186 = arith.constant 2 : index
    %get3A_187 = arith.constant 12544 : index
    %get3A_188 = vector.load %arg1[%get3A_185, %get3A_186, %get3A_187] : memref<1x16x100000xf32, #tpu.memory_space<vmem>>, vector<1x1x12544xf32>
    %get3A_189 = vector.shape_cast %get3A_188 : vector<1x1x12544xf32> to vector<12544xf32>
    %swap3A_190 = arith.constant 0 : index
    %swap3A_191 = arith.constant 1 : index
    %swap3A_192 = arith.constant 0 : index
    %swap3A_193 = vector.load %arg5[%swap3A_190, %swap3A_191, %swap3A_192] : memref<1x8x12544xf32, #tpu.memory_space<vmem>>, vector<1x1x12544xf32>
    %swap3A_194 = vector.shape_cast %swap3A_193 : vector<1x1x12544xf32> to vector<12544xf32>
    %swap3A_195 = vector.shape_cast %get3A_189 : vector<12544xf32> to vector<1x1x12544xf32>
    tpu.vector_store %arg5[%swap3A_190, %swap3A_191, %swap3A_192], %swap3A_195 {strides = array<i32>} : memref<1x8x12544xf32, #tpu.memory_space<vmem>>, vector<1x1x12544xf32>,
    %get3A_196 = arith.constant 0 : index
    %get3A_197 = arith.constant 2 : index
    %get3A_198 = arith.constant 25088 : index
    %get3A_199 = vector.load %arg1[%get3A_196, %get3A_197, %get3A_198] : memref<1x16x100000xf32, #tpu.memory_space<vmem>>, vector<1x1x12544xf32>
    %get3A_200 = vector.shape_cast %get3A_199 : vector<1x1x12544xf32> to vector<12544xf32>
    %swap3A_201 = arith.constant 0 : index
    %swap3A_202 = arith.constant 2 : index
    %swap3A_203 = arith.constant 0 : index
    %swap3A_204 = vector.load %arg5[%swap3A_201, %swap3A_202, %swap3A_203] : memref<1x8x12544xf32, #tpu.memory_space<vmem>>, vector<1x1x12544xf32>
    %swap3A_205 = vector.shape_cast %swap3A_204 : vector<1x1x12544xf32> to vector<12544xf32>
    %swap3A_206 = vector.shape_cast %get3A_200 : vector<12544xf32> to vector<1x1x12544xf32>
    tpu.vector_store %arg5[%swap3A_201, %swap3A_202, %swap3A_203], %swap3A_206 {strides = array<i32>} : memref<1x8x12544xf32, #tpu.memory_space<vmem>>, vector<1x1x12544xf32>,
    %get3A_207 = arith.constant 0 : index
    %get3A_208 = arith.constant 2 : index
    %get3A_209 = arith.constant 37632 : index
    %get3A_210 = vector.load %arg1[%get3A_207, %get3A_208, %get3A_209] : memref<1x16x100000xf32, #tpu.memory_space<vmem>>, vector<1x1x12544xf32>
    %get3A_211 = vector.shape_cast %get3A_210 : vector<1x1x12544xf32> to vector<12544xf32>
    %swap3A_212 = arith.constant 0 : index
    %swap3A_213 = arith.constant 3 : index
    %swap3A_214 = arith.constant 0 : index
    %swap3A_215 = vector.load %arg5[%swap3A_212, %swap3A_213, %swap3A_214] : memref<1x8x12544xf32, #tpu.memory_space<vmem>>, vector<1x1x12544xf32>
    %swap3A_216 = vector.shape_cast %swap3A_215 : vector<1x1x12544xf32> to vector<12544xf32>
    %swap3A_217 = vector.shape_cast %get3A_211 : vector<12544xf32> to vector<1x1x12544xf32>
    tpu.vector_store %arg5[%swap3A_212, %swap3A_213, %swap3A_214], %swap3A_217 {strides = array<i32>} : memref<1x8x12544xf32, #tpu.memory_space<vmem>>, vector<1x1x12544xf32>,
    %get3A_218 = arith.constant 0 : index
    %get3A_219 = arith.constant 2 : index
    %get3A_220 = arith.constant 50176 : index
    %get3A_221 = vector.load %arg1[%get3A_218, %get3A_219, %get3A_220] : memref<1x16x100000xf32, #tpu.memory_space<vmem>>, vector<1x1x12544xf32>
    %get3A_222 = vector.shape_cast %get3A_221 : vector<1x1x12544xf32> to vector<12544xf32>
    %swap3A_223 = arith.constant 0 : index
    %swap3A_224 = arith.constant 4 : index
    %swap3A_225 = arith.constant 0 : index
    %swap3A_226 = vector.load %arg5[%swap3A_223, %swap3A_224, %swap3A_225] : memref<1x8x12544xf32, #tpu.memory_space<vmem>>, vector<1x1x12544xf32>
    %swap3A_227 = vector.shape_cast %swap3A_226 : vector<1x1x12544xf32> to vector<12544xf32>
    %swap3A_228 = vector.shape_cast %get3A_222 : vector<12544xf32> to vector<1x1x12544xf32>
    tpu.vector_store %arg5[%swap3A_223, %swap3A_224, %swap3A_225], %swap3A_228 {strides = array<i32>} : memref<1x8x12544xf32, #tpu.memory_space<vmem>>, vector<1x1x12544xf32>,
    %get3A_229 = arith.constant 0 : index
    %get3A_230 = arith.constant 2 : index
    %get3A_231 = arith.constant 62720 : index
    %get3A_232 = vector.load %arg1[%get3A_229, %get3A_230, %get3A_231] : memref<1x16x100000xf32, #tpu.memory_space<vmem>>, vector<1x1x12544xf32>
    %get3A_233 = vector.shape_cast %get3A_232 : vector<1x1x12544xf32> to vector<12544xf32>
    %swap3A_234 = arith.constant 0 : index
    %swap3A_235 = arith.constant 5 : index
    %swap3A_236 = arith.constant 0 : index
    %swap3A_237 = vector.load %arg5[%swap3A_234, %swap3A_235, %swap3A_236] : memref<1x8x12544xf32, #tpu.memory_space<vmem>>, vector<1x1x12544xf32>
    %swap3A_238 = vector.shape_cast %swap3A_237 : vector<1x1x12544xf32> to vector<12544xf32>
    %swap3A_239 = vector.shape_cast %get3A_233 : vector<12544xf32> to vector<1x1x12544xf32>
    tpu.vector_store %arg5[%swap3A_234, %swap3A_235, %swap3A_236], %swap3A_239 {strides = array<i32>} : memref<1x8x12544xf32, #tpu.memory_space<vmem>>, vector<1x1x12544xf32>,
    %get3A_240 = arith.constant 0 : index
    %get3A_241 = arith.constant 2 : index
    %get3A_242 = arith.constant 75264 : index
    %get3A_243 = vector.load %arg1[%get3A_240, %get3A_241, %get3A_242] : memref<1x16x100000xf32, #tpu.memory_space<vmem>>, vector<1x1x12544xf32>
    %get3A_244 = vector.shape_cast %get3A_243 : vector<1x1x12544xf32> to vector<12544xf32>
    %swap3A_245 = arith.constant 0 : index
    %swap3A_246 = arith.constant 6 : index
    %swap3A_247 = arith.constant 0 : index
    %swap3A_248 = vector.load %arg5[%swap3A_245, %swap3A_246, %swap3A_247] : memref<1x8x12544xf32, #tpu.memory_space<vmem>>, vector<1x1x12544xf32>
    %swap3A_249 = vector.shape_cast %swap3A_248 : vector<1x1x12544xf32> to vector<12544xf32>
    %swap3A_250 = vector.shape_cast %get3A_244 : vector<12544xf32> to vector<1x1x12544xf32>
    tpu.vector_store %arg5[%swap3A_245, %swap3A_246, %swap3A_247], %swap3A_250 {strides = array<i32>} : memref<1x8x12544xf32, #tpu.memory_space<vmem>>, vector<1x1x12544xf32>,
    %get3A_251 = arith.constant 0 : index
    %get3A_252 = arith.constant 2 : index
    %get3A_253 = arith.constant 87808 : index
    %get3A_254 = vector.load %arg1[%get3A_251, %get3A_252, %get3A_253] : memref<1x16x100000xf32, #tpu.memory_space<vmem>>, vector<1x1x12192xf32>
    %get3A_255 = vector.shape_cast %get3A_254 : vector<1x1x12192xf32> to vector<12192xf32>
    %swap3A_256 = arith.constant 0 : index
    %swap3A_257 = arith.constant 7 : index
    %swap3A_258 = arith.constant 0 : index
    %swap3A_259 = vector.load %arg5[%swap3A_256, %swap3A_257, %swap3A_258] : memref<1x8x12544xf32, #tpu.memory_space<vmem>>, vector<1x1x12192xf32>
    %swap3A_260 = vector.shape_cast %swap3A_259 : vector<1x1x12192xf32> to vector<12192xf32>
    %swap3A_261 = vector.shape_cast %get3A_255 : vector<12192xf32> to vector<1x1x12192xf32>
    tpu.vector_store %arg5[%swap3A_256, %swap3A_257, %swap3A_258], %swap3A_261 {strides = array<i32>} : memref<1x8x12544xf32, #tpu.memory_space<vmem>>, vector<1x1x12192xf32>,
    %get3A_262 = arith.constant 0 : index
    %get3A_263 = arith.constant 3 : index
    %get3A_264 = arith.constant 0 : index
    %get3A_265 = vector.load %arg1[%get3A_262, %get3A_263, %get3A_264] : memref<1x16x100000xf32, #tpu.memory_space<vmem>>, vector<1x1x12544xf32>
    %get3A_266 = vector.shape_cast %get3A_265 : vector<1x1x12544xf32> to vector<12544xf32>
    %swap3A_267 = arith.constant 0 : index
    %swap3A_268 = arith.constant 0 : index
    %swap3A_269 = arith.constant 0 : index
    %swap3A_270 = vector.load %arg6[%swap3A_267, %swap3A_268, %swap3A_269] : memref<1x8x12544xf32, #tpu.memory_space<vmem>>, vector<1x1x12544xf32>
    %swap3A_271 = vector.shape_cast %swap3A_270 : vector<1x1x12544xf32> to vector<12544xf32>
    %swap3A_272 = vector.shape_cast %get3A_266 : vector<12544xf32> to vector<1x1x12544xf32>
    tpu.vector_store %arg6[%swap3A_267, %swap3A_268, %swap3A_269], %swap3A_272 {strides = array<i32>} : memref<1x8x12544xf32, #tpu.memory_space<vmem>>, vector<1x1x12544xf32>,
    %get3A_273 = arith.constant 0 : index
    %get3A_274 = arith.constant 3 : index
    %get3A_275 = arith.constant 12544 : index
    %get3A_276 = vector.load %arg1[%get3A_273, %get3A_274, %get3A_275] : memref<1x16x100000xf32, #tpu.memory_space<vmem>>, vector<1x1x12544xf32>
    %get3A_277 = vector.shape_cast %get3A_276 : vector<1x1x12544xf32> to vector<12544xf32>
    %swap3A_278 = arith.constant 0 : index
    %swap3A_279 = arith.constant 1 : index
    %swap3A_280 = arith.constant 0 : index
    %swap3A_281 = vector.load %arg6[%swap3A_278, %swap3A_279, %swap3A_280] : memref<1x8x12544xf32, #tpu.memory_space<vmem>>, vector<1x1x12544xf32>
    %swap3A_282 = vector.shape_cast %swap3A_281 : vector<1x1x12544xf32> to vector<12544xf32>
    %swap3A_283 = vector.shape_cast %get3A_277 : vector<12544xf32> to vector<1x1x12544xf32>
    tpu.vector_store %arg6[%swap3A_278, %swap3A_279, %swap3A_280], %swap3A_283 {strides = array<i32>} : memref<1x8x12544xf32, #tpu.memory_space<vmem>>, vector<1x1x12544xf32>,
    %get3A_284 = arith.constant 0 : index
    %get3A_285 = arith.constant 3 : index
    %get3A_286 = arith.constant 25088 : index
    %get3A_287 = vector.load %arg1[%get3A_284, %get3A_285, %get3A_286] : memref<1x16x100000xf32, #tpu.memory_space<vmem>>, vector<1x1x12544xf32>
    %get3A_288 = vector.shape_cast %get3A_287 : vector<1x1x12544xf32> to vector<12544xf32>
    %swap3A_289 = arith.constant 0 : index
    %swap3A_290 = arith.constant 2 : index
    %swap3A_291 = arith.constant 0 : index
    %swap3A_292 = vector.load %arg6[%swap3A_289, %swap3A_290, %swap3A_291] : memref<1x8x12544xf32, #tpu.memory_space<vmem>>, vector<1x1x12544xf32>
    %swap3A_293 = vector.shape_cast %swap3A_292 : vector<1x1x12544xf32> to vector<12544xf32>
    %swap3A_294 = vector.shape_cast %get3A_288 : vector<12544xf32> to vector<1x1x12544xf32>
    tpu.vector_store %arg6[%swap3A_289, %swap3A_290, %swap3A_291], %swap3A_294 {strides = array<i32>} : memref<1x8x12544xf32, #tpu.memory_space<vmem>>, vector<1x1x12544xf32>,
    %get3A_295 = arith.constant 0 : index
    %get3A_296 = arith.constant 3 : index
    %get3A_297 = arith.constant 37632 : index
    %get3A_298 = vector.load %arg1[%get3A_295, %get3A_296, %get3A_297] : memref<1x16x100000xf32, #tpu.memory_space<vmem>>, vector<1x1x12544xf32>
    %get3A_299 = vector.shape_cast %get3A_298 : vector<1x1x12544xf32> to vector<12544xf32>
    %swap3A_300 = arith.constant 0 : index
    %swap3A_301 = arith.constant 3 : index
    %swap3A_302 = arith.constant 0 : index
    %swap3A_303 = vector.load %arg6[%swap3A_300, %swap3A_301, %swap3A_302] : memref<1x8x12544xf32, #tpu.memory_space<vmem>>, vector<1x1x12544xf32>
    %swap3A_304 = vector.shape_cast %swap3A_303 : vector<1x1x12544xf32> to vector<12544xf32>
    %swap3A_305 = vector.shape_cast %get3A_299 : vector<12544xf32> to vector<1x1x12544xf32>
    tpu.vector_store %arg6[%swap3A_300, %swap3A_301, %swap3A_302], %swap3A_305 {strides = array<i32>} : memref<1x8x12544xf32, #tpu.memory_space<vmem>>, vector<1x1x12544xf32>,
    %get3A_306 = arith.constant 0 : index
    %get3A_307 = arith.constant 3 : index
    %get3A_308 = arith.constant 50176 : index
    %get3A_309 = vector.load %arg1[%get3A_306, %get3A_307, %get3A_308] : memref<1x16x100000xf32, #tpu.memory_space<vmem>>, vector<1x1x12544xf32>
    %get3A_310 = vector.shape_cast %get3A_309 : vector<1x1x12544xf32> to vector<12544xf32>
    %swap3A_311 = arith.constant 0 : index
    %swap3A_312 = arith.constant 4 : index
    %swap3A_313 = arith.constant 0 : index
    %swap3A_314 = vector.load %arg6[%swap3A_311, %swap3A_312, %swap3A_313] : memref<1x8x12544xf32, #tpu.memory_space<vmem>>, vector<1x1x12544xf32>
    %swap3A_315 = vector.shape_cast %swap3A_314 : vector<1x1x12544xf32> to vector<12544xf32>
    %swap3A_316 = vector.shape_cast %get3A_310 : vector<12544xf32> to vector<1x1x12544xf32>
    tpu.vector_store %arg6[%swap3A_311, %swap3A_312, %swap3A_313], %swap3A_316 {strides = array<i32>} : memref<1x8x12544xf32, #tpu.memory_space<vmem>>, vector<1x1x12544xf32>,
    %get3A_317 = arith.constant 0 : index
    %get3A_318 = arith.constant 3 : index
    %get3A_319 = arith.constant 62720 : index
    %get3A_320 = vector.load %arg1[%get3A_317, %get3A_318, %get3A_319] : memref<1x16x100000xf32, #tpu.memory_space<vmem>>, vector<1x1x12544xf32>
    %get3A_321 = vector.shape_cast %get3A_320 : vector<1x1x12544xf32> to vector<12544xf32>
    %swap3A_322 = arith.constant 0 : index
    %swap3A_323 = arith.constant 5 : index
    %swap3A_324 = arith.constant 0 : index
    %swap3A_325 = vector.load %arg6[%swap3A_322, %swap3A_323, %swap3A_324] : memref<1x8x12544xf32, #tpu.memory_space<vmem>>, vector<1x1x12544xf32>
    %swap3A_326 = vector.shape_cast %swap3A_325 : vector<1x1x12544xf32> to vector<12544xf32>
    %swap3A_327 = vector.shape_cast %get3A_321 : vector<12544xf32> to vector<1x1x12544xf32>
    tpu.vector_store %arg6[%swap3A_322, %swap3A_323, %swap3A_324], %swap3A_327 {strides = array<i32>} : memref<1x8x12544xf32, #tpu.memory_space<vmem>>, vector<1x1x12544xf32>,
    %get3A_328 = arith.constant 0 : index
    %get3A_329 = arith.constant 3 : index
    %get3A_330 = arith.constant 75264 : index
    %get3A_331 = vector.load %arg1[%get3A_328, %get3A_329, %get3A_330] : memref<1x16x100000xf32, #tpu.memory_space<vmem>>, vector<1x1x12544xf32>
    %get3A_332 = vector.shape_cast %get3A_331 : vector<1x1x12544xf32> to vector<12544xf32>
    %swap3A_333 = arith.constant 0 : index
    %swap3A_334 = arith.constant 6 : index
    %swap3A_335 = arith.constant 0 : index
    %swap3A_336 = vector.load %arg6[%swap3A_333, %swap3A_334, %swap3A_335] : memref<1x8x12544xf32, #tpu.memory_space<vmem>>, vector<1x1x12544xf32>
    %swap3A_337 = vector.shape_cast %swap3A_336 : vector<1x1x12544xf32> to vector<12544xf32>
    %swap3A_338 = vector.shape_cast %get3A_332 : vector<12544xf32> to vector<1x1x12544xf32>
    tpu.vector_store %arg6[%swap3A_333, %swap3A_334, %swap3A_335], %swap3A_338 {strides = array<i32>} : memref<1x8x12544xf32, #tpu.memory_space<vmem>>, vector<1x1x12544xf32>,
    %get3A_339 = arith.constant 0 : index
    %get3A_340 = arith.constant 3 : index
    %get3A_341 = arith.constant 87808 : index
    %get3A_342 = vector.load %arg1[%get3A_339, %get3A_340, %get3A_341] : memref<1x16x100000xf32, #tpu.memory_space<vmem>>, vector<1x1x12192xf32>
    %get3A_343 = vector.shape_cast %get3A_342 : vector<1x1x12192xf32> to vector<12192xf32>
    %swap3A_344 = arith.constant 0 : index
    %swap3A_345 = arith.constant 7 : index
    %swap3A_346 = arith.constant 0 : index
    %swap3A_347 = vector.load %arg6[%swap3A_344, %swap3A_345, %swap3A_346] : memref<1x8x12544xf32, #tpu.memory_space<vmem>>, vector<1x1x12192xf32>
    %swap3A_348 = vector.shape_cast %swap3A_347 : vector<1x1x12192xf32> to vector<12192xf32>
    %swap3A_349 = vector.shape_cast %get3A_343 : vector<12192xf32> to vector<1x1x12192xf32>
    tpu.vector_store %arg6[%swap3A_344, %swap3A_345, %swap3A_346], %swap3A_349 {strides = array<i32>} : memref<1x8x12544xf32, #tpu.memory_space<vmem>>, vector<1x1x12192xf32>,
    %get3A_350 = arith.constant 0 : index
    %get3A_351 = arith.constant 4 : index
    %get3A_352 = arith.constant 0 : index
    %get3A_353 = vector.load %arg1[%get3A_350, %get3A_351, %get3A_352] : memref<1x16x100000xf32, #tpu.memory_space<vmem>>, vector<1x1x12544xf32>
    %get3A_354 = vector.shape_cast %get3A_353 : vector<1x1x12544xf32> to vector<12544xf32>
    %swap3A_355 = arith.constant 0 : index
    %swap3A_356 = arith.constant 0 : index
    %swap3A_357 = arith.constant 0 : index
    %swap3A_358 = vector.load %arg7[%swap3A_355, %swap3A_356, %swap3A_357] : memref<1x8x12544xf32, #tpu.memory_space<vmem>>, vector<1x1x12544xf32>
    %swap3A_359 = vector.shape_cast %swap3A_358 : vector<1x1x12544xf32> to vector<12544xf32>
    %swap3A_360 = vector.shape_cast %get3A_354 : vector<12544xf32> to vector<1x1x12544xf32>
    tpu.vector_store %arg7[%swap3A_355, %swap3A_356, %swap3A_357], %swap3A_360 {strides = array<i32>} : memref<1x8x12544xf32, #tpu.memory_space<vmem>>, vector<1x1x12544xf32>,
    %get3A_361 = arith.constant 0 : index
    %get3A_362 = arith.constant 4 : index
    %get3A_363 = arith.constant 12544 : index
    %get3A_364 = vector.load %arg1[%get3A_361, %get3A_362, %get3A_363] : memref<1x16x100000xf32, #tpu.memory_space<vmem>>, vector<1x1x12544xf32>
    %get3A_365 = vector.shape_cast %get3A_364 : vector<1x1x12544xf32> to vector<12544xf32>
    %swap3A_366 = arith.constant 0 : index
    %swap3A_367 = arith.constant 1 : index
    %swap3A_368 = arith.constant 0 : index
    %swap3A_369 = vector.load %arg7[%swap3A_366, %swap3A_367, %swap3A_368] : memref<1x8x12544xf32, #tpu.memory_space<vmem>>, vector<1x1x12544xf32>
    %swap3A_370 = vector.shape_cast %swap3A_369 : vector<1x1x12544xf32> to vector<12544xf32>
    %swap3A_371 = vector.shape_cast %get3A_365 : vector<12544xf32> to vector<1x1x12544xf32>
    tpu.vector_store %arg7[%swap3A_366, %swap3A_367, %swap3A_368], %swap3A_371 {strides = array<i32>} : memref<1x8x12544xf32, #tpu.memory_space<vmem>>, vector<1x1x12544xf32>,
    %get3A_372 = arith.constant 0 : index
    %get3A_373 = arith.constant 4 : index
    %get3A_374 = arith.constant 25088 : index
    %get3A_375 = vector.load %arg1[%get3A_372, %get3A_373, %get3A_374] : memref<1x16x100000xf32, #tpu.memory_space<vmem>>, vector<1x1x12544xf32>
    %get3A_376 = vector.shape_cast %get3A_375 : vector<1x1x12544xf32> to vector<12544xf32>
    %swap3A_377 = arith.constant 0 : index
    %swap3A_378 = arith.constant 2 : index
    %swap3A_379 = arith.constant 0 : index
    %swap3A_380 = vector.load %arg7[%swap3A_377, %swap3A_378, %swap3A_379] : memref<1x8x12544xf32, #tpu.memory_space<vmem>>, vector<1x1x12544xf32>
    %swap3A_381 = vector.shape_cast %swap3A_380 : vector<1x1x12544xf32> to vector<12544xf32>
    %swap3A_382 = vector.shape_cast %get3A_376 : vector<12544xf32> to vector<1x1x12544xf32>
    tpu.vector_store %arg7[%swap3A_377, %swap3A_378, %swap3A_379], %swap3A_382 {strides = array<i32>} : memref<1x8x12544xf32, #tpu.memory_space<vmem>>, vector<1x1x12544xf32>,
    %get3A_383 = arith.constant 0 : index
    %get3A_384 = arith.constant 4 : index
    %get3A_385 = arith.constant 37632 : index
    %get3A_386 = vector.load %arg1[%get3A_383, %get3A_384, %get3A_385] : memref<1x16x100000xf32, #tpu.memory_space<vmem>>, vector<1x1x12544xf32>
    %get3A_387 = vector.shape_cast %get3A_386 : vector<1x1x12544xf32> to vector<12544xf32>
    %swap3A_388 = arith.constant 0 : index
    %swap3A_389 = arith.constant 3 : index
    %swap3A_390 = arith.constant 0 : index
    %swap3A_391 = vector.load %arg7[%swap3A_388, %swap3A_389, %swap3A_390] : memref<1x8x12544xf32, #tpu.memory_space<vmem>>, vector<1x1x12544xf32>
    %swap3A_392 = vector.shape_cast %swap3A_391 : vector<1x1x12544xf32> to vector<12544xf32>
    %swap3A_393 = vector.shape_cast %get3A_387 : vector<12544xf32> to vector<1x1x12544xf32>
    tpu.vector_store %arg7[%swap3A_388, %swap3A_389, %swap3A_390], %swap3A_393 {strides = array<i32>} : memref<1x8x12544xf32, #tpu.memory_space<vmem>>, vector<1x1x12544xf32>,
    %get3A_394 = arith.constant 0 : index
    %get3A_395 = arith.constant 4 : index
    %get3A_396 = arith.constant 50176 : index
    %get3A_397 = vector.load %arg1[%get3A_394, %get3A_395, %get3A_396] : memref<1x16x100000xf32, #tpu.memory_space<vmem>>, vector<1x1x12544xf32>
    %get3A_398 = vector.shape_cast %get3A_397 : vector<1x1x12544xf32> to vector<12544xf32>
    %swap3A_399 = arith.constant 0 : index
    %swap3A_400 = arith.constant 4 : index
    %swap3A_401 = arith.constant 0 : index
    %swap3A_402 = vector.load %arg7[%swap3A_399, %swap3A_400, %swap3A_401] : memref<1x8x12544xf32, #tpu.memory_space<vmem>>, vector<1x1x12544xf32>
    %swap3A_403 = vector.shape_cast %swap3A_402 : vector<1x1x12544xf32> to vector<12544xf32>
    %swap3A_404 = vector.shape_cast %get3A_398 : vector<12544xf32> to vector<1x1x12544xf32>
    tpu.vector_store %arg7[%swap3A_399, %swap3A_400, %swap3A_401], %swap3A_404 {strides = array<i32>} : memref<1x8x12544xf32, #tpu.memory_space<vmem>>, vector<1x1x12544xf32>,
    %get3A_405 = arith.constant 0 : index
    %get3A_406 = arith.constant 4 : index
    %get3A_407 = arith.constant 62720 : index
    %get3A_408 = vector.load %arg1[%get3A_405, %get3A_406, %get3A_407] : memref<1x16x100000xf32, #tpu.memory_space<vmem>>, vector<1x1x12544xf32>
    %get3A_409 = vector.shape_cast %get3A_408 : vector<1x1x12544xf32> to vector<12544xf32>
    %swap3A_410 = arith.constant 0 : index
    %swap3A_411 = arith.constant 5 : index
    %swap3A_412 = arith.constant 0 : index
    %swap3A_413 = vector.load %arg7[%swap3A_410, %swap3A_411, %swap3A_412] : memref<1x8x12544xf32, #tpu.memory_space<vmem>>, vector<1x1x12544xf32>
    %swap3A_414 = vector.shape_cast %swap3A_413 : vector<1x1x12544xf32> to vector<12544xf32>
    %swap3A_415 = vector.shape_cast %get3A_409 : vector<12544xf32> to vector<1x1x12544xf32>
    tpu.vector_store %arg7[%swap3A_410, %swap3A_411, %swap3A_412], %swap3A_415 {strides = array<i32>} : memref<1x8x12544xf32, #tpu.memory_space<vmem>>, vector<1x1x12544xf32>,
    %get3A_416 = arith.constant 0 : index
    %get3A_417 = arith.constant 4 : index
    %get3A_418 = arith.constant 75264 : index
    %get3A_419 = vector.load %arg1[%get3A_416, %get3A_417, %get3A_418] : memref<1x16x100000xf32, #tpu.memory_space<vmem>>, vector<1x1x12544xf32>
    %get3A_420 = vector.shape_cast %get3A_419 : vector<1x1x12544xf32> to vector<12544xf32>
    %swap3A_421 = arith.constant 0 : index
    %swap3A_422 = arith.constant 6 : index
    %swap3A_423 = arith.constant 0 : index
    %swap3A_424 = vector.load %arg7[%swap3A_421, %swap3A_422, %swap3A_423] : memref<1x8x12544xf32, #tpu.memory_space<vmem>>, vector<1x1x12544xf32>
    %swap3A_425 = vector.shape_cast %swap3A_424 : vector<1x1x12544xf32> to vector<12544xf32>
    %swap3A_426 = vector.shape_cast %get3A_420 : vector<12544xf32> to vector<1x1x12544xf32>
    tpu.vector_store %arg7[%swap3A_421, %swap3A_422, %swap3A_423], %swap3A_426 {strides = array<i32>} : memref<1x8x12544xf32, #tpu.memory_space<vmem>>, vector<1x1x12544xf32>,
    %get3A_427 = arith.constant 0 : index
    %get3A_428 = arith.constant 4 : index
    %get3A_429 = arith.constant 87808 : index
    %get3A_430 = vector.load %arg1[%get3A_427, %get3A_428, %get3A_429] : memref<1x16x100000xf32, #tpu.memory_space<vmem>>, vector<1x1x12192xf32>
    %get3A_431 = vector.shape_cast %get3A_430 : vector<1x1x12192xf32> to vector<12192xf32>
    %swap3A_432 = arith.constant 0 : index
    %swap3A_433 = arith.constant 7 : index
    %swap3A_434 = arith.constant 0 : index
    %swap3A_435 = vector.load %arg7[%swap3A_432, %swap3A_433, %swap3A_434] : memref<1x8x12544xf32, #tpu.memory_space<vmem>>, vector<1x1x12192xf32>
    %swap3A_436 = vector.shape_cast %swap3A_435 : vector<1x1x12192xf32> to vector<12192xf32>
    %swap3A_437 = vector.shape_cast %get3A_431 : vector<12192xf32> to vector<1x1x12192xf32>
    tpu.vector_store %arg7[%swap3A_432, %swap3A_433, %swap3A_434], %swap3A_437 {strides = array<i32>} : memref<1x8x12544xf32, #tpu.memory_space<vmem>>, vector<1x1x12192xf32>,
    %get3A_438 = arith.constant 0 : index
    %get3A_439 = arith.constant 5 : index
    %get3A_440 = arith.constant 0 : index
    %get3A_441 = vector.load %arg1[%get3A_438, %get3A_439, %get3A_440] : memref<1x16x100000xf32, #tpu.memory_space<vmem>>, vector<1x1x12544xf32>
    %get3A_442 = vector.shape_cast %get3A_441 : vector<1x1x12544xf32> to vector<12544xf32>
    %swap3A_443 = arith.constant 0 : index
    %swap3A_444 = arith.constant 0 : index
    %swap3A_445 = arith.constant 0 : index
    %swap3A_446 = vector.load %arg8[%swap3A_443, %swap3A_444, %swap3A_445] : memref<1x8x12544xf32, #tpu.memory_space<vmem>>, vector<1x1x12544xf32>
    %swap3A_447 = vector.shape_cast %swap3A_446 : vector<1x1x12544xf32> to vector<12544xf32>
    %swap3A_448 = vector.shape_cast %get3A_442 : vector<12544xf32> to vector<1x1x12544xf32>
    tpu.vector_store %arg8[%swap3A_443, %swap3A_444, %swap3A_445], %swap3A_448 {strides = array<i32>} : memref<1x8x12544xf32, #tpu.memory_space<vmem>>, vector<1x1x12544xf32>,
    %get3A_449 = arith.constant 0 : index
    %get3A_450 = arith.constant 5 : index
    %get3A_451 = arith.constant 12544 : index
    %get3A_452 = vector.load %arg1[%get3A_449, %get3A_450, %get3A_451] : memref<1x16x100000xf32, #tpu.memory_space<vmem>>, vector<1x1x12544xf32>
    %get3A_453 = vector.shape_cast %get3A_452 : vector<1x1x12544xf32> to vector<12544xf32>
    %swap3A_454 = arith.constant 0 : index
    %swap3A_455 = arith.constant 1 : index
    %swap3A_456 = arith.constant 0 : index
    %swap3A_457 = vector.load %arg8[%swap3A_454, %swap3A_455, %swap3A_456] : memref<1x8x12544xf32, #tpu.memory_space<vmem>>, vector<1x1x12544xf32>
    %swap3A_458 = vector.shape_cast %swap3A_457 : vector<1x1x12544xf32> to vector<12544xf32>
    %swap3A_459 = vector.shape_cast %get3A_453 : vector<12544xf32> to vector<1x1x12544xf32>
    tpu.vector_store %arg8[%swap3A_454, %swap3A_455, %swap3A_456], %swap3A_459 {strides = array<i32>} : memref<1x8x12544xf32, #tpu.memory_space<vmem>>, vector<1x1x12544xf32>,
    %get3A_460 = arith.constant 0 : index
    %get3A_461 = arith.constant 5 : index
    %get3A_462 = arith.constant 25088 : index
    %get3A_463 = vector.load %arg1[%get3A_460, %get3A_461, %get3A_462] : memref<1x16x100000xf32, #tpu.memory_space<vmem>>, vector<1x1x12544xf32>
    %get3A_464 = vector.shape_cast %get3A_463 : vector<1x1x12544xf32> to vector<12544xf32>
    %swap3A_465 = arith.constant 0 : index
    %swap3A_466 = arith.constant 2 : index
    %swap3A_467 = arith.constant 0 : index
    %swap3A_468 = vector.load %arg8[%swap3A_465, %swap3A_466, %swap3A_467] : memref<1x8x12544xf32, #tpu.memory_space<vmem>>, vector<1x1x12544xf32>
    %swap3A_469 = vector.shape_cast %swap3A_468 : vector<1x1x12544xf32> to vector<12544xf32>
    %swap3A_470 = vector.shape_cast %get3A_464 : vector<12544xf32> to vector<1x1x12544xf32>
    tpu.vector_store %arg8[%swap3A_465, %swap3A_466, %swap3A_467], %swap3A_470 {strides = array<i32>} : memref<1x8x12544xf32, #tpu.memory_space<vmem>>, vector<1x1x12544xf32>,
    %get3A_471 = arith.constant 0 : index
    %get3A_472 = arith.constant 5 : index
    %get3A_473 = arith.constant 37632 : index
    %get3A_474 = vector.load %arg1[%get3A_471, %get3A_472, %get3A_473] : memref<1x16x100000xf32, #tpu.memory_space<vmem>>, vector<1x1x12544xf32>
    %get3A_475 = vector.shape_cast %get3A_474 : vector<1x1x12544xf32> to vector<12544xf32>
    %swap3A_476 = arith.constant 0 : index
    %swap3A_477 = arith.constant 3 : index
    %swap3A_478 = arith.constant 0 : index
    %swap3A_479 = vector.load %arg8[%swap3A_476, %swap3A_477, %swap3A_478] : memref<1x8x12544xf32, #tpu.memory_space<vmem>>, vector<1x1x12544xf32>
    %swap3A_480 = vector.shape_cast %swap3A_479 : vector<1x1x12544xf32> to vector<12544xf32>
    %swap3A_481 = vector.shape_cast %get3A_475 : vector<12544xf32> to vector<1x1x12544xf32>
    tpu.vector_store %arg8[%swap3A_476, %swap3A_477, %swap3A_478], %swap3A_481 {strides = array<i32>} : memref<1x8x12544xf32, #tpu.memory_space<vmem>>, vector<1x1x12544xf32>,
    %get3A_482 = arith.constant 0 : index
    %get3A_483 = arith.constant 5 : index
    %get3A_484 = arith.constant 50176 : index
    %get3A_485 = vector.load %arg1[%get3A_482, %get3A_483, %get3A_484] : memref<1x16x100000xf32, #tpu.memory_space<vmem>>, vector<1x1x12544xf32>
    %get3A_486 = vector.shape_cast %get3A_485 : vector<1x1x12544xf32> to vector<12544xf32>
    %swap3A_487 = arith.constant 0 : index
    %swap3A_488 = arith.constant 4 : index
    %swap3A_489 = arith.constant 0 : index
    %swap3A_490 = vector.load %arg8[%swap3A_487, %swap3A_488, %swap3A_489] : memref<1x8x12544xf32, #tpu.memory_space<vmem>>, vector<1x1x12544xf32>
    %swap3A_491 = vector.shape_cast %swap3A_490 : vector<1x1x12544xf32> to vector<12544xf32>
    %swap3A_492 = vector.shape_cast %get3A_486 : vector<12544xf32> to vector<1x1x12544xf32>
    tpu.vector_store %arg8[%swap3A_487, %swap3A_488, %swap3A_489], %swap3A_492 {strides = array<i32>} : memref<1x8x12544xf32, #tpu.memory_space<vmem>>, vector<1x1x12544xf32>,
    %get3A_493 = arith.constant 0 : index
    %get3A_494 = arith.constant 5 : index
    %get3A_495 = arith.constant 62720 : index
    %get3A_496 = vector.load %arg1[%get3A_493, %get3A_494, %get3A_495] : memref<1x16x100000xf32, #tpu.memory_space<vmem>>, vector<1x1x12544xf32>
    %get3A_497 = vector.shape_cast %get3A_496 : vector<1x1x12544xf32> to vector<12544xf32>
    %swap3A_498 = arith.constant 0 : index
    %swap3A_499 = arith.constant 5 : index
    %swap3A_500 = arith.constant 0 : index
    %swap3A_501 = vector.load %arg8[%swap3A_498, %swap3A_499, %swap3A_500] : memref<1x8x12544xf32, #tpu.memory_space<vmem>>, vector<1x1x12544xf32>
    %swap3A_502 = vector.shape_cast %swap3A_501 : vector<1x1x12544xf32> to vector<12544xf32>
    %swap3A_503 = vector.shape_cast %get3A_497 : vector<12544xf32> to vector<1x1x12544xf32>
    tpu.vector_store %arg8[%swap3A_498, %swap3A_499, %swap3A_500], %swap3A_503 {strides = array<i32>} : memref<1x8x12544xf32, #tpu.memory_space<vmem>>, vector<1x1x12544xf32>,
    %get3A_504 = arith.constant 0 : index
    %get3A_505 = arith.constant 5 : index
    %get3A_506 = arith.constant 75264 : index
    %get3A_507 = vector.load %arg1[%get3A_504, %get3A_505, %get3A_506] : memref<1x16x100000xf32, #tpu.memory_space<vmem>>, vector<1x1x12544xf32>
    %get3A_508 = vector.shape_cast %get3A_507 : vector<1x1x12544xf32> to vector<12544xf32>
    %swap3A_509 = arith.constant 0 : index
    %swap3A_510 = arith.constant 6 : index
    %swap3A_511 = arith.constant 0 : index
    %swap3A_512 = vector.load %arg8[%swap3A_509, %swap3A_510, %swap3A_511] : memref<1x8x12544xf32, #tpu.memory_space<vmem>>, vector<1x1x12544xf32>
    %swap3A_513 = vector.shape_cast %swap3A_512 : vector<1x1x12544xf32> to vector<12544xf32>
    %swap3A_514 = vector.shape_cast %get3A_508 : vector<12544xf32> to vector<1x1x12544xf32>
    tpu.vector_store %arg8[%swap3A_509, %swap3A_510, %swap3A_511], %swap3A_514 {strides = array<i32>} : memref<1x8x12544xf32, #tpu.memory_space<vmem>>, vector<1x1x12544xf32>,
    %get3A_515 = arith.constant 0 : index
    %get3A_516 = arith.constant 5 : index
    %get3A_517 = arith.constant 87808 : index
    %get3A_518 = vector.load %arg1[%get3A_515, %get3A_516, %get3A_517] : memref<1x16x100000xf32, #tpu.memory_space<vmem>>, vector<1x1x12192xf32>
    %get3A_519 = vector.shape_cast %get3A_518 : vector<1x1x12192xf32> to vector<12192xf32>
    %swap3A_520 = arith.constant 0 : index
    %swap3A_521 = arith.constant 7 : index
    %swap3A_522 = arith.constant 0 : index
    %swap3A_523 = vector.load %arg8[%swap3A_520, %swap3A_521, %swap3A_522] : memref<1x8x12544xf32, #tpu.memory_space<vmem>>, vector<1x1x12192xf32>
    %swap3A_524 = vector.shape_cast %swap3A_523 : vector<1x1x12192xf32> to vector<12192xf32>
    %swap3A_525 = vector.shape_cast %get3A_519 : vector<12192xf32> to vector<1x1x12192xf32>
    tpu.vector_store %arg8[%swap3A_520, %swap3A_521, %swap3A_522], %swap3A_525 {strides = array<i32>} : memref<1x8x12544xf32, #tpu.memory_space<vmem>>, vector<1x1x12192xf32>,
    %get3A_526 = arith.constant 0 : index
    %get3A_527 = arith.constant 6 : index
    %get3A_528 = arith.constant 0 : index
    %get3A_529 = vector.load %arg1[%get3A_526, %get3A_527, %get3A_528] : memref<1x16x100000xf32, #tpu.memory_space<vmem>>, vector<1x1x12544xf32>
    %get3A_530 = vector.shape_cast %get3A_529 : vector<1x1x12544xf32> to vector<12544xf32>
    %swap3A_531 = arith.constant 0 : index
    %swap3A_532 = arith.constant 0 : index
    %swap3A_533 = arith.constant 0 : index
    %swap3A_534 = vector.load %arg9[%swap3A_531, %swap3A_532, %swap3A_533] : memref<1x8x12544xf32, #tpu.memory_space<vmem>>, vector<1x1x12544xf32>
    %swap3A_535 = vector.shape_cast %swap3A_534 : vector<1x1x12544xf32> to vector<12544xf32>
    %swap3A_536 = vector.shape_cast %get3A_530 : vector<12544xf32> to vector<1x1x12544xf32>
    tpu.vector_store %arg9[%swap3A_531, %swap3A_532, %swap3A_533], %swap3A_536 {strides = array<i32>} : memref<1x8x12544xf32, #tpu.memory_space<vmem>>, vector<1x1x12544xf32>,
    %get3A_537 = arith.constant 0 : index
    %get3A_538 = arith.constant 6 : index
    %get3A_539 = arith.constant 12544 : index
    %get3A_540 = vector.load %arg1[%get3A_537, %get3A_538, %get3A_539] : memref<1x16x100000xf32, #tpu.memory_space<vmem>>, vector<1x1x12544xf32>
    %get3A_541 = vector.shape_cast %get3A_540 : vector<1x1x12544xf32> to vector<12544xf32>
    %swap3A_542 = arith.constant 0 : index
    %swap3A_543 = arith.constant 1 : index
    %swap3A_544 = arith.constant 0 : index
    %swap3A_545 = vector.load %arg9[%swap3A_542, %swap3A_543, %swap3A_544] : memref<1x8x12544xf32, #tpu.memory_space<vmem>>, vector<1x1x12544xf32>
    %swap3A_546 = vector.shape_cast %swap3A_545 : vector<1x1x12544xf32> to vector<12544xf32>
    %swap3A_547 = vector.shape_cast %get3A_541 : vector<12544xf32> to vector<1x1x12544xf32>
    tpu.vector_store %arg9[%swap3A_542, %swap3A_543, %swap3A_544], %swap3A_547 {strides = array<i32>} : memref<1x8x12544xf32, #tpu.memory_space<vmem>>, vector<1x1x12544xf32>,
    %get3A_548 = arith.constant 0 : index
    %get3A_549 = arith.constant 6 : index
    %get3A_550 = arith.constant 25088 : index
    %get3A_551 = vector.load %arg1[%get3A_548, %get3A_549, %get3A_550] : memref<1x16x100000xf32, #tpu.memory_space<vmem>>, vector<1x1x12544xf32>
    %get3A_552 = vector.shape_cast %get3A_551 : vector<1x1x12544xf32> to vector<12544xf32>
    %swap3A_553 = arith.constant 0 : index
    %swap3A_554 = arith.constant 2 : index
    %swap3A_555 = arith.constant 0 : index
    %swap3A_556 = vector.load %arg9[%swap3A_553, %swap3A_554, %swap3A_555] : memref<1x8x12544xf32, #tpu.memory_space<vmem>>, vector<1x1x12544xf32>
    %swap3A_557 = vector.shape_cast %swap3A_556 : vector<1x1x12544xf32> to vector<12544xf32>
    %swap3A_558 = vector.shape_cast %get3A_552 : vector<12544xf32> to vector<1x1x12544xf32>
    tpu.vector_store %arg9[%swap3A_553, %swap3A_554, %swap3A_555], %swap3A_558 {strides = array<i32>} : memref<1x8x12544xf32, #tpu.memory_space<vmem>>, vector<1x1x12544xf32>,
    %get3A_559 = arith.constant 0 : index
    %get3A_560 = arith.constant 6 : index
    %get3A_561 = arith.constant 37632 : index
    %get3A_562 = vector.load %arg1[%get3A_559, %get3A_560, %get3A_561] : memref<1x16x100000xf32, #tpu.memory_space<vmem>>, vector<1x1x12544xf32>
    %get3A_563 = vector.shape_cast %get3A_562 : vector<1x1x12544xf32> to vector<12544xf32>
    %swap3A_564 = arith.constant 0 : index
    %swap3A_565 = arith.constant 3 : index
    %swap3A_566 = arith.constant 0 : index
    %swap3A_567 = vector.load %arg9[%swap3A_564, %swap3A_565, %swap3A_566] : memref<1x8x12544xf32, #tpu.memory_space<vmem>>, vector<1x1x12544xf32>
    %swap3A_568 = vector.shape_cast %swap3A_567 : vector<1x1x12544xf32> to vector<12544xf32>
    %swap3A_569 = vector.shape_cast %get3A_563 : vector<12544xf32> to vector<1x1x12544xf32>
    tpu.vector_store %arg9[%swap3A_564, %swap3A_565, %swap3A_566], %swap3A_569 {strides = array<i32>} : memref<1x8x12544xf32, #tpu.memory_space<vmem>>, vector<1x1x12544xf32>,
    %get3A_570 = arith.constant 0 : index
    %get3A_571 = arith.constant 6 : index
    %get3A_572 = arith.constant 50176 : index
    %get3A_573 = vector.load %arg1[%get3A_570, %get3A_571, %get3A_572] : memref<1x16x100000xf32, #tpu.memory_space<vmem>>, vector<1x1x12544xf32>
    %get3A_574 = vector.shape_cast %get3A_573 : vector<1x1x12544xf32> to vector<12544xf32>
    %swap3A_575 = arith.constant 0 : index
    %swap3A_576 = arith.constant 4 : index
    %swap3A_577 = arith.constant 0 : index
    %swap3A_578 = vector.load %arg9[%swap3A_575, %swap3A_576, %swap3A_577] : memref<1x8x12544xf32, #tpu.memory_space<vmem>>, vector<1x1x12544xf32>
    %swap3A_579 = vector.shape_cast %swap3A_578 : vector<1x1x12544xf32> to vector<12544xf32>
    %swap3A_580 = vector.shape_cast %get3A_574 : vector<12544xf32> to vector<1x1x12544xf32>
    tpu.vector_store %arg9[%swap3A_575, %swap3A_576, %swap3A_577], %swap3A_580 {strides = array<i32>} : memref<1x8x12544xf32, #tpu.memory_space<vmem>>, vector<1x1x12544xf32>,
    %get3A_581 = arith.constant 0 : index
    %get3A_582 = arith.constant 6 : index
    %get3A_583 = arith.constant 62720 : index
    %get3A_584 = vector.load %arg1[%get3A_581, %get3A_582, %get3A_583] : memref<1x16x100000xf32, #tpu.memory_space<vmem>>, vector<1x1x12544xf32>
    %get3A_585 = vector.shape_cast %get3A_584 : vector<1x1x12544xf32> to vector<12544xf32>
    %swap3A_586 = arith.constant 0 : index
    %swap3A_587 = arith.constant 5 : index
    %swap3A_588 = arith.constant 0 : index
    %swap3A_589 = vector.load %arg9[%swap3A_586, %swap3A_587, %swap3A_588] : memref<1x8x12544xf32, #tpu.memory_space<vmem>>, vector<1x1x12544xf32>
    %swap3A_590 = vector.shape_cast %swap3A_589 : vector<1x1x12544xf32> to vector<12544xf32>
    %swap3A_591 = vector.shape_cast %get3A_585 : vector<12544xf32> to vector<1x1x12544xf32>
    tpu.vector_store %arg9[%swap3A_586, %swap3A_587, %swap3A_588], %swap3A_591 {strides = array<i32>} : memref<1x8x12544xf32, #tpu.memory_space<vmem>>, vector<1x1x12544xf32>,
    %get3A_592 = arith.constant 0 : index
    %get3A_593 = arith.constant 6 : index
    %get3A_594 = arith.constant 75264 : index
    %get3A_595 = vector.load %arg1[%get3A_592, %get3A_593, %get3A_594] : memref<1x16x100000xf32, #tpu.memory_space<vmem>>, vector<1x1x12544xf32>
    %get3A_596 = vector.shape_cast %get3A_595 : vector<1x1x12544xf32> to vector<12544xf32>
    %swap3A_597 = arith.constant 0 : index
    %swap3A_598 = arith.constant 6 : index
    %swap3A_599 = arith.constant 0 : index
    %swap3A_600 = vector.load %arg9[%swap3A_597, %swap3A_598, %swap3A_599] : memref<1x8x12544xf32, #tpu.memory_space<vmem>>, vector<1x1x12544xf32>
    %swap3A_601 = vector.shape_cast %swap3A_600 : vector<1x1x12544xf32> to vector<12544xf32>
    %swap3A_602 = vector.shape_cast %get3A_596 : vector<12544xf32> to vector<1x1x12544xf32>
    tpu.vector_store %arg9[%swap3A_597, %swap3A_598, %swap3A_599], %swap3A_602 {strides = array<i32>} : memref<1x8x12544xf32, #tpu.memory_space<vmem>>, vector<1x1x12544xf32>,
    %get3A_603 = arith.constant 0 : index
    %get3A_604 = arith.constant 6 : index
    %get3A_605 = arith.constant 87808 : index
    %get3A_606 = vector.load %arg1[%get3A_603, %get3A_604, %get3A_605] : memref<1x16x100000xf32, #tpu.memory_space<vmem>>, vector<1x1x12192xf32>
    %get3A_607 = vector.shape_cast %get3A_606 : vector<1x1x12192xf32> to vector<12192xf32>
    %swap3A_608 = arith.constant 0 : index
    %swap3A_609 = arith.constant 7 : index
    %swap3A_610 = arith.constant 0 : index
    %swap3A_611 = vector.load %arg9[%swap3A_608, %swap3A_609, %swap3A_610] : memref<1x8x12544xf32, #tpu.memory_space<vmem>>, vector<1x1x12192xf32>
    %swap3A_612 = vector.shape_cast %swap3A_611 : vector<1x1x12192xf32> to vector<12192xf32>
    %swap3A_613 = vector.shape_cast %get3A_607 : vector<12192xf32> to vector<1x1x12192xf32>
    tpu.vector_store %arg9[%swap3A_608, %swap3A_609, %swap3A_610], %swap3A_613 {strides = array<i32>} : memref<1x8x12544xf32, #tpu.memory_space<vmem>>, vector<1x1x12192xf32>,
    %get3A_614 = arith.constant 0 : index
    %get3A_615 = arith.constant 7 : index
    %get3A_616 = arith.constant 0 : index
    %get3A_617 = vector.load %arg1[%get3A_614, %get3A_615, %get3A_616] : memref<1x16x100000xf32, #tpu.memory_space<vmem>>, vector<1x1x12544xf32>
    %get3A_618 = vector.shape_cast %get3A_617 : vector<1x1x12544xf32> to vector<12544xf32>
    %swap3A_619 = arith.constant 0 : index
    %swap3A_620 = arith.constant 0 : index
    %swap3A_621 = arith.constant 0 : index
    %swap3A_622 = vector.load %arg10[%swap3A_619, %swap3A_620, %swap3A_621] : memref<1x8x12544xf32, #tpu.memory_space<vmem>>, vector<1x1x12544xf32>
    %swap3A_623 = vector.shape_cast %swap3A_622 : vector<1x1x12544xf32> to vector<12544xf32>
    %swap3A_624 = vector.shape_cast %get3A_618 : vector<12544xf32> to vector<1x1x12544xf32>
    tpu.vector_store %arg10[%swap3A_619, %swap3A_620, %swap3A_621], %swap3A_624 {strides = array<i32>} : memref<1x8x12544xf32, #tpu.memory_space<vmem>>, vector<1x1x12544xf32>,
    %get3A_625 = arith.constant 0 : index
    %get3A_626 = arith.constant 7 : index
    %get3A_627 = arith.constant 12544 : index
    %get3A_628 = vector.load %arg1[%get3A_625, %get3A_626, %get3A_627] : memref<1x16x100000xf32, #tpu.memory_space<vmem>>, vector<1x1x12544xf32>
    %get3A_629 = vector.shape_cast %get3A_628 : vector<1x1x12544xf32> to vector<12544xf32>
    %swap3A_630 = arith.constant 0 : index
    %swap3A_631 = arith.constant 1 : index
    %swap3A_632 = arith.constant 0 : index
    %swap3A_633 = vector.load %arg10[%swap3A_630, %swap3A_631, %swap3A_632] : memref<1x8x12544xf32, #tpu.memory_space<vmem>>, vector<1x1x12544xf32>
    %swap3A_634 = vector.shape_cast %swap3A_633 : vector<1x1x12544xf32> to vector<12544xf32>
    %swap3A_635 = vector.shape_cast %get3A_629 : vector<12544xf32> to vector<1x1x12544xf32>
    tpu.vector_store %arg10[%swap3A_630, %swap3A_631, %swap3A_632], %swap3A_635 {strides = array<i32>} : memref<1x8x12544xf32, #tpu.memory_space<vmem>>, vector<1x1x12544xf32>,
    %get3A_636 = arith.constant 0 : index
    %get3A_637 = arith.constant 7 : index
    %get3A_638 = arith.constant 25088 : index
    %get3A_639 = vector.load %arg1[%get3A_636, %get3A_637, %get3A_638] : memref<1x16x100000xf32, #tpu.memory_space<vmem>>, vector<1x1x12544xf32>
    %get3A_640 = vector.shape_cast %get3A_639 : vector<1x1x12544xf32> to vector<12544xf32>
    %swap3A_641 = arith.constant 0 : index
    %swap3A_642 = arith.constant 2 : index
    %swap3A_643 = arith.constant 0 : index
    %swap3A_644 = vector.load %arg10[%swap3A_641, %swap3A_642, %swap3A_643] : memref<1x8x12544xf32, #tpu.memory_space<vmem>>, vector<1x1x12544xf32>
    %swap3A_645 = vector.shape_cast %swap3A_644 : vector<1x1x12544xf32> to vector<12544xf32>
    %swap3A_646 = vector.shape_cast %get3A_640 : vector<12544xf32> to vector<1x1x12544xf32>
    tpu.vector_store %arg10[%swap3A_641, %swap3A_642, %swap3A_643], %swap3A_646 {strides = array<i32>} : memref<1x8x12544xf32, #tpu.memory_space<vmem>>, vector<1x1x12544xf32>,
    %get3A_647 = arith.constant 0 : index
    %get3A_648 = arith.constant 7 : index
    %get3A_649 = arith.constant 37632 : index
    %get3A_650 = vector.load %arg1[%get3A_647, %get3A_648, %get3A_649] : memref<1x16x100000xf32, #tpu.memory_space<vmem>>, vector<1x1x12544xf32>
    %get3A_651 = vector.shape_cast %get3A_650 : vector<1x1x12544xf32> to vector<12544xf32>
    %swap3A_652 = arith.constant 0 : index
    %swap3A_653 = arith.constant 3 : index
    %swap3A_654 = arith.constant 0 : index
    %swap3A_655 = vector.load %arg10[%swap3A_652, %swap3A_653, %swap3A_654] : memref<1x8x12544xf32, #tpu.memory_space<vmem>>, vector<1x1x12544xf32>
    %swap3A_656 = vector.shape_cast %swap3A_655 : vector<1x1x12544xf32> to vector<12544xf32>
    %swap3A_657 = vector.shape_cast %get3A_651 : vector<12544xf32> to vector<1x1x12544xf32>
    tpu.vector_store %arg10[%swap3A_652, %swap3A_653, %swap3A_654], %swap3A_657 {strides = array<i32>} : memref<1x8x12544xf32, #tpu.memory_space<vmem>>, vector<1x1x12544xf32>,
    %get3A_658 = arith.constant 0 : index
    %get3A_659 = arith.constant 7 : index
    %get3A_660 = arith.constant 50176 : index
    %get3A_661 = vector.load %arg1[%get3A_658, %get3A_659, %get3A_660] : memref<1x16x100000xf32, #tpu.memory_space<vmem>>, vector<1x1x12544xf32>
    %get3A_662 = vector.shape_cast %get3A_661 : vector<1x1x12544xf32> to vector<12544xf32>
    %swap3A_663 = arith.constant 0 : index
    %swap3A_664 = arith.constant 4 : index
    %swap3A_665 = arith.constant 0 : index
    %swap3A_666 = vector.load %arg10[%swap3A_663, %swap3A_664, %swap3A_665] : memref<1x8x12544xf32, #tpu.memory_space<vmem>>, vector<1x1x12544xf32>
    %swap3A_667 = vector.shape_cast %swap3A_666 : vector<1x1x12544xf32> to vector<12544xf32>
    %swap3A_668 = vector.shape_cast %get3A_662 : vector<12544xf32> to vector<1x1x12544xf32>
    tpu.vector_store %arg10[%swap3A_663, %swap3A_664, %swap3A_665], %swap3A_668 {strides = array<i32>} : memref<1x8x12544xf32, #tpu.memory_space<vmem>>, vector<1x1x12544xf32>,
    %get3A_669 = arith.constant 0 : index
    %get3A_670 = arith.constant 7 : index
    %get3A_671 = arith.constant 62720 : index
    %get3A_672 = vector.load %arg1[%get3A_669, %get3A_670, %get3A_671] : memref<1x16x100000xf32, #tpu.memory_space<vmem>>, vector<1x1x12544xf32>
    %get3A_673 = vector.shape_cast %get3A_672 : vector<1x1x12544xf32> to vector<12544xf32>
    %swap3A_674 = arith.constant 0 : index
    %swap3A_675 = arith.constant 5 : index
    %swap3A_676 = arith.constant 0 : index
    %swap3A_677 = vector.load %arg10[%swap3A_674, %swap3A_675, %swap3A_676] : memref<1x8x12544xf32, #tpu.memory_space<vmem>>, vector<1x1x12544xf32>
    %swap3A_678 = vector.shape_cast %swap3A_677 : vector<1x1x12544xf32> to vector<12544xf32>
    %swap3A_679 = vector.shape_cast %get3A_673 : vector<12544xf32> to vector<1x1x12544xf32>
    tpu.vector_store %arg10[%swap3A_674, %swap3A_675, %swap3A_676], %swap3A_679 {strides = array<i32>} : memref<1x8x12544xf32, #tpu.memory_space<vmem>>, vector<1x1x12544xf32>,
    %get3A_680 = arith.constant 0 : index
    %get3A_681 = arith.constant 7 : index
    %get3A_682 = arith.constant 75264 : index
    %get3A_683 = vector.load %arg1[%get3A_680, %get3A_681, %get3A_682] : memref<1x16x100000xf32, #tpu.memory_space<vmem>>, vector<1x1x12544xf32>
    %get3A_684 = vector.shape_cast %get3A_683 : vector<1x1x12544xf32> to vector<12544xf32>
    %swap3A_685 = arith.constant 0 : index
    %swap3A_686 = arith.constant 6 : index
    %swap3A_687 = arith.constant 0 : index
    %swap3A_688 = vector.load %arg10[%swap3A_685, %swap3A_686, %swap3A_687] : memref<1x8x12544xf32, #tpu.memory_space<vmem>>, vector<1x1x12544xf32>
    %swap3A_689 = vector.shape_cast %swap3A_688 : vector<1x1x12544xf32> to vector<12544xf32>
    %swap3A_690 = vector.shape_cast %get3A_684 : vector<12544xf32> to vector<1x1x12544xf32>
    tpu.vector_store %arg10[%swap3A_685, %swap3A_686, %swap3A_687], %swap3A_690 {strides = array<i32>} : memref<1x8x12544xf32, #tpu.memory_space<vmem>>, vector<1x1x12544xf32>,
    %get3A_691 = arith.constant 0 : index
    %get3A_692 = arith.constant 7 : index
    %get3A_693 = arith.constant 87808 : index
    %get3A_694 = vector.load %arg1[%get3A_691, %get3A_692, %get3A_693] : memref<1x16x100000xf32, #tpu.memory_space<vmem>>, vector<1x1x12192xf32>
    %get3A_695 = vector.shape_cast %get3A_694 : vector<1x1x12192xf32> to vector<12192xf32>
    %swap3A_696 = arith.constant 0 : index
    %swap3A_697 = arith.constant 7 : index
    %swap3A_698 = arith.constant 0 : index
    %swap3A_699 = vector.load %arg10[%swap3A_696, %swap3A_697, %swap3A_698] : memref<1x8x12544xf32, #tpu.memory_space<vmem>>, vector<1x1x12192xf32>
    %swap3A_700 = vector.shape_cast %swap3A_699 : vector<1x1x12192xf32> to vector<12192xf32>
    %swap3A_701 = vector.shape_cast %get3A_695 : vector<12192xf32> to vector<1x1x12192xf32>
    tpu.vector_store %arg10[%swap3A_696, %swap3A_697, %swap3A_698], %swap3A_701 {strides = array<i32>} : memref<1x8x12544xf32, #tpu.memory_space<vmem>>, vector<1x1x12192xf32>,
    %get3A_702 = arith.constant 0 : index
    %get3A_703 = arith.constant 8 : index
    %get3A_704 = arith.constant 0 : index
    %get3A_705 = vector.load %arg1[%get3A_702, %get3A_703, %get3A_704] : memref<1x16x100000xf32, #tpu.memory_space<vmem>>, vector<1x1x12544xf32>
    %get3A_706 = vector.shape_cast %get3A_705 : vector<1x1x12544xf32> to vector<12544xf32>
    %swap3A_707 = arith.constant 0 : index
    %swap3A_708 = arith.constant 0 : index
    %swap3A_709 = arith.constant 0 : index
    %swap3A_710 = vector.load %arg11[%swap3A_707, %swap3A_708, %swap3A_709] : memref<1x8x12544xf32, #tpu.memory_space<vmem>>, vector<1x1x12544xf32>
    %swap3A_711 = vector.shape_cast %swap3A_710 : vector<1x1x12544xf32> to vector<12544xf32>
    %swap3A_712 = vector.shape_cast %get3A_706 : vector<12544xf32> to vector<1x1x12544xf32>
    tpu.vector_store %arg11[%swap3A_707, %swap3A_708, %swap3A_709], %swap3A_712 {strides = array<i32>} : memref<1x8x12544xf32, #tpu.memory_space<vmem>>, vector<1x1x12544xf32>,
    %get3A_713 = arith.constant 0 : index
    %get3A_714 = arith.constant 8 : index
    %get3A_715 = arith.constant 12544 : index
    %get3A_716 = vector.load %arg1[%get3A_713, %get3A_714, %get3A_715] : memref<1x16x100000xf32, #tpu.memory_space<vmem>>, vector<1x1x12544xf32>
    %get3A_717 = vector.shape_cast %get3A_716 : vector<1x1x12544xf32> to vector<12544xf32>
    %swap3A_718 = arith.constant 0 : index
    %swap3A_719 = arith.constant 1 : index
    %swap3A_720 = arith.constant 0 : index
    %swap3A_721 = vector.load %arg11[%swap3A_718, %swap3A_719, %swap3A_720] : memref<1x8x12544xf32, #tpu.memory_space<vmem>>, vector<1x1x12544xf32>
    %swap3A_722 = vector.shape_cast %swap3A_721 : vector<1x1x12544xf32> to vector<12544xf32>
    %swap3A_723 = vector.shape_cast %get3A_717 : vector<12544xf32> to vector<1x1x12544xf32>
    tpu.vector_store %arg11[%swap3A_718, %swap3A_719, %swap3A_720], %swap3A_723 {strides = array<i32>} : memref<1x8x12544xf32, #tpu.memory_space<vmem>>, vector<1x1x12544xf32>,
    %get3A_724 = arith.constant 0 : index
    %get3A_725 = arith.constant 8 : index
    %get3A_726 = arith.constant 25088 : index
    %get3A_727 = vector.load %arg1[%get3A_724, %get3A_725, %get3A_726] : memref<1x16x100000xf32, #tpu.memory_space<vmem>>, vector<1x1x12544xf32>
    %get3A_728 = vector.shape_cast %get3A_727 : vector<1x1x12544xf32> to vector<12544xf32>
    %swap3A_729 = arith.constant 0 : index
    %swap3A_730 = arith.constant 2 : index
    %swap3A_731 = arith.constant 0 : index
    %swap3A_732 = vector.load %arg11[%swap3A_729, %swap3A_730, %swap3A_731] : memref<1x8x12544xf32, #tpu.memory_space<vmem>>, vector<1x1x12544xf32>
    %swap3A_733 = vector.shape_cast %swap3A_732 : vector<1x1x12544xf32> to vector<12544xf32>
    %swap3A_734 = vector.shape_cast %get3A_728 : vector<12544xf32> to vector<1x1x12544xf32>
    tpu.vector_store %arg11[%swap3A_729, %swap3A_730, %swap3A_731], %swap3A_734 {strides = array<i32>} : memref<1x8x12544xf32, #tpu.memory_space<vmem>>, vector<1x1x12544xf32>,
    %get3A_735 = arith.constant 0 : index
    %get3A_736 = arith.constant 8 : index
    %get3A_737 = arith.constant 37632 : index
    %get3A_738 = vector.load %arg1[%get3A_735, %get3A_736, %get3A_737] : memref<1x16x100000xf32, #tpu.memory_space<vmem>>, vector<1x1x12544xf32>
    %get3A_739 = vector.shape_cast %get3A_738 : vector<1x1x12544xf32> to vector<12544xf32>
    %swap3A_740 = arith.constant 0 : index
    %swap3A_741 = arith.constant 3 : index
    %swap3A_742 = arith.constant 0 : index
    %swap3A_743 = vector.load %arg11[%swap3A_740, %swap3A_741, %swap3A_742] : memref<1x8x12544xf32, #tpu.memory_space<vmem>>, vector<1x1x12544xf32>
    %swap3A_744 = vector.shape_cast %swap3A_743 : vector<1x1x12544xf32> to vector<12544xf32>
    %swap3A_745 = vector.shape_cast %get3A_739 : vector<12544xf32> to vector<1x1x12544xf32>
    tpu.vector_store %arg11[%swap3A_740, %swap3A_741, %swap3A_742], %swap3A_745 {strides = array<i32>} : memref<1x8x12544xf32, #tpu.memory_space<vmem>>, vector<1x1x12544xf32>,
    %get3A_746 = arith.constant 0 : index
    %get3A_747 = arith.constant 8 : index
    %get3A_748 = arith.constant 50176 : index
    %get3A_749 = vector.load %arg1[%get3A_746, %get3A_747, %get3A_748] : memref<1x16x100000xf32, #tpu.memory_space<vmem>>, vector<1x1x12544xf32>
    %get3A_750 = vector.shape_cast %get3A_749 : vector<1x1x12544xf32> to vector<12544xf32>
    %swap3A_751 = arith.constant 0 : index
    %swap3A_752 = arith.constant 4 : index
    %swap3A_753 = arith.constant 0 : index
    %swap3A_754 = vector.load %arg11[%swap3A_751, %swap3A_752, %swap3A_753] : memref<1x8x12544xf32, #tpu.memory_space<vmem>>, vector<1x1x12544xf32>
    %swap3A_755 = vector.shape_cast %swap3A_754 : vector<1x1x12544xf32> to vector<12544xf32>
    %swap3A_756 = vector.shape_cast %get3A_750 : vector<12544xf32> to vector<1x1x12544xf32>
    tpu.vector_store %arg11[%swap3A_751, %swap3A_752, %swap3A_753], %swap3A_756 {strides = array<i32>} : memref<1x8x12544xf32, #tpu.memory_space<vmem>>, vector<1x1x12544xf32>,
    %get3A_757 = arith.constant 0 : index
    %get3A_758 = arith.constant 8 : index
    %get3A_759 = arith.constant 62720 : index
    %get3A_760 = vector.load %arg1[%get3A_757, %get3A_758, %get3A_759] : memref<1x16x100000xf32, #tpu.memory_space<vmem>>, vector<1x1x12544xf32>
    %get3A_761 = vector.shape_cast %get3A_760 : vector<1x1x12544xf32> to vector<12544xf32>
    %swap3A_762 = arith.constant 0 : index
    %swap3A_763 = arith.constant 5 : index
    %swap3A_764 = arith.constant 0 : index
    %swap3A_765 = vector.load %arg11[%swap3A_762, %swap3A_763, %swap3A_764] : memref<1x8x12544xf32, #tpu.memory_space<vmem>>, vector<1x1x12544xf32>
    %swap3A_766 = vector.shape_cast %swap3A_765 : vector<1x1x12544xf32> to vector<12544xf32>
    %swap3A_767 = vector.shape_cast %get3A_761 : vector<12544xf32> to vector<1x1x12544xf32>
    tpu.vector_store %arg11[%swap3A_762, %swap3A_763, %swap3A_764], %swap3A_767 {strides = array<i32>} : memref<1x8x12544xf32, #tpu.memory_space<vmem>>, vector<1x1x12544xf32>,
    %get3A_768 = arith.constant 0 : index
    %get3A_769 = arith.constant 8 : index
    %get3A_770 = arith.constant 75264 : index
    %get3A_771 = vector.load %arg1[%get3A_768, %get3A_769, %get3A_770] : memref<1x16x100000xf32, #tpu.memory_space<vmem>>, vector<1x1x12544xf32>
    %get3A_772 = vector.shape_cast %get3A_771 : vector<1x1x12544xf32> to vector<12544xf32>
    %swap3A_773 = arith.constant 0 : index
    %swap3A_774 = arith.constant 6 : index
    %swap3A_775 = arith.constant 0 : index
    %swap3A_776 = vector.load %arg11[%swap3A_773, %swap3A_774, %swap3A_775] : memref<1x8x12544xf32, #tpu.memory_space<vmem>>, vector<1x1x12544xf32>
    %swap3A_777 = vector.shape_cast %swap3A_776 : vector<1x1x12544xf32> to vector<12544xf32>
    %swap3A_778 = vector.shape_cast %get3A_772 : vector<12544xf32> to vector<1x1x12544xf32>
    tpu.vector_store %arg11[%swap3A_773, %swap3A_774, %swap3A_775], %swap3A_778 {strides = array<i32>} : memref<1x8x12544xf32, #tpu.memory_space<vmem>>, vector<1x1x12544xf32>,
    %get3A_779 = arith.constant 0 : index
    %get3A_780 = arith.constant 8 : index
    %get3A_781 = arith.constant 87808 : index
    %get3A_782 = vector.load %arg1[%get3A_779, %get3A_780, %get3A_781] : memref<1x16x100000xf32, #tpu.memory_space<vmem>>, vector<1x1x12192xf32>
    %get3A_783 = vector.shape_cast %get3A_782 : vector<1x1x12192xf32> to vector<12192xf32>
    %swap3A_784 = arith.constant 0 : index
    %swap3A_785 = arith.constant 7 : index
    %swap3A_786 = arith.constant 0 : index
    %swap3A_787 = vector.load %arg11[%swap3A_784, %swap3A_785, %swap3A_786] : memref<1x8x12544xf32, #tpu.memory_space<vmem>>, vector<1x1x12192xf32>
    %swap3A_788 = vector.shape_cast %swap3A_787 : vector<1x1x12192xf32> to vector<12192xf32>
    %swap3A_789 = vector.shape_cast %get3A_783 : vector<12192xf32> to vector<1x1x12192xf32>
    tpu.vector_store %arg11[%swap3A_784, %swap3A_785, %swap3A_786], %swap3A_789 {strides = array<i32>} : memref<1x8x12544xf32, #tpu.memory_space<vmem>>, vector<1x1x12192xf32>,
    %get3A_790 = arith.constant 0 : index
    %get3A_791 = arith.constant 9 : index
    %get3A_792 = arith.constant 0 : index
    %get3A_793 = vector.load %arg1[%get3A_790, %get3A_791, %get3A_792] : memref<1x16x100000xf32, #tpu.memory_space<vmem>>, vector<1x1x12544xf32>
    %get3A_794 = vector.shape_cast %get3A_793 : vector<1x1x12544xf32> to vector<12544xf32>
    %swap3A_795 = arith.constant 0 : index
    %swap3A_796 = arith.constant 0 : index
    %swap3A_797 = arith.constant 0 : index
    %swap3A_798 = vector.load %arg12[%swap3A_795, %swap3A_796, %swap3A_797] : memref<1x8x12544xf32, #tpu.memory_space<vmem>>, vector<1x1x12544xf32>
    %swap3A_799 = vector.shape_cast %swap3A_798 : vector<1x1x12544xf32> to vector<12544xf32>
    %swap3A_800 = vector.shape_cast %get3A_794 : vector<12544xf32> to vector<1x1x12544xf32>
    tpu.vector_store %arg12[%swap3A_795, %swap3A_796, %swap3A_797], %swap3A_800 {strides = array<i32>} : memref<1x8x12544xf32, #tpu.memory_space<vmem>>, vector<1x1x12544xf32>,
    %get3A_801 = arith.constant 0 : index
    %get3A_802 = arith.constant 9 : index
    %get3A_803 = arith.constant 12544 : index
    %get3A_804 = vector.load %arg1[%get3A_801, %get3A_802, %get3A_803] : memref<1x16x100000xf32, #tpu.memory_space<vmem>>, vector<1x1x12544xf32>
    %get3A_805 = vector.shape_cast %get3A_804 : vector<1x1x12544xf32> to vector<12544xf32>
    %swap3A_806 = arith.constant 0 : index
    %swap3A_807 = arith.constant 1 : index
    %swap3A_808 = arith.constant 0 : index
    %swap3A_809 = vector.load %arg12[%swap3A_806, %swap3A_807, %swap3A_808] : memref<1x8x12544xf32, #tpu.memory_space<vmem>>, vector<1x1x12544xf32>
    %swap3A_810 = vector.shape_cast %swap3A_809 : vector<1x1x12544xf32> to vector<12544xf32>
    %swap3A_811 = vector.shape_cast %get3A_805 : vector<12544xf32> to vector<1x1x12544xf32>
    tpu.vector_store %arg12[%swap3A_806, %swap3A_807, %swap3A_808], %swap3A_811 {strides = array<i32>} : memref<1x8x12544xf32, #tpu.memory_space<vmem>>, vector<1x1x12544xf32>,
    %get3A_812 = arith.constant 0 : index
    %get3A_813 = arith.constant 9 : index
    %get3A_814 = arith.constant 25088 : index
    %get3A_815 = vector.load %arg1[%get3A_812, %get3A_813, %get3A_814] : memref<1x16x100000xf32, #tpu.memory_space<vmem>>, vector<1x1x12544xf32>
    %get3A_816 = vector.shape_cast %get3A_815 : vector<1x1x12544xf32> to vector<12544xf32>
    %swap3A_817 = arith.constant 0 : index
    %swap3A_818 = arith.constant 2 : index
    %swap3A_819 = arith.constant 0 : index
    %swap3A_820 = vector.load %arg12[%swap3A_817, %swap3A_818, %swap3A_819] : memref<1x8x12544xf32, #tpu.memory_space<vmem>>, vector<1x1x12544xf32>
    %swap3A_821 = vector.shape_cast %swap3A_820 : vector<1x1x12544xf32> to vector<12544xf32>
    %swap3A_822 = vector.shape_cast %get3A_816 : vector<12544xf32> to vector<1x1x12544xf32>
    tpu.vector_store %arg12[%swap3A_817, %swap3A_818, %swap3A_819], %swap3A_822 {strides = array<i32>} : memref<1x8x12544xf32, #tpu.memory_space<vmem>>, vector<1x1x12544xf32>,
    %get3A_823 = arith.constant 0 : index
    %get3A_824 = arith.constant 9 : index
    %get3A_825 = arith.constant 37632 : index
    %get3A_826 = vector.load %arg1[%get3A_823, %get3A_824, %get3A_825] : memref<1x16x100000xf32, #tpu.memory_space<vmem>>, vector<1x1x12544xf32>
    %get3A_827 = vector.shape_cast %get3A_826 : vector<1x1x12544xf32> to vector<12544xf32>
    %swap3A_828 = arith.constant 0 : index
    %swap3A_829 = arith.constant 3 : index
    %swap3A_830 = arith.constant 0 : index
    %swap3A_831 = vector.load %arg12[%swap3A_828, %swap3A_829, %swap3A_830] : memref<1x8x12544xf32, #tpu.memory_space<vmem>>, vector<1x1x12544xf32>
    %swap3A_832 = vector.shape_cast %swap3A_831 : vector<1x1x12544xf32> to vector<12544xf32>
    %swap3A_833 = vector.shape_cast %get3A_827 : vector<12544xf32> to vector<1x1x12544xf32>
    tpu.vector_store %arg12[%swap3A_828, %swap3A_829, %swap3A_830], %swap3A_833 {strides = array<i32>} : memref<1x8x12544xf32, #tpu.memory_space<vmem>>, vector<1x1x12544xf32>,
    %get3A_834 = arith.constant 0 : index
    %get3A_835 = arith.constant 9 : index
    %get3A_836 = arith.constant 50176 : index
    %get3A_837 = vector.load %arg1[%get3A_834, %get3A_835, %get3A_836] : memref<1x16x100000xf32, #tpu.memory_space<vmem>>, vector<1x1x12544xf32>
    %get3A_838 = vector.shape_cast %get3A_837 : vector<1x1x12544xf32> to vector<12544xf32>
    %swap3A_839 = arith.constant 0 : index
    %swap3A_840 = arith.constant 4 : index
    %swap3A_841 = arith.constant 0 : index
    %swap3A_842 = vector.load %arg12[%swap3A_839, %swap3A_840, %swap3A_841] : memref<1x8x12544xf32, #tpu.memory_space<vmem>>, vector<1x1x12544xf32>
    %swap3A_843 = vector.shape_cast %swap3A_842 : vector<1x1x12544xf32> to vector<12544xf32>
    %swap3A_844 = vector.shape_cast %get3A_838 : vector<12544xf32> to vector<1x1x12544xf32>
    tpu.vector_store %arg12[%swap3A_839, %swap3A_840, %swap3A_841], %swap3A_844 {strides = array<i32>} : memref<1x8x12544xf32, #tpu.memory_space<vmem>>, vector<1x1x12544xf32>,
    %get3A_845 = arith.constant 0 : index
    %get3A_846 = arith.constant 9 : index
    %get3A_847 = arith.constant 62720 : index
    %get3A_848 = vector.load %arg1[%get3A_845, %get3A_846, %get3A_847] : memref<1x16x100000xf32, #tpu.memory_space<vmem>>, vector<1x1x12544xf32>
    %get3A_849 = vector.shape_cast %get3A_848 : vector<1x1x12544xf32> to vector<12544xf32>
    %swap3A_850 = arith.constant 0 : index
    %swap3A_851 = arith.constant 5 : index
    %swap3A_852 = arith.constant 0 : index
    %swap3A_853 = vector.load %arg12[%swap3A_850, %swap3A_851, %swap3A_852] : memref<1x8x12544xf32, #tpu.memory_space<vmem>>, vector<1x1x12544xf32>
    %swap3A_854 = vector.shape_cast %swap3A_853 : vector<1x1x12544xf32> to vector<12544xf32>
    %swap3A_855 = vector.shape_cast %get3A_849 : vector<12544xf32> to vector<1x1x12544xf32>
    tpu.vector_store %arg12[%swap3A_850, %swap3A_851, %swap3A_852], %swap3A_855 {strides = array<i32>} : memref<1x8x12544xf32, #tpu.memory_space<vmem>>, vector<1x1x12544xf32>,
    %get3A_856 = arith.constant 0 : index
    %get3A_857 = arith.constant 9 : index
    %get3A_858 = arith.constant 75264 : index
    %get3A_859 = vector.load %arg1[%get3A_856, %get3A_857, %get3A_858] : memref<1x16x100000xf32, #tpu.memory_space<vmem>>, vector<1x1x12544xf32>
    %get3A_860 = vector.shape_cast %get3A_859 : vector<1x1x12544xf32> to vector<12544xf32>
    %swap3A_861 = arith.constant 0 : index
    %swap3A_862 = arith.constant 6 : index
    %swap3A_863 = arith.constant 0 : index
    %swap3A_864 = vector.load %arg12[%swap3A_861, %swap3A_862, %swap3A_863] : memref<1x8x12544xf32, #tpu.memory_space<vmem>>, vector<1x1x12544xf32>
    %swap3A_865 = vector.shape_cast %swap3A_864 : vector<1x1x12544xf32> to vector<12544xf32>
    %swap3A_866 = vector.shape_cast %get3A_860 : vector<12544xf32> to vector<1x1x12544xf32>
    tpu.vector_store %arg12[%swap3A_861, %swap3A_862, %swap3A_863], %swap3A_866 {strides = array<i32>} : memref<1x8x12544xf32, #tpu.memory_space<vmem>>, vector<1x1x12544xf32>,
    %get3A_867 = arith.constant 0 : index
    %get3A_868 = arith.constant 9 : index
    %get3A_869 = arith.constant 87808 : index
    %get3A_870 = vector.load %arg1[%get3A_867, %get3A_868, %get3A_869] : memref<1x16x100000xf32, #tpu.memory_space<vmem>>, vector<1x1x12192xf32>
    %get3A_871 = vector.shape_cast %get3A_870 : vector<1x1x12192xf32> to vector<12192xf32>
    %swap3A_872 = arith.constant 0 : index
    %swap3A_873 = arith.constant 7 : index
    %swap3A_874 = arith.constant 0 : index
    %swap3A_875 = vector.load %arg12[%swap3A_872, %swap3A_873, %swap3A_874] : memref<1x8x12544xf32, #tpu.memory_space<vmem>>, vector<1x1x12192xf32>
    %swap3A_876 = vector.shape_cast %swap3A_875 : vector<1x1x12192xf32> to vector<12192xf32>
    %swap3A_877 = vector.shape_cast %get3A_871 : vector<12192xf32> to vector<1x1x12192xf32>
    tpu.vector_store %arg12[%swap3A_872, %swap3A_873, %swap3A_874], %swap3A_877 {strides = array<i32>} : memref<1x8x12544xf32, #tpu.memory_space<vmem>>, vector<1x1x12192xf32>,
    %get3A_878 = arith.constant 0 : index
    %get3A_879 = arith.constant 10 : index
    %get3A_880 = arith.constant 0 : index
    %get3A_881 = vector.load %arg1[%get3A_878, %get3A_879, %get3A_880] : memref<1x16x100000xf32, #tpu.memory_space<vmem>>, vector<1x1x12544xf32>
    %get3A_882 = vector.shape_cast %get3A_881 : vector<1x1x12544xf32> to vector<12544xf32>
    %swap3A_883 = arith.constant 0 : index
    %swap3A_884 = arith.constant 0 : index
    %swap3A_885 = arith.constant 0 : index
    %swap3A_886 = vector.load %arg13[%swap3A_883, %swap3A_884, %swap3A_885] : memref<1x8x12544xf32, #tpu.memory_space<vmem>>, vector<1x1x12544xf32>
    %swap3A_887 = vector.shape_cast %swap3A_886 : vector<1x1x12544xf32> to vector<12544xf32>
    %swap3A_888 = vector.shape_cast %get3A_882 : vector<12544xf32> to vector<1x1x12544xf32>
    tpu.vector_store %arg13[%swap3A_883, %swap3A_884, %swap3A_885], %swap3A_888 {strides = array<i32>} : memref<1x8x12544xf32, #tpu.memory_space<vmem>>, vector<1x1x12544xf32>,
    %get3A_889 = arith.constant 0 : index
    %get3A_890 = arith.constant 10 : index
    %get3A_891 = arith.constant 12544 : index
    %get3A_892 = vector.load %arg1[%get3A_889, %get3A_890, %get3A_891] : memref<1x16x100000xf32, #tpu.memory_space<vmem>>, vector<1x1x12544xf32>
    %get3A_893 = vector.shape_cast %get3A_892 : vector<1x1x12544xf32> to vector<12544xf32>
    %swap3A_894 = arith.constant 0 : index
    %swap3A_895 = arith.constant 1 : index
    %swap3A_896 = arith.constant 0 : index
    %swap3A_897 = vector.load %arg13[%swap3A_894, %swap3A_895, %swap3A_896] : memref<1x8x12544xf32, #tpu.memory_space<vmem>>, vector<1x1x12544xf32>
    %swap3A_898 = vector.shape_cast %swap3A_897 : vector<1x1x12544xf32> to vector<12544xf32>
    %swap3A_899 = vector.shape_cast %get3A_893 : vector<12544xf32> to vector<1x1x12544xf32>
    tpu.vector_store %arg13[%swap3A_894, %swap3A_895, %swap3A_896], %swap3A_899 {strides = array<i32>} : memref<1x8x12544xf32, #tpu.memory_space<vmem>>, vector<1x1x12544xf32>,
    %get3A_900 = arith.constant 0 : index
    %get3A_901 = arith.constant 10 : index
    %get3A_902 = arith.constant 25088 : index
    %get3A_903 = vector.load %arg1[%get3A_900, %get3A_901, %get3A_902] : memref<1x16x100000xf32, #tpu.memory_space<vmem>>, vector<1x1x12544xf32>
    %get3A_904 = vector.shape_cast %get3A_903 : vector<1x1x12544xf32> to vector<12544xf32>
    %swap3A_905 = arith.constant 0 : index
    %swap3A_906 = arith.constant 2 : index
    %swap3A_907 = arith.constant 0 : index
    %swap3A_908 = vector.load %arg13[%swap3A_905, %swap3A_906, %swap3A_907] : memref<1x8x12544xf32, #tpu.memory_space<vmem>>, vector<1x1x12544xf32>
    %swap3A_909 = vector.shape_cast %swap3A_908 : vector<1x1x12544xf32> to vector<12544xf32>
    %swap3A_910 = vector.shape_cast %get3A_904 : vector<12544xf32> to vector<1x1x12544xf32>
    tpu.vector_store %arg13[%swap3A_905, %swap3A_906, %swap3A_907], %swap3A_910 {strides = array<i32>} : memref<1x8x12544xf32, #tpu.memory_space<vmem>>, vector<1x1x12544xf32>,
    %get3A_911 = arith.constant 0 : index
    %get3A_912 = arith.constant 10 : index
    %get3A_913 = arith.constant 37632 : index
    %get3A_914 = vector.load %arg1[%get3A_911, %get3A_912, %get3A_913] : memref<1x16x100000xf32, #tpu.memory_space<vmem>>, vector<1x1x12544xf32>
    %get3A_915 = vector.shape_cast %get3A_914 : vector<1x1x12544xf32> to vector<12544xf32>
    %swap3A_916 = arith.constant 0 : index
    %swap3A_917 = arith.constant 3 : index
    %swap3A_918 = arith.constant 0 : index
    %swap3A_919 = vector.load %arg13[%swap3A_916, %swap3A_917, %swap3A_918] : memref<1x8x12544xf32, #tpu.memory_space<vmem>>, vector<1x1x12544xf32>
    %swap3A_920 = vector.shape_cast %swap3A_919 : vector<1x1x12544xf32> to vector<12544xf32>
    %swap3A_921 = vector.shape_cast %get3A_915 : vector<12544xf32> to vector<1x1x12544xf32>
    tpu.vector_store %arg13[%swap3A_916, %swap3A_917, %swap3A_918], %swap3A_921 {strides = array<i32>} : memref<1x8x12544xf32, #tpu.memory_space<vmem>>, vector<1x1x12544xf32>,
    %get3A_922 = arith.constant 0 : index
    %get3A_923 = arith.constant 10 : index
    %get3A_924 = arith.constant 50176 : index
    %get3A_925 = vector.load %arg1[%get3A_922, %get3A_923, %get3A_924] : memref<1x16x100000xf32, #tpu.memory_space<vmem>>, vector<1x1x12544xf32>
    %get3A_926 = vector.shape_cast %get3A_925 : vector<1x1x12544xf32> to vector<12544xf32>
    %swap3A_927 = arith.constant 0 : index
    %swap3A_928 = arith.constant 4 : index
    %swap3A_929 = arith.constant 0 : index
    %swap3A_930 = vector.load %arg13[%swap3A_927, %swap3A_928, %swap3A_929] : memref<1x8x12544xf32, #tpu.memory_space<vmem>>, vector<1x1x12544xf32>
    %swap3A_931 = vector.shape_cast %swap3A_930 : vector<1x1x12544xf32> to vector<12544xf32>
    %swap3A_932 = vector.shape_cast %get3A_926 : vector<12544xf32> to vector<1x1x12544xf32>
    tpu.vector_store %arg13[%swap3A_927, %swap3A_928, %swap3A_929], %swap3A_932 {strides = array<i32>} : memref<1x8x12544xf32, #tpu.memory_space<vmem>>, vector<1x1x12544xf32>,
    %get3A_933 = arith.constant 0 : index
    %get3A_934 = arith.constant 10 : index
    %get3A_935 = arith.constant 62720 : index
    %get3A_936 = vector.load %arg1[%get3A_933, %get3A_934, %get3A_935] : memref<1x16x100000xf32, #tpu.memory_space<vmem>>, vector<1x1x12544xf32>
    %get3A_937 = vector.shape_cast %get3A_936 : vector<1x1x12544xf32> to vector<12544xf32>
    %swap3A_938 = arith.constant 0 : index
    %swap3A_939 = arith.constant 5 : index
    %swap3A_940 = arith.constant 0 : index
    %swap3A_941 = vector.load %arg13[%swap3A_938, %swap3A_939, %swap3A_940] : memref<1x8x12544xf32, #tpu.memory_space<vmem>>, vector<1x1x12544xf32>
    %swap3A_942 = vector.shape_cast %swap3A_941 : vector<1x1x12544xf32> to vector<12544xf32>
    %swap3A_943 = vector.shape_cast %get3A_937 : vector<12544xf32> to vector<1x1x12544xf32>
    tpu.vector_store %arg13[%swap3A_938, %swap3A_939, %swap3A_940], %swap3A_943 {strides = array<i32>} : memref<1x8x12544xf32, #tpu.memory_space<vmem>>, vector<1x1x12544xf32>,
    %get3A_944 = arith.constant 0 : index
    %get3A_945 = arith.constant 10 : index
    %get3A_946 = arith.constant 75264 : index
    %get3A_947 = vector.load %arg1[%get3A_944, %get3A_945, %get3A_946] : memref<1x16x100000xf32, #tpu.memory_space<vmem>>, vector<1x1x12544xf32>
    %get3A_948 = vector.shape_cast %get3A_947 : vector<1x1x12544xf32> to vector<12544xf32>
    %swap3A_949 = arith.constant 0 : index
    %swap3A_950 = arith.constant 6 : index
    %swap3A_951 = arith.constant 0 : index
    %swap3A_952 = vector.load %arg13[%swap3A_949, %swap3A_950, %swap3A_951] : memref<1x8x12544xf32, #tpu.memory_space<vmem>>, vector<1x1x12544xf32>
    %swap3A_953 = vector.shape_cast %swap3A_952 : vector<1x1x12544xf32> to vector<12544xf32>
    %swap3A_954 = vector.shape_cast %get3A_948 : vector<12544xf32> to vector<1x1x12544xf32>
    tpu.vector_store %arg13[%swap3A_949, %swap3A_950, %swap3A_951], %swap3A_954 {strides = array<i32>} : memref<1x8x12544xf32, #tpu.memory_space<vmem>>, vector<1x1x12544xf32>,
    %get3A_955 = arith.constant 0 : index
    %get3A_956 = arith.constant 10 : index
    %get3A_957 = arith.constant 87808 : index
    %get3A_958 = vector.load %arg1[%get3A_955, %get3A_956, %get3A_957] : memref<1x16x100000xf32, #tpu.memory_space<vmem>>, vector<1x1x12192xf32>
    %get3A_959 = vector.shape_cast %get3A_958 : vector<1x1x12192xf32> to vector<12192xf32>
    %swap3A_960 = arith.constant 0 : index
    %swap3A_961 = arith.constant 7 : index
    %swap3A_962 = arith.constant 0 : index
    %swap3A_963 = vector.load %arg13[%swap3A_960, %swap3A_961, %swap3A_962] : memref<1x8x12544xf32, #tpu.memory_space<vmem>>, vector<1x1x12192xf32>
    %swap3A_964 = vector.shape_cast %swap3A_963 : vector<1x1x12192xf32> to vector<12192xf32>
    %swap3A_965 = vector.shape_cast %get3A_959 : vector<12192xf32> to vector<1x1x12192xf32>
    tpu.vector_store %arg13[%swap3A_960, %swap3A_961, %swap3A_962], %swap3A_965 {strides = array<i32>} : memref<1x8x12544xf32, #tpu.memory_space<vmem>>, vector<1x1x12192xf32>,
    %get3A_966 = arith.constant 0 : index
    %get3A_967 = arith.constant 11 : index
    %get3A_968 = arith.constant 0 : index
    %get3A_969 = vector.load %arg1[%get3A_966, %get3A_967, %get3A_968] : memref<1x16x100000xf32, #tpu.memory_space<vmem>>, vector<1x1x12544xf32>
    %get3A_970 = vector.shape_cast %get3A_969 : vector<1x1x12544xf32> to vector<12544xf32>
    %swap3A_971 = arith.constant 0 : index
    %swap3A_972 = arith.constant 0 : index
    %swap3A_973 = arith.constant 0 : index
    %swap3A_974 = vector.load %arg14[%swap3A_971, %swap3A_972, %swap3A_973] : memref<1x8x12544xf32, #tpu.memory_space<vmem>>, vector<1x1x12544xf32>
    %swap3A_975 = vector.shape_cast %swap3A_974 : vector<1x1x12544xf32> to vector<12544xf32>
    %swap3A_976 = vector.shape_cast %get3A_970 : vector<12544xf32> to vector<1x1x12544xf32>
    tpu.vector_store %arg14[%swap3A_971, %swap3A_972, %swap3A_973], %swap3A_976 {strides = array<i32>} : memref<1x8x12544xf32, #tpu.memory_space<vmem>>, vector<1x1x12544xf32>,
    %get3A_977 = arith.constant 0 : index
    %get3A_978 = arith.constant 11 : index
    %get3A_979 = arith.constant 12544 : index
    %get3A_980 = vector.load %arg1[%get3A_977, %get3A_978, %get3A_979] : memref<1x16x100000xf32, #tpu.memory_space<vmem>>, vector<1x1x12544xf32>
    %get3A_981 = vector.shape_cast %get3A_980 : vector<1x1x12544xf32> to vector<12544xf32>
    %swap3A_982 = arith.constant 0 : index
    %swap3A_983 = arith.constant 1 : index
    %swap3A_984 = arith.constant 0 : index
    %swap3A_985 = vector.load %arg14[%swap3A_982, %swap3A_983, %swap3A_984] : memref<1x8x12544xf32, #tpu.memory_space<vmem>>, vector<1x1x12544xf32>
    %swap3A_986 = vector.shape_cast %swap3A_985 : vector<1x1x12544xf32> to vector<12544xf32>
    %swap3A_987 = vector.shape_cast %get3A_981 : vector<12544xf32> to vector<1x1x12544xf32>
    tpu.vector_store %arg14[%swap3A_982, %swap3A_983, %swap3A_984], %swap3A_987 {strides = array<i32>} : memref<1x8x12544xf32, #tpu.memory_space<vmem>>, vector<1x1x12544xf32>,
    %get3A_988 = arith.constant 0 : index
    %get3A_989 = arith.constant 11 : index
    %get3A_990 = arith.constant 25088 : index
    %get3A_991 = vector.load %arg1[%get3A_988, %get3A_989, %get3A_990] : memref<1x16x100000xf32, #tpu.memory_space<vmem>>, vector<1x1x12544xf32>
    %get3A_992 = vector.shape_cast %get3A_991 : vector<1x1x12544xf32> to vector<12544xf32>
    %swap3A_993 = arith.constant 0 : index
    %swap3A_994 = arith.constant 2 : index
    %swap3A_995 = arith.constant 0 : index
    %swap3A_996 = vector.load %arg14[%swap3A_993, %swap3A_994, %swap3A_995] : memref<1x8x12544xf32, #tpu.memory_space<vmem>>, vector<1x1x12544xf32>
    %swap3A_997 = vector.shape_cast %swap3A_996 : vector<1x1x12544xf32> to vector<12544xf32>
    %swap3A_998 = vector.shape_cast %get3A_992 : vector<12544xf32> to vector<1x1x12544xf32>
    tpu.vector_store %arg14[%swap3A_993, %swap3A_994, %swap3A_995], %swap3A_998 {strides = array<i32>} : memref<1x8x12544xf32, #tpu.memory_space<vmem>>, vector<1x1x12544xf32>,
    %get3A_999 = arith.constant 0 : index
    %get3A_1000 = arith.constant 11 : index
    %get3A_1001 = arith.constant 37632 : index
    %get3A_1002 = vector.load %arg1[%get3A_999, %get3A_1000, %get3A_1001] : memref<1x16x100000xf32, #tpu.memory_space<vmem>>, vector<1x1x12544xf32>
    %get3A_1003 = vector.shape_cast %get3A_1002 : vector<1x1x12544xf32> to vector<12544xf32>
    %swap3A_1004 = arith.constant 0 : index
    %swap3A_1005 = arith.constant 3 : index
    %swap3A_1006 = arith.constant 0 : index
    %swap3A_1007 = vector.load %arg14[%swap3A_1004, %swap3A_1005, %swap3A_1006] : memref<1x8x12544xf32, #tpu.memory_space<vmem>>, vector<1x1x12544xf32>
    %swap3A_1008 = vector.shape_cast %swap3A_1007 : vector<1x1x12544xf32> to vector<12544xf32>
    %swap3A_1009 = vector.shape_cast %get3A_1003 : vector<12544xf32> to vector<1x1x12544xf32>
    tpu.vector_store %arg14[%swap3A_1004, %swap3A_1005, %swap3A_1006], %swap3A_1009 {strides = array<i32>} : memref<1x8x12544xf32, #tpu.memory_space<vmem>>, vector<1x1x12544xf32>,
    %get3A_1010 = arith.constant 0 : index
    %get3A_1011 = arith.constant 11 : index
    %get3A_1012 = arith.constant 50176 : index
    %get3A_1013 = vector.load %arg1[%get3A_1010, %get3A_1011, %get3A_1012] : memref<1x16x100000xf32, #tpu.memory_space<vmem>>, vector<1x1x12544xf32>
    %get3A_1014 = vector.shape_cast %get3A_1013 : vector<1x1x12544xf32> to vector<12544xf32>
    %swap3A_1015 = arith.constant 0 : index
    %swap3A_1016 = arith.constant 4 : index
    %swap3A_1017 = arith.constant 0 : index
    %swap3A_1018 = vector.load %arg14[%swap3A_1015, %swap3A_1016, %swap3A_1017] : memref<1x8x12544xf32, #tpu.memory_space<vmem>>, vector<1x1x12544xf32>
    %swap3A_1019 = vector.shape_cast %swap3A_1018 : vector<1x1x12544xf32> to vector<12544xf32>
    %swap3A_1020 = vector.shape_cast %get3A_1014 : vector<12544xf32> to vector<1x1x12544xf32>
    tpu.vector_store %arg14[%swap3A_1015, %swap3A_1016, %swap3A_1017], %swap3A_1020 {strides = array<i32>} : memref<1x8x12544xf32, #tpu.memory_space<vmem>>, vector<1x1x12544xf32>,
    %get3A_1021 = arith.constant 0 : index
    %get3A_1022 = arith.constant 11 : index
    %get3A_1023 = arith.constant 62720 : index
    %get3A_1024 = vector.load %arg1[%get3A_1021, %get3A_1022, %get3A_1023] : memref<1x16x100000xf32, #tpu.memory_space<vmem>>, vector<1x1x12544xf32>
    %get3A_1025 = vector.shape_cast %get3A_1024 : vector<1x1x12544xf32> to vector<12544xf32>
    %swap3A_1026 = arith.constant 0 : index
    %swap3A_1027 = arith.constant 5 : index
    %swap3A_1028 = arith.constant 0 : index
    %swap3A_1029 = vector.load %arg14[%swap3A_1026, %swap3A_1027, %swap3A_1028] : memref<1x8x12544xf32, #tpu.memory_space<vmem>>, vector<1x1x12544xf32>
    %swap3A_1030 = vector.shape_cast %swap3A_1029 : vector<1x1x12544xf32> to vector<12544xf32>
    %swap3A_1031 = vector.shape_cast %get3A_1025 : vector<12544xf32> to vector<1x1x12544xf32>
    tpu.vector_store %arg14[%swap3A_1026, %swap3A_1027, %swap3A_1028], %swap3A_1031 {strides = array<i32>} : memref<1x8x12544xf32, #tpu.memory_space<vmem>>, vector<1x1x12544xf32>,
    %get3A_1032 = arith.constant 0 : index
    %get3A_1033 = arith.constant 11 : index
    %get3A_1034 = arith.constant 75264 : index
    %get3A_1035 = vector.load %arg1[%get3A_1032, %get3A_1033, %get3A_1034] : memref<1x16x100000xf32, #tpu.memory_space<vmem>>, vector<1x1x12544xf32>
    %get3A_1036 = vector.shape_cast %get3A_1035 : vector<1x1x12544xf32> to vector<12544xf32>
    %swap3A_1037 = arith.constant 0 : index
    %swap3A_1038 = arith.constant 6 : index
    %swap3A_1039 = arith.constant 0 : index
    %swap3A_1040 = vector.load %arg14[%swap3A_1037, %swap3A_1038, %swap3A_1039] : memref<1x8x12544xf32, #tpu.memory_space<vmem>>, vector<1x1x12544xf32>
    %swap3A_1041 = vector.shape_cast %swap3A_1040 : vector<1x1x12544xf32> to vector<12544xf32>
    %swap3A_1042 = vector.shape_cast %get3A_1036 : vector<12544xf32> to vector<1x1x12544xf32>
    tpu.vector_store %arg14[%swap3A_1037, %swap3A_1038, %swap3A_1039], %swap3A_1042 {strides = array<i32>} : memref<1x8x12544xf32, #tpu.memory_space<vmem>>, vector<1x1x12544xf32>,
    %get3A_1043 = arith.constant 0 : index
    %get3A_1044 = arith.constant 11 : index
    %get3A_1045 = arith.constant 87808 : index
    %get3A_1046 = vector.load %arg1[%get3A_1043, %get3A_1044, %get3A_1045] : memref<1x16x100000xf32, #tpu.memory_space<vmem>>, vector<1x1x12192xf32>
    %get3A_1047 = vector.shape_cast %get3A_1046 : vector<1x1x12192xf32> to vector<12192xf32>
    %swap3A_1048 = arith.constant 0 : index
    %swap3A_1049 = arith.constant 7 : index
    %swap3A_1050 = arith.constant 0 : index
    %swap3A_1051 = vector.load %arg14[%swap3A_1048, %swap3A_1049, %swap3A_1050] : memref<1x8x12544xf32, #tpu.memory_space<vmem>>, vector<1x1x12192xf32>
    %swap3A_1052 = vector.shape_cast %swap3A_1051 : vector<1x1x12192xf32> to vector<12192xf32>
    %swap3A_1053 = vector.shape_cast %get3A_1047 : vector<12192xf32> to vector<1x1x12192xf32>
    tpu.vector_store %arg14[%swap3A_1048, %swap3A_1049, %swap3A_1050], %swap3A_1053 {strides = array<i32>} : memref<1x8x12544xf32, #tpu.memory_space<vmem>>, vector<1x1x12192xf32>,
    %get3A_1054 = arith.constant 0 : index
    %get3A_1055 = arith.constant 12 : index
    %get3A_1056 = arith.constant 0 : index
    %get3A_1057 = vector.load %arg1[%get3A_1054, %get3A_1055, %get3A_1056] : memref<1x16x100000xf32, #tpu.memory_space<vmem>>, vector<1x1x12544xf32>
    %get3A_1058 = vector.shape_cast %get3A_1057 : vector<1x1x12544xf32> to vector<12544xf32>
    %swap3A_1059 = arith.constant 0 : index
    %swap3A_1060 = arith.constant 0 : index
    %swap3A_1061 = arith.constant 0 : index
    %swap3A_1062 = vector.load %arg15[%swap3A_1059, %swap3A_1060, %swap3A_1061] : memref<1x8x12544xf32, #tpu.memory_space<vmem>>, vector<1x1x12544xf32>
    %swap3A_1063 = vector.shape_cast %swap3A_1062 : vector<1x1x12544xf32> to vector<12544xf32>
    %swap3A_1064 = vector.shape_cast %get3A_1058 : vector<12544xf32> to vector<1x1x12544xf32>
    tpu.vector_store %arg15[%swap3A_1059, %swap3A_1060, %swap3A_1061], %swap3A_1064 {strides = array<i32>} : memref<1x8x12544xf32, #tpu.memory_space<vmem>>, vector<1x1x12544xf32>,
    %get3A_1065 = arith.constant 0 : index
    %get3A_1066 = arith.constant 12 : index
    %get3A_1067 = arith.constant 12544 : index
    %get3A_1068 = vector.load %arg1[%get3A_1065, %get3A_1066, %get3A_1067] : memref<1x16x100000xf32, #tpu.memory_space<vmem>>, vector<1x1x12544xf32>
    %get3A_1069 = vector.shape_cast %get3A_1068 : vector<1x1x12544xf32> to vector<12544xf32>
    %swap3A_1070 = arith.constant 0 : index
    %swap3A_1071 = arith.constant 1 : index
    %swap3A_1072 = arith.constant 0 : index
    %swap3A_1073 = vector.load %arg15[%swap3A_1070, %swap3A_1071, %swap3A_1072] : memref<1x8x12544xf32, #tpu.memory_space<vmem>>, vector<1x1x12544xf32>
    %swap3A_1074 = vector.shape_cast %swap3A_1073 : vector<1x1x12544xf32> to vector<12544xf32>
    %swap3A_1075 = vector.shape_cast %get3A_1069 : vector<12544xf32> to vector<1x1x12544xf32>
    tpu.vector_store %arg15[%swap3A_1070, %swap3A_1071, %swap3A_1072], %swap3A_1075 {strides = array<i32>} : memref<1x8x12544xf32, #tpu.memory_space<vmem>>, vector<1x1x12544xf32>,
    %get3A_1076 = arith.constant 0 : index
    %get3A_1077 = arith.constant 12 : index
    %get3A_1078 = arith.constant 25088 : index
    %get3A_1079 = vector.load %arg1[%get3A_1076, %get3A_1077, %get3A_1078] : memref<1x16x100000xf32, #tpu.memory_space<vmem>>, vector<1x1x12544xf32>
    %get3A_1080 = vector.shape_cast %get3A_1079 : vector<1x1x12544xf32> to vector<12544xf32>
    %swap3A_1081 = arith.constant 0 : index
    %swap3A_1082 = arith.constant 2 : index
    %swap3A_1083 = arith.constant 0 : index
    %swap3A_1084 = vector.load %arg15[%swap3A_1081, %swap3A_1082, %swap3A_1083] : memref<1x8x12544xf32, #tpu.memory_space<vmem>>, vector<1x1x12544xf32>
    %swap3A_1085 = vector.shape_cast %swap3A_1084 : vector<1x1x12544xf32> to vector<12544xf32>
    %swap3A_1086 = vector.shape_cast %get3A_1080 : vector<12544xf32> to vector<1x1x12544xf32>
    tpu.vector_store %arg15[%swap3A_1081, %swap3A_1082, %swap3A_1083], %swap3A_1086 {strides = array<i32>} : memref<1x8x12544xf32, #tpu.memory_space<vmem>>, vector<1x1x12544xf32>,
    %get3A_1087 = arith.constant 0 : index
    %get3A_1088 = arith.constant 12 : index
    %get3A_1089 = arith.constant 37632 : index
    %get3A_1090 = vector.load %arg1[%get3A_1087, %get3A_1088, %get3A_1089] : memref<1x16x100000xf32, #tpu.memory_space<vmem>>, vector<1x1x12544xf32>
    %get3A_1091 = vector.shape_cast %get3A_1090 : vector<1x1x12544xf32> to vector<12544xf32>
    %swap3A_1092 = arith.constant 0 : index
    %swap3A_1093 = arith.constant 3 : index
    %swap3A_1094 = arith.constant 0 : index
    %swap3A_1095 = vector.load %arg15[%swap3A_1092, %swap3A_1093, %swap3A_1094] : memref<1x8x12544xf32, #tpu.memory_space<vmem>>, vector<1x1x12544xf32>
    %swap3A_1096 = vector.shape_cast %swap3A_1095 : vector<1x1x12544xf32> to vector<12544xf32>
    %swap3A_1097 = vector.shape_cast %get3A_1091 : vector<12544xf32> to vector<1x1x12544xf32>
    tpu.vector_store %arg15[%swap3A_1092, %swap3A_1093, %swap3A_1094], %swap3A_1097 {strides = array<i32>} : memref<1x8x12544xf32, #tpu.memory_space<vmem>>, vector<1x1x12544xf32>,
    %get3A_1098 = arith.constant 0 : index
    %get3A_1099 = arith.constant 12 : index
    %get3A_1100 = arith.constant 50176 : index
    %get3A_1101 = vector.load %arg1[%get3A_1098, %get3A_1099, %get3A_1100] : memref<1x16x100000xf32, #tpu.memory_space<vmem>>, vector<1x1x12544xf32>
    %get3A_1102 = vector.shape_cast %get3A_1101 : vector<1x1x12544xf32> to vector<12544xf32>
    %swap3A_1103 = arith.constant 0 : index
    %swap3A_1104 = arith.constant 4 : index
    %swap3A_1105 = arith.constant 0 : index
    %swap3A_1106 = vector.load %arg15[%swap3A_1103, %swap3A_1104, %swap3A_1105] : memref<1x8x12544xf32, #tpu.memory_space<vmem>>, vector<1x1x12544xf32>
    %swap3A_1107 = vector.shape_cast %swap3A_1106 : vector<1x1x12544xf32> to vector<12544xf32>
    %swap3A_1108 = vector.shape_cast %get3A_1102 : vector<12544xf32> to vector<1x1x12544xf32>
    tpu.vector_store %arg15[%swap3A_1103, %swap3A_1104, %swap3A_1105], %swap3A_1108 {strides = array<i32>} : memref<1x8x12544xf32, #tpu.memory_space<vmem>>, vector<1x1x12544xf32>,
    %get3A_1109 = arith.constant 0 : index
    %get3A_1110 = arith.constant 12 : index
    %get3A_1111 = arith.constant 62720 : index
    %get3A_1112 = vector.load %arg1[%get3A_1109, %get3A_1110, %get3A_1111] : memref<1x16x100000xf32, #tpu.memory_space<vmem>>, vector<1x1x12544xf32>
    %get3A_1113 = vector.shape_cast %get3A_1112 : vector<1x1x12544xf32> to vector<12544xf32>
    %swap3A_1114 = arith.constant 0 : index
    %swap3A_1115 = arith.constant 5 : index
    %swap3A_1116 = arith.constant 0 : index
    %swap3A_1117 = vector.load %arg15[%swap3A_1114, %swap3A_1115, %swap3A_1116] : memref<1x8x12544xf32, #tpu.memory_space<vmem>>, vector<1x1x12544xf32>
    %swap3A_1118 = vector.shape_cast %swap3A_1117 : vector<1x1x12544xf32> to vector<12544xf32>
    %swap3A_1119 = vector.shape_cast %get3A_1113 : vector<12544xf32> to vector<1x1x12544xf32>
    tpu.vector_store %arg15[%swap3A_1114, %swap3A_1115, %swap3A_1116], %swap3A_1119 {strides = array<i32>} : memref<1x8x12544xf32, #tpu.memory_space<vmem>>, vector<1x1x12544xf32>,
    %get3A_1120 = arith.constant 0 : index
    %get3A_1121 = arith.constant 12 : index
    %get3A_1122 = arith.constant 75264 : index
    %get3A_1123 = vector.load %arg1[%get3A_1120, %get3A_1121, %get3A_1122] : memref<1x16x100000xf32, #tpu.memory_space<vmem>>, vector<1x1x12544xf32>
    %get3A_1124 = vector.shape_cast %get3A_1123 : vector<1x1x12544xf32> to vector<12544xf32>
    %swap3A_1125 = arith.constant 0 : index
    %swap3A_1126 = arith.constant 6 : index
    %swap3A_1127 = arith.constant 0 : index
    %swap3A_1128 = vector.load %arg15[%swap3A_1125, %swap3A_1126, %swap3A_1127] : memref<1x8x12544xf32, #tpu.memory_space<vmem>>, vector<1x1x12544xf32>
    %swap3A_1129 = vector.shape_cast %swap3A_1128 : vector<1x1x12544xf32> to vector<12544xf32>
    %swap3A_1130 = vector.shape_cast %get3A_1124 : vector<12544xf32> to vector<1x1x12544xf32>
    tpu.vector_store %arg15[%swap3A_1125, %swap3A_1126, %swap3A_1127], %swap3A_1130 {strides = array<i32>} : memref<1x8x12544xf32, #tpu.memory_space<vmem>>, vector<1x1x12544xf32>,
    %get3A_1131 = arith.constant 0 : index
    %get3A_1132 = arith.constant 12 : index
    %get3A_1133 = arith.constant 87808 : index
    %get3A_1134 = vector.load %arg1[%get3A_1131, %get3A_1132, %get3A_1133] : memref<1x16x100000xf32, #tpu.memory_space<vmem>>, vector<1x1x12192xf32>
    %get3A_1135 = vector.shape_cast %get3A_1134 : vector<1x1x12192xf32> to vector<12192xf32>
    %swap3A_1136 = arith.constant 0 : index
    %swap3A_1137 = arith.constant 7 : index
    %swap3A_1138 = arith.constant 0 : index
    %swap3A_1139 = vector.load %arg15[%swap3A_1136, %swap3A_1137, %swap3A_1138] : memref<1x8x12544xf32, #tpu.memory_space<vmem>>, vector<1x1x12192xf32>
    %swap3A_1140 = vector.shape_cast %swap3A_1139 : vector<1x1x12192xf32> to vector<12192xf32>
    %swap3A_1141 = vector.shape_cast %get3A_1135 : vector<12192xf32> to vector<1x1x12192xf32>
    tpu.vector_store %arg15[%swap3A_1136, %swap3A_1137, %swap3A_1138], %swap3A_1141 {strides = array<i32>} : memref<1x8x12544xf32, #tpu.memory_space<vmem>>, vector<1x1x12192xf32>,
    %get3A_1142 = arith.constant 0 : index
    %get3A_1143 = arith.constant 13 : index
    %get3A_1144 = arith.constant 0 : index
    %get3A_1145 = vector.load %arg1[%get3A_1142, %get3A_1143, %get3A_1144] : memref<1x16x100000xf32, #tpu.memory_space<vmem>>, vector<1x1x12544xf32>
    %get3A_1146 = vector.shape_cast %get3A_1145 : vector<1x1x12544xf32> to vector<12544xf32>
    %swap3A_1147 = arith.constant 0 : index
    %swap3A_1148 = arith.constant 0 : index
    %swap3A_1149 = arith.constant 0 : index
    %swap3A_1150 = vector.load %arg16[%swap3A_1147, %swap3A_1148, %swap3A_1149] : memref<1x8x12544xf32, #tpu.memory_space<vmem>>, vector<1x1x12544xf32>
    %swap3A_1151 = vector.shape_cast %swap3A_1150 : vector<1x1x12544xf32> to vector<12544xf32>
    %swap3A_1152 = vector.shape_cast %get3A_1146 : vector<12544xf32> to vector<1x1x12544xf32>
    tpu.vector_store %arg16[%swap3A_1147, %swap3A_1148, %swap3A_1149], %swap3A_1152 {strides = array<i32>} : memref<1x8x12544xf32, #tpu.memory_space<vmem>>, vector<1x1x12544xf32>,
    %get3A_1153 = arith.constant 0 : index
    %get3A_1154 = arith.constant 13 : index
    %get3A_1155 = arith.constant 12544 : index
    %get3A_1156 = vector.load %arg1[%get3A_1153, %get3A_1154, %get3A_1155] : memref<1x16x100000xf32, #tpu.memory_space<vmem>>, vector<1x1x12544xf32>
    %get3A_1157 = vector.shape_cast %get3A_1156 : vector<1x1x12544xf32> to vector<12544xf32>
    %swap3A_1158 = arith.constant 0 : index
    %swap3A_1159 = arith.constant 1 : index
    %swap3A_1160 = arith.constant 0 : index
    %swap3A_1161 = vector.load %arg16[%swap3A_1158, %swap3A_1159, %swap3A_1160] : memref<1x8x12544xf32, #tpu.memory_space<vmem>>, vector<1x1x12544xf32>
    %swap3A_1162 = vector.shape_cast %swap3A_1161 : vector<1x1x12544xf32> to vector<12544xf32>
    %swap3A_1163 = vector.shape_cast %get3A_1157 : vector<12544xf32> to vector<1x1x12544xf32>
    tpu.vector_store %arg16[%swap3A_1158, %swap3A_1159, %swap3A_1160], %swap3A_1163 {strides = array<i32>} : memref<1x8x12544xf32, #tpu.memory_space<vmem>>, vector<1x1x12544xf32>,
    %get3A_1164 = arith.constant 0 : index
    %get3A_1165 = arith.constant 13 : index
    %get3A_1166 = arith.constant 25088 : index
    %get3A_1167 = vector.load %arg1[%get3A_1164, %get3A_1165, %get3A_1166] : memref<1x16x100000xf32, #tpu.memory_space<vmem>>, vector<1x1x12544xf32>
    %get3A_1168 = vector.shape_cast %get3A_1167 : vector<1x1x12544xf32> to vector<12544xf32>
    %swap3A_1169 = arith.constant 0 : index
    %swap3A_1170 = arith.constant 2 : index
    %swap3A_1171 = arith.constant 0 : index
    %swap3A_1172 = vector.load %arg16[%swap3A_1169, %swap3A_1170, %swap3A_1171] : memref<1x8x12544xf32, #tpu.memory_space<vmem>>, vector<1x1x12544xf32>
    %swap3A_1173 = vector.shape_cast %swap3A_1172 : vector<1x1x12544xf32> to vector<12544xf32>
    %swap3A_1174 = vector.shape_cast %get3A_1168 : vector<12544xf32> to vector<1x1x12544xf32>
    tpu.vector_store %arg16[%swap3A_1169, %swap3A_1170, %swap3A_1171], %swap3A_1174 {strides = array<i32>} : memref<1x8x12544xf32, #tpu.memory_space<vmem>>, vector<1x1x12544xf32>,
    %get3A_1175 = arith.constant 0 : index
    %get3A_1176 = arith.constant 13 : index
    %get3A_1177 = arith.constant 37632 : index
    %get3A_1178 = vector.load %arg1[%get3A_1175, %get3A_1176, %get3A_1177] : memref<1x16x100000xf32, #tpu.memory_space<vmem>>, vector<1x1x12544xf32>
    %get3A_1179 = vector.shape_cast %get3A_1178 : vector<1x1x12544xf32> to vector<12544xf32>
    %swap3A_1180 = arith.constant 0 : index
    %swap3A_1181 = arith.constant 3 : index
    %swap3A_1182 = arith.constant 0 : index
    %swap3A_1183 = vector.load %arg16[%swap3A_1180, %swap3A_1181, %swap3A_1182] : memref<1x8x12544xf32, #tpu.memory_space<vmem>>, vector<1x1x12544xf32>
    %swap3A_1184 = vector.shape_cast %swap3A_1183 : vector<1x1x12544xf32> to vector<12544xf32>
    %swap3A_1185 = vector.shape_cast %get3A_1179 : vector<12544xf32> to vector<1x1x12544xf32>
    tpu.vector_store %arg16[%swap3A_1180, %swap3A_1181, %swap3A_1182], %swap3A_1185 {strides = array<i32>} : memref<1x8x12544xf32, #tpu.memory_space<vmem>>, vector<1x1x12544xf32>,
    %get3A_1186 = arith.constant 0 : index
    %get3A_1187 = arith.constant 13 : index
    %get3A_1188 = arith.constant 50176 : index
    %get3A_1189 = vector.load %arg1[%get3A_1186, %get3A_1187, %get3A_1188] : memref<1x16x100000xf32, #tpu.memory_space<vmem>>, vector<1x1x12544xf32>
    %get3A_1190 = vector.shape_cast %get3A_1189 : vector<1x1x12544xf32> to vector<12544xf32>
    %swap3A_1191 = arith.constant 0 : index
    %swap3A_1192 = arith.constant 4 : index
    %swap3A_1193 = arith.constant 0 : index
    %swap3A_1194 = vector.load %arg16[%swap3A_1191, %swap3A_1192, %swap3A_1193] : memref<1x8x12544xf32, #tpu.memory_space<vmem>>, vector<1x1x12544xf32>
    %swap3A_1195 = vector.shape_cast %swap3A_1194 : vector<1x1x12544xf32> to vector<12544xf32>
    %swap3A_1196 = vector.shape_cast %get3A_1190 : vector<12544xf32> to vector<1x1x12544xf32>
    tpu.vector_store %arg16[%swap3A_1191, %swap3A_1192, %swap3A_1193], %swap3A_1196 {strides = array<i32>} : memref<1x8x12544xf32, #tpu.memory_space<vmem>>, vector<1x1x12544xf32>,
    %get3A_1197 = arith.constant 0 : index
    %get3A_1198 = arith.constant 13 : index
    %get3A_1199 = arith.constant 62720 : index
    %get3A_1200 = vector.load %arg1[%get3A_1197, %get3A_1198, %get3A_1199] : memref<1x16x100000xf32, #tpu.memory_space<vmem>>, vector<1x1x12544xf32>
    %get3A_1201 = vector.shape_cast %get3A_1200 : vector<1x1x12544xf32> to vector<12544xf32>
    %swap3A_1202 = arith.constant 0 : index
    %swap3A_1203 = arith.constant 5 : index
    %swap3A_1204 = arith.constant 0 : index
    %swap3A_1205 = vector.load %arg16[%swap3A_1202, %swap3A_1203, %swap3A_1204] : memref<1x8x12544xf32, #tpu.memory_space<vmem>>, vector<1x1x12544xf32>
    %swap3A_1206 = vector.shape_cast %swap3A_1205 : vector<1x1x12544xf32> to vector<12544xf32>
    %swap3A_1207 = vector.shape_cast %get3A_1201 : vector<12544xf32> to vector<1x1x12544xf32>
    tpu.vector_store %arg16[%swap3A_1202, %swap3A_1203, %swap3A_1204], %swap3A_1207 {strides = array<i32>} : memref<1x8x12544xf32, #tpu.memory_space<vmem>>, vector<1x1x12544xf32>,
    %get3A_1208 = arith.constant 0 : index
    %get3A_1209 = arith.constant 13 : index
    %get3A_1210 = arith.constant 75264 : index
    %get3A_1211 = vector.load %arg1[%get3A_1208, %get3A_1209, %get3A_1210] : memref<1x16x100000xf32, #tpu.memory_space<vmem>>, vector<1x1x12544xf32>
    %get3A_1212 = vector.shape_cast %get3A_1211 : vector<1x1x12544xf32> to vector<12544xf32>
    %swap3A_1213 = arith.constant 0 : index
    %swap3A_1214 = arith.constant 6 : index
    %swap3A_1215 = arith.constant 0 : index
    %swap3A_1216 = vector.load %arg16[%swap3A_1213, %swap3A_1214, %swap3A_1215] : memref<1x8x12544xf32, #tpu.memory_space<vmem>>, vector<1x1x12544xf32>
    %swap3A_1217 = vector.shape_cast %swap3A_1216 : vector<1x1x12544xf32> to vector<12544xf32>
    %swap3A_1218 = vector.shape_cast %get3A_1212 : vector<12544xf32> to vector<1x1x12544xf32>
    tpu.vector_store %arg16[%swap3A_1213, %swap3A_1214, %swap3A_1215], %swap3A_1218 {strides = array<i32>} : memref<1x8x12544xf32, #tpu.memory_space<vmem>>, vector<1x1x12544xf32>,
    %get3A_1219 = arith.constant 0 : index
    %get3A_1220 = arith.constant 13 : index
    %get3A_1221 = arith.constant 87808 : index
    %get3A_1222 = vector.load %arg1[%get3A_1219, %get3A_1220, %get3A_1221] : memref<1x16x100000xf32, #tpu.memory_space<vmem>>, vector<1x1x12192xf32>
    %get3A_1223 = vector.shape_cast %get3A_1222 : vector<1x1x12192xf32> to vector<12192xf32>
    %swap3A_1224 = arith.constant 0 : index
    %swap3A_1225 = arith.constant 7 : index
    %swap3A_1226 = arith.constant 0 : index
    %swap3A_1227 = vector.load %arg16[%swap3A_1224, %swap3A_1225, %swap3A_1226] : memref<1x8x12544xf32, #tpu.memory_space<vmem>>, vector<1x1x12192xf32>
    %swap3A_1228 = vector.shape_cast %swap3A_1227 : vector<1x1x12192xf32> to vector<12192xf32>
    %swap3A_1229 = vector.shape_cast %get3A_1223 : vector<12192xf32> to vector<1x1x12192xf32>
    tpu.vector_store %arg16[%swap3A_1224, %swap3A_1225, %swap3A_1226], %swap3A_1229 {strides = array<i32>} : memref<1x8x12544xf32, #tpu.memory_space<vmem>>, vector<1x1x12192xf32>,
    %get3A_1230 = arith.constant 0 : index
    %get3A_1231 = arith.constant 14 : index
    %get3A_1232 = arith.constant 0 : index
    %get3A_1233 = vector.load %arg1[%get3A_1230, %get3A_1231, %get3A_1232] : memref<1x16x100000xf32, #tpu.memory_space<vmem>>, vector<1x1x12544xf32>
    %get3A_1234 = vector.shape_cast %get3A_1233 : vector<1x1x12544xf32> to vector<12544xf32>
    %swap3A_1235 = arith.constant 0 : index
    %swap3A_1236 = arith.constant 0 : index
    %swap3A_1237 = arith.constant 0 : index
    %swap3A_1238 = vector.load %arg17[%swap3A_1235, %swap3A_1236, %swap3A_1237] : memref<1x8x12544xf32, #tpu.memory_space<vmem>>, vector<1x1x12544xf32>
    %swap3A_1239 = vector.shape_cast %swap3A_1238 : vector<1x1x12544xf32> to vector<12544xf32>
    %swap3A_1240 = vector.shape_cast %get3A_1234 : vector<12544xf32> to vector<1x1x12544xf32>
    tpu.vector_store %arg17[%swap3A_1235, %swap3A_1236, %swap3A_1237], %swap3A_1240 {strides = array<i32>} : memref<1x8x12544xf32, #tpu.memory_space<vmem>>, vector<1x1x12544xf32>,
    %get3A_1241 = arith.constant 0 : index
    %get3A_1242 = arith.constant 14 : index
    %get3A_1243 = arith.constant 12544 : index
    %get3A_1244 = vector.load %arg1[%get3A_1241, %get3A_1242, %get3A_1243] : memref<1x16x100000xf32, #tpu.memory_space<vmem>>, vector<1x1x12544xf32>
    %get3A_1245 = vector.shape_cast %get3A_1244 : vector<1x1x12544xf32> to vector<12544xf32>
    %swap3A_1246 = arith.constant 0 : index
    %swap3A_1247 = arith.constant 1 : index
    %swap3A_1248 = arith.constant 0 : index
    %swap3A_1249 = vector.load %arg17[%swap3A_1246, %swap3A_1247, %swap3A_1248] : memref<1x8x12544xf32, #tpu.memory_space<vmem>>, vector<1x1x12544xf32>
    %swap3A_1250 = vector.shape_cast %swap3A_1249 : vector<1x1x12544xf32> to vector<12544xf32>
    %swap3A_1251 = vector.shape_cast %get3A_1245 : vector<12544xf32> to vector<1x1x12544xf32>
    tpu.vector_store %arg17[%swap3A_1246, %swap3A_1247, %swap3A_1248], %swap3A_1251 {strides = array<i32>} : memref<1x8x12544xf32, #tpu.memory_space<vmem>>, vector<1x1x12544xf32>,
    %get3A_1252 = arith.constant 0 : index
    %get3A_1253 = arith.constant 14 : index
    %get3A_1254 = arith.constant 25088 : index
    %get3A_1255 = vector.load %arg1[%get3A_1252, %get3A_1253, %get3A_1254] : memref<1x16x100000xf32, #tpu.memory_space<vmem>>, vector<1x1x12544xf32>
    %get3A_1256 = vector.shape_cast %get3A_1255 : vector<1x1x12544xf32> to vector<12544xf32>
    %swap3A_1257 = arith.constant 0 : index
    %swap3A_1258 = arith.constant 2 : index
    %swap3A_1259 = arith.constant 0 : index
    %swap3A_1260 = vector.load %arg17[%swap3A_1257, %swap3A_1258, %swap3A_1259] : memref<1x8x12544xf32, #tpu.memory_space<vmem>>, vector<1x1x12544xf32>
    %swap3A_1261 = vector.shape_cast %swap3A_1260 : vector<1x1x12544xf32> to vector<12544xf32>
    %swap3A_1262 = vector.shape_cast %get3A_1256 : vector<12544xf32> to vector<1x1x12544xf32>
    tpu.vector_store %arg17[%swap3A_1257, %swap3A_1258, %swap3A_1259], %swap3A_1262 {strides = array<i32>} : memref<1x8x12544xf32, #tpu.memory_space<vmem>>, vector<1x1x12544xf32>,
    %get3A_1263 = arith.constant 0 : index
    %get3A_1264 = arith.constant 14 : index
    %get3A_1265 = arith.constant 37632 : index
    %get3A_1266 = vector.load %arg1[%get3A_1263, %get3A_1264, %get3A_1265] : memref<1x16x100000xf32, #tpu.memory_space<vmem>>, vector<1x1x12544xf32>
    %get3A_1267 = vector.shape_cast %get3A_1266 : vector<1x1x12544xf32> to vector<12544xf32>
    %swap3A_1268 = arith.constant 0 : index
    %swap3A_1269 = arith.constant 3 : index
    %swap3A_1270 = arith.constant 0 : index
    %swap3A_1271 = vector.load %arg17[%swap3A_1268, %swap3A_1269, %swap3A_1270] : memref<1x8x12544xf32, #tpu.memory_space<vmem>>, vector<1x1x12544xf32>
    %swap3A_1272 = vector.shape_cast %swap3A_1271 : vector<1x1x12544xf32> to vector<12544xf32>
    %swap3A_1273 = vector.shape_cast %get3A_1267 : vector<12544xf32> to vector<1x1x12544xf32>
    tpu.vector_store %arg17[%swap3A_1268, %swap3A_1269, %swap3A_1270], %swap3A_1273 {strides = array<i32>} : memref<1x8x12544xf32, #tpu.memory_space<vmem>>, vector<1x1x12544xf32>,
    %get3A_1274 = arith.constant 0 : index
    %get3A_1275 = arith.constant 14 : index
    %get3A_1276 = arith.constant 50176 : index
    %get3A_1277 = vector.load %arg1[%get3A_1274, %get3A_1275, %get3A_1276] : memref<1x16x100000xf32, #tpu.memory_space<vmem>>, vector<1x1x12544xf32>
    %get3A_1278 = vector.shape_cast %get3A_1277 : vector<1x1x12544xf32> to vector<12544xf32>
    %swap3A_1279 = arith.constant 0 : index
    %swap3A_1280 = arith.constant 4 : index
    %swap3A_1281 = arith.constant 0 : index
    %swap3A_1282 = vector.load %arg17[%swap3A_1279, %swap3A_1280, %swap3A_1281] : memref<1x8x12544xf32, #tpu.memory_space<vmem>>, vector<1x1x12544xf32>
    %swap3A_1283 = vector.shape_cast %swap3A_1282 : vector<1x1x12544xf32> to vector<12544xf32>
    %swap3A_1284 = vector.shape_cast %get3A_1278 : vector<12544xf32> to vector<1x1x12544xf32>
    tpu.vector_store %arg17[%swap3A_1279, %swap3A_1280, %swap3A_1281], %swap3A_1284 {strides = array<i32>} : memref<1x8x12544xf32, #tpu.memory_space<vmem>>, vector<1x1x12544xf32>,
    %get3A_1285 = arith.constant 0 : index
    %get3A_1286 = arith.constant 14 : index
    %get3A_1287 = arith.constant 62720 : index
    %get3A_1288 = vector.load %arg1[%get3A_1285, %get3A_1286, %get3A_1287] : memref<1x16x100000xf32, #tpu.memory_space<vmem>>, vector<1x1x12544xf32>
    %get3A_1289 = vector.shape_cast %get3A_1288 : vector<1x1x12544xf32> to vector<12544xf32>
    %swap3A_1290 = arith.constant 0 : index
    %swap3A_1291 = arith.constant 5 : index
    %swap3A_1292 = arith.constant 0 : index
    %swap3A_1293 = vector.load %arg17[%swap3A_1290, %swap3A_1291, %swap3A_1292] : memref<1x8x12544xf32, #tpu.memory_space<vmem>>, vector<1x1x12544xf32>
    %swap3A_1294 = vector.shape_cast %swap3A_1293 : vector<1x1x12544xf32> to vector<12544xf32>
    %swap3A_1295 = vector.shape_cast %get3A_1289 : vector<12544xf32> to vector<1x1x12544xf32>
    tpu.vector_store %arg17[%swap3A_1290, %swap3A_1291, %swap3A_1292], %swap3A_1295 {strides = array<i32>} : memref<1x8x12544xf32, #tpu.memory_space<vmem>>, vector<1x1x12544xf32>,
    %get3A_1296 = arith.constant 0 : index
    %get3A_1297 = arith.constant 14 : index
    %get3A_1298 = arith.constant 75264 : index
    %get3A_1299 = vector.load %arg1[%get3A_1296, %get3A_1297, %get3A_1298] : memref<1x16x100000xf32, #tpu.memory_space<vmem>>, vector<1x1x12544xf32>
    %get3A_1300 = vector.shape_cast %get3A_1299 : vector<1x1x12544xf32> to vector<12544xf32>
    %swap3A_1301 = arith.constant 0 : index
    %swap3A_1302 = arith.constant 6 : index
    %swap3A_1303 = arith.constant 0 : index
    %swap3A_1304 = vector.load %arg17[%swap3A_1301, %swap3A_1302, %swap3A_1303] : memref<1x8x12544xf32, #tpu.memory_space<vmem>>, vector<1x1x12544xf32>
    %swap3A_1305 = vector.shape_cast %swap3A_1304 : vector<1x1x12544xf32> to vector<12544xf32>
    %swap3A_1306 = vector.shape_cast %get3A_1300 : vector<12544xf32> to vector<1x1x12544xf32>
    tpu.vector_store %arg17[%swap3A_1301, %swap3A_1302, %swap3A_1303], %swap3A_1306 {strides = array<i32>} : memref<1x8x12544xf32, #tpu.memory_space<vmem>>, vector<1x1x12544xf32>,
    %get3A_1307 = arith.constant 0 : index
    %get3A_1308 = arith.constant 14 : index
    %get3A_1309 = arith.constant 87808 : index
    %get3A_1310 = vector.load %arg1[%get3A_1307, %get3A_1308, %get3A_1309] : memref<1x16x100000xf32, #tpu.memory_space<vmem>>, vector<1x1x12192xf32>
    %get3A_1311 = vector.shape_cast %get3A_1310 : vector<1x1x12192xf32> to vector<12192xf32>
    %swap3A_1312 = arith.constant 0 : index
    %swap3A_1313 = arith.constant 7 : index
    %swap3A_1314 = arith.constant 0 : index
    %swap3A_1315 = vector.load %arg17[%swap3A_1312, %swap3A_1313, %swap3A_1314] : memref<1x8x12544xf32, #tpu.memory_space<vmem>>, vector<1x1x12192xf32>
    %swap3A_1316 = vector.shape_cast %swap3A_1315 : vector<1x1x12192xf32> to vector<12192xf32>
    %swap3A_1317 = vector.shape_cast %get3A_1311 : vector<12192xf32> to vector<1x1x12192xf32>
    tpu.vector_store %arg17[%swap3A_1312, %swap3A_1313, %swap3A_1314], %swap3A_1317 {strides = array<i32>} : memref<1x8x12544xf32, #tpu.memory_space<vmem>>, vector<1x1x12192xf32>,
    %get3A_1318 = arith.constant 0 : index
    %get3A_1319 = arith.constant 15 : index
    %get3A_1320 = arith.constant 0 : index
    %get3A_1321 = vector.load %arg1[%get3A_1318, %get3A_1319, %get3A_1320] : memref<1x16x100000xf32, #tpu.memory_space<vmem>>, vector<1x1x12544xf32>
    %get3A_1322 = vector.shape_cast %get3A_1321 : vector<1x1x12544xf32> to vector<12544xf32>
    %swap3A_1323 = arith.constant 0 : index
    %swap3A_1324 = arith.constant 0 : index
    %swap3A_1325 = arith.constant 0 : index
    %swap3A_1326 = vector.load %arg18[%swap3A_1323, %swap3A_1324, %swap3A_1325] : memref<1x8x12544xf32, #tpu.memory_space<vmem>>, vector<1x1x12544xf32>
    %swap3A_1327 = vector.shape_cast %swap3A_1326 : vector<1x1x12544xf32> to vector<12544xf32>
    %swap3A_1328 = vector.shape_cast %get3A_1322 : vector<12544xf32> to vector<1x1x12544xf32>
    tpu.vector_store %arg18[%swap3A_1323, %swap3A_1324, %swap3A_1325], %swap3A_1328 {strides = array<i32>} : memref<1x8x12544xf32, #tpu.memory_space<vmem>>, vector<1x1x12544xf32>,
    %get3A_1329 = arith.constant 0 : index
    %get3A_1330 = arith.constant 15 : index
    %get3A_1331 = arith.constant 12544 : index
    %get3A_1332 = vector.load %arg1[%get3A_1329, %get3A_1330, %get3A_1331] : memref<1x16x100000xf32, #tpu.memory_space<vmem>>, vector<1x1x12544xf32>
    %get3A_1333 = vector.shape_cast %get3A_1332 : vector<1x1x12544xf32> to vector<12544xf32>
    %swap3A_1334 = arith.constant 0 : index
    %swap3A_1335 = arith.constant 1 : index
    %swap3A_1336 = arith.constant 0 : index
    %swap3A_1337 = vector.load %arg18[%swap3A_1334, %swap3A_1335, %swap3A_1336] : memref<1x8x12544xf32, #tpu.memory_space<vmem>>, vector<1x1x12544xf32>
    %swap3A_1338 = vector.shape_cast %swap3A_1337 : vector<1x1x12544xf32> to vector<12544xf32>
    %swap3A_1339 = vector.shape_cast %get3A_1333 : vector<12544xf32> to vector<1x1x12544xf32>
    tpu.vector_store %arg18[%swap3A_1334, %swap3A_1335, %swap3A_1336], %swap3A_1339 {strides = array<i32>} : memref<1x8x12544xf32, #tpu.memory_space<vmem>>, vector<1x1x12544xf32>,
    %get3A_1340 = arith.constant 0 : index
    %get3A_1341 = arith.constant 15 : index
    %get3A_1342 = arith.constant 25088 : index
    %get3A_1343 = vector.load %arg1[%get3A_1340, %get3A_1341, %get3A_1342] : memref<1x16x100000xf32, #tpu.memory_space<vmem>>, vector<1x1x12544xf32>
    %get3A_1344 = vector.shape_cast %get3A_1343 : vector<1x1x12544xf32> to vector<12544xf32>
    %swap3A_1345 = arith.constant 0 : index
    %swap3A_1346 = arith.constant 2 : index
    %swap3A_1347 = arith.constant 0 : index
    %swap3A_1348 = vector.load %arg18[%swap3A_1345, %swap3A_1346, %swap3A_1347] : memref<1x8x12544xf32, #tpu.memory_space<vmem>>, vector<1x1x12544xf32>
    %swap3A_1349 = vector.shape_cast %swap3A_1348 : vector<1x1x12544xf32> to vector<12544xf32>
    %swap3A_1350 = vector.shape_cast %get3A_1344 : vector<12544xf32> to vector<1x1x12544xf32>
    tpu.vector_store %arg18[%swap3A_1345, %swap3A_1346, %swap3A_1347], %swap3A_1350 {strides = array<i32>} : memref<1x8x12544xf32, #tpu.memory_space<vmem>>, vector<1x1x12544xf32>,
    %get3A_1351 = arith.constant 0 : index
    %get3A_1352 = arith.constant 15 : index
    %get3A_1353 = arith.constant 37632 : index
    %get3A_1354 = vector.load %arg1[%get3A_1351, %get3A_1352, %get3A_1353] : memref<1x16x100000xf32, #tpu.memory_space<vmem>>, vector<1x1x12544xf32>
    %get3A_1355 = vector.shape_cast %get3A_1354 : vector<1x1x12544xf32> to vector<12544xf32>
    %swap3A_1356 = arith.constant 0 : index
    %swap3A_1357 = arith.constant 3 : index
    %swap3A_1358 = arith.constant 0 : index
    %swap3A_1359 = vector.load %arg18[%swap3A_1356, %swap3A_1357, %swap3A_1358] : memref<1x8x12544xf32, #tpu.memory_space<vmem>>, vector<1x1x12544xf32>
    %swap3A_1360 = vector.shape_cast %swap3A_1359 : vector<1x1x12544xf32> to vector<12544xf32>
    %swap3A_1361 = vector.shape_cast %get3A_1355 : vector<12544xf32> to vector<1x1x12544xf32>
    tpu.vector_store %arg18[%swap3A_1356, %swap3A_1357, %swap3A_1358], %swap3A_1361 {strides = array<i32>} : memref<1x8x12544xf32, #tpu.memory_space<vmem>>, vector<1x1x12544xf32>,
    %get3A_1362 = arith.constant 0 : index
    %get3A_1363 = arith.constant 15 : index
    %get3A_1364 = arith.constant 50176 : index
    %get3A_1365 = vector.load %arg1[%get3A_1362, %get3A_1363, %get3A_1364] : memref<1x16x100000xf32, #tpu.memory_space<vmem>>, vector<1x1x12544xf32>
    %get3A_1366 = vector.shape_cast %get3A_1365 : vector<1x1x12544xf32> to vector<12544xf32>
    %swap3A_1367 = arith.constant 0 : index
    %swap3A_1368 = arith.constant 4 : index
    %swap3A_1369 = arith.constant 0 : index
    %swap3A_1370 = vector.load %arg18[%swap3A_1367, %swap3A_1368, %swap3A_1369] : memref<1x8x12544xf32, #tpu.memory_space<vmem>>, vector<1x1x12544xf32>
    %swap3A_1371 = vector.shape_cast %swap3A_1370 : vector<1x1x12544xf32> to vector<12544xf32>
    %swap3A_1372 = vector.shape_cast %get3A_1366 : vector<12544xf32> to vector<1x1x12544xf32>
    tpu.vector_store %arg18[%swap3A_1367, %swap3A_1368, %swap3A_1369], %swap3A_1372 {strides = array<i32>} : memref<1x8x12544xf32, #tpu.memory_space<vmem>>, vector<1x1x12544xf32>,
    %get3A_1373 = arith.constant 0 : index
    %get3A_1374 = arith.constant 15 : index
    %get3A_1375 = arith.constant 62720 : index
    %get3A_1376 = vector.load %arg1[%get3A_1373, %get3A_1374, %get3A_1375] : memref<1x16x100000xf32, #tpu.memory_space<vmem>>, vector<1x1x12544xf32>
    %get3A_1377 = vector.shape_cast %get3A_1376 : vector<1x1x12544xf32> to vector<12544xf32>
    %swap3A_1378 = arith.constant 0 : index
    %swap3A_1379 = arith.constant 5 : index
    %swap3A_1380 = arith.constant 0 : index
    %swap3A_1381 = vector.load %arg18[%swap3A_1378, %swap3A_1379, %swap3A_1380] : memref<1x8x12544xf32, #tpu.memory_space<vmem>>, vector<1x1x12544xf32>
    %swap3A_1382 = vector.shape_cast %swap3A_1381 : vector<1x1x12544xf32> to vector<12544xf32>
    %swap3A_1383 = vector.shape_cast %get3A_1377 : vector<12544xf32> to vector<1x1x12544xf32>
    tpu.vector_store %arg18[%swap3A_1378, %swap3A_1379, %swap3A_1380], %swap3A_1383 {strides = array<i32>} : memref<1x8x12544xf32, #tpu.memory_space<vmem>>, vector<1x1x12544xf32>,
    %get3A_1384 = arith.constant 0 : index
    %get3A_1385 = arith.constant 15 : index
    %get3A_1386 = arith.constant 75264 : index
    %get3A_1387 = vector.load %arg1[%get3A_1384, %get3A_1385, %get3A_1386] : memref<1x16x100000xf32, #tpu.memory_space<vmem>>, vector<1x1x12544xf32>
    %get3A_1388 = vector.shape_cast %get3A_1387 : vector<1x1x12544xf32> to vector<12544xf32>
    %swap3A_1389 = arith.constant 0 : index
    %swap3A_1390 = arith.constant 6 : index
    %swap3A_1391 = arith.constant 0 : index
    %swap3A_1392 = vector.load %arg18[%swap3A_1389, %swap3A_1390, %swap3A_1391] : memref<1x8x12544xf32, #tpu.memory_space<vmem>>, vector<1x1x12544xf32>
    %swap3A_1393 = vector.shape_cast %swap3A_1392 : vector<1x1x12544xf32> to vector<12544xf32>
    %swap3A_1394 = vector.shape_cast %get3A_1388 : vector<12544xf32> to vector<1x1x12544xf32>
    tpu.vector_store %arg18[%swap3A_1389, %swap3A_1390, %swap3A_1391], %swap3A_1394 {strides = array<i32>} : memref<1x8x12544xf32, #tpu.memory_space<vmem>>, vector<1x1x12544xf32>,
    %get3A_1395 = arith.constant 0 : index
    %get3A_1396 = arith.constant 15 : index
    %get3A_1397 = arith.constant 87808 : index
    %get3A_1398 = vector.load %arg1[%get3A_1395, %get3A_1396, %get3A_1397] : memref<1x16x100000xf32, #tpu.memory_space<vmem>>, vector<1x1x12192xf32>
    %get3A_1399 = vector.shape_cast %get3A_1398 : vector<1x1x12192xf32> to vector<12192xf32>
    %swap3A_1400 = arith.constant 0 : index
    %swap3A_1401 = arith.constant 7 : index
    %swap3A_1402 = arith.constant 0 : index
    %swap3A_1403 = vector.load %arg18[%swap3A_1400, %swap3A_1401, %swap3A_1402] : memref<1x8x12544xf32, #tpu.memory_space<vmem>>, vector<1x1x12192xf32>
    %swap3A_1404 = vector.shape_cast %swap3A_1403 : vector<1x1x12192xf32> to vector<12192xf32>
    %swap3A_1405 = vector.shape_cast %get3A_1399 : vector<12192xf32> to vector<1x1x12192xf32>
    tpu.vector_store %arg18[%swap3A_1400, %swap3A_1401, %swap3A_1402], %swap3A_1405 {strides = array<i32>} : memref<1x8x12544xf32, #tpu.memory_space<vmem>>, vector<1x1x12192xf32>,
    %get3A_1406 = arith.constant 0 : index
    %get3A_1407 = arith.constant 0 : index
    %get3A_1408 = arith.constant 0 : index
    %get3A_1409 = vector.load %arg2[%get3A_1406, %get3A_1407, %get3A_1408] : memref<1x1x100000xf32, #tpu.memory_space<vmem>>, vector<1x1x12544xf32>
    %get3A_1410 = vector.shape_cast %get3A_1409 : vector<1x1x12544xf32> to vector<12544xf32>
    %swap3A_1411 = arith.constant 0 : index
    %swap3A_1412 = arith.constant 0 : index
    %swap3A_1413 = arith.constant 0 : index
    %swap3A_1414 = vector.load %arg19[%swap3A_1411, %swap3A_1412, %swap3A_1413] : memref<1x8x12544xf32, #tpu.memory_space<vmem>>, vector<1x1x12544xf32>
    %swap3A_1415 = vector.shape_cast %swap3A_1414 : vector<1x1x12544xf32> to vector<12544xf32>
    %swap3A_1416 = vector.shape_cast %get3A_1410 : vector<12544xf32> to vector<1x1x12544xf32>
    tpu.vector_store %arg19[%swap3A_1411, %swap3A_1412, %swap3A_1413], %swap3A_1416 {strides = array<i32>} : memref<1x8x12544xf32, #tpu.memory_space<vmem>>, vector<1x1x12544xf32>,
    %get3A_1417 = arith.constant 0 : index
    %get3A_1418 = arith.constant 0 : index
    %get3A_1419 = arith.constant 12544 : index
    %get3A_1420 = vector.load %arg2[%get3A_1417, %get3A_1418, %get3A_1419] : memref<1x1x100000xf32, #tpu.memory_space<vmem>>, vector<1x1x12544xf32>
    %get3A_1421 = vector.shape_cast %get3A_1420 : vector<1x1x12544xf32> to vector<12544xf32>
    %swap3A_1422 = arith.constant 0 : index
    %swap3A_1423 = arith.constant 1 : index
    %swap3A_1424 = arith.constant 0 : index
    %swap3A_1425 = vector.load %arg19[%swap3A_1422, %swap3A_1423, %swap3A_1424] : memref<1x8x12544xf32, #tpu.memory_space<vmem>>, vector<1x1x12544xf32>
    %swap3A_1426 = vector.shape_cast %swap3A_1425 : vector<1x1x12544xf32> to vector<12544xf32>
    %swap3A_1427 = vector.shape_cast %get3A_1421 : vector<12544xf32> to vector<1x1x12544xf32>
    tpu.vector_store %arg19[%swap3A_1422, %swap3A_1423, %swap3A_1424], %swap3A_1427 {strides = array<i32>} : memref<1x8x12544xf32, #tpu.memory_space<vmem>>, vector<1x1x12544xf32>,
    %get3A_1428 = arith.constant 0 : index
    %get3A_1429 = arith.constant 0 : index
    %get3A_1430 = arith.constant 25088 : index
    %get3A_1431 = vector.load %arg2[%get3A_1428, %get3A_1429, %get3A_1430] : memref<1x1x100000xf32, #tpu.memory_space<vmem>>, vector<1x1x12544xf32>
    %get3A_1432 = vector.shape_cast %get3A_1431 : vector<1x1x12544xf32> to vector<12544xf32>
    %swap3A_1433 = arith.constant 0 : index
    %swap3A_1434 = arith.constant 2 : index
    %swap3A_1435 = arith.constant 0 : index
    %swap3A_1436 = vector.load %arg19[%swap3A_1433, %swap3A_1434, %swap3A_1435] : memref<1x8x12544xf32, #tpu.memory_space<vmem>>, vector<1x1x12544xf32>
    %swap3A_1437 = vector.shape_cast %swap3A_1436 : vector<1x1x12544xf32> to vector<12544xf32>
    %swap3A_1438 = vector.shape_cast %get3A_1432 : vector<12544xf32> to vector<1x1x12544xf32>
    tpu.vector_store %arg19[%swap3A_1433, %swap3A_1434, %swap3A_1435], %swap3A_1438 {strides = array<i32>} : memref<1x8x12544xf32, #tpu.memory_space<vmem>>, vector<1x1x12544xf32>,
    %get3A_1439 = arith.constant 0 : index
    %get3A_1440 = arith.constant 0 : index
    %get3A_1441 = arith.constant 37632 : index
    %get3A_1442 = vector.load %arg2[%get3A_1439, %get3A_1440, %get3A_1441] : memref<1x1x100000xf32, #tpu.memory_space<vmem>>, vector<1x1x12544xf32>
    %get3A_1443 = vector.shape_cast %get3A_1442 : vector<1x1x12544xf32> to vector<12544xf32>
    %swap3A_1444 = arith.constant 0 : index
    %swap3A_1445 = arith.constant 3 : index
    %swap3A_1446 = arith.constant 0 : index
    %swap3A_1447 = vector.load %arg19[%swap3A_1444, %swap3A_1445, %swap3A_1446] : memref<1x8x12544xf32, #tpu.memory_space<vmem>>, vector<1x1x12544xf32>
    %swap3A_1448 = vector.shape_cast %swap3A_1447 : vector<1x1x12544xf32> to vector<12544xf32>
    %swap3A_1449 = vector.shape_cast %get3A_1443 : vector<12544xf32> to vector<1x1x12544xf32>
    tpu.vector_store %arg19[%swap3A_1444, %swap3A_1445, %swap3A_1446], %swap3A_1449 {strides = array<i32>} : memref<1x8x12544xf32, #tpu.memory_space<vmem>>, vector<1x1x12544xf32>,
    %get3A_1450 = arith.constant 0 : index
    %get3A_1451 = arith.constant 0 : index
    %get3A_1452 = arith.constant 50176 : index
    %get3A_1453 = vector.load %arg2[%get3A_1450, %get3A_1451, %get3A_1452] : memref<1x1x100000xf32, #tpu.memory_space<vmem>>, vector<1x1x12544xf32>
    %get3A_1454 = vector.shape_cast %get3A_1453 : vector<1x1x12544xf32> to vector<12544xf32>
    %swap3A_1455 = arith.constant 0 : index
    %swap3A_1456 = arith.constant 4 : index
    %swap3A_1457 = arith.constant 0 : index
    %swap3A_1458 = vector.load %arg19[%swap3A_1455, %swap3A_1456, %swap3A_1457] : memref<1x8x12544xf32, #tpu.memory_space<vmem>>, vector<1x1x12544xf32>
    %swap3A_1459 = vector.shape_cast %swap3A_1458 : vector<1x1x12544xf32> to vector<12544xf32>
    %swap3A_1460 = vector.shape_cast %get3A_1454 : vector<12544xf32> to vector<1x1x12544xf32>
    tpu.vector_store %arg19[%swap3A_1455, %swap3A_1456, %swap3A_1457], %swap3A_1460 {strides = array<i32>} : memref<1x8x12544xf32, #tpu.memory_space<vmem>>, vector<1x1x12544xf32>,
    %get3A_1461 = arith.constant 0 : index
    %get3A_1462 = arith.constant 0 : index
    %get3A_1463 = arith.constant 62720 : index
    %get3A_1464 = vector.load %arg2[%get3A_1461, %get3A_1462, %get3A_1463] : memref<1x1x100000xf32, #tpu.memory_space<vmem>>, vector<1x1x12544xf32>
    %get3A_1465 = vector.shape_cast %get3A_1464 : vector<1x1x12544xf32> to vector<12544xf32>
    %swap3A_1466 = arith.constant 0 : index
    %swap3A_1467 = arith.constant 5 : index
    %swap3A_1468 = arith.constant 0 : index
    %swap3A_1469 = vector.load %arg19[%swap3A_1466, %swap3A_1467, %swap3A_1468] : memref<1x8x12544xf32, #tpu.memory_space<vmem>>, vector<1x1x12544xf32>
    %swap3A_1470 = vector.shape_cast %swap3A_1469 : vector<1x1x12544xf32> to vector<12544xf32>
    %swap3A_1471 = vector.shape_cast %get3A_1465 : vector<12544xf32> to vector<1x1x12544xf32>
    tpu.vector_store %arg19[%swap3A_1466, %swap3A_1467, %swap3A_1468], %swap3A_1471 {strides = array<i32>} : memref<1x8x12544xf32, #tpu.memory_space<vmem>>, vector<1x1x12544xf32>,
    %get3A_1472 = arith.constant 0 : index
    %get3A_1473 = arith.constant 0 : index
    %get3A_1474 = arith.constant 75264 : index
    %get3A_1475 = vector.load %arg2[%get3A_1472, %get3A_1473, %get3A_1474] : memref<1x1x100000xf32, #tpu.memory_space<vmem>>, vector<1x1x12544xf32>
    %get3A_1476 = vector.shape_cast %get3A_1475 : vector<1x1x12544xf32> to vector<12544xf32>
    %swap3A_1477 = arith.constant 0 : index
    %swap3A_1478 = arith.constant 6 : index
    %swap3A_1479 = arith.constant 0 : index
    %swap3A_1480 = vector.load %arg19[%swap3A_1477, %swap3A_1478, %swap3A_1479] : memref<1x8x12544xf32, #tpu.memory_space<vmem>>, vector<1x1x12544xf32>
    %swap3A_1481 = vector.shape_cast %swap3A_1480 : vector<1x1x12544xf32> to vector<12544xf32>
    %swap3A_1482 = vector.shape_cast %get3A_1476 : vector<12544xf32> to vector<1x1x12544xf32>
    tpu.vector_store %arg19[%swap3A_1477, %swap3A_1478, %swap3A_1479], %swap3A_1482 {strides = array<i32>} : memref<1x8x12544xf32, #tpu.memory_space<vmem>>, vector<1x1x12544xf32>,
    %get3A_1483 = arith.constant 0 : index
    %get3A_1484 = arith.constant 0 : index
    %get3A_1485 = arith.constant 87808 : index
    %get3A_1486 = vector.load %arg2[%get3A_1483, %get3A_1484, %get3A_1485] : memref<1x1x100000xf32, #tpu.memory_space<vmem>>, vector<1x1x12192xf32>
    %get3A_1487 = vector.shape_cast %get3A_1486 : vector<1x1x12192xf32> to vector<12192xf32>
    %swap3A_1488 = arith.constant 0 : index
    %swap3A_1489 = arith.constant 7 : index
    %swap3A_1490 = arith.constant 0 : index
    %swap3A_1491 = vector.load %arg19[%swap3A_1488, %swap3A_1489, %swap3A_1490] : memref<1x8x12544xf32, #tpu.memory_space<vmem>>, vector<1x1x12192xf32>
    %swap3A_1492 = vector.shape_cast %swap3A_1491 : vector<1x1x12192xf32> to vector<12192xf32>
    %swap3A_1493 = vector.shape_cast %get3A_1487 : vector<12192xf32> to vector<1x1x12192xf32>
    tpu.vector_store %arg19[%swap3A_1488, %swap3A_1489, %swap3A_1490], %swap3A_1493 {strides = array<i32>} : memref<1x8x12544xf32, #tpu.memory_space<vmem>>, vector<1x1x12192xf32>,
    return
  }
  func.func @transform_0(%arg0: i32) -> (i32, i32, i32) {
    %c0_i32 = arith.constant 0 : i32
    %c0_i32_0 = arith.constant 0 : i32
    %c0_i32_1 = arith.constant 0 : i32
    return %arg0, %c0_i32, %c0_i32_0 : i32, i32, i32
  }
  func.func @transform_1(%arg0: i32) -> (i32, i32, i32) {
    %c0_i32 = arith.constant 0 : i32
    %c0_i32_0 = arith.constant 0 : i32
    %c0_i32_1 = arith.constant 0 : i32
    return %arg0, %c0_i32, %c0_i32_0 : i32, i32, i32
  }
  func.func @transform_2(%arg0: i32) -> (i32, i32, i32) {
    %c0_i32 = arith.constant 0 : i32
    %c0_i32_0 = arith.constant 0 : i32
    %c0_i32_1 = arith.constant 0 : i32
    return %arg0, %c0_i32, %c0_i32_0 : i32, i32, i32
  }
  func.func @transform_3(%arg0: i32) -> (i32, i32, i32) {
    %c0_i32 = arith.constant 0 : i32
    %c0_i32_0 = arith.constant 0 : i32
    %c0_i32_1 = arith.constant 0 : i32
    return %arg0, %c0_i32, %c0_i32_0 : i32, i32, i32
  }
  func.func @transform_4(%arg0: i32) -> (i32, i32, i32) {
    %c0_i32 = arith.constant 0 : i32
    %c0_i32_0 = arith.constant 0 : i32
    %c0_i32_1 = arith.constant 0 : i32
    return %arg0, %c0_i32, %c0_i32_0 : i32, i32, i32
  }
  func.func @transform_5(%arg0: i32) -> (i32, i32, i32) {
    %c0_i32 = arith.constant 0 : i32
    %c0_i32_0 = arith.constant 0 : i32
    %c0_i32_1 = arith.constant 0 : i32
    return %arg0, %c0_i32, %c0_i32_0 : i32, i32, i32
  }
  func.func @transform_6(%arg0: i32) -> (i32, i32, i32) {
    %c0_i32 = arith.constant 0 : i32
    %c0_i32_0 = arith.constant 0 : i32
    %c0_i32_1 = arith.constant 0 : i32
    return %arg0, %c0_i32, %c0_i32_0 : i32, i32, i32
  }
  func.func @transform_7(%arg0: i32) -> (i32, i32, i32) {
    %c0_i32 = arith.constant 0 : i32
    %c0_i32_0 = arith.constant 0 : i32
    %c0_i32_1 = arith.constant 0 : i32
    return %arg0, %c0_i32, %c0_i32_0 : i32, i32, i32
  }
  func.func @transform_8(%arg0: i32) -> (i32, i32, i32) {
    %c0_i32 = arith.constant 0 : i32
    %c0_i32_0 = arith.constant 0 : i32
    %c0_i32_1 = arith.constant 0 : i32
    return %arg0, %c0_i32, %c0_i32_0 : i32, i32, i32
  }
  func.func @transform_9(%arg0: i32) -> (i32, i32, i32) {
    %c0_i32 = arith.constant 0 : i32
    %c0_i32_0 = arith.constant 0 : i32
    %c0_i32_1 = arith.constant 0 : i32
    return %arg0, %c0_i32, %c0_i32_0 : i32, i32, i32
  }
  func.func @transform_10(%arg0: i32) -> (i32, i32, i32) {
    %c0_i32 = arith.constant 0 : i32
    %c0_i32_0 = arith.constant 0 : i32
    %c0_i32_1 = arith.constant 0 : i32
    return %arg0, %c0_i32, %c0_i32_0 : i32, i32, i32
  }
  func.func @transform_11(%arg0: i32) -> (i32, i32, i32) {
    %c0_i32 = arith.constant 0 : i32
    %c0_i32_0 = arith.constant 0 : i32
    %c0_i32_1 = arith.constant 0 : i32
    return %arg0, %c0_i32, %c0_i32_0 : i32, i32, i32
  }
  func.func @transform_12(%arg0: i32) -> (i32, i32, i32) {
    %c0_i32 = arith.constant 0 : i32
    %c0_i32_0 = arith.constant 0 : i32
    %c0_i32_1 = arith.constant 0 : i32
    return %arg0, %c0_i32, %c0_i32_0 : i32, i32, i32
  }
  func.func @transform_13(%arg0: i32) -> (i32, i32, i32) {
    %c0_i32 = arith.constant 0 : i32
    %c0_i32_0 = arith.constant 0 : i32
    %c0_i32_1 = arith.constant 0 : i32
    return %arg0, %c0_i32, %c0_i32_0 : i32, i32, i32
  }
  func.func @transform_14(%arg0: i32) -> (i32, i32, i32) {
    %c0_i32 = arith.constant 0 : i32
    %c0_i32_0 = arith.constant 0 : i32
    %c0_i32_1 = arith.constant 0 : i32
    return %arg0, %c0_i32, %c0_i32_0 : i32, i32, i32
  }
  func.func @transform_15(%arg0: i32) -> (i32, i32, i32) {
    %c0_i32 = arith.constant 0 : i32
    %c0_i32_0 = arith.constant 0 : i32
    %c0_i32_1 = arith.constant 0 : i32
    return %arg0, %c0_i32, %c0_i32_0 : i32, i32, i32
  }
  func.func @transform_16(%arg0: i32) -> (i32, i32, i32) {
    %c0_i32 = arith.constant 0 : i32
    %c0_i32_0 = arith.constant 0 : i32
    %c0_i32_1 = arith.constant 0 : i32
    return %arg0, %c0_i32, %c0_i32_0 : i32, i32, i32
  }
  func.func @transform_17(%arg0: i32) -> (i32, i32, i32) {
    %c0_i32 = arith.constant 0 : i32
    %c0_i32_0 = arith.constant 0 : i32
    %c0_i32_1 = arith.constant 0 : i32
    return %arg0, %c0_i32, %c0_i32_0 : i32, i32, i32
  }
  func.func @transform_18(%arg0: i32) -> (i32, i32, i32) {
    %c0_i32 = arith.constant 0 : i32
    %c0_i32_0 = arith.constant 0 : i32
    %c0_i32_1 = arith.constant 0 : i32
    return %arg0, %c0_i32, %c0_i32_0 : i32, i32, i32
  }
}

module attributes {stable_mosaic.version = 14 : i64} {
  func.func @_tc_block(%arg0: i32, %arg1: memref<416x2048xf32, #tpu.memory_space<vmem>>, %arg2: memref<26x2048xf32, #tpu.memory_space<vmem>>, %arg3: memref<26x2048xf32, #tpu.memory_space<vmem>>, %arg4: memref<32x416xf32, #tpu.memory_space<vmem>>, %arg5: memref<32x1xf32, #tpu.memory_space<vmem>>, %arg6: memref<32x32xf32, #tpu.memory_space<vmem>>, %arg7: memref<32x1xf32, #tpu.memory_space<vmem>>, %arg8: memref<1x1xf32, #tpu.memory_space<vmem>>, %arg9: memref<1x2048xf32, #tpu.memory_space<vmem>>) attributes {dimension_semantics = [#tpu.dimension_semantics<arbitrary>], iteration_bounds = array<i64: 8>, scalar_prefetch = 0 : i64, scratch_operands = 0 : i64, tpu.core_type = #tpu.core_type<tc>, window_params = [{transform_indices = @transform_0, window_bounds = array<i64: 416, 2048>}, {transform_indices = @transform_1, window_bounds = array<i64: 26, 2048>}, {transform_indices = @transform_2, window_bounds = array<i64: 26, 2048>}, {pipeline_mode = #tpu.pipeline_mode<synchronous>, transform_indices = @transform_3, window_bounds = array<i64: 32, 416>}, {pipeline_mode = #tpu.pipeline_mode<synchronous>, transform_indices = @transform_4, window_bounds = array<i64: 32, 1>}, {pipeline_mode = #tpu.pipeline_mode<synchronous>, transform_indices = @transform_5, window_bounds = array<i64: 32, 32>}, {pipeline_mode = #tpu.pipeline_mode<synchronous>, transform_indices = @transform_6, window_bounds = array<i64: 32, 1>}, {pipeline_mode = #tpu.pipeline_mode<synchronous>, transform_indices = @transform_7, window_bounds = array<i64: 1, 1>}, {transform_indices = @transform_8, window_bounds = array<i64: 1, 2048>}]} {
    %get3A = arith.constant 0 : index
    %get3A_0 = arith.constant 0 : index
    %get3A_1 = vector.load %arg1[%get3A, %get3A_0] : memref<416x2048xf32, #tpu.memory_space<vmem>>, vector<416x2048xf32>
    %get3A_2 = arith.constant 0 : index
    %get3A_3 = arith.constant 0 : index
    %get3A_4 = vector.load %arg3[%get3A_2, %get3A_3] : memref<26x2048xf32, #tpu.memory_space<vmem>>, vector<26x2048xf32>
    %iota3A = tpu.iota {dimensions = array<i32: 0>} : vector<416x26xi32>
    %iota3A_5 = tpu.iota {dimensions = array<i32: 1>} : vector<416x26xi32>
    %jit3A = arith.constant 16 : i32
    %div3A = vector.broadcast %jit3A : i32 to vector<416x26xi32>
    %div3A_6 = arith.divsi %iota3A, %div3A : vector<416x26xi32>
    %sign3A = arith.constant 0 : i32
    %sign3A_7 = vector.broadcast %sign3A : i32 to vector<416x26xi32>
    %sign3A_8 = arith.cmpi sgt, %iota3A, %sign3A_7 : vector<416x26xi32>
    %sign3A_9 = arith.extui %sign3A_8 : vector<416x26xi1> to vector<416x26xi32>
    %sign3A_10 = arith.constant 0 : i32
    %sign3A_11 = vector.broadcast %sign3A_10 : i32 to vector<416x26xi32>
    %sign3A_12 = arith.cmpi slt, %iota3A, %sign3A_11 : vector<416x26xi32>
    %sign3A_13 = arith.extui %sign3A_12 : vector<416x26xi1> to vector<416x26xi32>
    %sign3A_14 = arith.subi %sign3A_9, %sign3A_13 : vector<416x26xi32>
    %sign3A_15 = arith.constant 0 : i32
    %sign3A_16 = arith.cmpi sgt, %jit3A, %sign3A_15 : i32
    %sign3A_17 = arith.extui %sign3A_16 : i1 to i32
    %sign3A_18 = arith.constant 0 : i32
    %sign3A_19 = arith.cmpi slt, %jit3A, %sign3A_18 : i32
    %sign3A_20 = arith.extui %sign3A_19 : i1 to i32
    %sign3A_21 = arith.subi %sign3A_17, %sign3A_20 : i32
    %ne3A = vector.broadcast %sign3A_21 : i32 to vector<416x26xi32>
    %ne3A_22 = arith.cmpi ne, %sign3A_14, %ne3A : vector<416x26xi32>
    %rem3A = vector.broadcast %jit3A : i32 to vector<416x26xi32>
    %rem3A_23 = arith.remsi %iota3A, %rem3A : vector<416x26xi32>
    %ne3A_24 = arith.constant 0 : i32
    %ne3A_25 = vector.broadcast %ne3A_24 : i32 to vector<416x26xi32>
    %ne3A_26 = arith.cmpi ne, %rem3A_23, %ne3A_25 : vector<416x26xi32>
    %and3A = arith.andi %ne3A_22, %ne3A_26 : vector<416x26xi1>
    %sub3A = arith.constant 1 : i32
    %sub3A_27 = vector.broadcast %sub3A : i32 to vector<416x26xi32>
    %sub3A_28 = arith.subi %div3A_6, %sub3A_27 : vector<416x26xi32>
    %select_n3A = arith.select %and3A, %sub3A_28, %div3A_6 : vector<416x26xi1>, vector<416x26xi32>
    %eq3A = arith.cmpi eq, %select_n3A, %iota3A_5 : vector<416x26xi32>
    %convert_element_type3A = arith.extui %eq3A : vector<416x26xi1> to vector<416x26xi32>
    %convert_element_type3A_29 = arith.sitofp %convert_element_type3A : vector<416x26xi32> to vector<416x26xf32>
    %dot_general3A = arith.constant dense<0.000000e+00> : vector<416x2048xf32>
    %dot_general3A_30 = tpu.matmul %convert_element_type3A_29, %get3A_4, %dot_general3A {dimension_numbers = #tpu.dot_dimension_numbers<[1], [0], [0], [1], [0, 0, 1, 1], [], []>, precision = #tpu.contract_precision<fp32>, transpose_lhs_hint = false} : vector<416x26xf32>, vector<26x2048xf32>, vector<416x2048xf32> -> vector<416x2048xf32>
    %mul3A = arith.mulf %get3A_1, %dot_general3A_30 : vector<416x2048xf32>
    %iota3A_31 = tpu.iota {dimensions = array<i32: 0>} : vector<16x416xi32>
    %iota3A_32 = tpu.iota {dimensions = array<i32: 1>} : vector<16x416xi32>
    %jit3A_33 = arith.constant 16 : i32
    %eq3A_34 = arith.constant 0 : i32
    %eq3A_35 = arith.cmpi eq, %jit3A_33, %eq3A_34 : i32
    %jit3A_36 = arith.constant 1 : i32
    %select_n3A_37 = arith.select %eq3A_35, %jit3A_36, %jit3A_33 : i32
    %rem3A_38 = vector.broadcast %select_n3A_37 : i32 to vector<16x416xi32>
    %rem3A_39 = arith.remsi %iota3A_32, %rem3A_38 : vector<16x416xi32>
    %ne3A_40 = arith.constant 0 : i32
    %ne3A_41 = vector.broadcast %ne3A_40 : i32 to vector<16x416xi32>
    %ne3A_42 = arith.cmpi ne, %rem3A_39, %ne3A_41 : vector<16x416xi32>
    %lt3A = arith.constant 0 : i32
    %lt3A_43 = vector.broadcast %lt3A : i32 to vector<16x416xi32>
    %lt3A_44 = arith.cmpi slt, %rem3A_39, %lt3A_43 : vector<16x416xi32>
    %lt3A_45 = arith.constant 0 : i32
    %lt3A_46 = arith.cmpi slt, %select_n3A_37, %lt3A_45 : i32
    %ne3A_47 = vector.broadcast %lt3A_46 : i1 to vector<16x416xi1>
    %ne3A_48 = vector.broadcast %ne3A_47 : vector<16x416xi1> to vector<16x416xi1>
    %ne3A_49 = arith.xori %lt3A_44, %ne3A_48 : vector<16x416xi1>
    %and3A_50 = arith.andi %ne3A_49, %ne3A_42 : vector<16x416xi1>
    %add3A = vector.broadcast %select_n3A_37 : i32 to vector<16x416xi32>
    %add3A_51 = arith.addi %rem3A_39, %add3A : vector<16x416xi32>
    %select_n3A_52 = arith.select %and3A_50, %add3A_51, %rem3A_39 : vector<16x416xi1>, vector<16x416xi32>
    %eq3A_53 = arith.cmpi eq, %select_n3A_52, %iota3A_31 : vector<16x416xi32>
    %convert_element_type3A_54 = arith.extui %eq3A_53 : vector<16x416xi1> to vector<16x416xi32>
    %convert_element_type3A_55 = arith.sitofp %convert_element_type3A_54 : vector<16x416xi32> to vector<16x416xf32>
    %dot_general3A_56 = arith.constant dense<0.000000e+00> : vector<16x2048xf32>
    %dot_general3A_57 = tpu.matmul %convert_element_type3A_55, %mul3A, %dot_general3A_56 {dimension_numbers = #tpu.dot_dimension_numbers<[1], [0], [0], [1], [0, 0, 1, 1], [], []>, precision = #tpu.contract_precision<fp32>, transpose_lhs_hint = false} : vector<16x416xf32>, vector<416x2048xf32>, vector<16x2048xf32> -> vector<16x2048xf32>
    %mul3A_58 = arith.mulf %mul3A, %mul3A : vector<416x2048xf32>
    %dot_general3A_59 = arith.constant dense<0.000000e+00> : vector<16x2048xf32>
    %dot_general3A_60 = tpu.matmul %convert_element_type3A_55, %mul3A_58, %dot_general3A_59 {dimension_numbers = #tpu.dot_dimension_numbers<[1], [0], [0], [1], [0, 0, 1, 1], [], []>, precision = #tpu.contract_precision<fp32>, transpose_lhs_hint = false} : vector<16x416xf32>, vector<416x2048xf32>, vector<16x2048xf32> -> vector<16x2048xf32>
    %mul3A_61 = arith.mulf %dot_general3A_57, %dot_general3A_57 : vector<16x2048xf32>
    %sub3A_62 = arith.subf %mul3A_61, %dot_general3A_60 : vector<16x2048xf32>
    %mul3A_63 = arith.constant 5.000000e-01 : f32
    %mul3A_64 = vector.broadcast %mul3A_63 : f32 to vector<16x2048xf32>
    %mul3A_65 = arith.mulf %mul3A_64, %sub3A_62 : vector<16x2048xf32>
    %get3A_66 = arith.constant 0 : index
    %get3A_67 = arith.constant 0 : index
    %get3A_68 = vector.load %arg4[%get3A_66, %get3A_67] : memref<32x416xf32, #tpu.memory_space<vmem>>, vector<32x416xf32>
    %dot_general3A_69 = arith.constant dense<0.000000e+00> : vector<32x2048xf32>
    %dot_general3A_70 = tpu.matmul %get3A_68, %mul3A, %dot_general3A_69 {dimension_numbers = #tpu.dot_dimension_numbers<[1], [0], [0], [1], [0, 0, 1, 1], [], []>, precision = #tpu.contract_precision<fp32>, transpose_lhs_hint = false} : vector<32x416xf32>, vector<416x2048xf32>, vector<32x2048xf32> -> vector<32x2048xf32>
    %get3A_71 = arith.constant 0 : index
    %get3A_72 = arith.constant 0 : index
    %get3A_73 = vector.load %arg5[%get3A_71, %get3A_72] : memref<32x1xf32, #tpu.memory_space<vmem>>, vector<32x1xf32>
    %add3A_74 = vector.broadcast %get3A_73 : vector<32x1xf32> to vector<32x2048xf32>
    %add3A_75 = arith.addf %dot_general3A_70, %add3A_74 : vector<32x2048xf32>
    %max3A = arith.constant 0.000000e+00 : f32
    %max3A_76 = vector.broadcast %max3A : f32 to vector<32x2048xf32>
    %max3A_77 = arith.maximumf %add3A_75, %max3A_76 : vector<32x2048xf32>
    %get3A_78 = arith.constant 0 : index
    %get3A_79 = arith.constant 0 : index
    %get3A_80 = vector.load %arg6[%get3A_78, %get3A_79] : memref<32x32xf32, #tpu.memory_space<vmem>>, vector<32x32xf32>
    %dot_general3A_81 = arith.constant dense<0.000000e+00> : vector<32x2048xf32>
    %dot_general3A_82 = tpu.matmul %get3A_80, %max3A_77, %dot_general3A_81 {dimension_numbers = #tpu.dot_dimension_numbers<[1], [0], [0], [1], [0, 0, 1, 1], [], []>, precision = #tpu.contract_precision<fp32>, transpose_lhs_hint = false} : vector<32x32xf32>, vector<32x2048xf32>, vector<32x2048xf32> -> vector<32x2048xf32>
    %get3A_83 = arith.constant 0 : index
    %get3A_84 = arith.constant 0 : index
    %get3A_85 = vector.load %arg7[%get3A_83, %get3A_84] : memref<32x1xf32, #tpu.memory_space<vmem>>, vector<32x1xf32>
    %add3A_86 = vector.broadcast %get3A_85 : vector<32x1xf32> to vector<32x2048xf32>
    %add3A_87 = arith.addf %dot_general3A_82, %add3A_86 : vector<32x2048xf32>
    %max3A_88 = arith.constant 0.000000e+00 : f32
    %max3A_89 = vector.broadcast %max3A_88 : f32 to vector<32x2048xf32>
    %max3A_90 = arith.maximumf %add3A_87, %max3A_89 : vector<32x2048xf32>
    %get3A_91 = arith.constant 0 : index
    %get3A_92 = arith.constant 0 : index
    %get3A_93 = vector.load %arg2[%get3A_91, %get3A_92] : memref<26x2048xf32, #tpu.memory_space<vmem>>, vector<26x2048xf32>
    %mul3A_94 = arith.mulf %get3A_93, %get3A_4 : vector<26x2048xf32>
    %reduce_sum3A = arith.constant dense<0.000000e+00> : vector<2048xf32>
    %reduce_sum3A_95 = vector.multi_reduction <add>, %mul3A_94, %reduce_sum3A [0] : vector<26x2048xf32> to vector<2048xf32>
    %broadcast_in_dim3A = vector.shape_cast %reduce_sum3A_95 : vector<2048xf32> to vector<1x2048xf32>
    %reduce_sum3A_96 = arith.constant dense<0.000000e+00> : vector<2048xf32>
    %reduce_sum3A_97 = vector.multi_reduction <add>, %mul3A_65, %reduce_sum3A_96 [0] : vector<16x2048xf32> to vector<2048xf32>
    %broadcast_in_dim3A_98 = vector.shape_cast %reduce_sum3A_97 : vector<2048xf32> to vector<1x2048xf32>
    %add3A_99 = arith.addf %broadcast_in_dim3A, %broadcast_in_dim3A_98 : vector<1x2048xf32>
    %reduce_sum3A_100 = arith.constant dense<0.000000e+00> : vector<2048xf32>
    %reduce_sum3A_101 = vector.multi_reduction <add>, %max3A_90, %reduce_sum3A_100 [0] : vector<32x2048xf32> to vector<2048xf32>
    %broadcast_in_dim3A_102 = vector.shape_cast %reduce_sum3A_101 : vector<2048xf32> to vector<1x2048xf32>
    %add3A_103 = arith.addf %add3A_99, %broadcast_in_dim3A_102 : vector<1x2048xf32>
    %get3A_104 = arith.constant 0 : index
    %get3A_105 = arith.constant 0 : index
    %get3A_106 = vector.load %arg8[%get3A_104, %get3A_105] : memref<1x1xf32, #tpu.memory_space<vmem>>, vector<1x1xf32>
    %add3A_107 = vector.broadcast %get3A_106 : vector<1x1xf32> to vector<1x2048xf32>
    %add3A_108 = arith.addf %add3A_103, %add3A_107 : vector<1x2048xf32>
    %swap3A = arith.constant 0 : index
    %swap3A_109 = arith.constant 0 : index
    %swap3A_110 = vector.load %arg9[%swap3A, %swap3A_109] : memref<1x2048xf32, #tpu.memory_space<vmem>>, vector<1x2048xf32>
    tpu.vector_store %arg9[%swap3A, %swap3A_109], %add3A_108 {strides = array<i32>} : memref<1x2048xf32, #tpu.memory_space<vmem>>, vector<1x2048xf32>,
    return
  }
  func.func @transform_0(%arg0: i32) -> (i32, i32) {
    %c0_i32 = arith.constant 0 : i32
    %c0_i32_0 = arith.constant 0 : i32
    return %c0_i32, %arg0 : i32, i32
  }
  func.func @transform_1(%arg0: i32) -> (i32, i32) {
    %c0_i32 = arith.constant 0 : i32
    %c0_i32_0 = arith.constant 0 : i32
    return %c0_i32, %arg0 : i32, i32
  }
  func.func @transform_2(%arg0: i32) -> (i32, i32) {
    %c0_i32 = arith.constant 0 : i32
    %c0_i32_0 = arith.constant 0 : i32
    return %c0_i32, %arg0 : i32, i32
  }
  func.func @transform_3(%arg0: i32) -> (i32, i32) {
    %c0_i32 = arith.constant 0 : i32
    %c0_i32_0 = arith.constant 0 : i32
    %c0_i32_1 = arith.constant 0 : i32
    return %c0_i32, %c0_i32_0 : i32, i32
  }
  func.func @transform_4(%arg0: i32) -> (i32, i32) {
    %c0_i32 = arith.constant 0 : i32
    %c0_i32_0 = arith.constant 0 : i32
    %c0_i32_1 = arith.constant 0 : i32
    return %c0_i32, %c0_i32_0 : i32, i32
  }
  func.func @transform_5(%arg0: i32) -> (i32, i32) {
    %c0_i32 = arith.constant 0 : i32
    %c0_i32_0 = arith.constant 0 : i32
    %c0_i32_1 = arith.constant 0 : i32
    return %c0_i32, %c0_i32_0 : i32, i32
  }
  func.func @transform_6(%arg0: i32) -> (i32, i32) {
    %c0_i32 = arith.constant 0 : i32
    %c0_i32_0 = arith.constant 0 : i32
    %c0_i32_1 = arith.constant 0 : i32
    return %c0_i32, %c0_i32_0 : i32, i32
  }
  func.func @transform_7(%arg0: i32) -> (i32, i32) {
    %c0_i32 = arith.constant 0 : i32
    %c0_i32_0 = arith.constant 0 : i32
    %c0_i32_1 = arith.constant 0 : i32
    return %c0_i32, %c0_i32_0 : i32, i32
  }
  func.func @transform_8(%arg0: i32) -> (i32, i32) {
    %c0_i32 = arith.constant 0 : i32
    %c0_i32_0 = arith.constant 0 : i32
    return %c0_i32, %arg0 : i32, i32
  }
}

</mosaic_0001>

<sc_bundles>
// kernel: kernel.5.cloned.1.call-start
scs
__scs_entry_jumppad:
0x0: {  	(pc) =	sbr.rel $0x88, $3  }
0x1: {  	(tag) =	ssettag $0x0;
	lr =	simm.s32 $0x1  }
0x2: {  	[smem:$0x3F98] =	sst lr;
	_ =	strace $0xD0000000  }
0x3: {  	_ = 	snop  }
0x4: {  	_ = 	snop  }
0x5: {  	_ = 	snop  }
0x6: {  	_ = 	snop  }
0x7: {  	_ = 	snop  }
__scs_overlays_trampoline_lowered:
0x8: {  	[smem:$0x3FA7] =	sst s0  }
0x9: {  	[smem:$0x3FA8] =	sst s1  }
0xa: {  	[smem:$0x3FA9] =	sst s2  }
0xb: {  	[smem:$0x3FAA] =	sst s3  }
0xc: {  	[smem:$0x3FAB] =	sst s4  }
0xd: {  	[smem:$0x3FAC] =	sst s5  }
0xe: {  	[smem:$0x3FAD] =	sst s6  }
0xf: {  	[smem:$0x3FAE] =	sst s7  }
0x10: {  	[smem:$0x3FAF] =	sst s8  }
0x11: {  	[smem:$0x3FB0] =	sst s9;
	s0 =	simm.s32 @!p0 $0x0  }
0x12: {  	s1 =	sld [smem:$0x3F96];
	s0 =	simm.s32 @p0 $0x1  }
0x13: {  	[smem:$0x3FB1] =	sst s0;
	s0 =	simm.s32 @!p1 $0x0  }
0x14: {  	s2 =	sld [smem:$0x3F95];
	s0 =	simm.s32 @p1 $0x1  }
0x15: {  	[smem:$0x3FB2] =	sst s0;
	s0 =	simm.s32 @!p2 $0x0  }
0x16: {  	s3 =	sld [smem:$0x3FDB];
	s0 =	simm.s32 @p2 $0x1  }
0x17: {  	s4 =	simm.s32 $0x1BF5;
	[smem:$0x3FB4] =	sst s0  }
0x18: {  	s0 =	sld [smem:$0x3F97];
	_ =	swait.ge [sflag:s4], $0x0  }
0x19: {  	s7 =	sld [smem:$0x3F98]  }
0x1a: {  	s8 =	sadd.s32 $0xFFFFE003, lr  }
0x1b: {  	s9 =	sadd.s32 $0xFFFFFEF7, lr;
	s5 =	simm.s32 $0xFFFFFFFF;
	p2 =	slt.u32 s8, $0xFFFFF086  }
0x1c: {  	p1 =	slt.u32 s9, $0xF7A;
	s5 =	simm.s32 @!p2 $0x0  }
0x1d: {  	s5 =	simm.s32 @p1 $0x1;
	p0 =	seq.s32 s7, s2  }
0x1e: {  	s7 =	smul.u32 @!p0 $0xF7A, s2;
	p2 =	seq.s32 @!p0 s5, $0x0  }
0x1f: {  	s9 =	smul.u32 $0xF7A, s1;
	s8 =	simm.s32 @!p0 $0x1BF5;
	p2 =	por !p2, p0  }
0x20: {  	[sflag:s8] =	ssyncset.s32 @!p0 $0xFFFFF086;
	s6 =	sadd.s32 @!p0 s3, s7;
	s7 =	simm.s32 @!p0 $0x108  }
0x21: {  	s3 =	sadd.s32 s3, s9;
	s6 =	sadd.s32 @!p0 $0x88, s6;
	s7 =	simm.s32 @p2 $0x1082  }
0x22: {  	[simem:s7], [sflag:s8] =	dma.local @!p0 [hbm:s6], $0xF7A  }
0x23: {  	s9 =	sor.u32 $0xD0000000, s2;
	s6 =	simm.s32 $0x108;
	_ =	swait.ge @!p0 [sflag:s8], $0x0  }
0x24: {  	s3 =	sadd.s32 $0x88, s3;
	s6 =	simm.s32 @!p1 $0x1082;
	[sflag:s4] =	ssyncset.s32 $0xFFFFF086  }
0x25: {  	[simem:s6], [sflag:s4] =	dma.local [hbm:s3], $0xF7A  }
0x26: {  	[smem:$0x3F98] =	sst s1;
	(tag) =	ssettag s2;
	_ =	strace s9  }
0x27: {  	s1 =	sld [smem:$0x3FA8]  }
0x28: {  	s2 =	sld [smem:$0x3FA9]  }
0x29: {  	s4 =	sld [smem:$0x3FAB]  }
0x2a: {  	p0 =	seq.s32 s5, $0x0;
	s5 =	sld [smem:$0x3FAC]  }
0x2b: {  	s6 =	sld [smem:$0x3FAD]  }
0x2c: {  	s7 =	sld [smem:$0x3FAE]  }
0x2d: {  	s3 =	simm.s32 $0x108;
	s8 =	sld [smem:$0x3FAF]  }
0x2e: {  	s3 =	simm.s32 @!p0 $0x1082;
	s9 =	sld [smem:$0x3FB0]  }
0x2f: {  	lr =	sadd.s32 s0, s3;
	s0 =	sld [smem:$0x3FA7]  }
0x30: {  	s3 =	sld [smem:$0x3FAA]  }
0x31: {  	[smem:$0x3FB3] =	sst s10  }
0x32: {  	s10 =	sld [smem:$0x3FB1];
	_ =	sdelay $0x3  }
0x33: {  	p0 =	seq.s32 s10, $0x1;
	s10 =	sld [smem:$0x3FB3];
	_ =	sdelay $0x3  }
0x34: {  	[smem:$0x3FB3] =	sst s10  }
0x35: {  	s10 =	sld [smem:$0x3FB2];
	_ =	sdelay $0x3  }
0x36: {  	p1 =	seq.s32 s10, $0x1;
	s10 =	sld [smem:$0x3FB3];
	_ =	sdelay $0x3  }
0x37: {  	[smem:$0x3FB3] =	sst s10  }
0x38: {  	s10 =	sld [smem:$0x3FB4]  }
0x39: {  	_ = 	snop;
	(pc) =	sbr.ind lr, $3  }
0x3a: {  	_ = 	snop  }
0x3b: {  	_ = 	snop  }
0x3c: {  	p2 =	seq.s32 s10, $0x1;
	s10 =	sld [smem:$0x3FB3]  }
0x3d: {  	_ =	shalt  }
0x3e: {  	_ =	shalt  }
0x3f: {  	_ =	shalt  }
0x40: {  	_ =	shalt  }
0x41: {  	_ =	shalt  }
0x42: {  	_ =	shalt  }
0x43: {  	_ =	shalt  }
0x44: {  	_ =	shalt  }
0x45: {  	_ =	shalt  }
0x46: {  	_ =	shalt  }
0x47: {  	_ =	shalt  }
0x48: {  	_ =	shalt  }
0x49: {  	_ =	shalt  }
0x4a: {  	_ =	shalt  }
0x4b: {  	_ =	shalt  }
0x4c: {  	_ =	shalt  }
0x4d: {  	_ =	shalt  }
0x4e: {  	_ =	shalt  }
0x4f: {  	_ =	shalt  }
0x50: {  	_ =	shalt  }
0x51: {  	_ =	shalt  }
0x52: {  	_ =	shalt  }
0x53: {  	_ =	shalt  }
0x54: {  	_ =	shalt  }
0x55: {  	_ =	shalt  }
0x56: {  	_ =	shalt  }
0x57: {  	_ =	shalt  }
0x58: {  	_ =	shalt  }
0x59: {  	_ =	shalt  }
0x5a: {  	_ =	shalt  }
0x5b: {  	_ =	shalt  }
0x5c: {  	_ =	shalt  }
0x5d: {  	_ =	shalt  }
0x5e: {  	_ =	shalt  }
0x5f: {  	_ =	shalt  }
0x60: {  	_ =	shalt  }
0x61: {  	_ =	shalt  }
0x62: {  	_ =	shalt  }
0x63: {  	_ =	shalt  }
0x64: {  	_ =	shalt  }
0x65: {  	_ =	shalt  }
0x66: {  	_ =	shalt  }
0x67: {  	_ =	shalt  }
0x68: {  	_ =	shalt  }
0x69: {  	_ =	shalt  }
0x6a: {  	_ =	shalt  }
0x6b: {  	_ =	shalt  }
0x6c: {  	_ =	shalt  }
0x6d: {  	_ =	shalt  }
0x6e: {  	_ =	shalt  }
0x6f: {  	_ =	shalt  }
0x70: {  	_ =	shalt  }
0x71: {  	_ =	shalt  }
0x72: {  	_ =	shalt  }
0x73: {  	_ =	shalt  }
0x74: {  	_ =	shalt  }
0x75: {  	_ =	shalt  }
0x76: {  	_ =	shalt  }
0x77: {  	_ =	shalt  }
0x78: {  	_ =	shalt  }
0x79: {  	_ =	shalt  }
0x7a: {  	_ =	shalt  }
0x7b: {  	_ =	shalt  }
0x7c: {  	_ =	shalt  }
0x7d: {  	_ =	shalt  }
0x7e: {  	_ =	shalt  }
0x7f: {  	_ =	shalt  }
0x80: {  	_ =	shalt  }
0x81: {  	_ =	shalt  }
0x82: {  	_ =	shalt  }
0x83: {  	_ =	shalt  }
0x84: {  	_ =	shalt  }
0x85: {  	_ =	shalt  }
0x86: {  	_ =	shalt  }
0x87: {  	_ =	shalt  }
.Lfunc_end0:
.L_simem_size_0:
called_computation_lowered:
.L_overlay_start_0:
0x88: {  	s2 =	sld [smem:$0x3FD9]  }
0x89: {  	s3 =	sld [smem:$0x3FFE];
	_ =	sdelay $0x1  }
0x8a: {  	s1 =	srdreg.scid  }
0x8b: {  	s0 =	sand.u32 $0x1, s1  }
0x8c: {  	s16 =	sshll.u32 s0, $0xA;
	s2 =	sadd.s32 s3, s2  }
0x8d: {  	s2 =	sadd.s32 s2, s16  }
0x8e: {  	[smem:$0x3FBF] =	sst s2  }
0x8f: {  	_ = 	snop  }
0x90: {  	(tm) =	ssettm $0x1  }
0x91: {  	s17 =	sld [smem:$0x3FFB];
	_ =	sdelay $0x3  }
0x92: {  	_ =	strace s17  }
0x93: {  	s2 =	sld [smem:$0x3FFC];
	_ =	sdelay $0x3  }
0x94: {  	_ =	strace s2  }
0x95: {  	s2 =	sld [smem:$0x3FFD];
	_ =	sdelay $0x3  }
0x96: {  	_ =	strace s2  }
0x97: {  	_ =	strace $0x8FFFFFFF  }
0x98: {  	s18 =	sld [smem:$0x3FDB];
	_ =	sdelay $0x1  }
0x99: {  	s19 =	simm.s32 $_scs_section_size  }
0x9a: {  	s4 =	simm.s32 $_size__tile_overlayer_lowered;
	s5 =	simm.s32 $_tile_overlayer_lowered  }
0x9b: {  	s22 =	simm.s32 $0x1BFF;
	s21 =	sshll.u32 s5, $0x1;
	s2 =	sadd.s32 s19, s18  }
0x9c: {  	s6 =	simm.s32 $0x0;
	s20 =	sshll.u32 s4, $0x1;
	s4 =	sadd.s32 s21, s2  }
0x9d: {  	[timem:s6], [sflag:s22] =	dma.local [hbm:s4], s20  }
0x9e: {  	_ =	swait.ge [sflag:s22], s20  }
0x9f: {  	s3 =	ssub.s32 $0x0, s20;
	[sflag:s22] =	ssyncset.done $0x0  }
0xa0: {  	[sflag:s22] =	ssyncadd.s32 s3;
	_ =	sdelay $0x1  }
0xa1: {  	s23 =	simm.s32 $0x1B8B  }
0xa2: {  	_ =	swait.ge [sflag:s23], $0x1  }
0xa3: {  	[sflag:s23] =	ssyncset.done $0x0  }
0xa4: {  	s25 =	simm.s32 $0x1B8E;
	s24 =	sld [smem:$0x3FFE];
	[sflag:s23] =	ssyncadd.s32 $0xFFFFFFFF  }
0xa5: {  	s26 =	simm.s32 $execute0_lowered;
	[smem:$0x3FD2] =	sst s25  }
0xa6: {  	s4 =	sshll.u32 s26, $0x1;
	_ =	strace $0x80000046;
	[dreg:$0x1] =	wrdreg $0xFFFFFFFF  }
0xa7: {  	s28 =	simm.s32 $_size_execute0_lowered;
	s2 =	sadd.s32 s2, s4;
	[dreg:$0x0] =	wrdreg $0x0  }
0xa8: {  	s4 =	sshll.u32 s28, $0x1;
	[dreg:$0x2] =	wrdreg s2  }
0xa9: {  	[dreg:$0x3] =	wrdreg s4  }
0xaa: {  	[dreg:$0x4] =	wrdreg $0xC0  }
0xab: {  	_ =	task [dreg:s6], $0x5FFFF  }
0xac: {  	[dreg:$0x1] =	wrdreg $0xFFFFFFFF  }
0xad: {  	[dreg:$0x0] =	wrdreg $0x60  }
0xae: {  	[dreg:$0x2] =	wrdreg s24  }
0xaf: {  	[dreg:$0x3] =	wrdreg $0x9  }
0xb0: {  	_ =	task.clear_ibuf [dreg:s6], $0x4FFFF;
	_ =	strace $0x90000046  }
0xb1: {  	s29 =	simm.s32 $0x9;
	_ =	strace $0x80000051  }
0xb2: {  	_ =	swait.ge [sflag:s29], $0x1  }
0xb3: {  	[sflag:s29] =	ssyncadd.s32 $0xFFFFFFFF  }
0xb4: {  	_ =	strace $0x90000051  }
0xb5: {  	_ =	sfence  }
0xb6: {  	s30 =	sld [smem:$0x0];
	_ =	sdelay $0x2  }
0xb7: {  	s31 =	sshll.u32 s1, $0xD;
	s1 =	sshrl.u32 s1, $0x2  }
0xb8: {  	s3 =	sand.u32 $0x4000, s31;
	s1 =	sadd.s32 s1, s30  }
0xb9: {  	s0 =	sor.u32 s3, s0;
	s1 =	sshll.u32 s1, $0x11  }
0xba: {  	s0 =	sor.u32 s1, s0  }
0xbb: {  	s0 =	sadd.s32 $0x8F2B, s0  }
0xbc: {  	[sflag:s0] =	ssyncadd.remote.s32 $0x1  }
0xbd: {  	_ =	sfence.sel $0xFFFF  }
0xbe: {  	[dreg:$0x0] =	wrdreg $0xFFFFFFFF;
	(pc) =	sbr.abs _section_cstart, $3  }
0xbf: {  	[dreg:$0x1] =	wrdreg $0xFFFFFFFF  }
0xc0: {  	_ =	task.clear_ibuf [dreg:s6], $0x2FFFF;
	_ =	strace $0x9FFFFFFF  }
0xc1: {  	(tm) =	ssettm $0x7FFFFFFF  }
tec
execute0_lowered:
.L_overlay_start_1:
0x0: {  	(tag) =	ssettag $0x1  }
0x1: {  	s0 =	rddreg [dreg:$0x0];
	s1 =	simm.s32 $0x0  }
0x2: {  	[smem:$0x7FF] =	sst s1;
	s4 =	sadd.s32 $0x287000, s0  }
0x3: {  	s5 =	sadd.s32 $0x237600, s0;
	_ =	strace $0x80000047;
	[dreg:$0x2] =	wrdreg s4  }
0x4: {  	s6 =	sadd.s32 $0x1E7C00, s0;
	[dreg:$0x3] =	wrdreg s5  }
0x5: {  	s7 =	sadd.s32 $0x198200, s0;
	[dreg:$0x4] =	wrdreg s6  }
0x6: {  	s8 =	sadd.s32 $0x148800, s0;
	[dreg:$0x5] =	wrdreg s7  }
0x7: {  	s9 =	sadd.s32 $0xF8E00, s0;
	[dreg:$0x6] =	wrdreg s8  }
0x8: {  	s10 =	sadd.s32 $0xA9400, s0;
	[dreg:$0x7] =	wrdreg s9  }
0x9: {  	s11 =	sadd.s32 $0x59A00, s0;
	[dreg:$0x8] =	wrdreg s10  }
0xa: {  	s12 =	sadd.s32 $0xA000, s0;
	[dreg:$0x9] =	wrdreg s11  }
0xb: {  	s17 =	srdreg.scid;
	s13 =	sadd.s32 $0x504000, s0;
	[dreg:$0xa] =	wrdreg s12  }
0xc: {  	s3 =	stileid.u32;
	s14 =	sadd.s32 $0x464C00, s0;
	[dreg:$0xb] =	wrdreg s13  }
0xd: {  	s28 =	simm.s32 $0x100;
	s15 =	sadd.s32 $0x415200, s0;
	[dreg:$0xc] =	wrdreg s14  }
0xe: {  	s29 =	simm.s32 $0x900;
	s16 =	sadd.s32 $0x3C5800, s0;
	[dreg:$0xd] =	wrdreg s15  }
0xf: {  	s30 =	simm.s32 $0x1100;
	s2 =	sadd.s32 $0x375E00, s0;
	[dreg:$0xe] =	wrdreg s16  }
0x10: {  	s31 =	simm.s32 $0x1900;
	s18 =	sadd.s32 $0x326400, s0;
	[dreg:$0xf] =	wrdreg s2  }
0x11: {  	s1 =	sand.u32 $0x1, s17;
	s19 =	sadd.s32 $0x2D6A00, s0;
	[dreg:$0x10] =	wrdreg s18  }
0x12: {  	s23 =	sadd.s32 $0x5A3400, s0;
	[dreg:$0x11] =	wrdreg s19;
	s20 =	sshll.u32 s1, $0x4  }
0x13: {  	s4 =	sadd.s32 $0x553A00, s0;
	s1 =	ssub.s32 $0x2, s1;
	s5 =	sadd.s32 $0x4B4600, s0  }
0x14: {  	[dreg:$0x14] =	wrdreg s23;
	s0 =	sadd.s32 $0x4C1600, s0;
	s15 =	simm.s32 $0x2900  }
0x15: {  	s6 =	simm.s32 $0x7100;
	s7 =	simm.s32 $0x7900;
	s8 =	simm.s32 $0x8100  }
0x16: {  	s10 =	simm.s32 $0x0;
	[dreg:$0x12] =	wrdreg s4;
	s2 =	sor.u32 s3, s20  }
0x17: {  	s21 =	sshrl.u32 s1, $0x1;
	[dreg:$0x15] =	wrdreg s0;
	s22 =	smul.u32 $0x680, s2  }
0x18: {  	[dreg:$0x13] =	wrdreg s5;
	s0 =	simm.s32 $0x2100;
	s24 =	smul.u32 $0x68, s2  }
.Ltmp0:
0x19: {  	s3 =	simm.s32 $0x5900;
	s1 =	ssub.s32 s1, s21;
	(pc) =	sbr.rel .LBB2_1-.Ltmp0, $4  }
0x1a: {  	s4 =	simm.s32 $0x6100;
	s2 =	simm.s32 $0x5100;
	s26 =	smax.u32 s1, $0x1  }
0x1b: {  	s1 =	simm.s32 $0x3900;
	[dreg:$0x16] =	wrdreg s24;
	s25 =	sadd.s32 s5, s22  }
0x1c: {  	v0 =	vlaneseq.u32;
	[dreg:$0x18] =	wrdreg s26;
	s26 =	simm.s32 $0x3100;
	s24 =	simm.s32 $0x4100  }
0x1d: {  	v0 =	vmul.u32 $0x10, v0;
	s5 =	simm.s32 $0x6900;
	[dreg:$0x17] =	wrdreg s25;
	s25 =	simm.s32 $0x4900  }
.LBB2_41:
0x1e: {  	s9 =	rddreg [dreg:$0x1b]  }
0x1f: {  	s9 =	sand.u32 $0x1, s9  }
0x20: {  	_ =	strace $0x80000050;
	s9 =	sor.u32 $0x14, s9  }
0x21: {  	_ =	swait.ge [sflag:s9], $0x800  }
0x22: {  	s10 =	sand.u32 $0x1, s11;
	[sflag:s9] =	ssyncset.done $0x0  }
0x23: {  	s21 =	sor.u32 $0x16, s10;
	[sflag:s9] =	ssyncadd.s32 $0xFFFFF800  }
0x24: {  	_ =	swait.ge [sflag:s21], $0x80  }
0x25: {  	s22 =	rddreg [dreg:$0x19]  }
0x26: {  	s23 =	rddreg [dreg:$0x18];
	s10 =	sadd.s32 $0x1, s22  }
0x27: {  	p0 =	sne.s32 s10, s23  }
.Ltmp1:
0x28: {  	_ = 	snop;
	(pc) =	sbr.rel @!p0 .LBB2_42-.Ltmp1, $4  }
0x29: {  	_ = 	snop  }
0x2a: {  	[sflag:s21] =	ssyncset.done $0x0  }
0x2b: {  	[sflag:s21] =	ssyncadd.s32 $0xFFFFFF80  }
0x2c: {  	_ =	strace $0x90000050  }
.LBB2_1:
0x2d: {  	[dreg:$0x19] =	wrdreg s10;
	s9 =	simm.s32 $0x0  }
0x2e: {  	s11 =	simm.s32 $0x8900;
	s14 =	simm.s32 $0x0;
	s22 =	simm.s32 $0x0  }
.Ltmp2:
0x2f: {  	s23 =	simm.s32 $0x0;
	_ =	strace $0x80000048;
	(pc) =	sbr.rel .LBB2_2-.Ltmp2, $4  }
0x30: {  	s16 =	simm.s32 $0x0;
	s19 =	simm.s32 $0x0;
	s21 =	rddreg [dreg:$0x17]  }
0x31: {  	[tilespmem:s11], [sflag:$0x12] =	stream.linear.gather [hbm4b:s21+s9], $0x80, $0x200038;
	[tilespmem:$0x9B00] =	vst v63  }
0x32: {  	s20 =	simm.s32 $0x1;
	_ =	strace $0x90000048;
	[dreg:$0x1c] =	wrdreg s22  }
0x33: {  	s11 =	simm.s32 $0x0;
	s21 =	simm.s32 $0x0;
	[dreg:$0x1b] =	wrdreg s23  }
.LBB2_37:
0x34: {  	s10 =	rddreg [dreg:$0x1b]  }
0x35: {  	s9 =	sand.u32 $0x1, s10  }
0x36: {  	_ =	strace $0x8000004E;
	s9 =	sor.u32 $0x14, s9  }
0x37: {  	_ =	swait.ge [sflag:s9], $0x800  }
0x38: {  	[sflag:s9] =	ssyncset.done $0x0  }
0x39: {  	s10 =	sadd.s32 $0x1, s10;
	[sflag:s9] =	ssyncadd.s32 $0xFFFFF800  }
0x3a: {  	_ =	strace $0x9000004E;
	[dreg:$0x1b] =	wrdreg s10  }
0x3b: {  	s11 =	rddreg [dreg:$0x1a]  }
0x3c: {  	s16 =	sld [smem:$0x7FD]  }
.LBB2_39:
0x3d: {  	s9 =	sand.u32 $0x1, s11  }
0x3e: {  	_ =	strace $0x8000004F;
	s9 =	sor.u32 $0x16, s9  }
0x3f: {  	_ =	swait.ge [sflag:s9], $0x80  }
0x40: {  	[sflag:s9] =	ssyncset.done $0x0  }
0x41: {  	[sflag:s9] =	ssyncadd.s32 $0xFFFFFF80  }
0x42: {  	_ =	strace $0x9000004F  }
.LBB2_40:
0x43: {  	s9 =	simm.s32 $0x1;
	s10 =	simm.s32 $0x1  }
0x44: {  	s9 =	simm.s32 @!p0 $0x0;
	s10 =	simm.s32 @!p2 $0x0;
	p0 =	sne.s32 s21, $0x0  }
0x45: {  	s21 =	sadd.s32 $0x1, s21;
	s16 =	sadd.s32 s10, s16;
	s10 =	simm.s32 $0x1  }
0x46: {  	s10 =	simm.s32 @!p0 $0x0;
	p0 =	sne.s32 s21, $0x68  }
.Ltmp3:
0x47: {  	_ = 	snop;
	(pc) =	sbr.rel @!p0 .LBB2_41-.Ltmp3, $4  }
0x48: {  	s20 =	sadd.s32 s9, s20;
	s9 =	simm.s32 $0x1  }
0x49: {  	s12 =	rddreg [dreg:$0x1c];
	s9 =	simm.s32 @!p1 $0x0  }
0x4a: {  	s12 =	sadd.s32 s9, s12  }
0x4b: {  	s11 =	sadd.s32 s10, s11;
	s19 =	sadd.s32 s9, s19;
	[dreg:$0x1c] =	wrdreg s12  }
.LBB2_2:
0x4c: {  	s9 =	smov.u32 s14;
	s14 =	sadd.s32 $0x1, s14  }
0x4d: {  	p0 =	seq.s32 s14, $0x68  }
0x4e: {  	s14 =	simm.s32 @p0 $0x0  }
0x4f: {  	p6 =	sne.s32 s21, $0x67;
	p1 =	sne.s32 s9, s14  }
0x50: {  	p0 =	por !p6, !p1  }
0x51: {  	s17 =	rddreg [dreg:$0x16];
	p0 =	por !p0, !p0  }
0x52: {  	[dreg:$0x1a] =	wrdreg s11;
	s22 =	sadd.s32 s17, s14;
	s10 =	sand.u32 @p0 $0x1, s20  }
0x53: {  	_ =	strace @p0 $0x80000049;
	s12 =	sshll.u32 @p0 s22, $0x4;
	s11 =	sshll.u32 @p0 s10, $0x7  }
0x54: {  	s12 =	sand.u32 @p0 $0x1FFFFFF0, s12;
	s10 =	sor.u32 @p0 $0x12, s10;
	s13 =	rddreg [dreg:$0x13]  }
0x55: {  	s11 =	sor.u32 @p0 $0x8900, s11;
	s12 =	sadd.s32 @p0 s13, s12;
	s13 =	simm.s32 @p0 $0x0  }
0x56: {  	[tilespmem:s11], [sflag:s10] =	stream.linear.gather @p0 [hbm4b:s12+s13], $0x80, $0x200038;
	[tilespmem:$0x9B00] =	vst v63  }
0x57: {  	s12 =	sand.u32 $0x1, s19;
	_ =	strace @p0 $0x90000049  }
0x58: {  	s10 =	sor.u32 $0x12, s12;
	_ =	strace $0x8000004A  }
0x59: {  	_ =	swait.ge [sflag:s10], $0x80  }
0x5a: {  	[sflag:s10] =	ssyncset.done $0x0  }
0x5b: {  	[sflag:s10] =	ssyncadd.s32 $0xFFFFFF80  }
0x5c: {  	s13 =	sshll.u32 s19, $0x7;
	_ =	strace $0x9000004A  }
0x5d: {  	s10 =	sand.u32 $0x80, s13;
	_ =	strace $0x8000004B  }
0x5e: {  	v1 =	vld [tilespmem:s10+$0x8900];
	_ =	sdelay $0x4  }
0x5f: {  	v2 =	vshrl.u32 v1, $0x4  }
0x60: {  	v1 =	vand.u32 $0xF, v1;
	[tilespmem:$0x0] =	vst v2  }
0x61: {  	[tilespmem:$0x80] =	vst v1  }
0x62: {  	v1 =	vld [tilespmem:s10+$0x8910];
	_ =	sdelay $0x4  }
0x63: {  	v2 =	vshrl.u32 v1, $0x4  }
0x64: {  	v1 =	vand.u32 $0xF, v1;
	[tilespmem:$0x10] =	vst v2  }
0x65: {  	[tilespmem:$0x90] =	vst v1  }
0x66: {  	v1 =	vld [tilespmem:s10+$0x8920];
	_ =	sdelay $0x4  }
0x67: {  	v2 =	vshrl.u32 v1, $0x4  }
0x68: {  	v1 =	vand.u32 $0xF, v1;
	[tilespmem:$0x20] =	vst v2  }
0x69: {  	[tilespmem:$0xA0] =	vst v1  }
0x6a: {  	v1 =	vld [tilespmem:s10+$0x8930];
	_ =	sdelay $0x4  }
0x6b: {  	v2 =	vshrl.u32 v1, $0x4  }
0x6c: {  	v1 =	vand.u32 $0xF, v1;
	[tilespmem:$0x30] =	vst v2  }
0x6d: {  	[tilespmem:$0xB0] =	vst v1  }
0x6e: {  	v1 =	vld [tilespmem:s10+$0x8940];
	_ =	sdelay $0x4  }
0x6f: {  	v2 =	vshrl.u32 v1, $0x4  }
0x70: {  	v1 =	vand.u32 $0xF, v1;
	[tilespmem:$0x40] =	vst v2  }
0x71: {  	[tilespmem:$0xC0] =	vst v1  }
0x72: {  	v1 =	vld [tilespmem:s10+$0x8950];
	_ =	sdelay $0x4  }
0x73: {  	v2 =	vshrl.u32 v1, $0x4  }
0x74: {  	v1 =	vand.u32 $0xF, v1;
	[tilespmem:$0x50] =	vst v2  }
0x75: {  	[tilespmem:$0xD0] =	vst v1  }
0x76: {  	v1 =	vld [tilespmem:s10+$0x8960];
	_ =	sdelay $0x4  }
0x77: {  	v2 =	vshrl.u32 v1, $0x4  }
0x78: {  	v1 =	vand.u32 $0xF, v1;
	[tilespmem:$0x60] =	vst v2  }
0x79: {  	[tilespmem:$0xE0] =	vst v1  }
0x7a: {  	v1 =	vld [tilespmem:s10+$0x8970];
	_ =	sdelay $0x4  }
0x7b: {  	v2 =	vshrl.u32 v1, $0x4  }
0x7c: {  	v1 =	vand.u32 $0xF, v1;
	[tilespmem:$0x70] =	vst v2  }
0x7d: {  	s11 =	simm.s32 $0x0;
	s18 =	rddreg [dreg:$0x2];
	s10 =	simm.s32 $0x80;
	[tilespmem:$0xF0] =	vst v1  }
0x7e: {  	[tilespmem:s28], [sflag:$0x1] =	stream.indirect.gather [hbm4b:s18+s10], $0x10, s11, s10, $0x2000b8;
	[tilespmem:$0x9B00] =	vst v63  }
0x7f: {  	s23 =	rddreg [dreg:$0x3]  }
0x80: {  	[tilespmem:s29], [sflag:$0x2] =	stream.indirect.gather [hbm4b:s23+s10], $0x10, s11, s10, $0x2000b8;
	[tilespmem:$0x9B00] =	vst v63  }
0x81: {  	s13 =	rddreg [dreg:$0x4]  }
0x82: {  	[tilespmem:s30], [sflag:$0x3] =	stream.indirect.gather [hbm4b:s13+s10], $0x10, s11, s10, $0x2000b8;
	[tilespmem:$0x9B00] =	vst v63  }
0x83: {  	s18 =	rddreg [dreg:$0x5]  }
0x84: {  	[tilespmem:s31], [sflag:$0x4] =	stream.indirect.gather [hbm4b:s18+s10], $0x10, s11, s10, $0x2000b8;
	[tilespmem:$0x9B00] =	vst v63  }
0x85: {  	s23 =	rddreg [dreg:$0x6]  }
0x86: {  	[tilespmem:s0], [sflag:$0x5] =	stream.indirect.gather [hbm4b:s23+s10], $0x10, s11, s10, $0x2000b8;
	[tilespmem:$0x9B00] =	vst v63  }
0x87: {  	s13 =	rddreg [dreg:$0x7]  }
0x88: {  	[tilespmem:s15], [sflag:$0x6] =	stream.indirect.gather [hbm4b:s13+s10], $0x10, s11, s10, $0x2000b8;
	[tilespmem:$0x9B00] =	vst v63  }
0x89: {  	s18 =	rddreg [dreg:$0x8]  }
0x8a: {  	[tilespmem:s26], [sflag:$0x7] =	stream.indirect.gather [hbm4b:s18+s10], $0x10, s11, s10, $0x2000b8;
	[tilespmem:$0x9B00] =	vst v63  }
0x8b: {  	s23 =	rddreg [dreg:$0x9]  }
0x8c: {  	[tilespmem:s1], [sflag:$0x8] =	stream.indirect.gather [hbm4b:s23+s10], $0x10, s11, s10, $0x2000b8;
	[tilespmem:$0x9B00] =	vst v63  }
0x8d: {  	s13 =	rddreg [dreg:$0xa]  }
0x8e: {  	[tilespmem:s24], [sflag:$0x9] =	stream.indirect.gather [hbm4b:s13+s10], $0x10, s11, s10, $0x2000b8;
	[tilespmem:$0x9B00] =	vst v63  }
0x8f: {  	s18 =	rddreg [dreg:$0xb]  }
0x90: {  	[tilespmem:s25], [sflag:$0xA] =	stream.indirect.gather [hbm4b:s18+s10], $0x10, s11, s10, $0x2000b8;
	[tilespmem:$0x9B00] =	vst v63  }
0x91: {  	s23 =	rddreg [dreg:$0xc]  }
0x92: {  	[tilespmem:s2], [sflag:$0xB] =	stream.indirect.gather [hbm4b:s23+s10], $0x10, s11, s10, $0x2000b8;
	[tilespmem:$0x9B00] =	vst v63  }
0x93: {  	s13 =	rddreg [dreg:$0xd]  }
0x94: {  	[tilespmem:s3], [sflag:$0xC] =	stream.indirect.gather [hbm4b:s13+s10], $0x10, s11, s10, $0x2000b8;
	[tilespmem:$0x9B00] =	vst v63  }
0x95: {  	s18 =	rddreg [dreg:$0xe]  }
0x96: {  	[tilespmem:s4], [sflag:$0xD] =	stream.indirect.gather [hbm4b:s18+s10], $0x10, s11, s10, $0x2000b8;
	[tilespmem:$0x9B00] =	vst v63  }
0x97: {  	s23 =	rddreg [dreg:$0xf]  }
0x98: {  	[tilespmem:s5], [sflag:$0xE] =	stream.indirect.gather [hbm4b:s23+s10], $0x10, s11, s10, $0x2000b8;
	[tilespmem:$0x9B00] =	vst v63  }
0x99: {  	s13 =	rddreg [dreg:$0x10]  }
0x9a: {  	[tilespmem:s6], [sflag:$0xF] =	stream.indirect.gather [hbm4b:s13+s10], $0x10, s11, s10, $0x2000b8;
	[tilespmem:$0x9B00] =	vst v63  }
0x9b: {  	s18 =	rddreg [dreg:$0x11]  }
0x9c: {  	[tilespmem:s7], [sflag:$0x10] =	stream.indirect.gather [hbm4b:s18+s10], $0x10, s11, s10, $0x2000b8;
	[tilespmem:$0x9B00] =	vst v63  }
0x9d: {  	s23 =	rddreg [dreg:$0x12];
	s13 =	simm.s32 $0x1  }
0x9e: {  	[tilespmem:s8], [sflag:$0x11] =	stream.indirect.gather [hbm4b:s23+s10], $0x10, s11, s10, $0x2000b8;
	[tilespmem:$0x9B00] =	vst v63  }
0x9f: {  	_ =	swait.ge [sflag:s13], $0x800  }
0xa0: {  	[sflag:s13] =	ssyncset.done $0x0  }
0xa1: {  	[sflag:s13] =	ssyncadd.s32 $0xFFFFF800  }
0xa2: {  	v1 =	vld [tilespmem:s10+$0x0];
	_ =	sdelay $0x2  }
0xa3: {  	v2 =	vmov s11  }
0xa4: {  	v2 =	vshll.u32 v2, $0x4  }
0xa5: {  	v2 =	vor.u32 v0, v2;
	v3 =	vand.u32 $0xFFFFFFF8, v1  }
0xa6: {  	v1 =	vand.u32 $0x7, v1;
	v2 =	vadd.s32 v2, v3  }
0xa7: {  	v1 =	vor.u32 v1, v2;
	_ =	sdelay $0x4  }
0xa8: {  	v1 =	vld.idx.msk [tilespmem:v1+s28+$0x0], $0xffff  }
0xa9: {  	[smem:$0x7FD] =	sst s16;
	s16 =	sand.u32 $0x1, s16  }
0xaa: {  	p2 =	seq.s32 s9, $0x0;
	s11 =	sadd.s32 $0xFFFFFFFF, s9;
	s10 =	sshll.u32 s16, $0xD  }
0xab: {  	s11 =	simm.s32 @p2 $0x67;
	[dreg:$0x1e] =	wrdreg s16;
	s16 =	sshrl.u32 s10, $0x2  }
0xac: {  	s12 =	simm.s32 $0x10;
	s18 =	sadd.s32 s17, s11;
	s13 =	sadd.s32 $0x8A00, s16  }
0xad: {  	s23 =	simm.s32 $0x90;
	[dreg:$0x1d] =	wrdreg s18;
	s10 =	sadd.s32 s17, s9;
	[tilespmem:s13+$0x0] =	vst v1  }
0xae: {  	s9 =	simm.s32 $0x20;
	[dreg:$0x1f] =	wrdreg s13;
	s11 =	smov.u32 s13;
	v1 =	vld [tilespmem:s23+$0x0]  }
.LBB2_3:
0xaf: {  	p2 =	sne.s32 s9, $0x70;
	_ =	sdelay $0x1  }
0xb0: {  	v2 =	vmov s12;
	s12 =	smov.u32 s9  }
0xb1: {  	v2 =	vshll.u32 v2, $0x4  }
0xb2: {  	v2 =	vor.u32 v0, v2;
	v3 =	vand.u32 $0xFFFFFFF8, v1  }
0xb3: {  	v1 =	vand.u32 $0x7, v1;
	v2 =	vadd.s32 v2, v3  }
0xb4: {  	v1 =	vor.u32 v1, v2;
	_ =	sdelay $0x4  }
0xb5: {  	v1 =	vld.idx.msk [tilespmem:v1+s28+$0x0], $0xffff;
	_ =	sdelay $0x2  }
.Ltmp4:
0xb6: {  	(pc) =	sbr.rel @p2 .LBB2_3-.Ltmp4, $4  }
0xb7: {  	_ = 	snop  }
0xb8: {  	s11 =	sadd.s32 $0x10, s11  }
0xb9: {  	s23 =	sadd.s32 $0x10, s23;
	[tilespmem:s11+$0x0] =	vst v1  }
0xba: {  	s9 =	sadd.s32 $0x10, s9;
	v1 =	vld [tilespmem:s23+$0x0]  }
0xbb: {  	_ =	sdelay $0x1  }
0xbc: {  	v2 =	vmov s12  }
0xbd: {  	v2 =	vshll.u32 v2, $0x4  }
0xbe: {  	v2 =	vor.u32 v0, v2;
	v3 =	vand.u32 $0xFFFFFFF8, v1  }
0xbf: {  	v1 =	vand.u32 $0x7, v1;
	v2 =	vadd.s32 v2, v3  }
0xc0: {  	v1 =	vor.u32 v1, v2;
	_ =	sdelay $0x4  }
0xc1: {  	v1 =	vld.idx.msk [tilespmem:v1+s28+$0x0], $0xffff;
	_ =	sdelay $0x3  }
0xc2: {  	s9 =	sadd.s32 $0x10, s11  }
0xc3: {  	s17 =	simm.s32 $0x2;
	[tilespmem:s9+$0x0] =	vst v1  }
0xc4: {  	_ =	swait.ge [sflag:s17], $0x800  }
0xc5: {  	[sflag:s17] =	ssyncset.done $0x0  }
0xc6: {  	s18 =	simm.s32 $0x80;
	[sflag:s17] =	ssyncadd.s32 $0xFFFFF800  }
0xc7: {  	v1 =	vld [tilespmem:s18+$0x0];
	_ =	sdelay $0x1  }
0xc8: {  	s23 =	simm.s32 $0x0  }
0xc9: {  	v2 =	vmov s23  }
0xca: {  	v2 =	vshll.u32 v2, $0x4  }
0xcb: {  	v2 =	vor.u32 v0, v2;
	v3 =	vand.u32 $0xFFFFFFF8, v1  }
0xcc: {  	v1 =	vand.u32 $0x7, v1;
	v2 =	vadd.s32 v2, v3  }
0xcd: {  	v1 =	vor.u32 v1, v2;
	_ =	sdelay $0x4  }
0xce: {  	v1 =	vld.idx.msk [tilespmem:v1+s29+$0x0], $0xffff;
	_ =	sdelay $0x3  }
0xcf: {  	s11 =	sadd.s32 $0x8A80, s16  }
0xd0: {  	s9 =	simm.s32 $0x90;
	[tilespmem:s11+$0x0] =	vst v1  }
0xd1: {  	s12 =	simm.s32 $0x10;
	s13 =	simm.s32 $0x20;
	v1 =	vld [tilespmem:s9+$0x0]  }
.LBB2_5:
0xd2: {  	p2 =	sne.s32 s13, $0x70;
	_ =	sdelay $0x1  }
0xd3: {  	v2 =	vmov s12;
	s12 =	smov.u32 s13  }
0xd4: {  	v2 =	vshll.u32 v2, $0x4  }
0xd5: {  	v2 =	vor.u32 v0, v2;
	v3 =	vand.u32 $0xFFFFFFF8, v1  }
0xd6: {  	v1 =	vand.u32 $0x7, v1;
	v2 =	vadd.s32 v2, v3  }
0xd7: {  	v1 =	vor.u32 v1, v2;
	_ =	sdelay $0x4  }
0xd8: {  	v1 =	vld.idx.msk [tilespmem:v1+s29+$0x0], $0xffff;
	_ =	sdelay $0x2  }
.Ltmp5:
0xd9: {  	(pc) =	sbr.rel @p2 .LBB2_5-.Ltmp5, $4  }
0xda: {  	_ = 	snop  }
0xdb: {  	s11 =	sadd.s32 $0x10, s11  }
0xdc: {  	s9 =	sadd.s32 $0x10, s9;
	[tilespmem:s11+$0x0] =	vst v1  }
0xdd: {  	s13 =	sadd.s32 $0x10, s13;
	v1 =	vld [tilespmem:s9+$0x0]  }
0xde: {  	_ =	sdelay $0x1  }
0xdf: {  	v2 =	vmov s12  }
0xe0: {  	v2 =	vshll.u32 v2, $0x4  }
0xe1: {  	v2 =	vor.u32 v0, v2;
	v3 =	vand.u32 $0xFFFFFFF8, v1  }
0xe2: {  	v1 =	vand.u32 $0x7, v1;
	v2 =	vadd.s32 v2, v3  }
0xe3: {  	v1 =	vor.u32 v1, v2;
	_ =	sdelay $0x4  }
0xe4: {  	v1 =	vld.idx.msk [tilespmem:v1+s29+$0x0], $0xffff;
	_ =	sdelay $0x3  }
0xe5: {  	s9 =	sadd.s32 $0x10, s11  }
0xe6: {  	s17 =	simm.s32 $0x3;
	[tilespmem:s9+$0x0] =	vst v1  }
0xe7: {  	_ =	swait.ge [sflag:s17], $0x800  }
0xe8: {  	[sflag:s17] =	ssyncset.done $0x0  }
0xe9: {  	s18 =	simm.s32 $0x80;
	[sflag:s17] =	ssyncadd.s32 $0xFFFFF800  }
0xea: {  	v1 =	vld [tilespmem:s18+$0x0];
	_ =	sdelay $0x1  }
0xeb: {  	s23 =	simm.s32 $0x0  }
0xec: {  	v2 =	vmov s23  }
0xed: {  	v2 =	vshll.u32 v2, $0x4  }
0xee: {  	v2 =	vor.u32 v0, v2;
	v3 =	vand.u32 $0xFFFFFFF8, v1  }
0xef: {  	v1 =	vand.u32 $0x7, v1;
	v2 =	vadd.s32 v2, v3  }
0xf0: {  	v1 =	vor.u32 v1, v2;
	_ =	sdelay $0x4  }
0xf1: {  	v1 =	vld.idx.msk [tilespmem:v1+s30+$0x0], $0xffff;
	_ =	sdelay $0x3  }
0xf2: {  	s11 =	sadd.s32 $0x8B00, s16  }
0xf3: {  	s9 =	simm.s32 $0x90;
	[tilespmem:s11+$0x0] =	vst v1  }
0xf4: {  	s12 =	simm.s32 $0x10;
	s13 =	simm.s32 $0x20;
	v1 =	vld [tilespmem:s9+$0x0]  }
.LBB2_7:
0xf5: {  	p2 =	sne.s32 s13, $0x70;
	_ =	sdelay $0x1  }
0xf6: {  	v2 =	vmov s12;
	s12 =	smov.u32 s13  }
0xf7: {  	v2 =	vshll.u32 v2, $0x4  }
0xf8: {  	v2 =	vor.u32 v0, v2;
	v3 =	vand.u32 $0xFFFFFFF8, v1  }
0xf9: {  	v1 =	vand.u32 $0x7, v1;
	v2 =	vadd.s32 v2, v3  }
0xfa: {  	v1 =	vor.u32 v1, v2;
	_ =	sdelay $0x4  }
0xfb: {  	v1 =	vld.idx.msk [tilespmem:v1+s30+$0x0], $0xffff;
	_ =	sdelay $0x2  }
.Ltmp6:
0xfc: {  	(pc) =	sbr.rel @p2 .LBB2_7-.Ltmp6, $4  }
0xfd: {  	_ = 	snop  }
0xfe: {  	s11 =	sadd.s32 $0x10, s11  }
0xff: {  	s9 =	sadd.s32 $0x10, s9;
	[tilespmem:s11+$0x0] =	vst v1  }
0x100: {  	s13 =	sadd.s32 $0x10, s13;
	v1 =	vld [tilespmem:s9+$0x0]  }
0x101: {  	_ =	sdelay $0x1  }
0x102: {  	v2 =	vmov s12  }
0x103: {  	v2 =	vshll.u32 v2, $0x4  }
0x104: {  	v2 =	vor.u32 v0, v2;
	v3 =	vand.u32 $0xFFFFFFF8, v1  }
0x105: {  	v1 =	vand.u32 $0x7, v1;
	v2 =	vadd.s32 v2, v3  }
0x106: {  	v1 =	vor.u32 v1, v2;
	_ =	sdelay $0x4  }
0x107: {  	v1 =	vld.idx.msk [tilespmem:v1+s30+$0x0], $0xffff;
	_ =	sdelay $0x3  }
0x108: {  	s9 =	sadd.s32 $0x10, s11  }
0x109: {  	s17 =	simm.s32 $0x4;
	[tilespmem:s9+$0x0] =	vst v1  }
0x10a: {  	_ =	swait.ge [sflag:s17], $0x800  }
0x10b: {  	[sflag:s17] =	ssyncset.done $0x0  }
0x10c: {  	s18 =	simm.s32 $0x80;
	[sflag:s17] =	ssyncadd.s32 $0xFFFFF800  }
0x10d: {  	v1 =	vld [tilespmem:s18+$0x0];
	_ =	sdelay $0x1  }
0x10e: {  	s23 =	simm.s32 $0x0  }
0x10f: {  	v2 =	vmov s23  }
0x110: {  	v2 =	vshll.u32 v2, $0x4  }
0x111: {  	v2 =	vor.u32 v0, v2;
	v3 =	vand.u32 $0xFFFFFFF8, v1  }
0x112: {  	v1 =	vand.u32 $0x7, v1;
	v2 =	vadd.s32 v2, v3  }
0x113: {  	v1 =	vor.u32 v1, v2;
	_ =	sdelay $0x4  }
0x114: {  	v1 =	vld.idx.msk [tilespmem:v1+s31+$0x0], $0xffff;
	_ =	sdelay $0x3  }
0x115: {  	s11 =	sadd.s32 $0x8B80, s16  }
0x116: {  	s9 =	simm.s32 $0x90;
	[tilespmem:s11+$0x0] =	vst v1  }
0x117: {  	s12 =	simm.s32 $0x10;
	s13 =	simm.s32 $0x20;
	v1 =	vld [tilespmem:s9+$0x0]  }
.LBB2_9:
0x118: {  	p2 =	sne.s32 s13, $0x70;
	_ =	sdelay $0x1  }
0x119: {  	v2 =	vmov s12;
	s12 =	smov.u32 s13  }
0x11a: {  	v2 =	vshll.u32 v2, $0x4  }
0x11b: {  	v2 =	vor.u32 v0, v2;
	v3 =	vand.u32 $0xFFFFFFF8, v1  }
0x11c: {  	v1 =	vand.u32 $0x7, v1;
	v2 =	vadd.s32 v2, v3  }
0x11d: {  	v1 =	vor.u32 v1, v2;
	_ =	sdelay $0x4  }
0x11e: {  	v1 =	vld.idx.msk [tilespmem:v1+s31+$0x0], $0xffff;
	_ =	sdelay $0x2  }
.Ltmp7:
0x11f: {  	(pc) =	sbr.rel @p2 .LBB2_9-.Ltmp7, $4  }
0x120: {  	_ = 	snop  }
0x121: {  	s11 =	sadd.s32 $0x10, s11  }
0x122: {  	s9 =	sadd.s32 $0x10, s9;
	[tilespmem:s11+$0x0] =	vst v1  }
0x123: {  	s13 =	sadd.s32 $0x10, s13;
	v1 =	vld [tilespmem:s9+$0x0]  }
0x124: {  	_ =	sdelay $0x1  }
0x125: {  	v2 =	vmov s12  }
0x126: {  	v2 =	vshll.u32 v2, $0x4  }
0x127: {  	v2 =	vor.u32 v0, v2;
	v3 =	vand.u32 $0xFFFFFFF8, v1  }
0x128: {  	v1 =	vand.u32 $0x7, v1;
	v2 =	vadd.s32 v2, v3  }
0x129: {  	v1 =	vor.u32 v1, v2;
	_ =	sdelay $0x4  }
0x12a: {  	v1 =	vld.idx.msk [tilespmem:v1+s31+$0x0], $0xffff;
	_ =	sdelay $0x3  }
0x12b: {  	s9 =	sadd.s32 $0x10, s11  }
0x12c: {  	s17 =	simm.s32 $0x5;
	[tilespmem:s9+$0x0] =	vst v1  }
0x12d: {  	_ =	swait.ge [sflag:s17], $0x800  }
0x12e: {  	[sflag:s17] =	ssyncset.done $0x0  }
0x12f: {  	s18 =	simm.s32 $0x80;
	[sflag:s17] =	ssyncadd.s32 $0xFFFFF800  }
0x130: {  	v1 =	vld [tilespmem:s18+$0x0];
	_ =	sdelay $0x1  }
0x131: {  	s23 =	simm.s32 $0x0  }
0x132: {  	v2 =	vmov s23  }
0x133: {  	v2 =	vshll.u32 v2, $0x4  }
0x134: {  	v2 =	vor.u32 v0, v2;
	v3 =	vand.u32 $0xFFFFFFF8, v1  }
0x135: {  	v1 =	vand.u32 $0x7, v1;
	v2 =	vadd.s32 v2, v3  }
0x136: {  	v1 =	vor.u32 v1, v2;
	_ =	sdelay $0x4  }
0x137: {  	v1 =	vld.idx.msk [tilespmem:v1+s0+$0x0], $0xffff;
	_ =	sdelay $0x3  }
0x138: {  	s11 =	sadd.s32 $0x8C00, s16  }
0x139: {  	s9 =	simm.s32 $0x90;
	[tilespmem:s11+$0x0] =	vst v1  }
0x13a: {  	s12 =	simm.s32 $0x10;
	s13 =	simm.s32 $0x20;
	v1 =	vld [tilespmem:s9+$0x0]  }
.LBB2_11:
0x13b: {  	p2 =	sne.s32 s13, $0x70;
	_ =	sdelay $0x1  }
0x13c: {  	v2 =	vmov s12;
	s12 =	smov.u32 s13  }
0x13d: {  	v2 =	vshll.u32 v2, $0x4  }
0x13e: {  	v2 =	vor.u32 v0, v2;
	v3 =	vand.u32 $0xFFFFFFF8, v1  }
0x13f: {  	v1 =	vand.u32 $0x7, v1;
	v2 =	vadd.s32 v2, v3  }
0x140: {  	v1 =	vor.u32 v1, v2;
	_ =	sdelay $0x4  }
0x141: {  	v1 =	vld.idx.msk [tilespmem:v1+s0+$0x0], $0xffff;
	_ =	sdelay $0x2  }
.Ltmp8:
0x142: {  	(pc) =	sbr.rel @p2 .LBB2_11-.Ltmp8, $4  }
0x143: {  	_ = 	snop  }
0x144: {  	s11 =	sadd.s32 $0x10, s11  }
0x145: {  	s9 =	sadd.s32 $0x10, s9;
	[tilespmem:s11+$0x0] =	vst v1  }
0x146: {  	s13 =	sadd.s32 $0x10, s13;
	v1 =	vld [tilespmem:s9+$0x0]  }
0x147: {  	_ =	sdelay $0x1  }
0x148: {  	v2 =	vmov s12  }
0x149: {  	v2 =	vshll.u32 v2, $0x4  }
0x14a: {  	v2 =	vor.u32 v0, v2;
	v3 =	vand.u32 $0xFFFFFFF8, v1  }
0x14b: {  	v1 =	vand.u32 $0x7, v1;
	v2 =	vadd.s32 v2, v3  }
0x14c: {  	v1 =	vor.u32 v1, v2;
	_ =	sdelay $0x4  }
0x14d: {  	v1 =	vld.idx.msk [tilespmem:v1+s0+$0x0], $0xffff;
	_ =	sdelay $0x3  }
0x14e: {  	s9 =	sadd.s32 $0x10, s11  }
0x14f: {  	s17 =	simm.s32 $0x6;
	[tilespmem:s9+$0x0] =	vst v1  }
0x150: {  	_ =	swait.ge [sflag:s17], $0x800  }
0x151: {  	[sflag:s17] =	ssyncset.done $0x0  }
0x152: {  	s18 =	simm.s32 $0x80;
	[sflag:s17] =	ssyncadd.s32 $0xFFFFF800  }
0x153: {  	v1 =	vld [tilespmem:s18+$0x0];
	_ =	sdelay $0x1  }
0x154: {  	s23 =	simm.s32 $0x0  }
0x155: {  	v2 =	vmov s23  }
0x156: {  	v2 =	vshll.u32 v2, $0x4  }
0x157: {  	v2 =	vor.u32 v0, v2;
	v3 =	vand.u32 $0xFFFFFFF8, v1  }
0x158: {  	v1 =	vand.u32 $0x7, v1;
	v2 =	vadd.s32 v2, v3  }
0x159: {  	v1 =	vor.u32 v1, v2;
	_ =	sdelay $0x4  }
0x15a: {  	v1 =	vld.idx.msk [tilespmem:v1+s15+$0x0], $0xffff;
	_ =	sdelay $0x3  }
0x15b: {  	s11 =	sadd.s32 $0x8C80, s16  }
0x15c: {  	s9 =	simm.s32 $0x90;
	[tilespmem:s11+$0x0] =	vst v1  }
0x15d: {  	s12 =	simm.s32 $0x10;
	s13 =	simm.s32 $0x20;
	v1 =	vld [tilespmem:s9+$0x0]  }
.LBB2_13:
0x15e: {  	p2 =	sne.s32 s13, $0x70;
	_ =	sdelay $0x1  }
0x15f: {  	v2 =	vmov s12;
	s12 =	smov.u32 s13  }
0x160: {  	v2 =	vshll.u32 v2, $0x4  }
0x161: {  	v2 =	vor.u32 v0, v2;
	v3 =	vand.u32 $0xFFFFFFF8, v1  }
0x162: {  	v1 =	vand.u32 $0x7, v1;
	v2 =	vadd.s32 v2, v3  }
0x163: {  	v1 =	vor.u32 v1, v2;
	_ =	sdelay $0x4  }
0x164: {  	v1 =	vld.idx.msk [tilespmem:v1+s15+$0x0], $0xffff;
	_ =	sdelay $0x2  }
.Ltmp9:
0x165: {  	(pc) =	sbr.rel @p2 .LBB2_13-.Ltmp9, $4  }
0x166: {  	_ = 	snop  }
0x167: {  	s11 =	sadd.s32 $0x10, s11  }
0x168: {  	s9 =	sadd.s32 $0x10, s9;
	[tilespmem:s11+$0x0] =	vst v1  }
0x169: {  	s13 =	sadd.s32 $0x10, s13;
	v1 =	vld [tilespmem:s9+$0x0]  }
0x16a: {  	_ =	sdelay $0x1  }
0x16b: {  	v2 =	vmov s12  }
0x16c: {  	v2 =	vshll.u32 v2, $0x4  }
0x16d: {  	v2 =	vor.u32 v0, v2;
	v3 =	vand.u32 $0xFFFFFFF8, v1  }
0x16e: {  	v1 =	vand.u32 $0x7, v1;
	v2 =	vadd.s32 v2, v3  }
0x16f: {  	v1 =	vor.u32 v1, v2;
	_ =	sdelay $0x4  }
0x170: {  	v1 =	vld.idx.msk [tilespmem:v1+s15+$0x0], $0xffff;
	_ =	sdelay $0x3  }
0x171: {  	s9 =	sadd.s32 $0x10, s11  }
0x172: {  	s17 =	simm.s32 $0x7;
	[tilespmem:s9+$0x0] =	vst v1  }
0x173: {  	_ =	swait.ge [sflag:s17], $0x800  }
0x174: {  	[sflag:s17] =	ssyncset.done $0x0  }
0x175: {  	s18 =	simm.s32 $0x80;
	[sflag:s17] =	ssyncadd.s32 $0xFFFFF800  }
0x176: {  	v1 =	vld [tilespmem:s18+$0x0];
	_ =	sdelay $0x1  }
0x177: {  	s23 =	simm.s32 $0x0  }
0x178: {  	v2 =	vmov s23  }
0x179: {  	v2 =	vshll.u32 v2, $0x4  }
0x17a: {  	v2 =	vor.u32 v0, v2;
	v3 =	vand.u32 $0xFFFFFFF8, v1  }
0x17b: {  	v1 =	vand.u32 $0x7, v1;
	v2 =	vadd.s32 v2, v3  }
0x17c: {  	v1 =	vor.u32 v1, v2;
	_ =	sdelay $0x4  }
0x17d: {  	v1 =	vld.idx.msk [tilespmem:v1+s26+$0x0], $0xffff;
	_ =	sdelay $0x3  }
0x17e: {  	s11 =	sadd.s32 $0x8D00, s16  }
0x17f: {  	s9 =	simm.s32 $0x90;
	[tilespmem:s11+$0x0] =	vst v1  }
0x180: {  	s12 =	simm.s32 $0x10;
	s13 =	simm.s32 $0x20;
	v1 =	vld [tilespmem:s9+$0x0]  }
.LBB2_15:
0x181: {  	p2 =	sne.s32 s13, $0x70;
	_ =	sdelay $0x1  }
0x182: {  	v2 =	vmov s12;
	s12 =	smov.u32 s13  }
0x183: {  	v2 =	vshll.u32 v2, $0x4  }
0x184: {  	v2 =	vor.u32 v0, v2;
	v3 =	vand.u32 $0xFFFFFFF8, v1  }
0x185: {  	v1 =	vand.u32 $0x7, v1;
	v2 =	vadd.s32 v2, v3  }
0x186: {  	v1 =	vor.u32 v1, v2;
	_ =	sdelay $0x4  }
0x187: {  	v1 =	vld.idx.msk [tilespmem:v1+s26+$0x0], $0xffff;
	_ =	sdelay $0x2  }
.Ltmp10:
0x188: {  	(pc) =	sbr.rel @p2 .LBB2_15-.Ltmp10, $4  }
0x189: {  	_ = 	snop  }
0x18a: {  	s11 =	sadd.s32 $0x10, s11  }
0x18b: {  	s9 =	sadd.s32 $0x10, s9;
	[tilespmem:s11+$0x0] =	vst v1  }
0x18c: {  	s13 =	sadd.s32 $0x10, s13;
	v1 =	vld [tilespmem:s9+$0x0]  }
0x18d: {  	_ =	sdelay $0x1  }
0x18e: {  	v2 =	vmov s12  }
0x18f: {  	v2 =	vshll.u32 v2, $0x4  }
0x190: {  	v2 =	vor.u32 v0, v2;
	v3 =	vand.u32 $0xFFFFFFF8, v1  }
0x191: {  	v1 =	vand.u32 $0x7, v1;
	v2 =	vadd.s32 v2, v3  }
0x192: {  	v1 =	vor.u32 v1, v2;
	_ =	sdelay $0x4  }
0x193: {  	v1 =	vld.idx.msk [tilespmem:v1+s26+$0x0], $0xffff;
	_ =	sdelay $0x3  }
0x194: {  	s9 =	sadd.s32 $0x10, s11  }
0x195: {  	s17 =	simm.s32 $0x8;
	[tilespmem:s9+$0x0] =	vst v1  }
0x196: {  	_ =	swait.ge [sflag:s17], $0x800  }
0x197: {  	[sflag:s17] =	ssyncset.done $0x0  }
0x198: {  	s18 =	simm.s32 $0x80;
	[sflag:s17] =	ssyncadd.s32 $0xFFFFF800  }
0x199: {  	v1 =	vld [tilespmem:s18+$0x0];
	_ =	sdelay $0x1  }
0x19a: {  	s23 =	simm.s32 $0x0  }
0x19b: {  	v2 =	vmov s23  }
0x19c: {  	v2 =	vshll.u32 v2, $0x4  }
0x19d: {  	v2 =	vor.u32 v0, v2;
	v3 =	vand.u32 $0xFFFFFFF8, v1  }
0x19e: {  	v1 =	vand.u32 $0x7, v1;
	v2 =	vadd.s32 v2, v3  }
0x19f: {  	v1 =	vor.u32 v1, v2;
	_ =	sdelay $0x4  }
0x1a0: {  	v1 =	vld.idx.msk [tilespmem:v1+s1+$0x0], $0xffff;
	_ =	sdelay $0x3  }
0x1a1: {  	s11 =	sadd.s32 $0x8D80, s16  }
0x1a2: {  	s9 =	simm.s32 $0x90;
	[tilespmem:s11+$0x0] =	vst v1  }
0x1a3: {  	s12 =	simm.s32 $0x10;
	s13 =	simm.s32 $0x20;
	v1 =	vld [tilespmem:s9+$0x0]  }
.LBB2_17:
0x1a4: {  	p2 =	sne.s32 s13, $0x70;
	_ =	sdelay $0x1  }
0x1a5: {  	v2 =	vmov s12;
	s12 =	smov.u32 s13  }
0x1a6: {  	v2 =	vshll.u32 v2, $0x4  }
0x1a7: {  	v2 =	vor.u32 v0, v2;
	v3 =	vand.u32 $0xFFFFFFF8, v1  }
0x1a8: {  	v1 =	vand.u32 $0x7, v1;
	v2 =	vadd.s32 v2, v3  }
0x1a9: {  	v1 =	vor.u32 v1, v2;
	_ =	sdelay $0x4  }
0x1aa: {  	v1 =	vld.idx.msk [tilespmem:v1+s1+$0x0], $0xffff;
	_ =	sdelay $0x2  }
.Ltmp11:
0x1ab: {  	(pc) =	sbr.rel @p2 .LBB2_17-.Ltmp11, $4  }
0x1ac: {  	_ = 	snop  }
0x1ad: {  	s11 =	sadd.s32 $0x10, s11  }
0x1ae: {  	s9 =	sadd.s32 $0x10, s9;
	[tilespmem:s11+$0x0] =	vst v1  }
0x1af: {  	s13 =	sadd.s32 $0x10, s13;
	v1 =	vld [tilespmem:s9+$0x0]  }
0x1b0: {  	_ =	sdelay $0x1  }
0x1b1: {  	v2 =	vmov s12  }
0x1b2: {  	v2 =	vshll.u32 v2, $0x4  }
0x1b3: {  	v2 =	vor.u32 v0, v2;
	v3 =	vand.u32 $0xFFFFFFF8, v1  }
0x1b4: {  	v1 =	vand.u32 $0x7, v1;
	v2 =	vadd.s32 v2, v3  }
0x1b5: {  	v1 =	vor.u32 v1, v2;
	_ =	sdelay $0x4  }
0x1b6: {  	v1 =	vld.idx.msk [tilespmem:v1+s1+$0x0], $0xffff;
	_ =	sdelay $0x3  }
0x1b7: {  	s9 =	sadd.s32 $0x10, s11  }
0x1b8: {  	s17 =	simm.s32 $0x9;
	[tilespmem:s9+$0x0] =	vst v1  }
0x1b9: {  	_ =	swait.ge [sflag:s17], $0x800  }
0x1ba: {  	[sflag:s17] =	ssyncset.done $0x0  }
0x1bb: {  	s18 =	simm.s32 $0x80;
	[sflag:s17] =	ssyncadd.s32 $0xFFFFF800  }
0x1bc: {  	v1 =	vld [tilespmem:s18+$0x0];
	_ =	sdelay $0x1  }
0x1bd: {  	s23 =	simm.s32 $0x0  }
0x1be: {  	v2 =	vmov s23  }
0x1bf: {  	v2 =	vshll.u32 v2, $0x4  }
0x1c0: {  	v2 =	vor.u32 v0, v2;
	v3 =	vand.u32 $0xFFFFFFF8, v1  }
0x1c1: {  	v1 =	vand.u32 $0x7, v1;
	v2 =	vadd.s32 v2, v3  }
0x1c2: {  	v1 =	vor.u32 v1, v2;
	_ =	sdelay $0x4  }
0x1c3: {  	v1 =	vld.idx.msk [tilespmem:v1+s24+$0x0], $0xffff;
	_ =	sdelay $0x3  }
0x1c4: {  	s11 =	sadd.s32 $0x8E00, s16  }
0x1c5: {  	s9 =	simm.s32 $0x90;
	[tilespmem:s11+$0x0] =	vst v1  }
0x1c6: {  	s12 =	simm.s32 $0x10;
	s13 =	simm.s32 $0x20;
	v1 =	vld [tilespmem:s9+$0x0]  }
.LBB2_19:
0x1c7: {  	p2 =	sne.s32 s13, $0x70;
	_ =	sdelay $0x1  }
0x1c8: {  	v2 =	vmov s12;
	s12 =	smov.u32 s13  }
0x1c9: {  	v2 =	vshll.u32 v2, $0x4  }
0x1ca: {  	v2 =	vor.u32 v0, v2;
	v3 =	vand.u32 $0xFFFFFFF8, v1  }
0x1cb: {  	v1 =	vand.u32 $0x7, v1;
	v2 =	vadd.s32 v2, v3  }
0x1cc: {  	v1 =	vor.u32 v1, v2;
	_ =	sdelay $0x4  }
0x1cd: {  	v1 =	vld.idx.msk [tilespmem:v1+s24+$0x0], $0xffff;
	_ =	sdelay $0x2  }
.Ltmp12:
0x1ce: {  	(pc) =	sbr.rel @p2 .LBB2_19-.Ltmp12, $4  }
0x1cf: {  	_ = 	snop  }
0x1d0: {  	s11 =	sadd.s32 $0x10, s11  }
0x1d1: {  	s9 =	sadd.s32 $0x10, s9;
	[tilespmem:s11+$0x0] =	vst v1  }
0x1d2: {  	s13 =	sadd.s32 $0x10, s13;
	v1 =	vld [tilespmem:s9+$0x0]  }
0x1d3: {  	_ =	sdelay $0x1  }
0x1d4: {  	v2 =	vmov s12  }
0x1d5: {  	v2 =	vshll.u32 v2, $0x4  }
0x1d6: {  	v2 =	vor.u32 v0, v2;
	v3 =	vand.u32 $0xFFFFFFF8, v1  }
0x1d7: {  	v1 =	vand.u32 $0x7, v1;
	v2 =	vadd.s32 v2, v3  }
0x1d8: {  	v1 =	vor.u32 v1, v2;
	_ =	sdelay $0x4  }
0x1d9: {  	v1 =	vld.idx.msk [tilespmem:v1+s24+$0x0], $0xffff;
	_ =	sdelay $0x3  }
0x1da: {  	s9 =	sadd.s32 $0x10, s11  }
0x1db: {  	s17 =	simm.s32 $0xA;
	[tilespmem:s9+$0x0] =	vst v1  }
0x1dc: {  	_ =	swait.ge [sflag:s17], $0x800  }
0x1dd: {  	[sflag:s17] =	ssyncset.done $0x0  }
0x1de: {  	s18 =	simm.s32 $0x80;
	[sflag:s17] =	ssyncadd.s32 $0xFFFFF800  }
0x1df: {  	v1 =	vld [tilespmem:s18+$0x0];
	_ =	sdelay $0x1  }
0x1e0: {  	s23 =	simm.s32 $0x0  }
0x1e1: {  	v2 =	vmov s23  }
0x1e2: {  	v2 =	vshll.u32 v2, $0x4  }
0x1e3: {  	v2 =	vor.u32 v0, v2;
	v3 =	vand.u32 $0xFFFFFFF8, v1  }
0x1e4: {  	v1 =	vand.u32 $0x7, v1;
	v2 =	vadd.s32 v2, v3  }
0x1e5: {  	v1 =	vor.u32 v1, v2;
	_ =	sdelay $0x4  }
0x1e6: {  	v1 =	vld.idx.msk [tilespmem:v1+s25+$0x0], $0xffff;
	_ =	sdelay $0x3  }
0x1e7: {  	s11 =	sadd.s32 $0x8E80, s16  }
0x1e8: {  	s9 =	simm.s32 $0x90;
	[tilespmem:s11+$0x0] =	vst v1  }
0x1e9: {  	s12 =	simm.s32 $0x10;
	s13 =	simm.s32 $0x20;
	v1 =	vld [tilespmem:s9+$0x0]  }
.LBB2_21:
0x1ea: {  	p2 =	sne.s32 s13, $0x70;
	_ =	sdelay $0x1  }
0x1eb: {  	v2 =	vmov s12;
	s12 =	smov.u32 s13  }
0x1ec: {  	v2 =	vshll.u32 v2, $0x4  }
0x1ed: {  	v2 =	vor.u32 v0, v2;
	v3 =	vand.u32 $0xFFFFFFF8, v1  }
0x1ee: {  	v1 =	vand.u32 $0x7, v1;
	v2 =	vadd.s32 v2, v3  }
0x1ef: {  	v1 =	vor.u32 v1, v2;
	_ =	sdelay $0x4  }
0x1f0: {  	v1 =	vld.idx.msk [tilespmem:v1+s25+$0x0], $0xffff;
	_ =	sdelay $0x2  }
.Ltmp13:
0x1f1: {  	(pc) =	sbr.rel @p2 .LBB2_21-.Ltmp13, $4  }
0x1f2: {  	_ = 	snop  }
0x1f3: {  	s11 =	sadd.s32 $0x10, s11  }
0x1f4: {  	s9 =	sadd.s32 $0x10, s9;
	[tilespmem:s11+$0x0] =	vst v1  }
0x1f5: {  	s13 =	sadd.s32 $0x10, s13;
	v1 =	vld [tilespmem:s9+$0x0]  }
0x1f6: {  	_ =	sdelay $0x1  }
0x1f7: {  	v2 =	vmov s12  }
0x1f8: {  	v2 =	vshll.u32 v2, $0x4  }
0x1f9: {  	v2 =	vor.u32 v0, v2;
	v3 =	vand.u32 $0xFFFFFFF8, v1  }
0x1fa: {  	v1 =	vand.u32 $0x7, v1;
	v2 =	vadd.s32 v2, v3  }
0x1fb: {  	v1 =	vor.u32 v1, v2;
	_ =	sdelay $0x4  }
0x1fc: {  	v1 =	vld.idx.msk [tilespmem:v1+s25+$0x0], $0xffff;
	_ =	sdelay $0x3  }
0x1fd: {  	s9 =	sadd.s32 $0x10, s11  }
0x1fe: {  	s17 =	simm.s32 $0xB;
	[tilespmem:s9+$0x0] =	vst v1  }
0x1ff: {  	_ =	swait.ge [sflag:s17], $0x800  }
0x200: {  	[sflag:s17] =	ssyncset.done $0x0  }
0x201: {  	s18 =	simm.s32 $0x80;
	[sflag:s17] =	ssyncadd.s32 $0xFFFFF800  }
0x202: {  	v1 =	vld [tilespmem:s18+$0x0];
	_ =	sdelay $0x1  }
0x203: {  	s23 =	simm.s32 $0x0  }
0x204: {  	v2 =	vmov s23  }
0x205: {  	v2 =	vshll.u32 v2, $0x4  }
0x206: {  	v2 =	vor.u32 v0, v2;
	v3 =	vand.u32 $0xFFFFFFF8, v1  }
0x207: {  	v1 =	vand.u32 $0x7, v1;
	v2 =	vadd.s32 v2, v3  }
0x208: {  	v1 =	vor.u32 v1, v2;
	_ =	sdelay $0x4  }
0x209: {  	v1 =	vld.idx.msk [tilespmem:v1+s2+$0x0], $0xffff;
	_ =	sdelay $0x3  }
0x20a: {  	s11 =	sadd.s32 $0x8F00, s16  }
0x20b: {  	s9 =	simm.s32 $0x90;
	[tilespmem:s11+$0x0] =	vst v1  }
0x20c: {  	s12 =	simm.s32 $0x10;
	s13 =	simm.s32 $0x20;
	v1 =	vld [tilespmem:s9+$0x0]  }
.LBB2_23:
0x20d: {  	p2 =	sne.s32 s13, $0x70;
	_ =	sdelay $0x1  }
0x20e: {  	v2 =	vmov s12;
	s12 =	smov.u32 s13  }
0x20f: {  	v2 =	vshll.u32 v2, $0x4  }
0x210: {  	v2 =	vor.u32 v0, v2;
	v3 =	vand.u32 $0xFFFFFFF8, v1  }
0x211: {  	v1 =	vand.u32 $0x7, v1;
	v2 =	vadd.s32 v2, v3  }
0x212: {  	v1 =	vor.u32 v1, v2;
	_ =	sdelay $0x4  }
0x213: {  	v1 =	vld.idx.msk [tilespmem:v1+s2+$0x0], $0xffff;
	_ =	sdelay $0x2  }
.Ltmp14:
0x214: {  	(pc) =	sbr.rel @p2 .LBB2_23-.Ltmp14, $4  }
0x215: {  	_ = 	snop  }
0x216: {  	s11 =	sadd.s32 $0x10, s11  }
0x217: {  	s9 =	sadd.s32 $0x10, s9;
	[tilespmem:s11+$0x0] =	vst v1  }
0x218: {  	s13 =	sadd.s32 $0x10, s13;
	v1 =	vld [tilespmem:s9+$0x0]  }
0x219: {  	_ =	sdelay $0x1  }
0x21a: {  	v2 =	vmov s12  }
0x21b: {  	v2 =	vshll.u32 v2, $0x4  }
0x21c: {  	v2 =	vor.u32 v0, v2;
	v3 =	vand.u32 $0xFFFFFFF8, v1  }
0x21d: {  	v1 =	vand.u32 $0x7, v1;
	v2 =	vadd.s32 v2, v3  }
0x21e: {  	v1 =	vor.u32 v1, v2;
	_ =	sdelay $0x4  }
0x21f: {  	v1 =	vld.idx.msk [tilespmem:v1+s2+$0x0], $0xffff;
	_ =	sdelay $0x3  }
0x220: {  	s9 =	sadd.s32 $0x10, s11  }
0x221: {  	s17 =	simm.s32 $0xC;
	[tilespmem:s9+$0x0] =	vst v1  }
0x222: {  	_ =	swait.ge [sflag:s17], $0x800  }
0x223: {  	[sflag:s17] =	ssyncset.done $0x0  }
0x224: {  	s18 =	simm.s32 $0x80;
	[sflag:s17] =	ssyncadd.s32 $0xFFFFF800  }
0x225: {  	v1 =	vld [tilespmem:s18+$0x0];
	_ =	sdelay $0x1  }
0x226: {  	s23 =	simm.s32 $0x0  }
0x227: {  	v2 =	vmov s23  }
0x228: {  	v2 =	vshll.u32 v2, $0x4  }
0x229: {  	v2 =	vor.u32 v0, v2;
	v3 =	vand.u32 $0xFFFFFFF8, v1  }
0x22a: {  	v1 =	vand.u32 $0x7, v1;
	v2 =	vadd.s32 v2, v3  }
0x22b: {  	v1 =	vor.u32 v1, v2;
	_ =	sdelay $0x4  }
0x22c: {  	v1 =	vld.idx.msk [tilespmem:v1+s3+$0x0], $0xffff;
	_ =	sdelay $0x3  }
0x22d: {  	s11 =	sadd.s32 $0x8F80, s16  }
0x22e: {  	s9 =	simm.s32 $0x90;
	[tilespmem:s11+$0x0] =	vst v1  }
0x22f: {  	s12 =	simm.s32 $0x10;
	s13 =	simm.s32 $0x20;
	v1 =	vld [tilespmem:s9+$0x0]  }
.LBB2_25:
0x230: {  	p2 =	sne.s32 s13, $0x70;
	_ =	sdelay $0x1  }
0x231: {  	v2 =	vmov s12;
	s12 =	smov.u32 s13  }
0x232: {  	v2 =	vshll.u32 v2, $0x4  }
0x233: {  	v2 =	vor.u32 v0, v2;
	v3 =	vand.u32 $0xFFFFFFF8, v1  }
0x234: {  	v1 =	vand.u32 $0x7, v1;
	v2 =	vadd.s32 v2, v3  }
0x235: {  	v1 =	vor.u32 v1, v2;
	_ =	sdelay $0x4  }
0x236: {  	v1 =	vld.idx.msk [tilespmem:v1+s3+$0x0], $0xffff;
	_ =	sdelay $0x2  }
.Ltmp15:
0x237: {  	(pc) =	sbr.rel @p2 .LBB2_25-.Ltmp15, $4  }
0x238: {  	_ = 	snop  }
0x239: {  	s11 =	sadd.s32 $0x10, s11  }
0x23a: {  	s9 =	sadd.s32 $0x10, s9;
	[tilespmem:s11+$0x0] =	vst v1  }
0x23b: {  	s13 =	sadd.s32 $0x10, s13;
	v1 =	vld [tilespmem:s9+$0x0]  }
0x23c: {  	_ =	sdelay $0x1  }
0x23d: {  	v2 =	vmov s12  }
0x23e: {  	v2 =	vshll.u32 v2, $0x4  }
0x23f: {  	v2 =	vor.u32 v0, v2;
	v3 =	vand.u32 $0xFFFFFFF8, v1  }
0x240: {  	v1 =	vand.u32 $0x7, v1;
	v2 =	vadd.s32 v2, v3  }
0x241: {  	v1 =	vor.u32 v1, v2;
	_ =	sdelay $0x4  }
0x242: {  	v1 =	vld.idx.msk [tilespmem:v1+s3+$0x0], $0xffff;
	_ =	sdelay $0x3  }
0x243: {  	s9 =	sadd.s32 $0x10, s11  }
0x244: {  	s17 =	simm.s32 $0xD;
	[tilespmem:s9+$0x0] =	vst v1  }
0x245: {  	_ =	swait.ge [sflag:s17], $0x800  }
0x246: {  	[sflag:s17] =	ssyncset.done $0x0  }
0x247: {  	s18 =	simm.s32 $0x80;
	[sflag:s17] =	ssyncadd.s32 $0xFFFFF800  }
0x248: {  	v1 =	vld [tilespmem:s18+$0x0];
	_ =	sdelay $0x1  }
0x249: {  	s23 =	simm.s32 $0x0  }
0x24a: {  	v2 =	vmov s23  }
0x24b: {  	v2 =	vshll.u32 v2, $0x4  }
0x24c: {  	v2 =	vor.u32 v0, v2;
	v3 =	vand.u32 $0xFFFFFFF8, v1  }
0x24d: {  	v1 =	vand.u32 $0x7, v1;
	v2 =	vadd.s32 v2, v3  }
0x24e: {  	v1 =	vor.u32 v1, v2;
	_ =	sdelay $0x4  }
0x24f: {  	v1 =	vld.idx.msk [tilespmem:v1+s4+$0x0], $0xffff;
	_ =	sdelay $0x3  }
0x250: {  	s11 =	sor.u32 $0x9000, s16  }
0x251: {  	s9 =	simm.s32 $0x90;
	[tilespmem:s11+$0x0] =	vst v1  }
0x252: {  	s12 =	simm.s32 $0x10;
	s13 =	simm.s32 $0x20;
	v1 =	vld [tilespmem:s9+$0x0]  }
.LBB2_27:
0x253: {  	p2 =	sne.s32 s13, $0x70;
	_ =	sdelay $0x1  }
0x254: {  	v2 =	vmov s12;
	s12 =	smov.u32 s13  }
0x255: {  	v2 =	vshll.u32 v2, $0x4  }
0x256: {  	v2 =	vor.u32 v0, v2;
	v3 =	vand.u32 $0xFFFFFFF8, v1  }
0x257: {  	v1 =	vand.u32 $0x7, v1;
	v2 =	vadd.s32 v2, v3  }
0x258: {  	v1 =	vor.u32 v1, v2;
	_ =	sdelay $0x4  }
0x259: {  	v1 =	vld.idx.msk [tilespmem:v1+s4+$0x0], $0xffff;
	_ =	sdelay $0x2  }
.Ltmp16:
0x25a: {  	(pc) =	sbr.rel @p2 .LBB2_27-.Ltmp16, $4  }
0x25b: {  	_ = 	snop  }
0x25c: {  	s11 =	sadd.s32 $0x10, s11  }
0x25d: {  	s9 =	sadd.s32 $0x10, s9;
	[tilespmem:s11+$0x0] =	vst v1  }
0x25e: {  	s13 =	sadd.s32 $0x10, s13;
	v1 =	vld [tilespmem:s9+$0x0]  }
0x25f: {  	_ =	sdelay $0x1  }
0x260: {  	v2 =	vmov s12  }
0x261: {  	v2 =	vshll.u32 v2, $0x4  }
0x262: {  	v2 =	vor.u32 v0, v2;
	v3 =	vand.u32 $0xFFFFFFF8, v1  }
0x263: {  	v1 =	vand.u32 $0x7, v1;
	v2 =	vadd.s32 v2, v3  }
0x264: {  	v1 =	vor.u32 v1, v2;
	_ =	sdelay $0x4  }
0x265: {  	v1 =	vld.idx.msk [tilespmem:v1+s4+$0x0], $0xffff;
	_ =	sdelay $0x3  }
0x266: {  	s9 =	sadd.s32 $0x10, s11  }
0x267: {  	s17 =	simm.s32 $0xE;
	[tilespmem:s9+$0x0] =	vst v1  }
0x268: {  	_ =	swait.ge [sflag:s17], $0x800  }
0x269: {  	[sflag:s17] =	ssyncset.done $0x0  }
0x26a: {  	s18 =	simm.s32 $0x80;
	[sflag:s17] =	ssyncadd.s32 $0xFFFFF800  }
0x26b: {  	v1 =	vld [tilespmem:s18+$0x0];
	_ =	sdelay $0x1  }
0x26c: {  	s23 =	simm.s32 $0x0  }
0x26d: {  	v2 =	vmov s23  }
0x26e: {  	v2 =	vshll.u32 v2, $0x4  }
0x26f: {  	v2 =	vor.u32 v0, v2;
	v3 =	vand.u32 $0xFFFFFFF8, v1  }
0x270: {  	v1 =	vand.u32 $0x7, v1;
	v2 =	vadd.s32 v2, v3  }
0x271: {  	v1 =	vor.u32 v1, v2;
	_ =	sdelay $0x4  }
0x272: {  	v1 =	vld.idx.msk [tilespmem:v1+s5+$0x0], $0xffff;
	_ =	sdelay $0x3  }
0x273: {  	s11 =	sadd.s32 $0x9080, s16  }
0x274: {  	s9 =	simm.s32 $0x90;
	[tilespmem:s11+$0x0] =	vst v1  }
0x275: {  	s12 =	simm.s32 $0x10;
	s13 =	simm.s32 $0x20;
	v1 =	vld [tilespmem:s9+$0x0]  }
.LBB2_29:
0x276: {  	p2 =	sne.s32 s13, $0x70;
	_ =	sdelay $0x1  }
0x277: {  	v2 =	vmov s12;
	s12 =	smov.u32 s13  }
0x278: {  	v2 =	vshll.u32 v2, $0x4  }
0x279: {  	v2 =	vor.u32 v0, v2;
	v3 =	vand.u32 $0xFFFFFFF8, v1  }
0x27a: {  	v1 =	vand.u32 $0x7, v1;
	v2 =	vadd.s32 v2, v3  }
0x27b: {  	v1 =	vor.u32 v1, v2;
	_ =	sdelay $0x4  }
0x27c: {  	v1 =	vld.idx.msk [tilespmem:v1+s5+$0x0], $0xffff;
	_ =	sdelay $0x2  }
.Ltmp17:
0x27d: {  	(pc) =	sbr.rel @p2 .LBB2_29-.Ltmp17, $4  }
0x27e: {  	_ = 	snop  }
0x27f: {  	s11 =	sadd.s32 $0x10, s11  }
0x280: {  	s9 =	sadd.s32 $0x10, s9;
	[tilespmem:s11+$0x0] =	vst v1  }
0x281: {  	s13 =	sadd.s32 $0x10, s13;
	v1 =	vld [tilespmem:s9+$0x0]  }
0x282: {  	_ =	sdelay $0x1  }
0x283: {  	v2 =	vmov s12  }
0x284: {  	v2 =	vshll.u32 v2, $0x4  }
0x285: {  	v2 =	vor.u32 v0, v2;
	v3 =	vand.u32 $0xFFFFFFF8, v1  }
0x286: {  	v1 =	vand.u32 $0x7, v1;
	v2 =	vadd.s32 v2, v3  }
0x287: {  	v1 =	vor.u32 v1, v2;
	_ =	sdelay $0x4  }
0x288: {  	v1 =	vld.idx.msk [tilespmem:v1+s5+$0x0], $0xffff;
	_ =	sdelay $0x3  }
0x289: {  	s9 =	sadd.s32 $0x10, s11  }
0x28a: {  	s17 =	simm.s32 $0xF;
	[tilespmem:s9+$0x0] =	vst v1  }
0x28b: {  	_ =	swait.ge [sflag:s17], $0x800  }
0x28c: {  	[sflag:s17] =	ssyncset.done $0x0  }
0x28d: {  	s18 =	simm.s32 $0x80;
	[sflag:s17] =	ssyncadd.s32 $0xFFFFF800  }
0x28e: {  	v1 =	vld [tilespmem:s18+$0x0];
	_ =	sdelay $0x1  }
0x28f: {  	s23 =	simm.s32 $0x0  }
0x290: {  	v2 =	vmov s23  }
0x291: {  	v2 =	vshll.u32 v2, $0x4  }
0x292: {  	v2 =	vor.u32 v0, v2;
	v3 =	vand.u32 $0xFFFFFFF8, v1  }
0x293: {  	v1 =	vand.u32 $0x7, v1;
	v2 =	vadd.s32 v2, v3  }
0x294: {  	v1 =	vor.u32 v1, v2;
	_ =	sdelay $0x4  }
0x295: {  	v1 =	vld.idx.msk [tilespmem:v1+s6+$0x0], $0xffff;
	_ =	sdelay $0x3  }
0x296: {  	s11 =	sadd.s32 $0x9100, s16  }
0x297: {  	s9 =	simm.s32 $0x90;
	[tilespmem:s11+$0x0] =	vst v1  }
0x298: {  	s12 =	simm.s32 $0x10;
	s13 =	simm.s32 $0x20;
	v1 =	vld [tilespmem:s9+$0x0]  }
.LBB2_31:
0x299: {  	p2 =	sne.s32 s13, $0x70;
	_ =	sdelay $0x1  }
0x29a: {  	v2 =	vmov s12;
	s12 =	smov.u32 s13  }
0x29b: {  	v2 =	vshll.u32 v2, $0x4  }
0x29c: {  	v2 =	vor.u32 v0, v2;
	v3 =	vand.u32 $0xFFFFFFF8, v1  }
0x29d: {  	v1 =	vand.u32 $0x7, v1;
	v2 =	vadd.s32 v2, v3  }
0x29e: {  	v1 =	vor.u32 v1, v2;
	_ =	sdelay $0x4  }
0x29f: {  	v1 =	vld.idx.msk [tilespmem:v1+s6+$0x0], $0xffff;
	_ =	sdelay $0x2  }
.Ltmp18:
0x2a0: {  	(pc) =	sbr.rel @p2 .LBB2_31-.Ltmp18, $4  }
0x2a1: {  	_ = 	snop  }
0x2a2: {  	s11 =	sadd.s32 $0x10, s11  }
0x2a3: {  	s9 =	sadd.s32 $0x10, s9;
	[tilespmem:s11+$0x0] =	vst v1  }
0x2a4: {  	s13 =	sadd.s32 $0x10, s13;
	v1 =	vld [tilespmem:s9+$0x0]  }
0x2a5: {  	_ =	sdelay $0x1  }
0x2a6: {  	v2 =	vmov s12  }
0x2a7: {  	v2 =	vshll.u32 v2, $0x4  }
0x2a8: {  	v2 =	vor.u32 v0, v2;
	v3 =	vand.u32 $0xFFFFFFF8, v1  }
0x2a9: {  	v1 =	vand.u32 $0x7, v1;
	v2 =	vadd.s32 v2, v3  }
0x2aa: {  	v1 =	vor.u32 v1, v2;
	_ =	sdelay $0x4  }
0x2ab: {  	v1 =	vld.idx.msk [tilespmem:v1+s6+$0x0], $0xffff;
	_ =	sdelay $0x3  }
0x2ac: {  	s9 =	sadd.s32 $0x10, s11  }
0x2ad: {  	s17 =	simm.s32 $0x10;
	[tilespmem:s9+$0x0] =	vst v1  }
0x2ae: {  	_ =	swait.ge [sflag:s17], $0x800  }
0x2af: {  	[sflag:s17] =	ssyncset.done $0x0  }
0x2b0: {  	s18 =	simm.s32 $0x80;
	[sflag:s17] =	ssyncadd.s32 $0xFFFFF800  }
0x2b1: {  	v1 =	vld [tilespmem:s18+$0x0];
	_ =	sdelay $0x1  }
0x2b2: {  	s23 =	simm.s32 $0x0  }
0x2b3: {  	v2 =	vmov s23  }
0x2b4: {  	v2 =	vshll.u32 v2, $0x4  }
0x2b5: {  	v2 =	vor.u32 v0, v2;
	v3 =	vand.u32 $0xFFFFFFF8, v1  }
0x2b6: {  	v1 =	vand.u32 $0x7, v1;
	v2 =	vadd.s32 v2, v3  }
0x2b7: {  	v1 =	vor.u32 v1, v2;
	_ =	sdelay $0x4  }
0x2b8: {  	v1 =	vld.idx.msk [tilespmem:v1+s7+$0x0], $0xffff;
	_ =	sdelay $0x3  }
0x2b9: {  	s11 =	sadd.s32 $0x9180, s16  }
0x2ba: {  	s9 =	simm.s32 $0x90;
	[tilespmem:s11+$0x0] =	vst v1  }
0x2bb: {  	s12 =	simm.s32 $0x10;
	s13 =	simm.s32 $0x20;
	v1 =	vld [tilespmem:s9+$0x0]  }
.LBB2_33:
0x2bc: {  	p2 =	sne.s32 s13, $0x70;
	_ =	sdelay $0x1  }
0x2bd: {  	v2 =	vmov s12;
	s12 =	smov.u32 s13  }
0x2be: {  	v2 =	vshll.u32 v2, $0x4  }
0x2bf: {  	v2 =	vor.u32 v0, v2;
	v3 =	vand.u32 $0xFFFFFFF8, v1  }
0x2c0: {  	v1 =	vand.u32 $0x7, v1;
	v2 =	vadd.s32 v2, v3  }
0x2c1: {  	v1 =	vor.u32 v1, v2;
	_ =	sdelay $0x4  }
0x2c2: {  	v1 =	vld.idx.msk [tilespmem:v1+s7+$0x0], $0xffff;
	_ =	sdelay $0x2  }
.Ltmp19:
0x2c3: {  	(pc) =	sbr.rel @p2 .LBB2_33-.Ltmp19, $4  }
0x2c4: {  	_ = 	snop  }
0x2c5: {  	s11 =	sadd.s32 $0x10, s11  }
0x2c6: {  	s9 =	sadd.s32 $0x10, s9;
	[tilespmem:s11+$0x0] =	vst v1  }
0x2c7: {  	s13 =	sadd.s32 $0x10, s13;
	v1 =	vld [tilespmem:s9+$0x0]  }
0x2c8: {  	_ =	sdelay $0x1  }
0x2c9: {  	v2 =	vmov s12  }
0x2ca: {  	v2 =	vshll.u32 v2, $0x4  }
0x2cb: {  	v2 =	vor.u32 v0, v2;
	v3 =	vand.u32 $0xFFFFFFF8, v1  }
0x2cc: {  	v1 =	vand.u32 $0x7, v1;
	v2 =	vadd.s32 v2, v3  }
0x2cd: {  	v1 =	vor.u32 v1, v2;
	_ =	sdelay $0x4  }
0x2ce: {  	v1 =	vld.idx.msk [tilespmem:v1+s7+$0x0], $0xffff;
	_ =	sdelay $0x3  }
0x2cf: {  	s9 =	sadd.s32 $0x10, s11  }
0x2d0: {  	s16 =	simm.s32 $0x11;
	[tilespmem:s9+$0x0] =	vst v1  }
0x2d1: {  	_ =	swait.ge [sflag:s16], $0x800  }
0x2d2: {  	[sflag:s16] =	ssyncset.done $0x0  }
0x2d3: {  	s17 =	simm.s32 $0x80;
	[sflag:s16] =	ssyncadd.s32 $0xFFFFF800  }
0x2d4: {  	v1 =	vld [tilespmem:s17+$0x0];
	_ =	sdelay $0x1  }
0x2d5: {  	s18 =	simm.s32 $0x0  }
0x2d6: {  	v2 =	vmov s18  }
0x2d7: {  	v2 =	vshll.u32 v2, $0x4  }
0x2d8: {  	v2 =	vor.u32 v0, v2;
	v3 =	vand.u32 $0xFFFFFFF8, v1  }
0x2d9: {  	v1 =	vand.u32 $0x7, v1;
	v2 =	vadd.s32 v2, v3  }
0x2da: {  	v1 =	vor.u32 v1, v2;
	_ =	sdelay $0x4  }
0x2db: {  	v1 =	vld.idx.msk [tilespmem:v1+s8+$0x0], $0xffff  }
0x2dc: {  	s23 =	rddreg [dreg:$0x1c]  }
0x2dd: {  	s23 =	sand.u32 $0x1, s23  }
0x2de: {  	s9 =	sshll.u32 s23, $0x7  }
0x2df: {  	s11 =	sor.u32 $0x9A00, s9  }
0x2e0: {  	s12 =	simm.s32 $0x90;
	[tilespmem:s11+$0x0] =	vst v1  }
0x2e1: {  	s13 =	simm.s32 $0x20;
	s9 =	simm.s32 $0x10;
	s16 =	smov.u32 s11;
	v1 =	vld [tilespmem:s12+$0x0]  }
.LBB2_35:
0x2e2: {  	p2 =	sne.s32 s13, $0x70;
	_ =	sdelay $0x1  }
0x2e3: {  	v2 =	vmov s9;
	s9 =	smov.u32 s13  }
0x2e4: {  	v2 =	vshll.u32 v2, $0x4  }
0x2e5: {  	v2 =	vor.u32 v0, v2;
	v3 =	vand.u32 $0xFFFFFFF8, v1  }
0x2e6: {  	v1 =	vand.u32 $0x7, v1;
	v2 =	vadd.s32 v2, v3  }
0x2e7: {  	v1 =	vor.u32 v1, v2;
	_ =	sdelay $0x4  }
0x2e8: {  	v1 =	vld.idx.msk [tilespmem:v1+s8+$0x0], $0xffff;
	_ =	sdelay $0x2  }
.Ltmp20:
0x2e9: {  	(pc) =	sbr.rel @p2 .LBB2_35-.Ltmp20, $4  }
0x2ea: {  	_ = 	snop  }
0x2eb: {  	s16 =	sadd.s32 $0x10, s16  }
0x2ec: {  	s12 =	sadd.s32 $0x10, s12;
	[tilespmem:s16+$0x0] =	vst v1  }
0x2ed: {  	s13 =	sadd.s32 $0x10, s13;
	v1 =	vld [tilespmem:s12+$0x0]  }
0x2ee: {  	_ =	sdelay $0x1  }
0x2ef: {  	v2 =	vmov s9  }
0x2f0: {  	v2 =	vshll.u32 v2, $0x4  }
0x2f1: {  	v2 =	vor.u32 v0, v2;
	v3 =	vand.u32 $0xFFFFFFF8, v1  }
0x2f2: {  	s17 =	sshra.s32 s10, $0x1F;
	v1 =	vand.u32 $0x7, v1;
	v2 =	vadd.s32 v2, v3  }
0x2f3: {  	s12 =	sshra.s32 s22, $0x1F;
	s9 =	sshrl.u32 s17, $0x19;
	v1 =	vor.u32 v1, v2  }
0x2f4: {  	s12 =	sshrl.u32 s12, $0x19;
	s9 =	sadd.s32 s9, s10  }
0x2f5: {  	s12 =	sadd.s32 s12, s22;
	s13 =	sshra.s32 s9, $0x7;
	s9 =	sand.u32 $0xFFFFFF80, s9  }
0x2f6: {  	p2 =	slt.s32 s10, $0x1;
	s18 =	sand.u32 $0xFFFFFF80, s12;
	p3 =	sne.s32 s10, s9  }
0x2f7: {  	p6 =	slt.s32 s22, $0x1;
	p4 =	sne.s32 s22, s18;
	p2 =	por !p2, !p3  }
0x2f8: {  	s9 =	simm.s32 $0x1;
	p3 =	por !p6, !p4;
	p2 =	por !p2, !p2;
	v1 =	vld.idx.msk [tilespmem:v1+s8+$0x0], $0xffff  }
0x2f9: {  	s17 =	simm.s32 $0x1;
	s9 =	simm.s32 @!p2 $0x0;
	p2 =	por !p3, !p3  }
0x2fa: {  	s12 =	sshra.s32 s12, $0x7;
	s22 =	sand.u32 $0x7F, s22;
	s17 =	simm.s32 @!p2 $0x0  }
0x2fb: {  	s9 =	ssub.s32 s13, s9;
	s13 =	sand.u32 $0x7F, s10;
	s12 =	ssub.s32 s12, s17  }
0x2fc: {  	s16 =	sadd.s32 $0x10, s16;
	p5 =	sne.s32 s13, s22;
	p4 =	sne.s32 s9, s12  }
0x2fd: {  	p6 =	seq.s32 s21, $0x67;
	p2 =	por p5, p4;
	[tilespmem:s16+$0x0] =	vst v1  }
0x2fe: {  	p2 =	por p6, p2;
	_ =	strace $0x9000004B  }
0x2ff: {  	s12 =	sshll.u32 @p2 s9, $0x12;
	s16 =	sshll.u32 @p2 s13, $0x7;
	_ =	strace @p2 $0x8000004C  }
0x300: {  	s12 =	sor.u32 @p2 s16, s12;
	s16 =	rddreg [dreg:$0x1e]  }
0x301: {  	s17 =	rddreg [dreg:$0x14]  }
0x302: {  	s22 =	simm.s32 @p2 $0x4000;
	s12 =	sshrl.u32 @p2 s12, $0x3;
	s18 =	rddreg [dreg:$0x1f]  }
0x303: {  	s16 =	sor.u32 @p2 $0x14, s16;
	s12 =	sadd.s32 @p2 s17, s12;
	s17 =	simm.s32 @p2 $0x80  }
0x304: {  	[hbm4b:s12+s17] =	stream.strided.scatter @p2 [tilespmem:s18], [sflag:s16], $0x800, s22, s17, $0x200038;
	[tilespmem:$0x9B00] =	vst v63  }
0x305: {  	p1 =	por p6, p1;
	_ =	strace @p2 $0x9000004C  }
0x306: {  	_ =	strace @p1 $0x8000004D  }
0x307: {  	s10 =	sshll.u32 @p1 s10, $0x4;
	s16 =	rddreg [dreg:$0x15]  }
0x308: {  	s10 =	sand.u32 @p1 $0x1FFFFFF0, s10;
	s12 =	sor.u32 @p1 $0x16, s23;
	s17 =	rddreg [dreg:$0x1d]  }
0x309: {  	s10 =	sadd.s32 @p1 s16, s10;
	s16 =	simm.s32 @p1 $0x0;
	s18 =	sshra.s32 s17, $0x1F  }
0x30a: {  	[hbm4b:s10+s16] =	stream.linear.scatter @p1 [tilespmem:s11], [sflag:s12], $0x80, $0x200038;
	[tilespmem:$0x9B00] =	vst v63  }
0x30b: {  	s10 =	sshrl.u32 s18, $0x19  }
0x30c: {  	s10 =	sadd.s32 s10, s17  }
0x30d: {  	s22 =	sand.u32 $0xFFFFFF80, s10  }
0x30e: {  	p5 =	slt.s32 s17, $0x1;
	p6 =	sne.s32 s17, s22  }
0x30f: {  	p3 =	por !p5, !p6  }
0x310: {  	s11 =	simm.s32 $0x1;
	p3 =	por !p3, !p3  }
0x311: {  	s10 =	sshra.s32 s10, $0x7;
	s11 =	simm.s32 @!p3 $0x0  }
0x312: {  	s23 =	sand.u32 $0x7F, s17;
	s10 =	ssub.s32 s10, s11  }
0x313: {  	p6 =	sne.s32 s13, s23;
	p5 =	sne.s32 s9, s10  }
0x314: {  	p3 =	seq.s32 s21, $0x0;
	p4 =	por p6, p5  }
0x315: {  	p4 =	por p3, !p4  }
.Ltmp21:
0x316: {  	_ = 	snop;
	(pc) =	sbr.rel @!p4 .LBB2_37-.Ltmp21, $2  }
0x317: {  	_ =	sdelay $0x2  }
0x318: {  	_ =	strace @p1 $0x9000004D  }
.Ltmp22:
0x319: {  	(pc) =	sbr.rel @!p3 .LBB2_39-.Ltmp22, $4  }
.Ltmp23:
0x31a: {  	(pc) =	sbr.rel @p3 .LBB2_40-.Ltmp23, $4  }
0x31b: {  	_ = 	snop  }
0x31c: {  	s11 =	rddreg [dreg:$0x1a]  }
0x31d: {  	s16 =	sld [smem:$0x7FD]  }
0x31e: {  	_ = 	snop  }
.LBB2_42:
0x31f: {  	_ =	sfence.sel $0x180000  }
0x320: {  	[bflag:$0x0] =	sbarrier.arrive $0xFFFF  }
0x321: {  	_ =	strace $0x90000047  }
0x322: {  	s0 =	stileid.u32;
	[bflag:$0x2] =	sbarrier.arrive $0xFFFF  }
0x323: {  	p0 =	sne.s32 s0, $0x0;
	s0 =	rddreg [dreg:$0x1]  }
0x324: {  	s0 =	sadd.s32 @!p0 $0x100000, s0  }
0x325: {  	[sflag:s0] =	ssyncadd.tile.s32 @!p0 $0x1;
	_ =	shalt  }
.Lfunc_end2:
_tile_overlayer_lowered:
.L_overlay_start_2:
0x326: {  	(tag) =	ssettag $0x2  }
0x327: {  	s0 =	rddreg [dreg:$0x0];
	s2 =	stileid.u32  }
0x328: {  	s1 =	rddreg [dreg:$0x1];
	p0 =	sne.s32 s2, $0x0  }
0x329: {  	s3 =	rddreg [dreg:$0x2];
	[bflag:$0x3] =	sbarrier.arrive $0xFFFF;
	s2 =	simm.s32 @!p0 $0x1C12  }
0x32a: {  	[timem:s3], [sflag:s2] =	dma.local @!p0 [hbm:s0], s1  }
0x32b: {  	s0 =	simm.s32 @!p0 $0x12  }
0x32c: {  	_ =	swait.ge @!p0 [sflag:s0], s1  }
0x32d: {  	s1 =	ssub.s32 @!p0 $0x0, s1;
	[sflag:s0] =	ssyncset.done @!p0 $0x0  }
0x32e: {  	[sflag:s0] =	ssyncadd.s32 @!p0 s1  }
0x32f: {  	[bflag:$0x3] =	sbarrier.arrive $0xFFFF  }
0x330: {  	_ =	shalt  }

</sc_bundles>
